<compile_context>
chip_gen: v7x
topology: tpu7x:2x2x1
jax: 0.10.2.dev20260603
libtpu: 0.0.44.dev20260713+nightly
codegen_flags: <defaults>
</compile_context>

<pallas_src>
import functools

import jax
import jax.numpy as jnp
from jax import lax
from jax.experimental import pallas as pl
from jax.experimental.pallas import tpu as pltpu
from jax.experimental.pallas import tpu_sc as plsc

N = 10000
NP = 10240
E = 320000
NC, NS = 2, 16
NW = NC * NS
CH = 80
EPW = E // NW
NCHUNK = EPW // CH
RPT = NP // NS
ZR = 80
BR = 1000


def _make_sc_agg(D):
  mesh = plsc.VectorSubcoreMesh(core_axis_name="c", subcore_axis_name="s",
                                num_cores=NC, num_subcores=NS)

  @functools.partial(
      pl.kernel, mesh=mesh,
      out_type=jax.ShapeDtypeStruct((NC, NP, D), jnp.float32),
      scratch_types=(
          pltpu.VMEM_SHARED((NP, D), jnp.float32),
          pltpu.VMEM((CH,), jnp.int32),
          pltpu.VMEM((CH,), jnp.int32),
          pltpu.VMEM((CH,), jnp.int32),
          pltpu.VMEM((CH,), jnp.int32),
          pltpu.VMEM((CH, D), jnp.float32),
          pltpu.VMEM((CH, D), jnp.float32),
          pltpu.SemaphoreType.DMA,
          pltpu.SemaphoreType.DMA,
          pltpu.SemaphoreType.DMA,
          pltpu.SemaphoreType.DMA,
      ))
  def sc_agg(h_hbm, src_hbm, dst_hbm, zd_hbm, out_hbm,
             acc, src0, src1, dst0, dst1, rows0, rows1,
             semg0, semg1, semi0, semi1):
    cid = lax.axis_index("c")
    sid = lax.axis_index("s")
    wid = sid * NC + cid
    tile_row0 = sid * RPT
    base = wid * EPW
    srcs = (src0, src1)
    dsts = (dst0, dst1)
    rows = (rows0, rows1)
    semg = (semg0, semg1)
    semi = (semi0, semi1)

    pltpu.sync_copy(zd_hbm, rows0)
    for j in range(RPT // ZR):
      pltpu.sync_copy(rows0, acc.at[pl.ds(tile_row0 + j * ZR, ZR)])
    plsc.subcore_barrier()

    def start_idx(c, b):
      off = base + jnp.minimum(c, NCHUNK - 1) * CH
      pltpu.async_copy(src_hbm.at[pl.ds(off, CH)], srcs[b], semi[b])
      pltpu.async_copy(dst_hbm.at[pl.ds(off, CH)], dsts[b], semi[b])

    def wait_idx(b):
      pltpu.make_async_copy(src_hbm.at[pl.ds(0, CH)], srcs[b], semi[b]).wait()
      pltpu.make_async_copy(dst_hbm.at[pl.ds(0, CH)], dsts[b], semi[b]).wait()

    def start_gather(b):
      pltpu.async_copy(h_hbm.at[srcs[b]], rows[b], semg[b])

    def wait_gather(b):
      pltpu.make_async_copy(h_hbm.at[srcs[b]], rows[b], semg[b]).wait()

    def half(b):
      wait_idx(1 - b)
      start_gather(1 - b)
      wait_gather(b)
      pltpu.sync_copy(rows[b], acc.at[dsts[b]], add=True)

    pltpu.sync_copy(src_hbm.at[pl.ds(base, CH)], src0)
    pltpu.sync_copy(dst_hbm.at[pl.ds(base, CH)], dst0)
    start_gather(0)
    start_idx(1, 1)

    def pair(k, carry):
      start_idx_c2 = 2 * k + 2
      half(0)
      start_idx(start_idx_c2, 0)
      half(1)
      start_idx(start_idx_c2 + 1, 1)
      return carry

    lax.fori_loop(0, (NCHUNK - 1) // 2, pair, 0)
    wait_idx(1)
    wait_gather(0)
    pltpu.sync_copy(rows[0], acc.at[dsts[0]], add=True)
    plsc.subcore_barrier()

    for j in range(RPT // ZR):
      r0 = tile_row0 + j * ZR
      pltpu.sync_copy(acc.at[pl.ds(r0, ZR)], rows0)
      pltpu.sync_copy(rows0, out_hbm.at[cid, pl.ds(r0, ZR)])

  return sc_agg


def _make_sc_cnt():
  mesh = plsc.VectorSubcoreMesh(core_axis_name="c", subcore_axis_name="s",
                                num_cores=NC, num_subcores=NS)

  @functools.partial(
      pl.kernel, mesh=mesh,
      out_type=jax.ShapeDtypeStruct((NC, NP, 128), jnp.float32),
      scratch_types=(
          pltpu.VMEM_SHARED((NP, 128), jnp.float32),
          pltpu.VMEM((CH,), jnp.int32),
          pltpu.VMEM((CH,), jnp.int32),
          pltpu.VMEM((CH, 128), jnp.float32),
          pltpu.SemaphoreType.DMA,
          pltpu.SemaphoreType.DMA,
      ))
  def sc_cnt(dst_hbm, zd_hbm, ones_hbm, out_hbm,
             acc, dst0, dst1, ones_v, semi0, semi1):
    cid = lax.axis_index("c")
    sid = lax.axis_index("s")
    wid = sid * NC + cid
    tile_row0 = sid * RPT
    base = wid * EPW
    dsts = (dst0, dst1)
    semi = (semi0, semi1)

    pltpu.sync_copy(zd_hbm, ones_v)
    for j in range(RPT // ZR):
      pltpu.sync_copy(ones_v, acc.at[pl.ds(tile_row0 + j * ZR, ZR)])
    pltpu.sync_copy(ones_hbm, ones_v)
    plsc.subcore_barrier()

    def start_idx(c, b):
      off = base + jnp.minimum(c, NCHUNK - 1) * CH
      pltpu.async_copy(dst_hbm.at[pl.ds(off, CH)], dsts[b], semi[b])

    def wait_idx(b):
      pltpu.make_async_copy(dst_hbm.at[pl.ds(0, CH)], dsts[b], semi[b]).wait()

    def half(c, b):
      wait_idx(b)
      pltpu.sync_copy(ones_v, acc.at[dsts[b]], add=True)
      start_idx(c + 2, b)

    start_idx(0, 0)
    start_idx(1, 1)

    def pair(k, carry):
      half(2 * k, 0)
      half(2 * k + 1, 1)
      return carry

    lax.fori_loop(0, (NCHUNK - 1) // 2, pair, 0)
    wait_idx(0)
    pltpu.sync_copy(ones_v, acc.at[dsts[0]], add=True)
    wait_idx(1)
    plsc.subcore_barrier()

    for j in range(RPT // ZR):
      r0 = tile_row0 + j * ZR
      pltpu.sync_copy(acc.at[pl.ds(r0, ZR)], ones_v)
      pltpu.sync_copy(ones_v, out_hbm.at[cid, pl.ds(r0, ZR)])

  return sc_cnt


_SC_CACHE = {}


def _sc_agg(D):
  if D not in _SC_CACHE:
    _SC_CACHE[D] = _make_sc_agg(D)
  return _SC_CACHE[D]


def _sc_cnt():
  if "cnt" not in _SC_CACHE:
    _SC_CACHE["cnt"] = _make_sc_cnt()
  return _SC_CACHE["cnt"]


def _leaky(v):
  return jnp.where(v > 0, v, 0.15 * v)


def _inv_cnt(cntp):
  c = cntp[0, :, 0] + cntp[1, :, 0]
  return 1.0 / jnp.maximum(c, 1.0)


def _tc1_body(accp, cntp, x, wl, bl, wr, out):
  mean = (accp[0] + accp[1]) * _inv_cnt(cntp)[:, None]
  h = (jnp.dot(mean, wl[...], preferred_element_type=jnp.float32) + bl[0]
       + jnp.dot(x[...], wr[...], preferred_element_type=jnp.float32))
  out[...] = _leaky(h)


def _tc2_body(accp, cntp, h1, wl2, bl2, wr2, wl3, wr3, bl3, t3, r3):
  mean = (accp[0] + accp[1]) * _inv_cnt(cntp)[:, None]
  h2 = _leaky(jnp.dot(mean, wl2[...], preferred_element_type=jnp.float32) + bl2[0]
              + jnp.dot(h1[...], wr2[...], preferred_element_type=jnp.float32))
  t = jnp.dot(h2, wl3[...], preferred_element_type=jnp.float32)
  t3[...] = jnp.concatenate([t, jnp.zeros_like(t)], axis=1)
  r3[...] = jnp.dot(h2, wr3[...], preferred_element_type=jnp.float32) + bl3[0]


def _tc3_body(accp, cntp, r3, wp, bp, w1, b1, w2, b2, out):
  mean3 = (accp[0, :, :64] + accp[1, :, :64]) * _inv_cnt(cntp)[:, None]
  h3 = _leaky(mean3 + r3[...])
  h4 = jnp.dot(h3, wp[...], preferred_element_type=jnp.float32) + bp[0]
  h5 = _leaky(jnp.dot(h4, w1[...], preferred_element_type=jnp.float32) + b1[0])
  out[...] = jnp.dot(h5, w2[...], preferred_element_type=jnp.float32) + b2[0]


def _row_block3(d):
  return pl.BlockSpec((NC, BR, d), lambda i: (0, i, 0))


def _row_block(d):
  return pl.BlockSpec((BR, d), lambda i: (i, 0))


def _full(*dims):
  return pl.BlockSpec(dims, lambda i: tuple(0 for _ in dims))


def _tc1(accp, cntp, x, wl, bl, wr):
  return pl.pallas_call(
      _tc1_body,
      grid=(N // BR,),
      in_specs=[_row_block3(128), _row_block3(128), _row_block(128),
                _full(128, 128), _full(1, 128), _full(128, 128)],
      out_specs=_row_block(128),
      out_shape=jax.ShapeDtypeStruct((N, 128), jnp.float32),
  )(accp, cntp, x, wl, bl, wr)


def _tc2(accp, cntp, h1, wl2, bl2, wr2, wl3, wr3, bl3):
  return pl.pallas_call(
      _tc2_body,
      grid=(N // BR,),
      in_specs=[_row_block3(128), _row_block3(128), _row_block(128),
                _full(128, 256), _full(1, 256), _full(128, 256),
                _full(256, 64), _full(256, 64), _full(1, 64)],
      out_specs=[_row_block(128), _row_block(64)],
      out_shape=[jax.ShapeDtypeStruct((N, 128), jnp.float32),
                 jax.ShapeDtypeStruct((N, 64), jnp.float32)],
  )(accp, cntp, h1, wl2, bl2, wr2, wl3, wr3, bl3)


def _tc3(accp, cntp, r3, wp, bp, w1, b1, w2, b2):
  return pl.pallas_call(
      _tc3_body,
      grid=(N // BR,),
      in_specs=[_row_block3(128), _row_block3(128), _row_block(64),
                _full(64, 32), _full(1, 32), _full(32, 32), _full(1, 32),
                _full(32, 2), _full(1, 2)],
      out_specs=_row_block(2),
      out_shape=jax.ShapeDtypeStruct((N, 2), jnp.float32),
  )(accp, cntp, r3, wp, bp, w1, b1, w2, b2)


def kernel(x, edge_index, edge_attr, W_edge, b_edge, Wl1, bl1, Wr1, Wl2, bl2,
           Wr2, Wl3, bl3, Wr3, W_pre, b_pre, W_fc1, b_fc1, W_fc2, b_fc2):
  src = edge_index[0]
  dst = edge_index[1]

  zd128 = jnp.zeros((ZR, 128), jnp.float32)
  ones = jnp.ones((CH, 128), jnp.float32)

  cntp = _sc_cnt()(dst, zd128, ones)
  acc1 = _sc_agg(128)(x, src, dst, zd128)
  h1 = _tc1(acc1, cntp, x, Wl1, bl1.reshape(1, -1), Wr1)

  acc2 = _sc_agg(128)(h1, src, dst, zd128)
  t3, r3 = _tc2(acc2, cntp, h1, Wl2, bl2.reshape(1, -1), Wr2,
                Wl3, Wr3, bl3.reshape(1, -1))

  acc3 = _sc_agg(128)(t3, src, dst, zd128)
  out = _tc3(acc3, cntp, r3, W_pre, b_pre.reshape(1, -1),
             W_fc1, b_fc1.reshape(1, -1), W_fc2, b_fc2.reshape(1, -1))
  return out

# --- scband reference (transcript-rebuilt; emitter-appended) ---
"""Pipeline reference for scband-binding-site-graph-sage-49735721288424 (READ-ONLY COPY).

The authoritative reference and input builder live on the scoring server;
editing this copy changes nothing except your own understanding.
"""

import jax, jax.numpy as jnp
import numpy as np

N_NODES = 10000
N_EDGES = 320000
D_FEAT = 128
HIDDEN = 128
D_EDGE = 4


def _leaky(x):
    return jnp.where(x > 0, x, 0.15 * x)


def _sage(x, src, dst, Wl, bl, Wr, n):
    # PyG SAGEConv with mean aggregation: out = lin_l(mean_{j in N(i)} x_j) + lin_r(x_i)
    msgs = jnp.take(x, src, axis=0)
    agg = jax.ops.segment_sum(msgs, dst, num_segments=n)
    cnt = jax.ops.segment_sum(jnp.ones((src.shape[0],), dtype=x.dtype), dst, num_segments=n)
    mean = agg / jnp.clip(cnt, 1.0)[:, None]
    return mean @ Wl + bl + x @ Wr


def setup_inputs(seed: int = 0):
    key = jax.random.key(seed)
    ks = jax.random.split(key, 16)
    def w(k, fan_in, shape):
        return jax.random.normal(k, shape, dtype=jnp.float32) / np.sqrt(fan_in)
    x = jax.random.normal(ks[0], (N_NODES, D_FEAT), dtype=jnp.float32)
    edge_index = jax.random.randint(ks[1], (2, N_EDGES), 0, N_NODES, dtype=jnp.int32)
    edge_attr = jax.random.normal(ks[2], (N_EDGES, D_EDGE), dtype=jnp.float32)
    inp = {'x': x, 'edge_index': edge_index, 'edge_attr': edge_attr,
           'W_edge': w(ks[3], D_EDGE, (D_EDGE, HIDDEN)), 'b_edge': jnp.zeros((HIDDEN,), jnp.float32),
           'Wl1': w(ks[4], D_FEAT, (D_FEAT, HIDDEN)), 'bl1': jnp.zeros((HIDDEN,), jnp.float32), 'Wr1': w(ks[5], D_FEAT, (D_FEAT, HIDDEN)),
           'Wl2': w(ks[6], HIDDEN, (HIDDEN, 256)), 'bl2': jnp.zeros((256,), jnp.float32), 'Wr2': w(ks[7], HIDDEN, (HIDDEN, 256)),
           'Wl3': w(ks[8], 256, (256, 64)), 'bl3': jnp.zeros((64,), jnp.float32), 'Wr3': w(ks[9], 256, (256, 64)),
           'W_pre': w(ks[10], 64, (64, 32)), 'b_pre': jnp.zeros((32,), jnp.float32),
           'W_fc1': w(ks[11], 32, (32, 32)), 'b_fc1': jnp.zeros((32,), jnp.float32),
           'W_fc2': w(ks[12], 32, (32, 2)), 'b_fc2': jnp.zeros((2,), jnp.float32)}
    return inp


def reference(x, edge_index, edge_attr, W_edge, b_edge, Wl1, bl1, Wr1, Wl2, bl2, Wr2, Wl3, bl3, Wr3, W_pre, b_pre, W_fc1, b_fc1, W_fc2, b_fc2):
    src, dst = edge_index[0], edge_index[1]
    n = x.shape[0]
    _ = edge_attr @ W_edge + b_edge  # edge_lin is computed but its result is unused downstream, as in the original forward
    h = _sage(x, src, dst, Wl1, bl1, Wr1, n)
    h = _leaky(h)
    h = _sage(h, src, dst, Wl2, bl2, Wr2, n)
    h = _leaky(h)
    h = _sage(h, src, dst, Wl3, bl3, Wr3, n)
    h = _leaky(h)
    h = h @ W_pre + b_pre
    h = _leaky(h @ W_fc1 + b_fc1)
    return h @ W_fc2 + b_fc2

if __name__ == "__main__":
    import jax
    _d = setup_inputs()
    print(jax.jit(kernel)(*tuple(_d.values())))

</pallas_src>

<mosaic_0001>
#map = affine_map<(d0, d1) -> (0, 0)>
#map1 = affine_map<(d0, d1) -> (0)>
#map2 = affine_map<(d0, d1) -> (0, 0, 0)>
module attributes {stable_mosaic.version = 14 : i64} {
  func.func @sc_agg(%arg0: i32, %arg1: i32, %arg2: memref<10000x128xf32, #tpu.memory_space<hbm>>, %arg3: memref<320000xi32, #tpu.memory_space<hbm>>, %arg4: memref<320000xi32, #tpu.memory_space<hbm>>, %arg5: memref<80x128xf32, #tpu.memory_space<hbm>>, %arg6: memref<2x10240x128xf32, #tpu.memory_space<hbm>>, %arg7: memref<10240x128xf32, #tpu.memory_space<vmem_shared>>, %arg8: memref<80xi32, #tpu.memory_space<vmem>>, %arg9: memref<80xi32, #tpu.memory_space<vmem>>, %arg10: memref<80xi32, #tpu.memory_space<vmem>>, %arg11: memref<80xi32, #tpu.memory_space<vmem>>, %arg12: memref<80x128xf32, #tpu.memory_space<vmem>>, %arg13: memref<80x128xf32, #tpu.memory_space<vmem>>, %arg14: memref<!tpu.dma_semaphore, #tpu.memory_space<semaphore_mem>>, %arg15: memref<!tpu.dma_semaphore, #tpu.memory_space<semaphore_mem>>, %arg16: memref<!tpu.dma_semaphore, #tpu.memory_space<semaphore_mem>>, %arg17: memref<!tpu.dma_semaphore, #tpu.memory_space<semaphore_mem>>) attributes {dimension_semantics = [#tpu.dimension_semantics<core_parallel>, #tpu.dimension_semantics<subcore_parallel>], iteration_bounds = array<i64: 2, 16>, scalar_prefetch = 0 : i64, scratch_operands = 11 : i64, tpu.core_type = #tpu.core_type<sc_vector_subcore>, window_params = [{transform_indices = #map}, {transform_indices = #map1}, {transform_indices = #map1}, {transform_indices = #map}, {transform_indices = #map2}]} {
    %mul3A = arith.constant 2 : i32
    %mul3A_0 = arith.muli %arg1, %mul3A : i32
    %add3A = arith.addi %mul3A_0, %arg0 : i32
    %mul3A_1 = arith.constant 640 : i32
    %mul3A_2 = arith.muli %arg1, %mul3A_1 : i32
    %mul3A_3 = arith.constant 10000 : i32
    %mul3A_4 = arith.muli %add3A, %mul3A_3 : i32
    "tpu.region"() ({
      %run_scoped3A = tpu.sem_alloc : memref<!tpu.dma_semaphore, #tpu.memory_space<semaphore_mem>>
      tpu.enqueue_dma source(%arg5 : memref<80x128xf32, #tpu.memory_space<hbm>>) target(%arg12 : memref<80x128xf32, #tpu.memory_space<vmem>>) target_semaphore(%run_scoped3A : memref<!tpu.dma_semaphore, #tpu.memory_space<semaphore_mem>>)
      tpu.wait_dma2 semaphore(%run_scoped3A : memref<!tpu.dma_semaphore, #tpu.memory_space<semaphore_mem>>) src(%arg5 : memref<80x128xf32, #tpu.memory_space<hbm>>) dst(%arg12 : memref<80x128xf32, #tpu.memory_space<vmem>>)
      tpu.yield
    }) : () -> ()
    %add3A_5 = arith.constant 0 : i32
    %add3A_6 = arith.addi %mul3A_2, %add3A_5 : i32
    "tpu.region"() ({
      %run_scoped3A = tpu.sem_alloc : memref<!tpu.dma_semaphore, #tpu.memory_space<semaphore_mem>>
      %dma_start3A_64 = arith.constant 0 : i32
      %dma_start3A_65 = tpu.memref_slice %arg7[%add3A_6, %dma_start3A_64] : memref<10240x128xf32, #tpu.memory_space<vmem_shared>> -> memref<80x128xf32, #tpu.memory_space<vmem_shared>>
      %dma_start3A_66 = arith.constant 0 : i32
      %dma_start3A_67 = tpu.memref_slice %arg7[%add3A_6, %dma_start3A_66] : memref<10240x128xf32, #tpu.memory_space<vmem_shared>> -> memref<80x128xf32, #tpu.memory_space<vmem_shared>>
      tpu.enqueue_dma source(%arg12 : memref<80x128xf32, #tpu.memory_space<vmem>>) target(%dma_start3A_67 : memref<80x128xf32, #tpu.memory_space<vmem_shared>>) target_semaphore(%run_scoped3A : memref<!tpu.dma_semaphore, #tpu.memory_space<semaphore_mem>>)
      %dma_wait3A_68 = arith.constant 0 : i32
      %dma_wait3A_69 = tpu.memref_slice %arg7[%add3A_6, %dma_wait3A_68] : memref<10240x128xf32, #tpu.memory_space<vmem_shared>> -> memref<80x128xf32, #tpu.memory_space<vmem_shared>>
      %dma_wait3A_70 = arith.constant 0 : i32
      %dma_wait3A_71 = tpu.memref_slice %arg7[%add3A_6, %dma_wait3A_70] : memref<10240x128xf32, #tpu.memory_space<vmem_shared>> -> memref<80x128xf32, #tpu.memory_space<vmem_shared>>
      tpu.wait_dma2 semaphore(%run_scoped3A : memref<!tpu.dma_semaphore, #tpu.memory_space<semaphore_mem>>) src(%arg12 : memref<80x128xf32, #tpu.memory_space<vmem>>) dst(%dma_wait3A_71 : memref<80x128xf32, #tpu.memory_space<vmem_shared>>)
      tpu.yield
    }) : () -> ()
    %add3A_7 = arith.constant 80 : i32
    %add3A_8 = arith.addi %mul3A_2, %add3A_7 : i32
    "tpu.region"() ({
      %run_scoped3A = tpu.sem_alloc : memref<!tpu.dma_semaphore, #tpu.memory_space<semaphore_mem>>
      %dma_start3A_64 = arith.constant 0 : i32
      %dma_start3A_65 = tpu.memref_slice %arg7[%add3A_8, %dma_start3A_64] : memref<10240x128xf32, #tpu.memory_space<vmem_shared>> -> memref<80x128xf32, #tpu.memory_space<vmem_shared>>
      %dma_start3A_66 = arith.constant 0 : i32
      %dma_start3A_67 = tpu.memref_slice %arg7[%add3A_8, %dma_start3A_66] : memref<10240x128xf32, #tpu.memory_space<vmem_shared>> -> memref<80x128xf32, #tpu.memory_space<vmem_shared>>
      tpu.enqueue_dma source(%arg12 : memref<80x128xf32, #tpu.memory_space<vmem>>) target(%dma_start3A_67 : memref<80x128xf32, #tpu.memory_space<vmem_shared>>) target_semaphore(%run_scoped3A : memref<!tpu.dma_semaphore, #tpu.memory_space<semaphore_mem>>)
      %dma_wait3A_68 = arith.constant 0 : i32
      %dma_wait3A_69 = tpu.memref_slice %arg7[%add3A_8, %dma_wait3A_68] : memref<10240x128xf32, #tpu.memory_space<vmem_shared>> -> memref<80x128xf32, #tpu.memory_space<vmem_shared>>
      %dma_wait3A_70 = arith.constant 0 : i32
      %dma_wait3A_71 = tpu.memref_slice %arg7[%add3A_8, %dma_wait3A_70] : memref<10240x128xf32, #tpu.memory_space<vmem_shared>> -> memref<80x128xf32, #tpu.memory_space<vmem_shared>>
      tpu.wait_dma2 semaphore(%run_scoped3A : memref<!tpu.dma_semaphore, #tpu.memory_space<semaphore_mem>>) src(%arg12 : memref<80x128xf32, #tpu.memory_space<vmem>>) dst(%dma_wait3A_71 : memref<80x128xf32, #tpu.memory_space<vmem_shared>>)
      tpu.yield
    }) : () -> ()
    %add3A_9 = arith.constant 160 : i32
    %add3A_10 = arith.addi %mul3A_2, %add3A_9 : i32
    "tpu.region"() ({
      %run_scoped3A = tpu.sem_alloc : memref<!tpu.dma_semaphore, #tpu.memory_space<semaphore_mem>>
      %dma_start3A_64 = arith.constant 0 : i32
      %dma_start3A_65 = tpu.memref_slice %arg7[%add3A_10, %dma_start3A_64] : memref<10240x128xf32, #tpu.memory_space<vmem_shared>> -> memref<80x128xf32, #tpu.memory_space<vmem_shared>>
      %dma_start3A_66 = arith.constant 0 : i32
      %dma_start3A_67 = tpu.memref_slice %arg7[%add3A_10, %dma_start3A_66] : memref<10240x128xf32, #tpu.memory_space<vmem_shared>> -> memref<80x128xf32, #tpu.memory_space<vmem_shared>>
      tpu.enqueue_dma source(%arg12 : memref<80x128xf32, #tpu.memory_space<vmem>>) target(%dma_start3A_67 : memref<80x128xf32, #tpu.memory_space<vmem_shared>>) target_semaphore(%run_scoped3A : memref<!tpu.dma_semaphore, #tpu.memory_space<semaphore_mem>>)
      %dma_wait3A_68 = arith.constant 0 : i32
      %dma_wait3A_69 = tpu.memref_slice %arg7[%add3A_10, %dma_wait3A_68] : memref<10240x128xf32, #tpu.memory_space<vmem_shared>> -> memref<80x128xf32, #tpu.memory_space<vmem_shared>>
      %dma_wait3A_70 = arith.constant 0 : i32
      %dma_wait3A_71 = tpu.memref_slice %arg7[%add3A_10, %dma_wait3A_70] : memref<10240x128xf32, #tpu.memory_space<vmem_shared>> -> memref<80x128xf32, #tpu.memory_space<vmem_shared>>
      tpu.wait_dma2 semaphore(%run_scoped3A : memref<!tpu.dma_semaphore, #tpu.memory_space<semaphore_mem>>) src(%arg12 : memref<80x128xf32, #tpu.memory_space<vmem>>) dst(%dma_wait3A_71 : memref<80x128xf32, #tpu.memory_space<vmem_shared>>)
      tpu.yield
    }) : () -> ()
    %add3A_11 = arith.constant 240 : i32
    %add3A_12 = arith.addi %mul3A_2, %add3A_11 : i32
    "tpu.region"() ({
      %run_scoped3A = tpu.sem_alloc : memref<!tpu.dma_semaphore, #tpu.memory_space<semaphore_mem>>
      %dma_start3A_64 = arith.constant 0 : i32
      %dma_start3A_65 = tpu.memref_slice %arg7[%add3A_12, %dma_start3A_64] : memref<10240x128xf32, #tpu.memory_space<vmem_shared>> -> memref<80x128xf32, #tpu.memory_space<vmem_shared>>
      %dma_start3A_66 = arith.constant 0 : i32
      %dma_start3A_67 = tpu.memref_slice %arg7[%add3A_12, %dma_start3A_66] : memref<10240x128xf32, #tpu.memory_space<vmem_shared>> -> memref<80x128xf32, #tpu.memory_space<vmem_shared>>
      tpu.enqueue_dma source(%arg12 : memref<80x128xf32, #tpu.memory_space<vmem>>) target(%dma_start3A_67 : memref<80x128xf32, #tpu.memory_space<vmem_shared>>) target_semaphore(%run_scoped3A : memref<!tpu.dma_semaphore, #tpu.memory_space<semaphore_mem>>)
      %dma_wait3A_68 = arith.constant 0 : i32
      %dma_wait3A_69 = tpu.memref_slice %arg7[%add3A_12, %dma_wait3A_68] : memref<10240x128xf32, #tpu.memory_space<vmem_shared>> -> memref<80x128xf32, #tpu.memory_space<vmem_shared>>
      %dma_wait3A_70 = arith.constant 0 : i32
      %dma_wait3A_71 = tpu.memref_slice %arg7[%add3A_12, %dma_wait3A_70] : memref<10240x128xf32, #tpu.memory_space<vmem_shared>> -> memref<80x128xf32, #tpu.memory_space<vmem_shared>>
      tpu.wait_dma2 semaphore(%run_scoped3A : memref<!tpu.dma_semaphore, #tpu.memory_space<semaphore_mem>>) src(%arg12 : memref<80x128xf32, #tpu.memory_space<vmem>>) dst(%dma_wait3A_71 : memref<80x128xf32, #tpu.memory_space<vmem_shared>>)
      tpu.yield
    }) : () -> ()
    %add3A_13 = arith.constant 320 : i32
    %add3A_14 = arith.addi %mul3A_2, %add3A_13 : i32
    "tpu.region"() ({
      %run_scoped3A = tpu.sem_alloc : memref<!tpu.dma_semaphore, #tpu.memory_space<semaphore_mem>>
      %dma_start3A_64 = arith.constant 0 : i32
      %dma_start3A_65 = tpu.memref_slice %arg7[%add3A_14, %dma_start3A_64] : memref<10240x128xf32, #tpu.memory_space<vmem_shared>> -> memref<80x128xf32, #tpu.memory_space<vmem_shared>>
      %dma_start3A_66 = arith.constant 0 : i32
      %dma_start3A_67 = tpu.memref_slice %arg7[%add3A_14, %dma_start3A_66] : memref<10240x128xf32, #tpu.memory_space<vmem_shared>> -> memref<80x128xf32, #tpu.memory_space<vmem_shared>>
      tpu.enqueue_dma source(%arg12 : memref<80x128xf32, #tpu.memory_space<vmem>>) target(%dma_start3A_67 : memref<80x128xf32, #tpu.memory_space<vmem_shared>>) target_semaphore(%run_scoped3A : memref<!tpu.dma_semaphore, #tpu.memory_space<semaphore_mem>>)
      %dma_wait3A_68 = arith.constant 0 : i32
      %dma_wait3A_69 = tpu.memref_slice %arg7[%add3A_14, %dma_wait3A_68] : memref<10240x128xf32, #tpu.memory_space<vmem_shared>> -> memref<80x128xf32, #tpu.memory_space<vmem_shared>>
      %dma_wait3A_70 = arith.constant 0 : i32
      %dma_wait3A_71 = tpu.memref_slice %arg7[%add3A_14, %dma_wait3A_70] : memref<10240x128xf32, #tpu.memory_space<vmem_shared>> -> memref<80x128xf32, #tpu.memory_space<vmem_shared>>
      tpu.wait_dma2 semaphore(%run_scoped3A : memref<!tpu.dma_semaphore, #tpu.memory_space<semaphore_mem>>) src(%arg12 : memref<80x128xf32, #tpu.memory_space<vmem>>) dst(%dma_wait3A_71 : memref<80x128xf32, #tpu.memory_space<vmem_shared>>)
      tpu.yield
    }) : () -> ()
    %add3A_15 = arith.constant 400 : i32
    %add3A_16 = arith.addi %mul3A_2, %add3A_15 : i32
    "tpu.region"() ({
      %run_scoped3A = tpu.sem_alloc : memref<!tpu.dma_semaphore, #tpu.memory_space<semaphore_mem>>
      %dma_start3A_64 = arith.constant 0 : i32
      %dma_start3A_65 = tpu.memref_slice %arg7[%add3A_16, %dma_start3A_64] : memref<10240x128xf32, #tpu.memory_space<vmem_shared>> -> memref<80x128xf32, #tpu.memory_space<vmem_shared>>
      %dma_start3A_66 = arith.constant 0 : i32
      %dma_start3A_67 = tpu.memref_slice %arg7[%add3A_16, %dma_start3A_66] : memref<10240x128xf32, #tpu.memory_space<vmem_shared>> -> memref<80x128xf32, #tpu.memory_space<vmem_shared>>
      tpu.enqueue_dma source(%arg12 : memref<80x128xf32, #tpu.memory_space<vmem>>) target(%dma_start3A_67 : memref<80x128xf32, #tpu.memory_space<vmem_shared>>) target_semaphore(%run_scoped3A : memref<!tpu.dma_semaphore, #tpu.memory_space<semaphore_mem>>)
      %dma_wait3A_68 = arith.constant 0 : i32
      %dma_wait3A_69 = tpu.memref_slice %arg7[%add3A_16, %dma_wait3A_68] : memref<10240x128xf32, #tpu.memory_space<vmem_shared>> -> memref<80x128xf32, #tpu.memory_space<vmem_shared>>
      %dma_wait3A_70 = arith.constant 0 : i32
      %dma_wait3A_71 = tpu.memref_slice %arg7[%add3A_16, %dma_wait3A_70] : memref<10240x128xf32, #tpu.memory_space<vmem_shared>> -> memref<80x128xf32, #tpu.memory_space<vmem_shared>>
      tpu.wait_dma2 semaphore(%run_scoped3A : memref<!tpu.dma_semaphore, #tpu.memory_space<semaphore_mem>>) src(%arg12 : memref<80x128xf32, #tpu.memory_space<vmem>>) dst(%dma_wait3A_71 : memref<80x128xf32, #tpu.memory_space<vmem_shared>>)
      tpu.yield
    }) : () -> ()
    %add3A_17 = arith.constant 480 : i32
    %add3A_18 = arith.addi %mul3A_2, %add3A_17 : i32
    "tpu.region"() ({
      %run_scoped3A = tpu.sem_alloc : memref<!tpu.dma_semaphore, #tpu.memory_space<semaphore_mem>>
      %dma_start3A_64 = arith.constant 0 : i32
      %dma_start3A_65 = tpu.memref_slice %arg7[%add3A_18, %dma_start3A_64] : memref<10240x128xf32, #tpu.memory_space<vmem_shared>> -> memref<80x128xf32, #tpu.memory_space<vmem_shared>>
      %dma_start3A_66 = arith.constant 0 : i32
      %dma_start3A_67 = tpu.memref_slice %arg7[%add3A_18, %dma_start3A_66] : memref<10240x128xf32, #tpu.memory_space<vmem_shared>> -> memref<80x128xf32, #tpu.memory_space<vmem_shared>>
      tpu.enqueue_dma source(%arg12 : memref<80x128xf32, #tpu.memory_space<vmem>>) target(%dma_start3A_67 : memref<80x128xf32, #tpu.memory_space<vmem_shared>>) target_semaphore(%run_scoped3A : memref<!tpu.dma_semaphore, #tpu.memory_space<semaphore_mem>>)
      %dma_wait3A_68 = arith.constant 0 : i32
      %dma_wait3A_69 = tpu.memref_slice %arg7[%add3A_18, %dma_wait3A_68] : memref<10240x128xf32, #tpu.memory_space<vmem_shared>> -> memref<80x128xf32, #tpu.memory_space<vmem_shared>>
      %dma_wait3A_70 = arith.constant 0 : i32
      %dma_wait3A_71 = tpu.memref_slice %arg7[%add3A_18, %dma_wait3A_70] : memref<10240x128xf32, #tpu.memory_space<vmem_shared>> -> memref<80x128xf32, #tpu.memory_space<vmem_shared>>
      tpu.wait_dma2 semaphore(%run_scoped3A : memref<!tpu.dma_semaphore, #tpu.memory_space<semaphore_mem>>) src(%arg12 : memref<80x128xf32, #tpu.memory_space<vmem>>) dst(%dma_wait3A_71 : memref<80x128xf32, #tpu.memory_space<vmem_shared>>)
      tpu.yield
    }) : () -> ()
    %add3A_19 = arith.constant 560 : i32
    %add3A_20 = arith.addi %mul3A_2, %add3A_19 : i32
    "tpu.region"() ({
      %run_scoped3A = tpu.sem_alloc : memref<!tpu.dma_semaphore, #tpu.memory_space<semaphore_mem>>
      %dma_start3A_64 = arith.constant 0 : i32
      %dma_start3A_65 = tpu.memref_slice %arg7[%add3A_20, %dma_start3A_64] : memref<10240x128xf32, #tpu.memory_space<vmem_shared>> -> memref<80x128xf32, #tpu.memory_space<vmem_shared>>
      %dma_start3A_66 = arith.constant 0 : i32
      %dma_start3A_67 = tpu.memref_slice %arg7[%add3A_20, %dma_start3A_66] : memref<10240x128xf32, #tpu.memory_space<vmem_shared>> -> memref<80x128xf32, #tpu.memory_space<vmem_shared>>
      tpu.enqueue_dma source(%arg12 : memref<80x128xf32, #tpu.memory_space<vmem>>) target(%dma_start3A_67 : memref<80x128xf32, #tpu.memory_space<vmem_shared>>) target_semaphore(%run_scoped3A : memref<!tpu.dma_semaphore, #tpu.memory_space<semaphore_mem>>)
      %dma_wait3A_68 = arith.constant 0 : i32
      %dma_wait3A_69 = tpu.memref_slice %arg7[%add3A_20, %dma_wait3A_68] : memref<10240x128xf32, #tpu.memory_space<vmem_shared>> -> memref<80x128xf32, #tpu.memory_space<vmem_shared>>
      %dma_wait3A_70 = arith.constant 0 : i32
      %dma_wait3A_71 = tpu.memref_slice %arg7[%add3A_20, %dma_wait3A_70] : memref<10240x128xf32, #tpu.memory_space<vmem_shared>> -> memref<80x128xf32, #tpu.memory_space<vmem_shared>>
      tpu.wait_dma2 semaphore(%run_scoped3A : memref<!tpu.dma_semaphore, #tpu.memory_space<semaphore_mem>>) src(%arg12 : memref<80x128xf32, #tpu.memory_space<vmem>>) dst(%dma_wait3A_71 : memref<80x128xf32, #tpu.memory_space<vmem_shared>>)
      tpu.yield
    }) : () -> ()
    %barrier3A = arith.constant 0 : index
    tpu.barrier barrier_id(%barrier3A)
    "tpu.region"() ({
      %run_scoped3A = tpu.sem_alloc : memref<!tpu.dma_semaphore, #tpu.memory_space<semaphore_mem>>
      %dma_start3A_64 = tpu.memref_slice %arg3[%mul3A_4] : memref<320000xi32, #tpu.memory_space<hbm>> -> memref<80xi32, #tpu.memory_space<hbm>>
      %dma_start3A_65 = tpu.memref_slice %arg3[%mul3A_4] : memref<320000xi32, #tpu.memory_space<hbm>> -> memref<80xi32, #tpu.memory_space<hbm>>
      tpu.enqueue_dma source(%dma_start3A_65 : memref<80xi32, #tpu.memory_space<hbm>>) target(%arg8 : memref<80xi32, #tpu.memory_space<vmem>>) target_semaphore(%run_scoped3A : memref<!tpu.dma_semaphore, #tpu.memory_space<semaphore_mem>>)
      %dma_wait3A_66 = tpu.memref_slice %arg3[%mul3A_4] : memref<320000xi32, #tpu.memory_space<hbm>> -> memref<80xi32, #tpu.memory_space<hbm>>
      %dma_wait3A_67 = tpu.memref_slice %arg3[%mul3A_4] : memref<320000xi32, #tpu.memory_space<hbm>> -> memref<80xi32, #tpu.memory_space<hbm>>
      tpu.wait_dma2 semaphore(%run_scoped3A : memref<!tpu.dma_semaphore, #tpu.memory_space<semaphore_mem>>) src(%dma_wait3A_67 : memref<80xi32, #tpu.memory_space<hbm>>) dst(%arg8 : memref<80xi32, #tpu.memory_space<vmem>>)
      tpu.yield
    }) : () -> ()
    "tpu.region"() ({
      %run_scoped3A = tpu.sem_alloc : memref<!tpu.dma_semaphore, #tpu.memory_space<semaphore_mem>>
      %dma_start3A_64 = tpu.memref_slice %arg4[%mul3A_4] : memref<320000xi32, #tpu.memory_space<hbm>> -> memref<80xi32, #tpu.memory_space<hbm>>
      %dma_start3A_65 = tpu.memref_slice %arg4[%mul3A_4] : memref<320000xi32, #tpu.memory_space<hbm>> -> memref<80xi32, #tpu.memory_space<hbm>>
      tpu.enqueue_dma source(%dma_start3A_65 : memref<80xi32, #tpu.memory_space<hbm>>) target(%arg10 : memref<80xi32, #tpu.memory_space<vmem>>) target_semaphore(%run_scoped3A : memref<!tpu.dma_semaphore, #tpu.memory_space<semaphore_mem>>)
      %dma_wait3A_66 = tpu.memref_slice %arg4[%mul3A_4] : memref<320000xi32, #tpu.memory_space<hbm>> -> memref<80xi32, #tpu.memory_space<hbm>>
      %dma_wait3A_67 = tpu.memref_slice %arg4[%mul3A_4] : memref<320000xi32, #tpu.memory_space<hbm>> -> memref<80xi32, #tpu.memory_space<hbm>>
      tpu.wait_dma2 semaphore(%run_scoped3A : memref<!tpu.dma_semaphore, #tpu.memory_space<semaphore_mem>>) src(%dma_wait3A_67 : memref<80xi32, #tpu.memory_space<hbm>>) dst(%arg10 : memref<80xi32, #tpu.memory_space<vmem>>)
      tpu.yield
    }) : () -> ()
    %dma_start3A = arith.constant 0 : i32
    %dma_start3A_21 = arith.constant 0 : i32
    %dma_start3A_22 = tpu.memref_slice %arg2[%dma_start3A, %dma_start3A_21] : memref<10000x128xf32, #tpu.memory_space<hbm>> -> memref<10000x128xf32, #tpu.memory_space<hbm>>
    tpu.enqueue_indirect_dma source(%dma_start3A_22 : memref<10000x128xf32, #tpu.memory_space<hbm>>) target(%arg12 : memref<80x128xf32, #tpu.memory_space<vmem>>) offsets(%arg8 : memref<80xi32, #tpu.memory_space<vmem>>) semaphore(%arg14 : memref<!tpu.dma_semaphore, #tpu.memory_space<semaphore_mem>>)
    %min3A = arith.constant 1 : i32
    %min3A_23 = arith.constant 124 : i32
    %min3A_24 = arith.minsi %min3A, %min3A_23 : i32
    %mul3A_25 = arith.constant 80 : i32
    %mul3A_26 = arith.muli %min3A_24, %mul3A_25 : i32
    %add3A_27 = arith.addi %mul3A_4, %mul3A_26 : i32
    %dma_start3A_28 = tpu.memref_slice %arg3[%add3A_27] : memref<320000xi32, #tpu.memory_space<hbm>> -> memref<80xi32, #tpu.memory_space<hbm>>
    %dma_start3A_29 = tpu.memref_slice %arg3[%add3A_27] : memref<320000xi32, #tpu.memory_space<hbm>> -> memref<80xi32, #tpu.memory_space<hbm>>
    tpu.enqueue_dma source(%dma_start3A_29 : memref<80xi32, #tpu.memory_space<hbm>>) target(%arg9 : memref<80xi32, #tpu.memory_space<vmem>>) target_semaphore(%arg17 : memref<!tpu.dma_semaphore, #tpu.memory_space<semaphore_mem>>)
    %dma_start3A_30 = tpu.memref_slice %arg4[%add3A_27] : memref<320000xi32, #tpu.memory_space<hbm>> -> memref<80xi32, #tpu.memory_space<hbm>>
    %dma_start3A_31 = tpu.memref_slice %arg4[%add3A_27] : memref<320000xi32, #tpu.memory_space<hbm>> -> memref<80xi32, #tpu.memory_space<hbm>>
    tpu.enqueue_dma source(%dma_start3A_31 : memref<80xi32, #tpu.memory_space<hbm>>) target(%arg11 : memref<80xi32, #tpu.memory_space<vmem>>) target_semaphore(%arg17 : memref<!tpu.dma_semaphore, #tpu.memory_space<semaphore_mem>>)
    %scan3A = arith.constant 0 : i32
    %scan3A_32 = arith.constant 0 : i32
    %scan3A_33 = arith.constant 62 : i32
    %scan3A_34 = arith.addi %scan3A_32, %scan3A_33 : i32
    %scan3A_35 = arith.constant 1 : i32
    scf.for %scan3A_64 = %scan3A_32 to %scan3A_34 step %scan3A_35  : i32 {
      %mul3A_65 = arith.constant 2 : i32
      %mul3A_66 = arith.muli %mul3A_65, %scan3A_64 : i32
      %add3A_67 = arith.constant 2 : i32
      %add3A_68 = arith.addi %mul3A_66, %add3A_67 : i32
      %dma_wait3A_69 = arith.constant 0 : i32
      %dma_wait3A_70 = tpu.memref_slice %arg3[%dma_wait3A_69] : memref<320000xi32, #tpu.memory_space<hbm>> -> memref<80xi32, #tpu.memory_space<hbm>>
      %dma_wait3A_71 = arith.constant 0 : i32
      %dma_wait3A_72 = tpu.memref_slice %arg3[%dma_wait3A_71] : memref<320000xi32, #tpu.memory_space<hbm>> -> memref<80xi32, #tpu.memory_space<hbm>>
      tpu.wait_dma2 semaphore(%arg17 : memref<!tpu.dma_semaphore, #tpu.memory_space<semaphore_mem>>) src(%dma_wait3A_72 : memref<80xi32, #tpu.memory_space<hbm>>) dst(%arg9 : memref<80xi32, #tpu.memory_space<vmem>>)
      %dma_wait3A_73 = arith.constant 0 : i32
      %dma_wait3A_74 = tpu.memref_slice %arg4[%dma_wait3A_73] : memref<320000xi32, #tpu.memory_space<hbm>> -> memref<80xi32, #tpu.memory_space<hbm>>
      %dma_wait3A_75 = arith.constant 0 : i32
      %dma_wait3A_76 = tpu.memref_slice %arg4[%dma_wait3A_75] : memref<320000xi32, #tpu.memory_space<hbm>> -> memref<80xi32, #tpu.memory_space<hbm>>
      tpu.wait_dma2 semaphore(%arg17 : memref<!tpu.dma_semaphore, #tpu.memory_space<semaphore_mem>>) src(%dma_wait3A_76 : memref<80xi32, #tpu.memory_space<hbm>>) dst(%arg11 : memref<80xi32, #tpu.memory_space<vmem>>)
      %dma_start3A_77 = arith.constant 0 : i32
      %dma_start3A_78 = arith.constant 0 : i32
      %dma_start3A_79 = tpu.memref_slice %arg2[%dma_start3A_77, %dma_start3A_78] : memref<10000x128xf32, #tpu.memory_space<hbm>> -> memref<10000x128xf32, #tpu.memory_space<hbm>>
      tpu.enqueue_indirect_dma source(%dma_start3A_79 : memref<10000x128xf32, #tpu.memory_space<hbm>>) target(%arg13 : memref<80x128xf32, #tpu.memory_space<vmem>>) offsets(%arg9 : memref<80xi32, #tpu.memory_space<vmem>>) semaphore(%arg15 : memref<!tpu.dma_semaphore, #tpu.memory_space<semaphore_mem>>)
      %dma_wait3A_80 = arith.constant 0 : i32
      %dma_wait3A_81 = arith.constant 0 : i32
      %dma_wait3A_82 = tpu.memref_slice %arg2[%dma_wait3A_80, %dma_wait3A_81] : memref<10000x128xf32, #tpu.memory_space<hbm>> -> memref<10000x128xf32, #tpu.memory_space<hbm>>
      tpu.wait_indirect_dma semaphore(%arg14 : memref<!tpu.dma_semaphore, #tpu.memory_space<semaphore_mem>>) src(%dma_wait3A_82 : memref<10000x128xf32, #tpu.memory_space<hbm>>) dst(%arg12 : memref<80x128xf32, #tpu.memory_space<vmem>>)
      "tpu.region"() ({
        %run_scoped3A = tpu.sem_alloc : memref<!tpu.dma_semaphore, #tpu.memory_space<semaphore_mem>>
        %dma_start3A_117 = arith.constant 0 : i32
        %dma_start3A_118 = arith.constant 0 : i32
        %dma_start3A_119 = tpu.memref_slice %arg7[%dma_start3A_117, %dma_start3A_118] : memref<10240x128xf32, #tpu.memory_space<vmem_shared>> -> memref<10240x128xf32, #tpu.memory_space<vmem_shared>>
        tpu.enqueue_indirect_dma source(%arg12 : memref<80x128xf32, #tpu.memory_space<vmem>>) target(%dma_start3A_119 : memref<10240x128xf32, #tpu.memory_space<vmem_shared>>) offsets(%arg10 : memref<80xi32, #tpu.memory_space<vmem>>) semaphore(%run_scoped3A : memref<!tpu.dma_semaphore, #tpu.memory_space<semaphore_mem>>) {add = true}
        %dma_wait3A_120 = arith.constant 0 : i32
        %dma_wait3A_121 = arith.constant 0 : i32
        %dma_wait3A_122 = tpu.memref_slice %arg7[%dma_wait3A_120, %dma_wait3A_121] : memref<10240x128xf32, #tpu.memory_space<vmem_shared>> -> memref<10240x128xf32, #tpu.memory_space<vmem_shared>>
        tpu.wait_indirect_dma semaphore(%run_scoped3A : memref<!tpu.dma_semaphore, #tpu.memory_space<semaphore_mem>>) src(%arg12 : memref<80x128xf32, #tpu.memory_space<vmem>>) dst(%dma_wait3A_122 : memref<10240x128xf32, #tpu.memory_space<vmem_shared>>)
        tpu.yield
      }) : () -> ()
      %min3A_83 = arith.constant 124 : i32
      %min3A_84 = arith.minsi %add3A_68, %min3A_83 : i32
      %mul3A_85 = arith.constant 80 : i32
      %mul3A_86 = arith.muli %min3A_84, %mul3A_85 : i32
      %add3A_87 = arith.addi %mul3A_4, %mul3A_86 : i32
      %dma_start3A_88 = tpu.memref_slice %arg3[%add3A_87] : memref<320000xi32, #tpu.memory_space<hbm>> -> memref<80xi32, #tpu.memory_space<hbm>>
      %dma_start3A_89 = tpu.memref_slice %arg3[%add3A_87] : memref<320000xi32, #tpu.memory_space<hbm>> -> memref<80xi32, #tpu.memory_space<hbm>>
      tpu.enqueue_dma source(%dma_start3A_89 : memref<80xi32, #tpu.memory_space<hbm>>) target(%arg8 : memref<80xi32, #tpu.memory_space<vmem>>) target_semaphore(%arg16 : memref<!tpu.dma_semaphore, #tpu.memory_space<semaphore_mem>>)
      %dma_start3A_90 = tpu.memref_slice %arg4[%add3A_87] : memref<320000xi32, #tpu.memory_space<hbm>> -> memref<80xi32, #tpu.memory_space<hbm>>
      %dma_start3A_91 = tpu.memref_slice %arg4[%add3A_87] : memref<320000xi32, #tpu.memory_space<hbm>> -> memref<80xi32, #tpu.memory_space<hbm>>
      tpu.enqueue_dma source(%dma_start3A_91 : memref<80xi32, #tpu.memory_space<hbm>>) target(%arg10 : memref<80xi32, #tpu.memory_space<vmem>>) target_semaphore(%arg16 : memref<!tpu.dma_semaphore, #tpu.memory_space<semaphore_mem>>)
      %dma_wait3A_92 = arith.constant 0 : i32
      %dma_wait3A_93 = tpu.memref_slice %arg3[%dma_wait3A_92] : memref<320000xi32, #tpu.memory_space<hbm>> -> memref<80xi32, #tpu.memory_space<hbm>>
      %dma_wait3A_94 = arith.constant 0 : i32
      %dma_wait3A_95 = tpu.memref_slice %arg3[%dma_wait3A_94] : memref<320000xi32, #tpu.memory_space<hbm>> -> memref<80xi32, #tpu.memory_space<hbm>>
      tpu.wait_dma2 semaphore(%arg16 : memref<!tpu.dma_semaphore, #tpu.memory_space<semaphore_mem>>) src(%dma_wait3A_95 : memref<80xi32, #tpu.memory_space<hbm>>) dst(%arg8 : memref<80xi32, #tpu.memory_space<vmem>>)
      %dma_wait3A_96 = arith.constant 0 : i32
      %dma_wait3A_97 = tpu.memref_slice %arg4[%dma_wait3A_96] : memref<320000xi32, #tpu.memory_space<hbm>> -> memref<80xi32, #tpu.memory_space<hbm>>
      %dma_wait3A_98 = arith.constant 0 : i32
      %dma_wait3A_99 = tpu.memref_slice %arg4[%dma_wait3A_98] : memref<320000xi32, #tpu.memory_space<hbm>> -> memref<80xi32, #tpu.memory_space<hbm>>
      tpu.wait_dma2 semaphore(%arg16 : memref<!tpu.dma_semaphore, #tpu.memory_space<semaphore_mem>>) src(%dma_wait3A_99 : memref<80xi32, #tpu.memory_space<hbm>>) dst(%arg10 : memref<80xi32, #tpu.memory_space<vmem>>)
      %dma_start3A_100 = arith.constant 0 : i32
      %dma_start3A_101 = arith.constant 0 : i32
      %dma_start3A_102 = tpu.memref_slice %arg2[%dma_start3A_100, %dma_start3A_101] : memref<10000x128xf32, #tpu.memory_space<hbm>> -> memref<10000x128xf32, #tpu.memory_space<hbm>>
      tpu.enqueue_indirect_dma source(%dma_start3A_102 : memref<10000x128xf32, #tpu.memory_space<hbm>>) target(%arg12 : memref<80x128xf32, #tpu.memory_space<vmem>>) offsets(%arg8 : memref<80xi32, #tpu.memory_space<vmem>>) semaphore(%arg14 : memref<!tpu.dma_semaphore, #tpu.memory_space<semaphore_mem>>)
      %dma_wait3A_103 = arith.constant 0 : i32
      %dma_wait3A_104 = arith.constant 0 : i32
      %dma_wait3A_105 = tpu.memref_slice %arg2[%dma_wait3A_103, %dma_wait3A_104] : memref<10000x128xf32, #tpu.memory_space<hbm>> -> memref<10000x128xf32, #tpu.memory_space<hbm>>
      tpu.wait_indirect_dma semaphore(%arg15 : memref<!tpu.dma_semaphore, #tpu.memory_space<semaphore_mem>>) src(%dma_wait3A_105 : memref<10000x128xf32, #tpu.memory_space<hbm>>) dst(%arg13 : memref<80x128xf32, #tpu.memory_space<vmem>>)
      "tpu.region"() ({
        %run_scoped3A = tpu.sem_alloc : memref<!tpu.dma_semaphore, #tpu.memory_space<semaphore_mem>>
        %dma_start3A_117 = arith.constant 0 : i32
        %dma_start3A_118 = arith.constant 0 : i32
        %dma_start3A_119 = tpu.memref_slice %arg7[%dma_start3A_117, %dma_start3A_118] : memref<10240x128xf32, #tpu.memory_space<vmem_shared>> -> memref<10240x128xf32, #tpu.memory_space<vmem_shared>>
        tpu.enqueue_indirect_dma source(%arg13 : memref<80x128xf32, #tpu.memory_space<vmem>>) target(%dma_start3A_119 : memref<10240x128xf32, #tpu.memory_space<vmem_shared>>) offsets(%arg11 : memref<80xi32, #tpu.memory_space<vmem>>) semaphore(%run_scoped3A : memref<!tpu.dma_semaphore, #tpu.memory_space<semaphore_mem>>) {add = true}
        %dma_wait3A_120 = arith.constant 0 : i32
        %dma_wait3A_121 = arith.constant 0 : i32
        %dma_wait3A_122 = tpu.memref_slice %arg7[%dma_wait3A_120, %dma_wait3A_121] : memref<10240x128xf32, #tpu.memory_space<vmem_shared>> -> memref<10240x128xf32, #tpu.memory_space<vmem_shared>>
        tpu.wait_indirect_dma semaphore(%run_scoped3A : memref<!tpu.dma_semaphore, #tpu.memory_space<semaphore_mem>>) src(%arg13 : memref<80x128xf32, #tpu.memory_space<vmem>>) dst(%dma_wait3A_122 : memref<10240x128xf32, #tpu.memory_space<vmem_shared>>)
        tpu.yield
      }) : () -> ()
      %add3A_106 = arith.constant 1 : i32
      %add3A_107 = arith.addi %add3A_68, %add3A_106 : i32
      %min3A_108 = arith.constant 124 : i32
      %min3A_109 = arith.minsi %add3A_107, %min3A_108 : i32
      %mul3A_110 = arith.constant 80 : i32
      %mul3A_111 = arith.muli %min3A_109, %mul3A_110 : i32
      %add3A_112 = arith.addi %mul3A_4, %mul3A_111 : i32
      %dma_start3A_113 = tpu.memref_slice %arg3[%add3A_112] : memref<320000xi32, #tpu.memory_space<hbm>> -> memref<80xi32, #tpu.memory_space<hbm>>
      %dma_start3A_114 = tpu.memref_slice %arg3[%add3A_112] : memref<320000xi32, #tpu.memory_space<hbm>> -> memref<80xi32, #tpu.memory_space<hbm>>
      tpu.enqueue_dma source(%dma_start3A_114 : memref<80xi32, #tpu.memory_space<hbm>>) target(%arg9 : memref<80xi32, #tpu.memory_space<vmem>>) target_semaphore(%arg17 : memref<!tpu.dma_semaphore, #tpu.memory_space<semaphore_mem>>)
      %dma_start3A_115 = tpu.memref_slice %arg4[%add3A_112] : memref<320000xi32, #tpu.memory_space<hbm>> -> memref<80xi32, #tpu.memory_space<hbm>>
      %dma_start3A_116 = tpu.memref_slice %arg4[%add3A_112] : memref<320000xi32, #tpu.memory_space<hbm>> -> memref<80xi32, #tpu.memory_space<hbm>>
      tpu.enqueue_dma source(%dma_start3A_116 : memref<80xi32, #tpu.memory_space<hbm>>) target(%arg11 : memref<80xi32, #tpu.memory_space<vmem>>) target_semaphore(%arg17 : memref<!tpu.dma_semaphore, #tpu.memory_space<semaphore_mem>>)
    }
    %scan3A_36 = arith.constant 62 : i32
    %dma_wait3A = arith.constant 0 : i32
    %dma_wait3A_37 = tpu.memref_slice %arg3[%dma_wait3A] : memref<320000xi32, #tpu.memory_space<hbm>> -> memref<80xi32, #tpu.memory_space<hbm>>
    %dma_wait3A_38 = arith.constant 0 : i32
    %dma_wait3A_39 = tpu.memref_slice %arg3[%dma_wait3A_38] : memref<320000xi32, #tpu.memory_space<hbm>> -> memref<80xi32, #tpu.memory_space<hbm>>
    tpu.wait_dma2 semaphore(%arg17 : memref<!tpu.dma_semaphore, #tpu.memory_space<semaphore_mem>>) src(%dma_wait3A_39 : memref<80xi32, #tpu.memory_space<hbm>>) dst(%arg9 : memref<80xi32, #tpu.memory_space<vmem>>)
    %dma_wait3A_40 = arith.constant 0 : i32
    %dma_wait3A_41 = tpu.memref_slice %arg4[%dma_wait3A_40] : memref<320000xi32, #tpu.memory_space<hbm>> -> memref<80xi32, #tpu.memory_space<hbm>>
    %dma_wait3A_42 = arith.constant 0 : i32
    %dma_wait3A_43 = tpu.memref_slice %arg4[%dma_wait3A_42] : memref<320000xi32, #tpu.memory_space<hbm>> -> memref<80xi32, #tpu.memory_space<hbm>>
    tpu.wait_dma2 semaphore(%arg17 : memref<!tpu.dma_semaphore, #tpu.memory_space<semaphore_mem>>) src(%dma_wait3A_43 : memref<80xi32, #tpu.memory_space<hbm>>) dst(%arg11 : memref<80xi32, #tpu.memory_space<vmem>>)
    %dma_wait3A_44 = arith.constant 0 : i32
    %dma_wait3A_45 = arith.constant 0 : i32
    %dma_wait3A_46 = tpu.memref_slice %arg2[%dma_wait3A_44, %dma_wait3A_45] : memref<10000x128xf32, #tpu.memory_space<hbm>> -> memref<10000x128xf32, #tpu.memory_space<hbm>>
    tpu.wait_indirect_dma semaphore(%arg14 : memref<!tpu.dma_semaphore, #tpu.memory_space<semaphore_mem>>) src(%dma_wait3A_46 : memref<10000x128xf32, #tpu.memory_space<hbm>>) dst(%arg12 : memref<80x128xf32, #tpu.memory_space<vmem>>)
    "tpu.region"() ({
      %run_scoped3A = tpu.sem_alloc : memref<!tpu.dma_semaphore, #tpu.memory_space<semaphore_mem>>
      %dma_start3A_64 = arith.constant 0 : i32
      %dma_start3A_65 = arith.constant 0 : i32
      %dma_start3A_66 = tpu.memref_slice %arg7[%dma_start3A_64, %dma_start3A_65] : memref<10240x128xf32, #tpu.memory_space<vmem_shared>> -> memref<10240x128xf32, #tpu.memory_space<vmem_shared>>
      tpu.enqueue_indirect_dma source(%arg12 : memref<80x128xf32, #tpu.memory_space<vmem>>) target(%dma_start3A_66 : memref<10240x128xf32, #tpu.memory_space<vmem_shared>>) offsets(%arg10 : memref<80xi32, #tpu.memory_space<vmem>>) semaphore(%run_scoped3A : memref<!tpu.dma_semaphore, #tpu.memory_space<semaphore_mem>>) {add = true}
      %dma_wait3A_67 = arith.constant 0 : i32
      %dma_wait3A_68 = arith.constant 0 : i32
      %dma_wait3A_69 = tpu.memref_slice %arg7[%dma_wait3A_67, %dma_wait3A_68] : memref<10240x128xf32, #tpu.memory_space<vmem_shared>> -> memref<10240x128xf32, #tpu.memory_space<vmem_shared>>
      tpu.wait_indirect_dma semaphore(%run_scoped3A : memref<!tpu.dma_semaphore, #tpu.memory_space<semaphore_mem>>) src(%arg12 : memref<80x128xf32, #tpu.memory_space<vmem>>) dst(%dma_wait3A_69 : memref<10240x128xf32, #tpu.memory_space<vmem_shared>>)
      tpu.yield
    }) : () -> ()
    %barrier3A_47 = arith.constant 0 : index
    tpu.barrier barrier_id(%barrier3A_47)
    %add3A_48 = arith.constant 0 : i32
    %add3A_49 = arith.addi %mul3A_2, %add3A_48 : i32
    "tpu.region"() ({
      %run_scoped3A = tpu.sem_alloc : memref<!tpu.dma_semaphore, #tpu.memory_space<semaphore_mem>>
      %dma_start3A_64 = arith.constant 0 : i32
      %dma_start3A_65 = tpu.memref_slice %arg7[%add3A_49, %dma_start3A_64] : memref<10240x128xf32, #tpu.memory_space<vmem_shared>> -> memref<80x128xf32, #tpu.memory_space<vmem_shared>>
      %dma_start3A_66 = arith.constant 0 : i32
      %dma_start3A_67 = tpu.memref_slice %arg7[%add3A_49, %dma_start3A_66] : memref<10240x128xf32, #tpu.memory_space<vmem_shared>> -> memref<80x128xf32, #tpu.memory_space<vmem_shared>>
      tpu.enqueue_dma source(%dma_start3A_67 : memref<80x128xf32, #tpu.memory_space<vmem_shared>>) target(%arg12 : memref<80x128xf32, #tpu.memory_space<vmem>>) target_semaphore(%run_scoped3A : memref<!tpu.dma_semaphore, #tpu.memory_space<semaphore_mem>>)
      %dma_wait3A_68 = arith.constant 0 : i32
      %dma_wait3A_69 = tpu.memref_slice %arg7[%add3A_49, %dma_wait3A_68] : memref<10240x128xf32, #tpu.memory_space<vmem_shared>> -> memref<80x128xf32, #tpu.memory_space<vmem_shared>>
      %dma_wait3A_70 = arith.constant 0 : i32
      %dma_wait3A_71 = tpu.memref_slice %arg7[%add3A_49, %dma_wait3A_70] : memref<10240x128xf32, #tpu.memory_space<vmem_shared>> -> memref<80x128xf32, #tpu.memory_space<vmem_shared>>
      tpu.wait_dma2 semaphore(%run_scoped3A : memref<!tpu.dma_semaphore, #tpu.memory_space<semaphore_mem>>) src(%dma_wait3A_71 : memref<80x128xf32, #tpu.memory_space<vmem_shared>>) dst(%arg12 : memref<80x128xf32, #tpu.memory_space<vmem>>)
      tpu.yield
    }) : () -> ()
    "tpu.region"() ({
      %run_scoped3A = tpu.sem_alloc : memref<!tpu.dma_semaphore, #tpu.memory_space<semaphore_mem>>
      %dma_start3A_64 = arith.constant 0 : i32
      %dma_start3A_65 = tpu.memref_slice %arg6[%arg0, %add3A_49, %dma_start3A_64] : memref<2x10240x128xf32, #tpu.memory_space<hbm>> -> memref<1x80x128xf32, #tpu.memory_space<hbm>>
      %dma_start3A_66 = tpu.memref_squeeze %dma_start3A_65 : memref<1x80x128xf32, #tpu.memory_space<hbm>> -> memref<80x128xf32, #tpu.memory_space<hbm>>
      %dma_start3A_67 = arith.constant 0 : i32
      %dma_start3A_68 = tpu.memref_slice %arg6[%arg0, %add3A_49, %dma_start3A_67] : memref<2x10240x128xf32, #tpu.memory_space<hbm>> -> memref<1x80x128xf32, #tpu.memory_space<hbm>>
      %dma_start3A_69 = tpu.memref_squeeze %dma_start3A_68 : memref<1x80x128xf32, #tpu.memory_space<hbm>> -> memref<80x128xf32, #tpu.memory_space<hbm>>
      tpu.enqueue_dma source(%arg12 : memref<80x128xf32, #tpu.memory_space<vmem>>) target(%dma_start3A_69 : memref<80x128xf32, #tpu.memory_space<hbm>>) target_semaphore(%run_scoped3A : memref<!tpu.dma_semaphore, #tpu.memory_space<semaphore_mem>>)
      %dma_wait3A_70 = arith.constant 0 : i32
      %dma_wait3A_71 = tpu.memref_slice %arg6[%arg0, %add3A_49, %dma_wait3A_70] : memref<2x10240x128xf32, #tpu.memory_space<hbm>> -> memref<1x80x128xf32, #tpu.memory_space<hbm>>
      %dma_wait3A_72 = tpu.memref_squeeze %dma_wait3A_71 : memref<1x80x128xf32, #tpu.memory_space<hbm>> -> memref<80x128xf32, #tpu.memory_space<hbm>>
      %dma_wait3A_73 = arith.constant 0 : i32
      %dma_wait3A_74 = tpu.memref_slice %arg6[%arg0, %add3A_49, %dma_wait3A_73] : memref<2x10240x128xf32, #tpu.memory_space<hbm>> -> memref<1x80x128xf32, #tpu.memory_space<hbm>>
      %dma_wait3A_75 = tpu.memref_squeeze %dma_wait3A_74 : memref<1x80x128xf32, #tpu.memory_space<hbm>> -> memref<80x128xf32, #tpu.memory_space<hbm>>
      tpu.wait_dma2 semaphore(%run_scoped3A : memref<!tpu.dma_semaphore, #tpu.memory_space<semaphore_mem>>) src(%arg12 : memref<80x128xf32, #tpu.memory_space<vmem>>) dst(%dma_wait3A_75 : memref<80x128xf32, #tpu.memory_space<hbm>>)
      tpu.yield
    }) : () -> ()
    %add3A_50 = arith.constant 80 : i32
    %add3A_51 = arith.addi %mul3A_2, %add3A_50 : i32
    "tpu.region"() ({
      %run_scoped3A = tpu.sem_alloc : memref<!tpu.dma_semaphore, #tpu.memory_space<semaphore_mem>>
      %dma_start3A_64 = arith.constant 0 : i32
      %dma_start3A_65 = tpu.memref_slice %arg7[%add3A_51, %dma_start3A_64] : memref<10240x128xf32, #tpu.memory_space<vmem_shared>> -> memref<80x128xf32, #tpu.memory_space<vmem_shared>>
      %dma_start3A_66 = arith.constant 0 : i32
      %dma_start3A_67 = tpu.memref_slice %arg7[%add3A_51, %dma_start3A_66] : memref<10240x128xf32, #tpu.memory_space<vmem_shared>> -> memref<80x128xf32, #tpu.memory_space<vmem_shared>>
      tpu.enqueue_dma source(%dma_start3A_67 : memref<80x128xf32, #tpu.memory_space<vmem_shared>>) target(%arg12 : memref<80x128xf32, #tpu.memory_space<vmem>>) target_semaphore(%run_scoped3A : memref<!tpu.dma_semaphore, #tpu.memory_space<semaphore_mem>>)
      %dma_wait3A_68 = arith.constant 0 : i32
      %dma_wait3A_69 = tpu.memref_slice %arg7[%add3A_51, %dma_wait3A_68] : memref<10240x128xf32, #tpu.memory_space<vmem_shared>> -> memref<80x128xf32, #tpu.memory_space<vmem_shared>>
      %dma_wait3A_70 = arith.constant 0 : i32
      %dma_wait3A_71 = tpu.memref_slice %arg7[%add3A_51, %dma_wait3A_70] : memref<10240x128xf32, #tpu.memory_space<vmem_shared>> -> memref<80x128xf32, #tpu.memory_space<vmem_shared>>
      tpu.wait_dma2 semaphore(%run_scoped3A : memref<!tpu.dma_semaphore, #tpu.memory_space<semaphore_mem>>) src(%dma_wait3A_71 : memref<80x128xf32, #tpu.memory_space<vmem_shared>>) dst(%arg12 : memref<80x128xf32, #tpu.memory_space<vmem>>)
      tpu.yield
    }) : () -> ()
    "tpu.region"() ({
      %run_scoped3A = tpu.sem_alloc : memref<!tpu.dma_semaphore, #tpu.memory_space<semaphore_mem>>
      %dma_start3A_64 = arith.constant 0 : i32
      %dma_start3A_65 = tpu.memref_slice %arg6[%arg0, %add3A_51, %dma_start3A_64] : memref<2x10240x128xf32, #tpu.memory_space<hbm>> -> memref<1x80x128xf32, #tpu.memory_space<hbm>>
      %dma_start3A_66 = tpu.memref_squeeze %dma_start3A_65 : memref<1x80x128xf32, #tpu.memory_space<hbm>> -> memref<80x128xf32, #tpu.memory_space<hbm>>
      %dma_start3A_67 = arith.constant 0 : i32
      %dma_start3A_68 = tpu.memref_slice %arg6[%arg0, %add3A_51, %dma_start3A_67] : memref<2x10240x128xf32, #tpu.memory_space<hbm>> -> memref<1x80x128xf32, #tpu.memory_space<hbm>>
      %dma_start3A_69 = tpu.memref_squeeze %dma_start3A_68 : memref<1x80x128xf32, #tpu.memory_space<hbm>> -> memref<80x128xf32, #tpu.memory_space<hbm>>
      tpu.enqueue_dma source(%arg12 : memref<80x128xf32, #tpu.memory_space<vmem>>) target(%dma_start3A_69 : memref<80x128xf32, #tpu.memory_space<hbm>>) target_semaphore(%run_scoped3A : memref<!tpu.dma_semaphore, #tpu.memory_space<semaphore_mem>>)
      %dma_wait3A_70 = arith.constant 0 : i32
      %dma_wait3A_71 = tpu.memref_slice %arg6[%arg0, %add3A_51, %dma_wait3A_70] : memref<2x10240x128xf32, #tpu.memory_space<hbm>> -> memref<1x80x128xf32, #tpu.memory_space<hbm>>
      %dma_wait3A_72 = tpu.memref_squeeze %dma_wait3A_71 : memref<1x80x128xf32, #tpu.memory_space<hbm>> -> memref<80x128xf32, #tpu.memory_space<hbm>>
      %dma_wait3A_73 = arith.constant 0 : i32
      %dma_wait3A_74 = tpu.memref_slice %arg6[%arg0, %add3A_51, %dma_wait3A_73] : memref<2x10240x128xf32, #tpu.memory_space<hbm>> -> memref<1x80x128xf32, #tpu.memory_space<hbm>>
      %dma_wait3A_75 = tpu.memref_squeeze %dma_wait3A_74 : memref<1x80x128xf32, #tpu.memory_space<hbm>> -> memref<80x128xf32, #tpu.memory_space<hbm>>
      tpu.wait_dma2 semaphore(%run_scoped3A : memref<!tpu.dma_semaphore, #tpu.memory_space<semaphore_mem>>) src(%arg12 : memref<80x128xf32, #tpu.memory_space<vmem>>) dst(%dma_wait3A_75 : memref<80x128xf32, #tpu.memory_space<hbm>>)
      tpu.yield
    }) : () -> ()
    %add3A_52 = arith.constant 160 : i32
    %add3A_53 = arith.addi %mul3A_2, %add3A_52 : i32
    "tpu.region"() ({
      %run_scoped3A = tpu.sem_alloc : memref<!tpu.dma_semaphore, #tpu.memory_space<semaphore_mem>>
      %dma_start3A_64 = arith.constant 0 : i32
      %dma_start3A_65 = tpu.memref_slice %arg7[%add3A_53, %dma_start3A_64] : memref<10240x128xf32, #tpu.memory_space<vmem_shared>> -> memref<80x128xf32, #tpu.memory_space<vmem_shared>>
      %dma_start3A_66 = arith.constant 0 : i32
      %dma_start3A_67 = tpu.memref_slice %arg7[%add3A_53, %dma_start3A_66] : memref<10240x128xf32, #tpu.memory_space<vmem_shared>> -> memref<80x128xf32, #tpu.memory_space<vmem_shared>>
      tpu.enqueue_dma source(%dma_start3A_67 : memref<80x128xf32, #tpu.memory_space<vmem_shared>>) target(%arg12 : memref<80x128xf32, #tpu.memory_space<vmem>>) target_semaphore(%run_scoped3A : memref<!tpu.dma_semaphore, #tpu.memory_space<semaphore_mem>>)
      %dma_wait3A_68 = arith.constant 0 : i32
      %dma_wait3A_69 = tpu.memref_slice %arg7[%add3A_53, %dma_wait3A_68] : memref<10240x128xf32, #tpu.memory_space<vmem_shared>> -> memref<80x128xf32, #tpu.memory_space<vmem_shared>>
      %dma_wait3A_70 = arith.constant 0 : i32
      %dma_wait3A_71 = tpu.memref_slice %arg7[%add3A_53, %dma_wait3A_70] : memref<10240x128xf32, #tpu.memory_space<vmem_shared>> -> memref<80x128xf32, #tpu.memory_space<vmem_shared>>
      tpu.wait_dma2 semaphore(%run_scoped3A : memref<!tpu.dma_semaphore, #tpu.memory_space<semaphore_mem>>) src(%dma_wait3A_71 : memref<80x128xf32, #tpu.memory_space<vmem_shared>>) dst(%arg12 : memref<80x128xf32, #tpu.memory_space<vmem>>)
      tpu.yield
    }) : () -> ()
    "tpu.region"() ({
      %run_scoped3A = tpu.sem_alloc : memref<!tpu.dma_semaphore, #tpu.memory_space<semaphore_mem>>
      %dma_start3A_64 = arith.constant 0 : i32
      %dma_start3A_65 = tpu.memref_slice %arg6[%arg0, %add3A_53, %dma_start3A_64] : memref<2x10240x128xf32, #tpu.memory_space<hbm>> -> memref<1x80x128xf32, #tpu.memory_space<hbm>>
      %dma_start3A_66 = tpu.memref_squeeze %dma_start3A_65 : memref<1x80x128xf32, #tpu.memory_space<hbm>> -> memref<80x128xf32, #tpu.memory_space<hbm>>
      %dma_start3A_67 = arith.constant 0 : i32
      %dma_start3A_68 = tpu.memref_slice %arg6[%arg0, %add3A_53, %dma_start3A_67] : memref<2x10240x128xf32, #tpu.memory_space<hbm>> -> memref<1x80x128xf32, #tpu.memory_space<hbm>>
      %dma_start3A_69 = tpu.memref_squeeze %dma_start3A_68 : memref<1x80x128xf32, #tpu.memory_space<hbm>> -> memref<80x128xf32, #tpu.memory_space<hbm>>
      tpu.enqueue_dma source(%arg12 : memref<80x128xf32, #tpu.memory_space<vmem>>) target(%dma_start3A_69 : memref<80x128xf32, #tpu.memory_space<hbm>>) target_semaphore(%run_scoped3A : memref<!tpu.dma_semaphore, #tpu.memory_space<semaphore_mem>>)
      %dma_wait3A_70 = arith.constant 0 : i32
      %dma_wait3A_71 = tpu.memref_slice %arg6[%arg0, %add3A_53, %dma_wait3A_70] : memref<2x10240x128xf32, #tpu.memory_space<hbm>> -> memref<1x80x128xf32, #tpu.memory_space<hbm>>
      %dma_wait3A_72 = tpu.memref_squeeze %dma_wait3A_71 : memref<1x80x128xf32, #tpu.memory_space<hbm>> -> memref<80x128xf32, #tpu.memory_space<hbm>>
      %dma_wait3A_73 = arith.constant 0 : i32
      %dma_wait3A_74 = tpu.memref_slice %arg6[%arg0, %add3A_53, %dma_wait3A_73] : memref<2x10240x128xf32, #tpu.memory_space<hbm>> -> memref<1x80x128xf32, #tpu.memory_space<hbm>>
      %dma_wait3A_75 = tpu.memref_squeeze %dma_wait3A_74 : memref<1x80x128xf32, #tpu.memory_space<hbm>> -> memref<80x128xf32, #tpu.memory_space<hbm>>
      tpu.wait_dma2 semaphore(%run_scoped3A : memref<!tpu.dma_semaphore, #tpu.memory_space<semaphore_mem>>) src(%arg12 : memref<80x128xf32, #tpu.memory_space<vmem>>) dst(%dma_wait3A_75 : memref<80x128xf32, #tpu.memory_space<hbm>>)
      tpu.yield
    }) : () -> ()
    %add3A_54 = arith.constant 240 : i32
    %add3A_55 = arith.addi %mul3A_2, %add3A_54 : i32
    "tpu.region"() ({
      %run_scoped3A = tpu.sem_alloc : memref<!tpu.dma_semaphore, #tpu.memory_space<semaphore_mem>>
      %dma_start3A_64 = arith.constant 0 : i32
      %dma_start3A_65 = tpu.memref_slice %arg7[%add3A_55, %dma_start3A_64] : memref<10240x128xf32, #tpu.memory_space<vmem_shared>> -> memref<80x128xf32, #tpu.memory_space<vmem_shared>>
      %dma_start3A_66 = arith.constant 0 : i32
      %dma_start3A_67 = tpu.memref_slice %arg7[%add3A_55, %dma_start3A_66] : memref<10240x128xf32, #tpu.memory_space<vmem_shared>> -> memref<80x128xf32, #tpu.memory_space<vmem_shared>>
      tpu.enqueue_dma source(%dma_start3A_67 : memref<80x128xf32, #tpu.memory_space<vmem_shared>>) target(%arg12 : memref<80x128xf32, #tpu.memory_space<vmem>>) target_semaphore(%run_scoped3A : memref<!tpu.dma_semaphore, #tpu.memory_space<semaphore_mem>>)
      %dma_wait3A_68 = arith.constant 0 : i32
      %dma_wait3A_69 = tpu.memref_slice %arg7[%add3A_55, %dma_wait3A_68] : memref<10240x128xf32, #tpu.memory_space<vmem_shared>> -> memref<80x128xf32, #tpu.memory_space<vmem_shared>>
      %dma_wait3A_70 = arith.constant 0 : i32
      %dma_wait3A_71 = tpu.memref_slice %arg7[%add3A_55, %dma_wait3A_70] : memref<10240x128xf32, #tpu.memory_space<vmem_shared>> -> memref<80x128xf32, #tpu.memory_space<vmem_shared>>
      tpu.wait_dma2 semaphore(%run_scoped3A : memref<!tpu.dma_semaphore, #tpu.memory_space<semaphore_mem>>) src(%dma_wait3A_71 : memref<80x128xf32, #tpu.memory_space<vmem_shared>>) dst(%arg12 : memref<80x128xf32, #tpu.memory_space<vmem>>)
      tpu.yield
    }) : () -> ()
    "tpu.region"() ({
      %run_scoped3A = tpu.sem_alloc : memref<!tpu.dma_semaphore, #tpu.memory_space<semaphore_mem>>
      %dma_start3A_64 = arith.constant 0 : i32
      %dma_start3A_65 = tpu.memref_slice %arg6[%arg0, %add3A_55, %dma_start3A_64] : memref<2x10240x128xf32, #tpu.memory_space<hbm>> -> memref<1x80x128xf32, #tpu.memory_space<hbm>>
      %dma_start3A_66 = tpu.memref_squeeze %dma_start3A_65 : memref<1x80x128xf32, #tpu.memory_space<hbm>> -> memref<80x128xf32, #tpu.memory_space<hbm>>
      %dma_start3A_67 = arith.constant 0 : i32
      %dma_start3A_68 = tpu.memref_slice %arg6[%arg0, %add3A_55, %dma_start3A_67] : memref<2x10240x128xf32, #tpu.memory_space<hbm>> -> memref<1x80x128xf32, #tpu.memory_space<hbm>>
      %dma_start3A_69 = tpu.memref_squeeze %dma_start3A_68 : memref<1x80x128xf32, #tpu.memory_space<hbm>> -> memref<80x128xf32, #tpu.memory_space<hbm>>
      tpu.enqueue_dma source(%arg12 : memref<80x128xf32, #tpu.memory_space<vmem>>) target(%dma_start3A_69 : memref<80x128xf32, #tpu.memory_space<hbm>>) target_semaphore(%run_scoped3A : memref<!tpu.dma_semaphore, #tpu.memory_space<semaphore_mem>>)
      %dma_wait3A_70 = arith.constant 0 : i32
      %dma_wait3A_71 = tpu.memref_slice %arg6[%arg0, %add3A_55, %dma_wait3A_70] : memref<2x10240x128xf32, #tpu.memory_space<hbm>> -> memref<1x80x128xf32, #tpu.memory_space<hbm>>
      %dma_wait3A_72 = tpu.memref_squeeze %dma_wait3A_71 : memref<1x80x128xf32, #tpu.memory_space<hbm>> -> memref<80x128xf32, #tpu.memory_space<hbm>>
      %dma_wait3A_73 = arith.constant 0 : i32
      %dma_wait3A_74 = tpu.memref_slice %arg6[%arg0, %add3A_55, %dma_wait3A_73] : memref<2x10240x128xf32, #tpu.memory_space<hbm>> -> memref<1x80x128xf32, #tpu.memory_space<hbm>>
      %dma_wait3A_75 = tpu.memref_squeeze %dma_wait3A_74 : memref<1x80x128xf32, #tpu.memory_space<hbm>> -> memref<80x128xf32, #tpu.memory_space<hbm>>
      tpu.wait_dma2 semaphore(%run_scoped3A : memref<!tpu.dma_semaphore, #tpu.memory_space<semaphore_mem>>) src(%arg12 : memref<80x128xf32, #tpu.memory_space<vmem>>) dst(%dma_wait3A_75 : memref<80x128xf32, #tpu.memory_space<hbm>>)
      tpu.yield
    }) : () -> ()
    %add3A_56 = arith.constant 320 : i32
    %add3A_57 = arith.addi %mul3A_2, %add3A_56 : i32
    "tpu.region"() ({
      %run_scoped3A = tpu.sem_alloc : memref<!tpu.dma_semaphore, #tpu.memory_space<semaphore_mem>>
      %dma_start3A_64 = arith.constant 0 : i32
      %dma_start3A_65 = tpu.memref_slice %arg7[%add3A_57, %dma_start3A_64] : memref<10240x128xf32, #tpu.memory_space<vmem_shared>> -> memref<80x128xf32, #tpu.memory_space<vmem_shared>>
      %dma_start3A_66 = arith.constant 0 : i32
      %dma_start3A_67 = tpu.memref_slice %arg7[%add3A_57, %dma_start3A_66] : memref<10240x128xf32, #tpu.memory_space<vmem_shared>> -> memref<80x128xf32, #tpu.memory_space<vmem_shared>>
      tpu.enqueue_dma source(%dma_start3A_67 : memref<80x128xf32, #tpu.memory_space<vmem_shared>>) target(%arg12 : memref<80x128xf32, #tpu.memory_space<vmem>>) target_semaphore(%run_scoped3A : memref<!tpu.dma_semaphore, #tpu.memory_space<semaphore_mem>>)
      %dma_wait3A_68 = arith.constant 0 : i32
      %dma_wait3A_69 = tpu.memref_slice %arg7[%add3A_57, %dma_wait3A_68] : memref<10240x128xf32, #tpu.memory_space<vmem_shared>> -> memref<80x128xf32, #tpu.memory_space<vmem_shared>>
      %dma_wait3A_70 = arith.constant 0 : i32
      %dma_wait3A_71 = tpu.memref_slice %arg7[%add3A_57, %dma_wait3A_70] : memref<10240x128xf32, #tpu.memory_space<vmem_shared>> -> memref<80x128xf32, #tpu.memory_space<vmem_shared>>
      tpu.wait_dma2 semaphore(%run_scoped3A : memref<!tpu.dma_semaphore, #tpu.memory_space<semaphore_mem>>) src(%dma_wait3A_71 : memref<80x128xf32, #tpu.memory_space<vmem_shared>>) dst(%arg12 : memref<80x128xf32, #tpu.memory_space<vmem>>)
      tpu.yield
    }) : () -> ()
    "tpu.region"() ({
      %run_scoped3A = tpu.sem_alloc : memref<!tpu.dma_semaphore, #tpu.memory_space<semaphore_mem>>
      %dma_start3A_64 = arith.constant 0 : i32
      %dma_start3A_65 = tpu.memref_slice %arg6[%arg0, %add3A_57, %dma_start3A_64] : memref<2x10240x128xf32, #tpu.memory_space<hbm>> -> memref<1x80x128xf32, #tpu.memory_space<hbm>>
      %dma_start3A_66 = tpu.memref_squeeze %dma_start3A_65 : memref<1x80x128xf32, #tpu.memory_space<hbm>> -> memref<80x128xf32, #tpu.memory_space<hbm>>
      %dma_start3A_67 = arith.constant 0 : i32
      %dma_start3A_68 = tpu.memref_slice %arg6[%arg0, %add3A_57, %dma_start3A_67] : memref<2x10240x128xf32, #tpu.memory_space<hbm>> -> memref<1x80x128xf32, #tpu.memory_space<hbm>>
      %dma_start3A_69 = tpu.memref_squeeze %dma_start3A_68 : memref<1x80x128xf32, #tpu.memory_space<hbm>> -> memref<80x128xf32, #tpu.memory_space<hbm>>
      tpu.enqueue_dma source(%arg12 : memref<80x128xf32, #tpu.memory_space<vmem>>) target(%dma_start3A_69 : memref<80x128xf32, #tpu.memory_space<hbm>>) target_semaphore(%run_scoped3A : memref<!tpu.dma_semaphore, #tpu.memory_space<semaphore_mem>>)
      %dma_wait3A_70 = arith.constant 0 : i32
      %dma_wait3A_71 = tpu.memref_slice %arg6[%arg0, %add3A_57, %dma_wait3A_70] : memref<2x10240x128xf32, #tpu.memory_space<hbm>> -> memref<1x80x128xf32, #tpu.memory_space<hbm>>
      %dma_wait3A_72 = tpu.memref_squeeze %dma_wait3A_71 : memref<1x80x128xf32, #tpu.memory_space<hbm>> -> memref<80x128xf32, #tpu.memory_space<hbm>>
      %dma_wait3A_73 = arith.constant 0 : i32
      %dma_wait3A_74 = tpu.memref_slice %arg6[%arg0, %add3A_57, %dma_wait3A_73] : memref<2x10240x128xf32, #tpu.memory_space<hbm>> -> memref<1x80x128xf32, #tpu.memory_space<hbm>>
      %dma_wait3A_75 = tpu.memref_squeeze %dma_wait3A_74 : memref<1x80x128xf32, #tpu.memory_space<hbm>> -> memref<80x128xf32, #tpu.memory_space<hbm>>
      tpu.wait_dma2 semaphore(%run_scoped3A : memref<!tpu.dma_semaphore, #tpu.memory_space<semaphore_mem>>) src(%arg12 : memref<80x128xf32, #tpu.memory_space<vmem>>) dst(%dma_wait3A_75 : memref<80x128xf32, #tpu.memory_space<hbm>>)
      tpu.yield
    }) : () -> ()
    %add3A_58 = arith.constant 400 : i32
    %add3A_59 = arith.addi %mul3A_2, %add3A_58 : i32
    "tpu.region"() ({
      %run_scoped3A = tpu.sem_alloc : memref<!tpu.dma_semaphore, #tpu.memory_space<semaphore_mem>>
      %dma_start3A_64 = arith.constant 0 : i32
      %dma_start3A_65 = tpu.memref_slice %arg7[%add3A_59, %dma_start3A_64] : memref<10240x128xf32, #tpu.memory_space<vmem_shared>> -> memref<80x128xf32, #tpu.memory_space<vmem_shared>>
      %dma_start3A_66 = arith.constant 0 : i32
      %dma_start3A_67 = tpu.memref_slice %arg7[%add3A_59, %dma_start3A_66] : memref<10240x128xf32, #tpu.memory_space<vmem_shared>> -> memref<80x128xf32, #tpu.memory_space<vmem_shared>>
      tpu.enqueue_dma source(%dma_start3A_67 : memref<80x128xf32, #tpu.memory_space<vmem_shared>>) target(%arg12 : memref<80x128xf32, #tpu.memory_space<vmem>>) target_semaphore(%run_scoped3A : memref<!tpu.dma_semaphore, #tpu.memory_space<semaphore_mem>>)
      %dma_wait3A_68 = arith.constant 0 : i32
      %dma_wait3A_69 = tpu.memref_slice %arg7[%add3A_59, %dma_wait3A_68] : memref<10240x128xf32, #tpu.memory_space<vmem_shared>> -> memref<80x128xf32, #tpu.memory_space<vmem_shared>>
      %dma_wait3A_70 = arith.constant 0 : i32
      %dma_wait3A_71 = tpu.memref_slice %arg7[%add3A_59, %dma_wait3A_70] : memref<10240x128xf32, #tpu.memory_space<vmem_shared>> -> memref<80x128xf32, #tpu.memory_space<vmem_shared>>
      tpu.wait_dma2 semaphore(%run_scoped3A : memref<!tpu.dma_semaphore, #tpu.memory_space<semaphore_mem>>) src(%dma_wait3A_71 : memref<80x128xf32, #tpu.memory_space<vmem_shared>>) dst(%arg12 : memref<80x128xf32, #tpu.memory_space<vmem>>)
      tpu.yield
    }) : () -> ()
    "tpu.region"() ({
      %run_scoped3A = tpu.sem_alloc : memref<!tpu.dma_semaphore, #tpu.memory_space<semaphore_mem>>
      %dma_start3A_64 = arith.constant 0 : i32
      %dma_start3A_65 = tpu.memref_slice %arg6[%arg0, %add3A_59, %dma_start3A_64] : memref<2x10240x128xf32, #tpu.memory_space<hbm>> -> memref<1x80x128xf32, #tpu.memory_space<hbm>>
      %dma_start3A_66 = tpu.memref_squeeze %dma_start3A_65 : memref<1x80x128xf32, #tpu.memory_space<hbm>> -> memref<80x128xf32, #tpu.memory_space<hbm>>
      %dma_start3A_67 = arith.constant 0 : i32
      %dma_start3A_68 = tpu.memref_slice %arg6[%arg0, %add3A_59, %dma_start3A_67] : memref<2x10240x128xf32, #tpu.memory_space<hbm>> -> memref<1x80x128xf32, #tpu.memory_space<hbm>>
      %dma_start3A_69 = tpu.memref_squeeze %dma_start3A_68 : memref<1x80x128xf32, #tpu.memory_space<hbm>> -> memref<80x128xf32, #tpu.memory_space<hbm>>
      tpu.enqueue_dma source(%arg12 : memref<80x128xf32, #tpu.memory_space<vmem>>) target(%dma_start3A_69 : memref<80x128xf32, #tpu.memory_space<hbm>>) target_semaphore(%run_scoped3A : memref<!tpu.dma_semaphore, #tpu.memory_space<semaphore_mem>>)
      %dma_wait3A_70 = arith.constant 0 : i32
      %dma_wait3A_71 = tpu.memref_slice %arg6[%arg0, %add3A_59, %dma_wait3A_70] : memref<2x10240x128xf32, #tpu.memory_space<hbm>> -> memref<1x80x128xf32, #tpu.memory_space<hbm>>
      %dma_wait3A_72 = tpu.memref_squeeze %dma_wait3A_71 : memref<1x80x128xf32, #tpu.memory_space<hbm>> -> memref<80x128xf32, #tpu.memory_space<hbm>>
      %dma_wait3A_73 = arith.constant 0 : i32
      %dma_wait3A_74 = tpu.memref_slice %arg6[%arg0, %add3A_59, %dma_wait3A_73] : memref<2x10240x128xf32, #tpu.memory_space<hbm>> -> memref<1x80x128xf32, #tpu.memory_space<hbm>>
      %dma_wait3A_75 = tpu.memref_squeeze %dma_wait3A_74 : memref<1x80x128xf32, #tpu.memory_space<hbm>> -> memref<80x128xf32, #tpu.memory_space<hbm>>
      tpu.wait_dma2 semaphore(%run_scoped3A : memref<!tpu.dma_semaphore, #tpu.memory_space<semaphore_mem>>) src(%arg12 : memref<80x128xf32, #tpu.memory_space<vmem>>) dst(%dma_wait3A_75 : memref<80x128xf32, #tpu.memory_space<hbm>>)
      tpu.yield
    }) : () -> ()
    %add3A_60 = arith.constant 480 : i32
    %add3A_61 = arith.addi %mul3A_2, %add3A_60 : i32
    "tpu.region"() ({
      %run_scoped3A = tpu.sem_alloc : memref<!tpu.dma_semaphore, #tpu.memory_space<semaphore_mem>>
      %dma_start3A_64 = arith.constant 0 : i32
      %dma_start3A_65 = tpu.memref_slice %arg7[%add3A_61, %dma_start3A_64] : memref<10240x128xf32, #tpu.memory_space<vmem_shared>> -> memref<80x128xf32, #tpu.memory_space<vmem_shared>>
      %dma_start3A_66 = arith.constant 0 : i32
      %dma_start3A_67 = tpu.memref_slice %arg7[%add3A_61, %dma_start3A_66] : memref<10240x128xf32, #tpu.memory_space<vmem_shared>> -> memref<80x128xf32, #tpu.memory_space<vmem_shared>>
      tpu.enqueue_dma source(%dma_start3A_67 : memref<80x128xf32, #tpu.memory_space<vmem_shared>>) target(%arg12 : memref<80x128xf32, #tpu.memory_space<vmem>>) target_semaphore(%run_scoped3A : memref<!tpu.dma_semaphore, #tpu.memory_space<semaphore_mem>>)
      %dma_wait3A_68 = arith.constant 0 : i32
      %dma_wait3A_69 = tpu.memref_slice %arg7[%add3A_61, %dma_wait3A_68] : memref<10240x128xf32, #tpu.memory_space<vmem_shared>> -> memref<80x128xf32, #tpu.memory_space<vmem_shared>>
      %dma_wait3A_70 = arith.constant 0 : i32
      %dma_wait3A_71 = tpu.memref_slice %arg7[%add3A_61, %dma_wait3A_70] : memref<10240x128xf32, #tpu.memory_space<vmem_shared>> -> memref<80x128xf32, #tpu.memory_space<vmem_shared>>
      tpu.wait_dma2 semaphore(%run_scoped3A : memref<!tpu.dma_semaphore, #tpu.memory_space<semaphore_mem>>) src(%dma_wait3A_71 : memref<80x128xf32, #tpu.memory_space<vmem_shared>>) dst(%arg12 : memref<80x128xf32, #tpu.memory_space<vmem>>)
      tpu.yield
    }) : () -> ()
    "tpu.region"() ({
      %run_scoped3A = tpu.sem_alloc : memref<!tpu.dma_semaphore, #tpu.memory_space<semaphore_mem>>
      %dma_start3A_64 = arith.constant 0 : i32
      %dma_start3A_65 = tpu.memref_slice %arg6[%arg0, %add3A_61, %dma_start3A_64] : memref<2x10240x128xf32, #tpu.memory_space<hbm>> -> memref<1x80x128xf32, #tpu.memory_space<hbm>>
      %dma_start3A_66 = tpu.memref_squeeze %dma_start3A_65 : memref<1x80x128xf32, #tpu.memory_space<hbm>> -> memref<80x128xf32, #tpu.memory_space<hbm>>
      %dma_start3A_67 = arith.constant 0 : i32
      %dma_start3A_68 = tpu.memref_slice %arg6[%arg0, %add3A_61, %dma_start3A_67] : memref<2x10240x128xf32, #tpu.memory_space<hbm>> -> memref<1x80x128xf32, #tpu.memory_space<hbm>>
      %dma_start3A_69 = tpu.memref_squeeze %dma_start3A_68 : memref<1x80x128xf32, #tpu.memory_space<hbm>> -> memref<80x128xf32, #tpu.memory_space<hbm>>
      tpu.enqueue_dma source(%arg12 : memref<80x128xf32, #tpu.memory_space<vmem>>) target(%dma_start3A_69 : memref<80x128xf32, #tpu.memory_space<hbm>>) target_semaphore(%run_scoped3A : memref<!tpu.dma_semaphore, #tpu.memory_space<semaphore_mem>>)
      %dma_wait3A_70 = arith.constant 0 : i32
      %dma_wait3A_71 = tpu.memref_slice %arg6[%arg0, %add3A_61, %dma_wait3A_70] : memref<2x10240x128xf32, #tpu.memory_space<hbm>> -> memref<1x80x128xf32, #tpu.memory_space<hbm>>
      %dma_wait3A_72 = tpu.memref_squeeze %dma_wait3A_71 : memref<1x80x128xf32, #tpu.memory_space<hbm>> -> memref<80x128xf32, #tpu.memory_space<hbm>>
      %dma_wait3A_73 = arith.constant 0 : i32
      %dma_wait3A_74 = tpu.memref_slice %arg6[%arg0, %add3A_61, %dma_wait3A_73] : memref<2x10240x128xf32, #tpu.memory_space<hbm>> -> memref<1x80x128xf32, #tpu.memory_space<hbm>>
      %dma_wait3A_75 = tpu.memref_squeeze %dma_wait3A_74 : memref<1x80x128xf32, #tpu.memory_space<hbm>> -> memref<80x128xf32, #tpu.memory_space<hbm>>
      tpu.wait_dma2 semaphore(%run_scoped3A : memref<!tpu.dma_semaphore, #tpu.memory_space<semaphore_mem>>) src(%arg12 : memref<80x128xf32, #tpu.memory_space<vmem>>) dst(%dma_wait3A_75 : memref<80x128xf32, #tpu.memory_space<hbm>>)
      tpu.yield
    }) : () -> ()
    %add3A_62 = arith.constant 560 : i32
    %add3A_63 = arith.addi %mul3A_2, %add3A_62 : i32
    "tpu.region"() ({
      %run_scoped3A = tpu.sem_alloc : memref<!tpu.dma_semaphore, #tpu.memory_space<semaphore_mem>>
      %dma_start3A_64 = arith.constant 0 : i32
      %dma_start3A_65 = tpu.memref_slice %arg7[%add3A_63, %dma_start3A_64] : memref<10240x128xf32, #tpu.memory_space<vmem_shared>> -> memref<80x128xf32, #tpu.memory_space<vmem_shared>>
      %dma_start3A_66 = arith.constant 0 : i32
      %dma_start3A_67 = tpu.memref_slice %arg7[%add3A_63, %dma_start3A_66] : memref<10240x128xf32, #tpu.memory_space<vmem_shared>> -> memref<80x128xf32, #tpu.memory_space<vmem_shared>>
      tpu.enqueue_dma source(%dma_start3A_67 : memref<80x128xf32, #tpu.memory_space<vmem_shared>>) target(%arg12 : memref<80x128xf32, #tpu.memory_space<vmem>>) target_semaphore(%run_scoped3A : memref<!tpu.dma_semaphore, #tpu.memory_space<semaphore_mem>>)
      %dma_wait3A_68 = arith.constant 0 : i32
      %dma_wait3A_69 = tpu.memref_slice %arg7[%add3A_63, %dma_wait3A_68] : memref<10240x128xf32, #tpu.memory_space<vmem_shared>> -> memref<80x128xf32, #tpu.memory_space<vmem_shared>>
      %dma_wait3A_70 = arith.constant 0 : i32
      %dma_wait3A_71 = tpu.memref_slice %arg7[%add3A_63, %dma_wait3A_70] : memref<10240x128xf32, #tpu.memory_space<vmem_shared>> -> memref<80x128xf32, #tpu.memory_space<vmem_shared>>
      tpu.wait_dma2 semaphore(%run_scoped3A : memref<!tpu.dma_semaphore, #tpu.memory_space<semaphore_mem>>) src(%dma_wait3A_71 : memref<80x128xf32, #tpu.memory_space<vmem_shared>>) dst(%arg12 : memref<80x128xf32, #tpu.memory_space<vmem>>)
      tpu.yield
    }) : () -> ()
    "tpu.region"() ({
      %run_scoped3A = tpu.sem_alloc : memref<!tpu.dma_semaphore, #tpu.memory_space<semaphore_mem>>
      %dma_start3A_64 = arith.constant 0 : i32
      %dma_start3A_65 = tpu.memref_slice %arg6[%arg0, %add3A_63, %dma_start3A_64] : memref<2x10240x128xf32, #tpu.memory_space<hbm>> -> memref<1x80x128xf32, #tpu.memory_space<hbm>>
      %dma_start3A_66 = tpu.memref_squeeze %dma_start3A_65 : memref<1x80x128xf32, #tpu.memory_space<hbm>> -> memref<80x128xf32, #tpu.memory_space<hbm>>
      %dma_start3A_67 = arith.constant 0 : i32
      %dma_start3A_68 = tpu.memref_slice %arg6[%arg0, %add3A_63, %dma_start3A_67] : memref<2x10240x128xf32, #tpu.memory_space<hbm>> -> memref<1x80x128xf32, #tpu.memory_space<hbm>>
      %dma_start3A_69 = tpu.memref_squeeze %dma_start3A_68 : memref<1x80x128xf32, #tpu.memory_space<hbm>> -> memref<80x128xf32, #tpu.memory_space<hbm>>
      tpu.enqueue_dma source(%arg12 : memref<80x128xf32, #tpu.memory_space<vmem>>) target(%dma_start3A_69 : memref<80x128xf32, #tpu.memory_space<hbm>>) target_semaphore(%run_scoped3A : memref<!tpu.dma_semaphore, #tpu.memory_space<semaphore_mem>>)
      %dma_wait3A_70 = arith.constant 0 : i32
      %dma_wait3A_71 = tpu.memref_slice %arg6[%arg0, %add3A_63, %dma_wait3A_70] : memref<2x10240x128xf32, #tpu.memory_space<hbm>> -> memref<1x80x128xf32, #tpu.memory_space<hbm>>
      %dma_wait3A_72 = tpu.memref_squeeze %dma_wait3A_71 : memref<1x80x128xf32, #tpu.memory_space<hbm>> -> memref<80x128xf32, #tpu.memory_space<hbm>>
      %dma_wait3A_73 = arith.constant 0 : i32
      %dma_wait3A_74 = tpu.memref_slice %arg6[%arg0, %add3A_63, %dma_wait3A_73] : memref<2x10240x128xf32, #tpu.memory_space<hbm>> -> memref<1x80x128xf32, #tpu.memory_space<hbm>>
      %dma_wait3A_75 = tpu.memref_squeeze %dma_wait3A_74 : memref<1x80x128xf32, #tpu.memory_space<hbm>> -> memref<80x128xf32, #tpu.memory_space<hbm>>
      tpu.wait_dma2 semaphore(%run_scoped3A : memref<!tpu.dma_semaphore, #tpu.memory_space<semaphore_mem>>) src(%arg12 : memref<80x128xf32, #tpu.memory_space<vmem>>) dst(%dma_wait3A_75 : memref<80x128xf32, #tpu.memory_space<hbm>>)
      tpu.yield
    }) : () -> ()
    return
  }
}

#map = affine_map<(d0, d1) -> (0)>
#map1 = affine_map<(d0, d1) -> (0, 0)>
#map2 = affine_map<(d0, d1) -> (0, 0, 0)>
module attributes {stable_mosaic.version = 14 : i64} {
  func.func @sc_cnt(%arg0: i32, %arg1: i32, %arg2: memref<320000xi32, #tpu.memory_space<hbm>>, %arg3: memref<80x128xf32, #tpu.memory_space<hbm>>, %arg4: memref<80x128xf32, #tpu.memory_space<hbm>>, %arg5: memref<2x10240x128xf32, #tpu.memory_space<hbm>>, %arg6: memref<10240x128xf32, #tpu.memory_space<vmem_shared>>, %arg7: memref<80xi32, #tpu.memory_space<vmem>>, %arg8: memref<80xi32, #tpu.memory_space<vmem>>, %arg9: memref<80x128xf32, #tpu.memory_space<vmem>>, %arg10: memref<!tpu.dma_semaphore, #tpu.memory_space<semaphore_mem>>, %arg11: memref<!tpu.dma_semaphore, #tpu.memory_space<semaphore_mem>>) attributes {dimension_semantics = [#tpu.dimension_semantics<core_parallel>, #tpu.dimension_semantics<subcore_parallel>], iteration_bounds = array<i64: 2, 16>, scalar_prefetch = 0 : i64, scratch_operands = 6 : i64, tpu.core_type = #tpu.core_type<sc_vector_subcore>, window_params = [{transform_indices = #map}, {transform_indices = #map1}, {transform_indices = #map1}, {transform_indices = #map2}]} {
    %mul3A = arith.constant 2 : i32
    %mul3A_0 = arith.muli %arg1, %mul3A : i32
    %add3A = arith.addi %mul3A_0, %arg0 : i32
    %mul3A_1 = arith.constant 640 : i32
    %mul3A_2 = arith.muli %arg1, %mul3A_1 : i32
    %mul3A_3 = arith.constant 10000 : i32
    %mul3A_4 = arith.muli %add3A, %mul3A_3 : i32
    "tpu.region"() ({
      %run_scoped3A = tpu.sem_alloc : memref<!tpu.dma_semaphore, #tpu.memory_space<semaphore_mem>>
      tpu.enqueue_dma source(%arg3 : memref<80x128xf32, #tpu.memory_space<hbm>>) target(%arg9 : memref<80x128xf32, #tpu.memory_space<vmem>>) target_semaphore(%run_scoped3A : memref<!tpu.dma_semaphore, #tpu.memory_space<semaphore_mem>>)
      tpu.wait_dma2 semaphore(%run_scoped3A : memref<!tpu.dma_semaphore, #tpu.memory_space<semaphore_mem>>) src(%arg3 : memref<80x128xf32, #tpu.memory_space<hbm>>) dst(%arg9 : memref<80x128xf32, #tpu.memory_space<vmem>>)
      tpu.yield
    }) : () -> ()
    %add3A_5 = arith.constant 0 : i32
    %add3A_6 = arith.addi %mul3A_2, %add3A_5 : i32
    "tpu.region"() ({
      %run_scoped3A = tpu.sem_alloc : memref<!tpu.dma_semaphore, #tpu.memory_space<semaphore_mem>>
      %dma_start3A_64 = arith.constant 0 : i32
      %dma_start3A_65 = tpu.memref_slice %arg6[%add3A_6, %dma_start3A_64] : memref<10240x128xf32, #tpu.memory_space<vmem_shared>> -> memref<80x128xf32, #tpu.memory_space<vmem_shared>>
      %dma_start3A_66 = arith.constant 0 : i32
      %dma_start3A_67 = tpu.memref_slice %arg6[%add3A_6, %dma_start3A_66] : memref<10240x128xf32, #tpu.memory_space<vmem_shared>> -> memref<80x128xf32, #tpu.memory_space<vmem_shared>>
      tpu.enqueue_dma source(%arg9 : memref<80x128xf32, #tpu.memory_space<vmem>>) target(%dma_start3A_67 : memref<80x128xf32, #tpu.memory_space<vmem_shared>>) target_semaphore(%run_scoped3A : memref<!tpu.dma_semaphore, #tpu.memory_space<semaphore_mem>>)
      %dma_wait3A_68 = arith.constant 0 : i32
      %dma_wait3A_69 = tpu.memref_slice %arg6[%add3A_6, %dma_wait3A_68] : memref<10240x128xf32, #tpu.memory_space<vmem_shared>> -> memref<80x128xf32, #tpu.memory_space<vmem_shared>>
      %dma_wait3A_70 = arith.constant 0 : i32
      %dma_wait3A_71 = tpu.memref_slice %arg6[%add3A_6, %dma_wait3A_70] : memref<10240x128xf32, #tpu.memory_space<vmem_shared>> -> memref<80x128xf32, #tpu.memory_space<vmem_shared>>
      tpu.wait_dma2 semaphore(%run_scoped3A : memref<!tpu.dma_semaphore, #tpu.memory_space<semaphore_mem>>) src(%arg9 : memref<80x128xf32, #tpu.memory_space<vmem>>) dst(%dma_wait3A_71 : memref<80x128xf32, #tpu.memory_space<vmem_shared>>)
      tpu.yield
    }) : () -> ()
    %add3A_7 = arith.constant 80 : i32
    %add3A_8 = arith.addi %mul3A_2, %add3A_7 : i32
    "tpu.region"() ({
      %run_scoped3A = tpu.sem_alloc : memref<!tpu.dma_semaphore, #tpu.memory_space<semaphore_mem>>
      %dma_start3A_64 = arith.constant 0 : i32
      %dma_start3A_65 = tpu.memref_slice %arg6[%add3A_8, %dma_start3A_64] : memref<10240x128xf32, #tpu.memory_space<vmem_shared>> -> memref<80x128xf32, #tpu.memory_space<vmem_shared>>
      %dma_start3A_66 = arith.constant 0 : i32
      %dma_start3A_67 = tpu.memref_slice %arg6[%add3A_8, %dma_start3A_66] : memref<10240x128xf32, #tpu.memory_space<vmem_shared>> -> memref<80x128xf32, #tpu.memory_space<vmem_shared>>
      tpu.enqueue_dma source(%arg9 : memref<80x128xf32, #tpu.memory_space<vmem>>) target(%dma_start3A_67 : memref<80x128xf32, #tpu.memory_space<vmem_shared>>) target_semaphore(%run_scoped3A : memref<!tpu.dma_semaphore, #tpu.memory_space<semaphore_mem>>)
      %dma_wait3A_68 = arith.constant 0 : i32
      %dma_wait3A_69 = tpu.memref_slice %arg6[%add3A_8, %dma_wait3A_68] : memref<10240x128xf32, #tpu.memory_space<vmem_shared>> -> memref<80x128xf32, #tpu.memory_space<vmem_shared>>
      %dma_wait3A_70 = arith.constant 0 : i32
      %dma_wait3A_71 = tpu.memref_slice %arg6[%add3A_8, %dma_wait3A_70] : memref<10240x128xf32, #tpu.memory_space<vmem_shared>> -> memref<80x128xf32, #tpu.memory_space<vmem_shared>>
      tpu.wait_dma2 semaphore(%run_scoped3A : memref<!tpu.dma_semaphore, #tpu.memory_space<semaphore_mem>>) src(%arg9 : memref<80x128xf32, #tpu.memory_space<vmem>>) dst(%dma_wait3A_71 : memref<80x128xf32, #tpu.memory_space<vmem_shared>>)
      tpu.yield
    }) : () -> ()
    %add3A_9 = arith.constant 160 : i32
    %add3A_10 = arith.addi %mul3A_2, %add3A_9 : i32
    "tpu.region"() ({
      %run_scoped3A = tpu.sem_alloc : memref<!tpu.dma_semaphore, #tpu.memory_space<semaphore_mem>>
      %dma_start3A_64 = arith.constant 0 : i32
      %dma_start3A_65 = tpu.memref_slice %arg6[%add3A_10, %dma_start3A_64] : memref<10240x128xf32, #tpu.memory_space<vmem_shared>> -> memref<80x128xf32, #tpu.memory_space<vmem_shared>>
      %dma_start3A_66 = arith.constant 0 : i32
      %dma_start3A_67 = tpu.memref_slice %arg6[%add3A_10, %dma_start3A_66] : memref<10240x128xf32, #tpu.memory_space<vmem_shared>> -> memref<80x128xf32, #tpu.memory_space<vmem_shared>>
      tpu.enqueue_dma source(%arg9 : memref<80x128xf32, #tpu.memory_space<vmem>>) target(%dma_start3A_67 : memref<80x128xf32, #tpu.memory_space<vmem_shared>>) target_semaphore(%run_scoped3A : memref<!tpu.dma_semaphore, #tpu.memory_space<semaphore_mem>>)
      %dma_wait3A_68 = arith.constant 0 : i32
      %dma_wait3A_69 = tpu.memref_slice %arg6[%add3A_10, %dma_wait3A_68] : memref<10240x128xf32, #tpu.memory_space<vmem_shared>> -> memref<80x128xf32, #tpu.memory_space<vmem_shared>>
      %dma_wait3A_70 = arith.constant 0 : i32
      %dma_wait3A_71 = tpu.memref_slice %arg6[%add3A_10, %dma_wait3A_70] : memref<10240x128xf32, #tpu.memory_space<vmem_shared>> -> memref<80x128xf32, #tpu.memory_space<vmem_shared>>
      tpu.wait_dma2 semaphore(%run_scoped3A : memref<!tpu.dma_semaphore, #tpu.memory_space<semaphore_mem>>) src(%arg9 : memref<80x128xf32, #tpu.memory_space<vmem>>) dst(%dma_wait3A_71 : memref<80x128xf32, #tpu.memory_space<vmem_shared>>)
      tpu.yield
    }) : () -> ()
    %add3A_11 = arith.constant 240 : i32
    %add3A_12 = arith.addi %mul3A_2, %add3A_11 : i32
    "tpu.region"() ({
      %run_scoped3A = tpu.sem_alloc : memref<!tpu.dma_semaphore, #tpu.memory_space<semaphore_mem>>
      %dma_start3A_64 = arith.constant 0 : i32
      %dma_start3A_65 = tpu.memref_slice %arg6[%add3A_12, %dma_start3A_64] : memref<10240x128xf32, #tpu.memory_space<vmem_shared>> -> memref<80x128xf32, #tpu.memory_space<vmem_shared>>
      %dma_start3A_66 = arith.constant 0 : i32
      %dma_start3A_67 = tpu.memref_slice %arg6[%add3A_12, %dma_start3A_66] : memref<10240x128xf32, #tpu.memory_space<vmem_shared>> -> memref<80x128xf32, #tpu.memory_space<vmem_shared>>
      tpu.enqueue_dma source(%arg9 : memref<80x128xf32, #tpu.memory_space<vmem>>) target(%dma_start3A_67 : memref<80x128xf32, #tpu.memory_space<vmem_shared>>) target_semaphore(%run_scoped3A : memref<!tpu.dma_semaphore, #tpu.memory_space<semaphore_mem>>)
      %dma_wait3A_68 = arith.constant 0 : i32
      %dma_wait3A_69 = tpu.memref_slice %arg6[%add3A_12, %dma_wait3A_68] : memref<10240x128xf32, #tpu.memory_space<vmem_shared>> -> memref<80x128xf32, #tpu.memory_space<vmem_shared>>
      %dma_wait3A_70 = arith.constant 0 : i32
      %dma_wait3A_71 = tpu.memref_slice %arg6[%add3A_12, %dma_wait3A_70] : memref<10240x128xf32, #tpu.memory_space<vmem_shared>> -> memref<80x128xf32, #tpu.memory_space<vmem_shared>>
      tpu.wait_dma2 semaphore(%run_scoped3A : memref<!tpu.dma_semaphore, #tpu.memory_space<semaphore_mem>>) src(%arg9 : memref<80x128xf32, #tpu.memory_space<vmem>>) dst(%dma_wait3A_71 : memref<80x128xf32, #tpu.memory_space<vmem_shared>>)
      tpu.yield
    }) : () -> ()
    %add3A_13 = arith.constant 320 : i32
    %add3A_14 = arith.addi %mul3A_2, %add3A_13 : i32
    "tpu.region"() ({
      %run_scoped3A = tpu.sem_alloc : memref<!tpu.dma_semaphore, #tpu.memory_space<semaphore_mem>>
      %dma_start3A_64 = arith.constant 0 : i32
      %dma_start3A_65 = tpu.memref_slice %arg6[%add3A_14, %dma_start3A_64] : memref<10240x128xf32, #tpu.memory_space<vmem_shared>> -> memref<80x128xf32, #tpu.memory_space<vmem_shared>>
      %dma_start3A_66 = arith.constant 0 : i32
      %dma_start3A_67 = tpu.memref_slice %arg6[%add3A_14, %dma_start3A_66] : memref<10240x128xf32, #tpu.memory_space<vmem_shared>> -> memref<80x128xf32, #tpu.memory_space<vmem_shared>>
      tpu.enqueue_dma source(%arg9 : memref<80x128xf32, #tpu.memory_space<vmem>>) target(%dma_start3A_67 : memref<80x128xf32, #tpu.memory_space<vmem_shared>>) target_semaphore(%run_scoped3A : memref<!tpu.dma_semaphore, #tpu.memory_space<semaphore_mem>>)
      %dma_wait3A_68 = arith.constant 0 : i32
      %dma_wait3A_69 = tpu.memref_slice %arg6[%add3A_14, %dma_wait3A_68] : memref<10240x128xf32, #tpu.memory_space<vmem_shared>> -> memref<80x128xf32, #tpu.memory_space<vmem_shared>>
      %dma_wait3A_70 = arith.constant 0 : i32
      %dma_wait3A_71 = tpu.memref_slice %arg6[%add3A_14, %dma_wait3A_70] : memref<10240x128xf32, #tpu.memory_space<vmem_shared>> -> memref<80x128xf32, #tpu.memory_space<vmem_shared>>
      tpu.wait_dma2 semaphore(%run_scoped3A : memref<!tpu.dma_semaphore, #tpu.memory_space<semaphore_mem>>) src(%arg9 : memref<80x128xf32, #tpu.memory_space<vmem>>) dst(%dma_wait3A_71 : memref<80x128xf32, #tpu.memory_space<vmem_shared>>)
      tpu.yield
    }) : () -> ()
    %add3A_15 = arith.constant 400 : i32
    %add3A_16 = arith.addi %mul3A_2, %add3A_15 : i32
    "tpu.region"() ({
      %run_scoped3A = tpu.sem_alloc : memref<!tpu.dma_semaphore, #tpu.memory_space<semaphore_mem>>
      %dma_start3A_64 = arith.constant 0 : i32
      %dma_start3A_65 = tpu.memref_slice %arg6[%add3A_16, %dma_start3A_64] : memref<10240x128xf32, #tpu.memory_space<vmem_shared>> -> memref<80x128xf32, #tpu.memory_space<vmem_shared>>
      %dma_start3A_66 = arith.constant 0 : i32
      %dma_start3A_67 = tpu.memref_slice %arg6[%add3A_16, %dma_start3A_66] : memref<10240x128xf32, #tpu.memory_space<vmem_shared>> -> memref<80x128xf32, #tpu.memory_space<vmem_shared>>
      tpu.enqueue_dma source(%arg9 : memref<80x128xf32, #tpu.memory_space<vmem>>) target(%dma_start3A_67 : memref<80x128xf32, #tpu.memory_space<vmem_shared>>) target_semaphore(%run_scoped3A : memref<!tpu.dma_semaphore, #tpu.memory_space<semaphore_mem>>)
      %dma_wait3A_68 = arith.constant 0 : i32
      %dma_wait3A_69 = tpu.memref_slice %arg6[%add3A_16, %dma_wait3A_68] : memref<10240x128xf32, #tpu.memory_space<vmem_shared>> -> memref<80x128xf32, #tpu.memory_space<vmem_shared>>
      %dma_wait3A_70 = arith.constant 0 : i32
      %dma_wait3A_71 = tpu.memref_slice %arg6[%add3A_16, %dma_wait3A_70] : memref<10240x128xf32, #tpu.memory_space<vmem_shared>> -> memref<80x128xf32, #tpu.memory_space<vmem_shared>>
      tpu.wait_dma2 semaphore(%run_scoped3A : memref<!tpu.dma_semaphore, #tpu.memory_space<semaphore_mem>>) src(%arg9 : memref<80x128xf32, #tpu.memory_space<vmem>>) dst(%dma_wait3A_71 : memref<80x128xf32, #tpu.memory_space<vmem_shared>>)
      tpu.yield
    }) : () -> ()
    %add3A_17 = arith.constant 480 : i32
    %add3A_18 = arith.addi %mul3A_2, %add3A_17 : i32
    "tpu.region"() ({
      %run_scoped3A = tpu.sem_alloc : memref<!tpu.dma_semaphore, #tpu.memory_space<semaphore_mem>>
      %dma_start3A_64 = arith.constant 0 : i32
      %dma_start3A_65 = tpu.memref_slice %arg6[%add3A_18, %dma_start3A_64] : memref<10240x128xf32, #tpu.memory_space<vmem_shared>> -> memref<80x128xf32, #tpu.memory_space<vmem_shared>>
      %dma_start3A_66 = arith.constant 0 : i32
      %dma_start3A_67 = tpu.memref_slice %arg6[%add3A_18, %dma_start3A_66] : memref<10240x128xf32, #tpu.memory_space<vmem_shared>> -> memref<80x128xf32, #tpu.memory_space<vmem_shared>>
      tpu.enqueue_dma source(%arg9 : memref<80x128xf32, #tpu.memory_space<vmem>>) target(%dma_start3A_67 : memref<80x128xf32, #tpu.memory_space<vmem_shared>>) target_semaphore(%run_scoped3A : memref<!tpu.dma_semaphore, #tpu.memory_space<semaphore_mem>>)
      %dma_wait3A_68 = arith.constant 0 : i32
      %dma_wait3A_69 = tpu.memref_slice %arg6[%add3A_18, %dma_wait3A_68] : memref<10240x128xf32, #tpu.memory_space<vmem_shared>> -> memref<80x128xf32, #tpu.memory_space<vmem_shared>>
      %dma_wait3A_70 = arith.constant 0 : i32
      %dma_wait3A_71 = tpu.memref_slice %arg6[%add3A_18, %dma_wait3A_70] : memref<10240x128xf32, #tpu.memory_space<vmem_shared>> -> memref<80x128xf32, #tpu.memory_space<vmem_shared>>
      tpu.wait_dma2 semaphore(%run_scoped3A : memref<!tpu.dma_semaphore, #tpu.memory_space<semaphore_mem>>) src(%arg9 : memref<80x128xf32, #tpu.memory_space<vmem>>) dst(%dma_wait3A_71 : memref<80x128xf32, #tpu.memory_space<vmem_shared>>)
      tpu.yield
    }) : () -> ()
    %add3A_19 = arith.constant 560 : i32
    %add3A_20 = arith.addi %mul3A_2, %add3A_19 : i32
    "tpu.region"() ({
      %run_scoped3A = tpu.sem_alloc : memref<!tpu.dma_semaphore, #tpu.memory_space<semaphore_mem>>
      %dma_start3A_64 = arith.constant 0 : i32
      %dma_start3A_65 = tpu.memref_slice %arg6[%add3A_20, %dma_start3A_64] : memref<10240x128xf32, #tpu.memory_space<vmem_shared>> -> memref<80x128xf32, #tpu.memory_space<vmem_shared>>
      %dma_start3A_66 = arith.constant 0 : i32
      %dma_start3A_67 = tpu.memref_slice %arg6[%add3A_20, %dma_start3A_66] : memref<10240x128xf32, #tpu.memory_space<vmem_shared>> -> memref<80x128xf32, #tpu.memory_space<vmem_shared>>
      tpu.enqueue_dma source(%arg9 : memref<80x128xf32, #tpu.memory_space<vmem>>) target(%dma_start3A_67 : memref<80x128xf32, #tpu.memory_space<vmem_shared>>) target_semaphore(%run_scoped3A : memref<!tpu.dma_semaphore, #tpu.memory_space<semaphore_mem>>)
      %dma_wait3A_68 = arith.constant 0 : i32
      %dma_wait3A_69 = tpu.memref_slice %arg6[%add3A_20, %dma_wait3A_68] : memref<10240x128xf32, #tpu.memory_space<vmem_shared>> -> memref<80x128xf32, #tpu.memory_space<vmem_shared>>
      %dma_wait3A_70 = arith.constant 0 : i32
      %dma_wait3A_71 = tpu.memref_slice %arg6[%add3A_20, %dma_wait3A_70] : memref<10240x128xf32, #tpu.memory_space<vmem_shared>> -> memref<80x128xf32, #tpu.memory_space<vmem_shared>>
      tpu.wait_dma2 semaphore(%run_scoped3A : memref<!tpu.dma_semaphore, #tpu.memory_space<semaphore_mem>>) src(%arg9 : memref<80x128xf32, #tpu.memory_space<vmem>>) dst(%dma_wait3A_71 : memref<80x128xf32, #tpu.memory_space<vmem_shared>>)
      tpu.yield
    }) : () -> ()
    "tpu.region"() ({
      %run_scoped3A = tpu.sem_alloc : memref<!tpu.dma_semaphore, #tpu.memory_space<semaphore_mem>>
      tpu.enqueue_dma source(%arg4 : memref<80x128xf32, #tpu.memory_space<hbm>>) target(%arg9 : memref<80x128xf32, #tpu.memory_space<vmem>>) target_semaphore(%run_scoped3A : memref<!tpu.dma_semaphore, #tpu.memory_space<semaphore_mem>>)
      tpu.wait_dma2 semaphore(%run_scoped3A : memref<!tpu.dma_semaphore, #tpu.memory_space<semaphore_mem>>) src(%arg4 : memref<80x128xf32, #tpu.memory_space<hbm>>) dst(%arg9 : memref<80x128xf32, #tpu.memory_space<vmem>>)
      tpu.yield
    }) : () -> ()
    %barrier3A = arith.constant 0 : index
    tpu.barrier barrier_id(%barrier3A)
    %min3A = arith.constant 0 : i32
    %min3A_21 = arith.constant 124 : i32
    %min3A_22 = arith.minsi %min3A, %min3A_21 : i32
    %mul3A_23 = arith.constant 80 : i32
    %mul3A_24 = arith.muli %min3A_22, %mul3A_23 : i32
    %add3A_25 = arith.addi %mul3A_4, %mul3A_24 : i32
    %dma_start3A = tpu.memref_slice %arg2[%add3A_25] : memref<320000xi32, #tpu.memory_space<hbm>> -> memref<80xi32, #tpu.memory_space<hbm>>
    %dma_start3A_26 = tpu.memref_slice %arg2[%add3A_25] : memref<320000xi32, #tpu.memory_space<hbm>> -> memref<80xi32, #tpu.memory_space<hbm>>
    tpu.enqueue_dma source(%dma_start3A_26 : memref<80xi32, #tpu.memory_space<hbm>>) target(%arg7 : memref<80xi32, #tpu.memory_space<vmem>>) target_semaphore(%arg10 : memref<!tpu.dma_semaphore, #tpu.memory_space<semaphore_mem>>)
    %min3A_27 = arith.constant 1 : i32
    %min3A_28 = arith.constant 124 : i32
    %min3A_29 = arith.minsi %min3A_27, %min3A_28 : i32
    %mul3A_30 = arith.constant 80 : i32
    %mul3A_31 = arith.muli %min3A_29, %mul3A_30 : i32
    %add3A_32 = arith.addi %mul3A_4, %mul3A_31 : i32
    %dma_start3A_33 = tpu.memref_slice %arg2[%add3A_32] : memref<320000xi32, #tpu.memory_space<hbm>> -> memref<80xi32, #tpu.memory_space<hbm>>
    %dma_start3A_34 = tpu.memref_slice %arg2[%add3A_32] : memref<320000xi32, #tpu.memory_space<hbm>> -> memref<80xi32, #tpu.memory_space<hbm>>
    tpu.enqueue_dma source(%dma_start3A_34 : memref<80xi32, #tpu.memory_space<hbm>>) target(%arg8 : memref<80xi32, #tpu.memory_space<vmem>>) target_semaphore(%arg11 : memref<!tpu.dma_semaphore, #tpu.memory_space<semaphore_mem>>)
    %scan3A = arith.constant 0 : i32
    %scan3A_35 = arith.constant 0 : i32
    %scan3A_36 = arith.constant 62 : i32
    %scan3A_37 = arith.addi %scan3A_35, %scan3A_36 : i32
    %scan3A_38 = arith.constant 1 : i32
    scf.for %scan3A_64 = %scan3A_35 to %scan3A_37 step %scan3A_38  : i32 {
      %mul3A_65 = arith.constant 2 : i32
      %mul3A_66 = arith.muli %mul3A_65, %scan3A_64 : i32
      %dma_wait3A_67 = arith.constant 0 : i32
      %dma_wait3A_68 = tpu.memref_slice %arg2[%dma_wait3A_67] : memref<320000xi32, #tpu.memory_space<hbm>> -> memref<80xi32, #tpu.memory_space<hbm>>
      %dma_wait3A_69 = arith.constant 0 : i32
      %dma_wait3A_70 = tpu.memref_slice %arg2[%dma_wait3A_69] : memref<320000xi32, #tpu.memory_space<hbm>> -> memref<80xi32, #tpu.memory_space<hbm>>
      tpu.wait_dma2 semaphore(%arg10 : memref<!tpu.dma_semaphore, #tpu.memory_space<semaphore_mem>>) src(%dma_wait3A_70 : memref<80xi32, #tpu.memory_space<hbm>>) dst(%arg7 : memref<80xi32, #tpu.memory_space<vmem>>)
      "tpu.region"() ({
        %run_scoped3A = tpu.sem_alloc : memref<!tpu.dma_semaphore, #tpu.memory_space<semaphore_mem>>
        %dma_start3A_97 = arith.constant 0 : i32
        %dma_start3A_98 = arith.constant 0 : i32
        %dma_start3A_99 = tpu.memref_slice %arg6[%dma_start3A_97, %dma_start3A_98] : memref<10240x128xf32, #tpu.memory_space<vmem_shared>> -> memref<10240x128xf32, #tpu.memory_space<vmem_shared>>
        tpu.enqueue_indirect_dma source(%arg9 : memref<80x128xf32, #tpu.memory_space<vmem>>) target(%dma_start3A_99 : memref<10240x128xf32, #tpu.memory_space<vmem_shared>>) offsets(%arg7 : memref<80xi32, #tpu.memory_space<vmem>>) semaphore(%run_scoped3A : memref<!tpu.dma_semaphore, #tpu.memory_space<semaphore_mem>>) {add = true}
        %dma_wait3A_100 = arith.constant 0 : i32
        %dma_wait3A_101 = arith.constant 0 : i32
        %dma_wait3A_102 = tpu.memref_slice %arg6[%dma_wait3A_100, %dma_wait3A_101] : memref<10240x128xf32, #tpu.memory_space<vmem_shared>> -> memref<10240x128xf32, #tpu.memory_space<vmem_shared>>
        tpu.wait_indirect_dma semaphore(%run_scoped3A : memref<!tpu.dma_semaphore, #tpu.memory_space<semaphore_mem>>) src(%arg9 : memref<80x128xf32, #tpu.memory_space<vmem>>) dst(%dma_wait3A_102 : memref<10240x128xf32, #tpu.memory_space<vmem_shared>>)
        tpu.yield
      }) : () -> ()
      %add3A_71 = arith.constant 2 : i32
      %add3A_72 = arith.addi %mul3A_66, %add3A_71 : i32
      %min3A_73 = arith.constant 124 : i32
      %min3A_74 = arith.minsi %add3A_72, %min3A_73 : i32
      %mul3A_75 = arith.constant 80 : i32
      %mul3A_76 = arith.muli %min3A_74, %mul3A_75 : i32
      %add3A_77 = arith.addi %mul3A_4, %mul3A_76 : i32
      %dma_start3A_78 = tpu.memref_slice %arg2[%add3A_77] : memref<320000xi32, #tpu.memory_space<hbm>> -> memref<80xi32, #tpu.memory_space<hbm>>
      %dma_start3A_79 = tpu.memref_slice %arg2[%add3A_77] : memref<320000xi32, #tpu.memory_space<hbm>> -> memref<80xi32, #tpu.memory_space<hbm>>
      tpu.enqueue_dma source(%dma_start3A_79 : memref<80xi32, #tpu.memory_space<hbm>>) target(%arg7 : memref<80xi32, #tpu.memory_space<vmem>>) target_semaphore(%arg10 : memref<!tpu.dma_semaphore, #tpu.memory_space<semaphore_mem>>)
      %mul3A_80 = arith.constant 2 : i32
      %mul3A_81 = arith.muli %mul3A_80, %scan3A_64 : i32
      %add3A_82 = arith.constant 1 : i32
      %add3A_83 = arith.addi %mul3A_81, %add3A_82 : i32
      %dma_wait3A_84 = arith.constant 0 : i32
      %dma_wait3A_85 = tpu.memref_slice %arg2[%dma_wait3A_84] : memref<320000xi32, #tpu.memory_space<hbm>> -> memref<80xi32, #tpu.memory_space<hbm>>
      %dma_wait3A_86 = arith.constant 0 : i32
      %dma_wait3A_87 = tpu.memref_slice %arg2[%dma_wait3A_86] : memref<320000xi32, #tpu.memory_space<hbm>> -> memref<80xi32, #tpu.memory_space<hbm>>
      tpu.wait_dma2 semaphore(%arg11 : memref<!tpu.dma_semaphore, #tpu.memory_space<semaphore_mem>>) src(%dma_wait3A_87 : memref<80xi32, #tpu.memory_space<hbm>>) dst(%arg8 : memref<80xi32, #tpu.memory_space<vmem>>)
      "tpu.region"() ({
        %run_scoped3A = tpu.sem_alloc : memref<!tpu.dma_semaphore, #tpu.memory_space<semaphore_mem>>
        %dma_start3A_97 = arith.constant 0 : i32
        %dma_start3A_98 = arith.constant 0 : i32
        %dma_start3A_99 = tpu.memref_slice %arg6[%dma_start3A_97, %dma_start3A_98] : memref<10240x128xf32, #tpu.memory_space<vmem_shared>> -> memref<10240x128xf32, #tpu.memory_space<vmem_shared>>
        tpu.enqueue_indirect_dma source(%arg9 : memref<80x128xf32, #tpu.memory_space<vmem>>) target(%dma_start3A_99 : memref<10240x128xf32, #tpu.memory_space<vmem_shared>>) offsets(%arg8 : memref<80xi32, #tpu.memory_space<vmem>>) semaphore(%run_scoped3A : memref<!tpu.dma_semaphore, #tpu.memory_space<semaphore_mem>>) {add = true}
        %dma_wait3A_100 = arith.constant 0 : i32
        %dma_wait3A_101 = arith.constant 0 : i32
        %dma_wait3A_102 = tpu.memref_slice %arg6[%dma_wait3A_100, %dma_wait3A_101] : memref<10240x128xf32, #tpu.memory_space<vmem_shared>> -> memref<10240x128xf32, #tpu.memory_space<vmem_shared>>
        tpu.wait_indirect_dma semaphore(%run_scoped3A : memref<!tpu.dma_semaphore, #tpu.memory_space<semaphore_mem>>) src(%arg9 : memref<80x128xf32, #tpu.memory_space<vmem>>) dst(%dma_wait3A_102 : memref<10240x128xf32, #tpu.memory_space<vmem_shared>>)
        tpu.yield
      }) : () -> ()
      %add3A_88 = arith.constant 2 : i32
      %add3A_89 = arith.addi %add3A_83, %add3A_88 : i32
      %min3A_90 = arith.constant 124 : i32
      %min3A_91 = arith.minsi %add3A_89, %min3A_90 : i32
      %mul3A_92 = arith.constant 80 : i32
      %mul3A_93 = arith.muli %min3A_91, %mul3A_92 : i32
      %add3A_94 = arith.addi %mul3A_4, %mul3A_93 : i32
      %dma_start3A_95 = tpu.memref_slice %arg2[%add3A_94] : memref<320000xi32, #tpu.memory_space<hbm>> -> memref<80xi32, #tpu.memory_space<hbm>>
      %dma_start3A_96 = tpu.memref_slice %arg2[%add3A_94] : memref<320000xi32, #tpu.memory_space<hbm>> -> memref<80xi32, #tpu.memory_space<hbm>>
      tpu.enqueue_dma source(%dma_start3A_96 : memref<80xi32, #tpu.memory_space<hbm>>) target(%arg8 : memref<80xi32, #tpu.memory_space<vmem>>) target_semaphore(%arg11 : memref<!tpu.dma_semaphore, #tpu.memory_space<semaphore_mem>>)
    }
    %scan3A_39 = arith.constant 62 : i32
    %dma_wait3A = arith.constant 0 : i32
    %dma_wait3A_40 = tpu.memref_slice %arg2[%dma_wait3A] : memref<320000xi32, #tpu.memory_space<hbm>> -> memref<80xi32, #tpu.memory_space<hbm>>
    %dma_wait3A_41 = arith.constant 0 : i32
    %dma_wait3A_42 = tpu.memref_slice %arg2[%dma_wait3A_41] : memref<320000xi32, #tpu.memory_space<hbm>> -> memref<80xi32, #tpu.memory_space<hbm>>
    tpu.wait_dma2 semaphore(%arg10 : memref<!tpu.dma_semaphore, #tpu.memory_space<semaphore_mem>>) src(%dma_wait3A_42 : memref<80xi32, #tpu.memory_space<hbm>>) dst(%arg7 : memref<80xi32, #tpu.memory_space<vmem>>)
    "tpu.region"() ({
      %run_scoped3A = tpu.sem_alloc : memref<!tpu.dma_semaphore, #tpu.memory_space<semaphore_mem>>
      %dma_start3A_64 = arith.constant 0 : i32
      %dma_start3A_65 = arith.constant 0 : i32
      %dma_start3A_66 = tpu.memref_slice %arg6[%dma_start3A_64, %dma_start3A_65] : memref<10240x128xf32, #tpu.memory_space<vmem_shared>> -> memref<10240x128xf32, #tpu.memory_space<vmem_shared>>
      tpu.enqueue_indirect_dma source(%arg9 : memref<80x128xf32, #tpu.memory_space<vmem>>) target(%dma_start3A_66 : memref<10240x128xf32, #tpu.memory_space<vmem_shared>>) offsets(%arg7 : memref<80xi32, #tpu.memory_space<vmem>>) semaphore(%run_scoped3A : memref<!tpu.dma_semaphore, #tpu.memory_space<semaphore_mem>>) {add = true}
      %dma_wait3A_67 = arith.constant 0 : i32
      %dma_wait3A_68 = arith.constant 0 : i32
      %dma_wait3A_69 = tpu.memref_slice %arg6[%dma_wait3A_67, %dma_wait3A_68] : memref<10240x128xf32, #tpu.memory_space<vmem_shared>> -> memref<10240x128xf32, #tpu.memory_space<vmem_shared>>
      tpu.wait_indirect_dma semaphore(%run_scoped3A : memref<!tpu.dma_semaphore, #tpu.memory_space<semaphore_mem>>) src(%arg9 : memref<80x128xf32, #tpu.memory_space<vmem>>) dst(%dma_wait3A_69 : memref<10240x128xf32, #tpu.memory_space<vmem_shared>>)
      tpu.yield
    }) : () -> ()
    %dma_wait3A_43 = arith.constant 0 : i32
    %dma_wait3A_44 = tpu.memref_slice %arg2[%dma_wait3A_43] : memref<320000xi32, #tpu.memory_space<hbm>> -> memref<80xi32, #tpu.memory_space<hbm>>
    %dma_wait3A_45 = arith.constant 0 : i32
    %dma_wait3A_46 = tpu.memref_slice %arg2[%dma_wait3A_45] : memref<320000xi32, #tpu.memory_space<hbm>> -> memref<80xi32, #tpu.memory_space<hbm>>
    tpu.wait_dma2 semaphore(%arg11 : memref<!tpu.dma_semaphore, #tpu.memory_space<semaphore_mem>>) src(%dma_wait3A_46 : memref<80xi32, #tpu.memory_space<hbm>>) dst(%arg8 : memref<80xi32, #tpu.memory_space<vmem>>)
    %barrier3A_47 = arith.constant 0 : index
    tpu.barrier barrier_id(%barrier3A_47)
    %add3A_48 = arith.constant 0 : i32
    %add3A_49 = arith.addi %mul3A_2, %add3A_48 : i32
    "tpu.region"() ({
      %run_scoped3A = tpu.sem_alloc : memref<!tpu.dma_semaphore, #tpu.memory_space<semaphore_mem>>
      %dma_start3A_64 = arith.constant 0 : i32
      %dma_start3A_65 = tpu.memref_slice %arg6[%add3A_49, %dma_start3A_64] : memref<10240x128xf32, #tpu.memory_space<vmem_shared>> -> memref<80x128xf32, #tpu.memory_space<vmem_shared>>
      %dma_start3A_66 = arith.constant 0 : i32
      %dma_start3A_67 = tpu.memref_slice %arg6[%add3A_49, %dma_start3A_66] : memref<10240x128xf32, #tpu.memory_space<vmem_shared>> -> memref<80x128xf32, #tpu.memory_space<vmem_shared>>
      tpu.enqueue_dma source(%dma_start3A_67 : memref<80x128xf32, #tpu.memory_space<vmem_shared>>) target(%arg9 : memref<80x128xf32, #tpu.memory_space<vmem>>) target_semaphore(%run_scoped3A : memref<!tpu.dma_semaphore, #tpu.memory_space<semaphore_mem>>)
      %dma_wait3A_68 = arith.constant 0 : i32
      %dma_wait3A_69 = tpu.memref_slice %arg6[%add3A_49, %dma_wait3A_68] : memref<10240x128xf32, #tpu.memory_space<vmem_shared>> -> memref<80x128xf32, #tpu.memory_space<vmem_shared>>
      %dma_wait3A_70 = arith.constant 0 : i32
      %dma_wait3A_71 = tpu.memref_slice %arg6[%add3A_49, %dma_wait3A_70] : memref<10240x128xf32, #tpu.memory_space<vmem_shared>> -> memref<80x128xf32, #tpu.memory_space<vmem_shared>>
      tpu.wait_dma2 semaphore(%run_scoped3A : memref<!tpu.dma_semaphore, #tpu.memory_space<semaphore_mem>>) src(%dma_wait3A_71 : memref<80x128xf32, #tpu.memory_space<vmem_shared>>) dst(%arg9 : memref<80x128xf32, #tpu.memory_space<vmem>>)
      tpu.yield
    }) : () -> ()
    "tpu.region"() ({
      %run_scoped3A = tpu.sem_alloc : memref<!tpu.dma_semaphore, #tpu.memory_space<semaphore_mem>>
      %dma_start3A_64 = arith.constant 0 : i32
      %dma_start3A_65 = tpu.memref_slice %arg5[%arg0, %add3A_49, %dma_start3A_64] : memref<2x10240x128xf32, #tpu.memory_space<hbm>> -> memref<1x80x128xf32, #tpu.memory_space<hbm>>
      %dma_start3A_66 = tpu.memref_squeeze %dma_start3A_65 : memref<1x80x128xf32, #tpu.memory_space<hbm>> -> memref<80x128xf32, #tpu.memory_space<hbm>>
      %dma_start3A_67 = arith.constant 0 : i32
      %dma_start3A_68 = tpu.memref_slice %arg5[%arg0, %add3A_49, %dma_start3A_67] : memref<2x10240x128xf32, #tpu.memory_space<hbm>> -> memref<1x80x128xf32, #tpu.memory_space<hbm>>
      %dma_start3A_69 = tpu.memref_squeeze %dma_start3A_68 : memref<1x80x128xf32, #tpu.memory_space<hbm>> -> memref<80x128xf32, #tpu.memory_space<hbm>>
      tpu.enqueue_dma source(%arg9 : memref<80x128xf32, #tpu.memory_space<vmem>>) target(%dma_start3A_69 : memref<80x128xf32, #tpu.memory_space<hbm>>) target_semaphore(%run_scoped3A : memref<!tpu.dma_semaphore, #tpu.memory_space<semaphore_mem>>)
      %dma_wait3A_70 = arith.constant 0 : i32
      %dma_wait3A_71 = tpu.memref_slice %arg5[%arg0, %add3A_49, %dma_wait3A_70] : memref<2x10240x128xf32, #tpu.memory_space<hbm>> -> memref<1x80x128xf32, #tpu.memory_space<hbm>>
      %dma_wait3A_72 = tpu.memref_squeeze %dma_wait3A_71 : memref<1x80x128xf32, #tpu.memory_space<hbm>> -> memref<80x128xf32, #tpu.memory_space<hbm>>
      %dma_wait3A_73 = arith.constant 0 : i32
      %dma_wait3A_74 = tpu.memref_slice %arg5[%arg0, %add3A_49, %dma_wait3A_73] : memref<2x10240x128xf32, #tpu.memory_space<hbm>> -> memref<1x80x128xf32, #tpu.memory_space<hbm>>
      %dma_wait3A_75 = tpu.memref_squeeze %dma_wait3A_74 : memref<1x80x128xf32, #tpu.memory_space<hbm>> -> memref<80x128xf32, #tpu.memory_space<hbm>>
      tpu.wait_dma2 semaphore(%run_scoped3A : memref<!tpu.dma_semaphore, #tpu.memory_space<semaphore_mem>>) src(%arg9 : memref<80x128xf32, #tpu.memory_space<vmem>>) dst(%dma_wait3A_75 : memref<80x128xf32, #tpu.memory_space<hbm>>)
      tpu.yield
    }) : () -> ()
    %add3A_50 = arith.constant 80 : i32
    %add3A_51 = arith.addi %mul3A_2, %add3A_50 : i32
    "tpu.region"() ({
      %run_scoped3A = tpu.sem_alloc : memref<!tpu.dma_semaphore, #tpu.memory_space<semaphore_mem>>
      %dma_start3A_64 = arith.constant 0 : i32
      %dma_start3A_65 = tpu.memref_slice %arg6[%add3A_51, %dma_start3A_64] : memref<10240x128xf32, #tpu.memory_space<vmem_shared>> -> memref<80x128xf32, #tpu.memory_space<vmem_shared>>
      %dma_start3A_66 = arith.constant 0 : i32
      %dma_start3A_67 = tpu.memref_slice %arg6[%add3A_51, %dma_start3A_66] : memref<10240x128xf32, #tpu.memory_space<vmem_shared>> -> memref<80x128xf32, #tpu.memory_space<vmem_shared>>
      tpu.enqueue_dma source(%dma_start3A_67 : memref<80x128xf32, #tpu.memory_space<vmem_shared>>) target(%arg9 : memref<80x128xf32, #tpu.memory_space<vmem>>) target_semaphore(%run_scoped3A : memref<!tpu.dma_semaphore, #tpu.memory_space<semaphore_mem>>)
      %dma_wait3A_68 = arith.constant 0 : i32
      %dma_wait3A_69 = tpu.memref_slice %arg6[%add3A_51, %dma_wait3A_68] : memref<10240x128xf32, #tpu.memory_space<vmem_shared>> -> memref<80x128xf32, #tpu.memory_space<vmem_shared>>
      %dma_wait3A_70 = arith.constant 0 : i32
      %dma_wait3A_71 = tpu.memref_slice %arg6[%add3A_51, %dma_wait3A_70] : memref<10240x128xf32, #tpu.memory_space<vmem_shared>> -> memref<80x128xf32, #tpu.memory_space<vmem_shared>>
      tpu.wait_dma2 semaphore(%run_scoped3A : memref<!tpu.dma_semaphore, #tpu.memory_space<semaphore_mem>>) src(%dma_wait3A_71 : memref<80x128xf32, #tpu.memory_space<vmem_shared>>) dst(%arg9 : memref<80x128xf32, #tpu.memory_space<vmem>>)
      tpu.yield
    }) : () -> ()
    "tpu.region"() ({
      %run_scoped3A = tpu.sem_alloc : memref<!tpu.dma_semaphore, #tpu.memory_space<semaphore_mem>>
      %dma_start3A_64 = arith.constant 0 : i32
      %dma_start3A_65 = tpu.memref_slice %arg5[%arg0, %add3A_51, %dma_start3A_64] : memref<2x10240x128xf32, #tpu.memory_space<hbm>> -> memref<1x80x128xf32, #tpu.memory_space<hbm>>
      %dma_start3A_66 = tpu.memref_squeeze %dma_start3A_65 : memref<1x80x128xf32, #tpu.memory_space<hbm>> -> memref<80x128xf32, #tpu.memory_space<hbm>>
      %dma_start3A_67 = arith.constant 0 : i32
      %dma_start3A_68 = tpu.memref_slice %arg5[%arg0, %add3A_51, %dma_start3A_67] : memref<2x10240x128xf32, #tpu.memory_space<hbm>> -> memref<1x80x128xf32, #tpu.memory_space<hbm>>
      %dma_start3A_69 = tpu.memref_squeeze %dma_start3A_68 : memref<1x80x128xf32, #tpu.memory_space<hbm>> -> memref<80x128xf32, #tpu.memory_space<hbm>>
      tpu.enqueue_dma source(%arg9 : memref<80x128xf32, #tpu.memory_space<vmem>>) target(%dma_start3A_69 : memref<80x128xf32, #tpu.memory_space<hbm>>) target_semaphore(%run_scoped3A : memref<!tpu.dma_semaphore, #tpu.memory_space<semaphore_mem>>)
      %dma_wait3A_70 = arith.constant 0 : i32
      %dma_wait3A_71 = tpu.memref_slice %arg5[%arg0, %add3A_51, %dma_wait3A_70] : memref<2x10240x128xf32, #tpu.memory_space<hbm>> -> memref<1x80x128xf32, #tpu.memory_space<hbm>>
      %dma_wait3A_72 = tpu.memref_squeeze %dma_wait3A_71 : memref<1x80x128xf32, #tpu.memory_space<hbm>> -> memref<80x128xf32, #tpu.memory_space<hbm>>
      %dma_wait3A_73 = arith.constant 0 : i32
      %dma_wait3A_74 = tpu.memref_slice %arg5[%arg0, %add3A_51, %dma_wait3A_73] : memref<2x10240x128xf32, #tpu.memory_space<hbm>> -> memref<1x80x128xf32, #tpu.memory_space<hbm>>
      %dma_wait3A_75 = tpu.memref_squeeze %dma_wait3A_74 : memref<1x80x128xf32, #tpu.memory_space<hbm>> -> memref<80x128xf32, #tpu.memory_space<hbm>>
      tpu.wait_dma2 semaphore(%run_scoped3A : memref<!tpu.dma_semaphore, #tpu.memory_space<semaphore_mem>>) src(%arg9 : memref<80x128xf32, #tpu.memory_space<vmem>>) dst(%dma_wait3A_75 : memref<80x128xf32, #tpu.memory_space<hbm>>)
      tpu.yield
    }) : () -> ()
    %add3A_52 = arith.constant 160 : i32
    %add3A_53 = arith.addi %mul3A_2, %add3A_52 : i32
    "tpu.region"() ({
      %run_scoped3A = tpu.sem_alloc : memref<!tpu.dma_semaphore, #tpu.memory_space<semaphore_mem>>
      %dma_start3A_64 = arith.constant 0 : i32
      %dma_start3A_65 = tpu.memref_slice %arg6[%add3A_53, %dma_start3A_64] : memref<10240x128xf32, #tpu.memory_space<vmem_shared>> -> memref<80x128xf32, #tpu.memory_space<vmem_shared>>
      %dma_start3A_66 = arith.constant 0 : i32
      %dma_start3A_67 = tpu.memref_slice %arg6[%add3A_53, %dma_start3A_66] : memref<10240x128xf32, #tpu.memory_space<vmem_shared>> -> memref<80x128xf32, #tpu.memory_space<vmem_shared>>
      tpu.enqueue_dma source(%dma_start3A_67 : memref<80x128xf32, #tpu.memory_space<vmem_shared>>) target(%arg9 : memref<80x128xf32, #tpu.memory_space<vmem>>) target_semaphore(%run_scoped3A : memref<!tpu.dma_semaphore, #tpu.memory_space<semaphore_mem>>)
      %dma_wait3A_68 = arith.constant 0 : i32
      %dma_wait3A_69 = tpu.memref_slice %arg6[%add3A_53, %dma_wait3A_68] : memref<10240x128xf32, #tpu.memory_space<vmem_shared>> -> memref<80x128xf32, #tpu.memory_space<vmem_shared>>
      %dma_wait3A_70 = arith.constant 0 : i32
      %dma_wait3A_71 = tpu.memref_slice %arg6[%add3A_53, %dma_wait3A_70] : memref<10240x128xf32, #tpu.memory_space<vmem_shared>> -> memref<80x128xf32, #tpu.memory_space<vmem_shared>>
      tpu.wait_dma2 semaphore(%run_scoped3A : memref<!tpu.dma_semaphore, #tpu.memory_space<semaphore_mem>>) src(%dma_wait3A_71 : memref<80x128xf32, #tpu.memory_space<vmem_shared>>) dst(%arg9 : memref<80x128xf32, #tpu.memory_space<vmem>>)
      tpu.yield
    }) : () -> ()
    "tpu.region"() ({
      %run_scoped3A = tpu.sem_alloc : memref<!tpu.dma_semaphore, #tpu.memory_space<semaphore_mem>>
      %dma_start3A_64 = arith.constant 0 : i32
      %dma_start3A_65 = tpu.memref_slice %arg5[%arg0, %add3A_53, %dma_start3A_64] : memref<2x10240x128xf32, #tpu.memory_space<hbm>> -> memref<1x80x128xf32, #tpu.memory_space<hbm>>
      %dma_start3A_66 = tpu.memref_squeeze %dma_start3A_65 : memref<1x80x128xf32, #tpu.memory_space<hbm>> -> memref<80x128xf32, #tpu.memory_space<hbm>>
      %dma_start3A_67 = arith.constant 0 : i32
      %dma_start3A_68 = tpu.memref_slice %arg5[%arg0, %add3A_53, %dma_start3A_67] : memref<2x10240x128xf32, #tpu.memory_space<hbm>> -> memref<1x80x128xf32, #tpu.memory_space<hbm>>
      %dma_start3A_69 = tpu.memref_squeeze %dma_start3A_68 : memref<1x80x128xf32, #tpu.memory_space<hbm>> -> memref<80x128xf32, #tpu.memory_space<hbm>>
      tpu.enqueue_dma source(%arg9 : memref<80x128xf32, #tpu.memory_space<vmem>>) target(%dma_start3A_69 : memref<80x128xf32, #tpu.memory_space<hbm>>) target_semaphore(%run_scoped3A : memref<!tpu.dma_semaphore, #tpu.memory_space<semaphore_mem>>)
      %dma_wait3A_70 = arith.constant 0 : i32
      %dma_wait3A_71 = tpu.memref_slice %arg5[%arg0, %add3A_53, %dma_wait3A_70] : memref<2x10240x128xf32, #tpu.memory_space<hbm>> -> memref<1x80x128xf32, #tpu.memory_space<hbm>>
      %dma_wait3A_72 = tpu.memref_squeeze %dma_wait3A_71 : memref<1x80x128xf32, #tpu.memory_space<hbm>> -> memref<80x128xf32, #tpu.memory_space<hbm>>
      %dma_wait3A_73 = arith.constant 0 : i32
      %dma_wait3A_74 = tpu.memref_slice %arg5[%arg0, %add3A_53, %dma_wait3A_73] : memref<2x10240x128xf32, #tpu.memory_space<hbm>> -> memref<1x80x128xf32, #tpu.memory_space<hbm>>
      %dma_wait3A_75 = tpu.memref_squeeze %dma_wait3A_74 : memref<1x80x128xf32, #tpu.memory_space<hbm>> -> memref<80x128xf32, #tpu.memory_space<hbm>>
      tpu.wait_dma2 semaphore(%run_scoped3A : memref<!tpu.dma_semaphore, #tpu.memory_space<semaphore_mem>>) src(%arg9 : memref<80x128xf32, #tpu.memory_space<vmem>>) dst(%dma_wait3A_75 : memref<80x128xf32, #tpu.memory_space<hbm>>)
      tpu.yield
    }) : () -> ()
    %add3A_54 = arith.constant 240 : i32
    %add3A_55 = arith.addi %mul3A_2, %add3A_54 : i32
    "tpu.region"() ({
      %run_scoped3A = tpu.sem_alloc : memref<!tpu.dma_semaphore, #tpu.memory_space<semaphore_mem>>
      %dma_start3A_64 = arith.constant 0 : i32
      %dma_start3A_65 = tpu.memref_slice %arg6[%add3A_55, %dma_start3A_64] : memref<10240x128xf32, #tpu.memory_space<vmem_shared>> -> memref<80x128xf32, #tpu.memory_space<vmem_shared>>
      %dma_start3A_66 = arith.constant 0 : i32
      %dma_start3A_67 = tpu.memref_slice %arg6[%add3A_55, %dma_start3A_66] : memref<10240x128xf32, #tpu.memory_space<vmem_shared>> -> memref<80x128xf32, #tpu.memory_space<vmem_shared>>
      tpu.enqueue_dma source(%dma_start3A_67 : memref<80x128xf32, #tpu.memory_space<vmem_shared>>) target(%arg9 : memref<80x128xf32, #tpu.memory_space<vmem>>) target_semaphore(%run_scoped3A : memref<!tpu.dma_semaphore, #tpu.memory_space<semaphore_mem>>)
      %dma_wait3A_68 = arith.constant 0 : i32
      %dma_wait3A_69 = tpu.memref_slice %arg6[%add3A_55, %dma_wait3A_68] : memref<10240x128xf32, #tpu.memory_space<vmem_shared>> -> memref<80x128xf32, #tpu.memory_space<vmem_shared>>
      %dma_wait3A_70 = arith.constant 0 : i32
      %dma_wait3A_71 = tpu.memref_slice %arg6[%add3A_55, %dma_wait3A_70] : memref<10240x128xf32, #tpu.memory_space<vmem_shared>> -> memref<80x128xf32, #tpu.memory_space<vmem_shared>>
      tpu.wait_dma2 semaphore(%run_scoped3A : memref<!tpu.dma_semaphore, #tpu.memory_space<semaphore_mem>>) src(%dma_wait3A_71 : memref<80x128xf32, #tpu.memory_space<vmem_shared>>) dst(%arg9 : memref<80x128xf32, #tpu.memory_space<vmem>>)
      tpu.yield
    }) : () -> ()
    "tpu.region"() ({
      %run_scoped3A = tpu.sem_alloc : memref<!tpu.dma_semaphore, #tpu.memory_space<semaphore_mem>>
      %dma_start3A_64 = arith.constant 0 : i32
      %dma_start3A_65 = tpu.memref_slice %arg5[%arg0, %add3A_55, %dma_start3A_64] : memref<2x10240x128xf32, #tpu.memory_space<hbm>> -> memref<1x80x128xf32, #tpu.memory_space<hbm>>
      %dma_start3A_66 = tpu.memref_squeeze %dma_start3A_65 : memref<1x80x128xf32, #tpu.memory_space<hbm>> -> memref<80x128xf32, #tpu.memory_space<hbm>>
      %dma_start3A_67 = arith.constant 0 : i32
      %dma_start3A_68 = tpu.memref_slice %arg5[%arg0, %add3A_55, %dma_start3A_67] : memref<2x10240x128xf32, #tpu.memory_space<hbm>> -> memref<1x80x128xf32, #tpu.memory_space<hbm>>
      %dma_start3A_69 = tpu.memref_squeeze %dma_start3A_68 : memref<1x80x128xf32, #tpu.memory_space<hbm>> -> memref<80x128xf32, #tpu.memory_space<hbm>>
      tpu.enqueue_dma source(%arg9 : memref<80x128xf32, #tpu.memory_space<vmem>>) target(%dma_start3A_69 : memref<80x128xf32, #tpu.memory_space<hbm>>) target_semaphore(%run_scoped3A : memref<!tpu.dma_semaphore, #tpu.memory_space<semaphore_mem>>)
      %dma_wait3A_70 = arith.constant 0 : i32
      %dma_wait3A_71 = tpu.memref_slice %arg5[%arg0, %add3A_55, %dma_wait3A_70] : memref<2x10240x128xf32, #tpu.memory_space<hbm>> -> memref<1x80x128xf32, #tpu.memory_space<hbm>>
      %dma_wait3A_72 = tpu.memref_squeeze %dma_wait3A_71 : memref<1x80x128xf32, #tpu.memory_space<hbm>> -> memref<80x128xf32, #tpu.memory_space<hbm>>
      %dma_wait3A_73 = arith.constant 0 : i32
      %dma_wait3A_74 = tpu.memref_slice %arg5[%arg0, %add3A_55, %dma_wait3A_73] : memref<2x10240x128xf32, #tpu.memory_space<hbm>> -> memref<1x80x128xf32, #tpu.memory_space<hbm>>
      %dma_wait3A_75 = tpu.memref_squeeze %dma_wait3A_74 : memref<1x80x128xf32, #tpu.memory_space<hbm>> -> memref<80x128xf32, #tpu.memory_space<hbm>>
      tpu.wait_dma2 semaphore(%run_scoped3A : memref<!tpu.dma_semaphore, #tpu.memory_space<semaphore_mem>>) src(%arg9 : memref<80x128xf32, #tpu.memory_space<vmem>>) dst(%dma_wait3A_75 : memref<80x128xf32, #tpu.memory_space<hbm>>)
      tpu.yield
    }) : () -> ()
    %add3A_56 = arith.constant 320 : i32
    %add3A_57 = arith.addi %mul3A_2, %add3A_56 : i32
    "tpu.region"() ({
      %run_scoped3A = tpu.sem_alloc : memref<!tpu.dma_semaphore, #tpu.memory_space<semaphore_mem>>
      %dma_start3A_64 = arith.constant 0 : i32
      %dma_start3A_65 = tpu.memref_slice %arg6[%add3A_57, %dma_start3A_64] : memref<10240x128xf32, #tpu.memory_space<vmem_shared>> -> memref<80x128xf32, #tpu.memory_space<vmem_shared>>
      %dma_start3A_66 = arith.constant 0 : i32
      %dma_start3A_67 = tpu.memref_slice %arg6[%add3A_57, %dma_start3A_66] : memref<10240x128xf32, #tpu.memory_space<vmem_shared>> -> memref<80x128xf32, #tpu.memory_space<vmem_shared>>
      tpu.enqueue_dma source(%dma_start3A_67 : memref<80x128xf32, #tpu.memory_space<vmem_shared>>) target(%arg9 : memref<80x128xf32, #tpu.memory_space<vmem>>) target_semaphore(%run_scoped3A : memref<!tpu.dma_semaphore, #tpu.memory_space<semaphore_mem>>)
      %dma_wait3A_68 = arith.constant 0 : i32
      %dma_wait3A_69 = tpu.memref_slice %arg6[%add3A_57, %dma_wait3A_68] : memref<10240x128xf32, #tpu.memory_space<vmem_shared>> -> memref<80x128xf32, #tpu.memory_space<vmem_shared>>
      %dma_wait3A_70 = arith.constant 0 : i32
      %dma_wait3A_71 = tpu.memref_slice %arg6[%add3A_57, %dma_wait3A_70] : memref<10240x128xf32, #tpu.memory_space<vmem_shared>> -> memref<80x128xf32, #tpu.memory_space<vmem_shared>>
      tpu.wait_dma2 semaphore(%run_scoped3A : memref<!tpu.dma_semaphore, #tpu.memory_space<semaphore_mem>>) src(%dma_wait3A_71 : memref<80x128xf32, #tpu.memory_space<vmem_shared>>) dst(%arg9 : memref<80x128xf32, #tpu.memory_space<vmem>>)
      tpu.yield
    }) : () -> ()
    "tpu.region"() ({
      %run_scoped3A = tpu.sem_alloc : memref<!tpu.dma_semaphore, #tpu.memory_space<semaphore_mem>>
      %dma_start3A_64 = arith.constant 0 : i32
      %dma_start3A_65 = tpu.memref_slice %arg5[%arg0, %add3A_57, %dma_start3A_64] : memref<2x10240x128xf32, #tpu.memory_space<hbm>> -> memref<1x80x128xf32, #tpu.memory_space<hbm>>
      %dma_start3A_66 = tpu.memref_squeeze %dma_start3A_65 : memref<1x80x128xf32, #tpu.memory_space<hbm>> -> memref<80x128xf32, #tpu.memory_space<hbm>>
      %dma_start3A_67 = arith.constant 0 : i32
      %dma_start3A_68 = tpu.memref_slice %arg5[%arg0, %add3A_57, %dma_start3A_67] : memref<2x10240x128xf32, #tpu.memory_space<hbm>> -> memref<1x80x128xf32, #tpu.memory_space<hbm>>
      %dma_start3A_69 = tpu.memref_squeeze %dma_start3A_68 : memref<1x80x128xf32, #tpu.memory_space<hbm>> -> memref<80x128xf32, #tpu.memory_space<hbm>>
      tpu.enqueue_dma source(%arg9 : memref<80x128xf32, #tpu.memory_space<vmem>>) target(%dma_start3A_69 : memref<80x128xf32, #tpu.memory_space<hbm>>) target_semaphore(%run_scoped3A : memref<!tpu.dma_semaphore, #tpu.memory_space<semaphore_mem>>)
      %dma_wait3A_70 = arith.constant 0 : i32
      %dma_wait3A_71 = tpu.memref_slice %arg5[%arg0, %add3A_57, %dma_wait3A_70] : memref<2x10240x128xf32, #tpu.memory_space<hbm>> -> memref<1x80x128xf32, #tpu.memory_space<hbm>>
      %dma_wait3A_72 = tpu.memref_squeeze %dma_wait3A_71 : memref<1x80x128xf32, #tpu.memory_space<hbm>> -> memref<80x128xf32, #tpu.memory_space<hbm>>
      %dma_wait3A_73 = arith.constant 0 : i32
      %dma_wait3A_74 = tpu.memref_slice %arg5[%arg0, %add3A_57, %dma_wait3A_73] : memref<2x10240x128xf32, #tpu.memory_space<hbm>> -> memref<1x80x128xf32, #tpu.memory_space<hbm>>
      %dma_wait3A_75 = tpu.memref_squeeze %dma_wait3A_74 : memref<1x80x128xf32, #tpu.memory_space<hbm>> -> memref<80x128xf32, #tpu.memory_space<hbm>>
      tpu.wait_dma2 semaphore(%run_scoped3A : memref<!tpu.dma_semaphore, #tpu.memory_space<semaphore_mem>>) src(%arg9 : memref<80x128xf32, #tpu.memory_space<vmem>>) dst(%dma_wait3A_75 : memref<80x128xf32, #tpu.memory_space<hbm>>)
      tpu.yield
    }) : () -> ()
    %add3A_58 = arith.constant 400 : i32
    %add3A_59 = arith.addi %mul3A_2, %add3A_58 : i32
    "tpu.region"() ({
      %run_scoped3A = tpu.sem_alloc : memref<!tpu.dma_semaphore, #tpu.memory_space<semaphore_mem>>
      %dma_start3A_64 = arith.constant 0 : i32
      %dma_start3A_65 = tpu.memref_slice %arg6[%add3A_59, %dma_start3A_64] : memref<10240x128xf32, #tpu.memory_space<vmem_shared>> -> memref<80x128xf32, #tpu.memory_space<vmem_shared>>
      %dma_start3A_66 = arith.constant 0 : i32
      %dma_start3A_67 = tpu.memref_slice %arg6[%add3A_59, %dma_start3A_66] : memref<10240x128xf32, #tpu.memory_space<vmem_shared>> -> memref<80x128xf32, #tpu.memory_space<vmem_shared>>
      tpu.enqueue_dma source(%dma_start3A_67 : memref<80x128xf32, #tpu.memory_space<vmem_shared>>) target(%arg9 : memref<80x128xf32, #tpu.memory_space<vmem>>) target_semaphore(%run_scoped3A : memref<!tpu.dma_semaphore, #tpu.memory_space<semaphore_mem>>)
      %dma_wait3A_68 = arith.constant 0 : i32
      %dma_wait3A_69 = tpu.memref_slice %arg6[%add3A_59, %dma_wait3A_68] : memref<10240x128xf32, #tpu.memory_space<vmem_shared>> -> memref<80x128xf32, #tpu.memory_space<vmem_shared>>
      %dma_wait3A_70 = arith.constant 0 : i32
      %dma_wait3A_71 = tpu.memref_slice %arg6[%add3A_59, %dma_wait3A_70] : memref<10240x128xf32, #tpu.memory_space<vmem_shared>> -> memref<80x128xf32, #tpu.memory_space<vmem_shared>>
      tpu.wait_dma2 semaphore(%run_scoped3A : memref<!tpu.dma_semaphore, #tpu.memory_space<semaphore_mem>>) src(%dma_wait3A_71 : memref<80x128xf32, #tpu.memory_space<vmem_shared>>) dst(%arg9 : memref<80x128xf32, #tpu.memory_space<vmem>>)
      tpu.yield
    }) : () -> ()
    "tpu.region"() ({
      %run_scoped3A = tpu.sem_alloc : memref<!tpu.dma_semaphore, #tpu.memory_space<semaphore_mem>>
      %dma_start3A_64 = arith.constant 0 : i32
      %dma_start3A_65 = tpu.memref_slice %arg5[%arg0, %add3A_59, %dma_start3A_64] : memref<2x10240x128xf32, #tpu.memory_space<hbm>> -> memref<1x80x128xf32, #tpu.memory_space<hbm>>
      %dma_start3A_66 = tpu.memref_squeeze %dma_start3A_65 : memref<1x80x128xf32, #tpu.memory_space<hbm>> -> memref<80x128xf32, #tpu.memory_space<hbm>>
      %dma_start3A_67 = arith.constant 0 : i32
      %dma_start3A_68 = tpu.memref_slice %arg5[%arg0, %add3A_59, %dma_start3A_67] : memref<2x10240x128xf32, #tpu.memory_space<hbm>> -> memref<1x80x128xf32, #tpu.memory_space<hbm>>
      %dma_start3A_69 = tpu.memref_squeeze %dma_start3A_68 : memref<1x80x128xf32, #tpu.memory_space<hbm>> -> memref<80x128xf32, #tpu.memory_space<hbm>>
      tpu.enqueue_dma source(%arg9 : memref<80x128xf32, #tpu.memory_space<vmem>>) target(%dma_start3A_69 : memref<80x128xf32, #tpu.memory_space<hbm>>) target_semaphore(%run_scoped3A : memref<!tpu.dma_semaphore, #tpu.memory_space<semaphore_mem>>)
      %dma_wait3A_70 = arith.constant 0 : i32
      %dma_wait3A_71 = tpu.memref_slice %arg5[%arg0, %add3A_59, %dma_wait3A_70] : memref<2x10240x128xf32, #tpu.memory_space<hbm>> -> memref<1x80x128xf32, #tpu.memory_space<hbm>>
      %dma_wait3A_72 = tpu.memref_squeeze %dma_wait3A_71 : memref<1x80x128xf32, #tpu.memory_space<hbm>> -> memref<80x128xf32, #tpu.memory_space<hbm>>
      %dma_wait3A_73 = arith.constant 0 : i32
      %dma_wait3A_74 = tpu.memref_slice %arg5[%arg0, %add3A_59, %dma_wait3A_73] : memref<2x10240x128xf32, #tpu.memory_space<hbm>> -> memref<1x80x128xf32, #tpu.memory_space<hbm>>
      %dma_wait3A_75 = tpu.memref_squeeze %dma_wait3A_74 : memref<1x80x128xf32, #tpu.memory_space<hbm>> -> memref<80x128xf32, #tpu.memory_space<hbm>>
      tpu.wait_dma2 semaphore(%run_scoped3A : memref<!tpu.dma_semaphore, #tpu.memory_space<semaphore_mem>>) src(%arg9 : memref<80x128xf32, #tpu.memory_space<vmem>>) dst(%dma_wait3A_75 : memref<80x128xf32, #tpu.memory_space<hbm>>)
      tpu.yield
    }) : () -> ()
    %add3A_60 = arith.constant 480 : i32
    %add3A_61 = arith.addi %mul3A_2, %add3A_60 : i32
    "tpu.region"() ({
      %run_scoped3A = tpu.sem_alloc : memref<!tpu.dma_semaphore, #tpu.memory_space<semaphore_mem>>
      %dma_start3A_64 = arith.constant 0 : i32
      %dma_start3A_65 = tpu.memref_slice %arg6[%add3A_61, %dma_start3A_64] : memref<10240x128xf32, #tpu.memory_space<vmem_shared>> -> memref<80x128xf32, #tpu.memory_space<vmem_shared>>
      %dma_start3A_66 = arith.constant 0 : i32
      %dma_start3A_67 = tpu.memref_slice %arg6[%add3A_61, %dma_start3A_66] : memref<10240x128xf32, #tpu.memory_space<vmem_shared>> -> memref<80x128xf32, #tpu.memory_space<vmem_shared>>
      tpu.enqueue_dma source(%dma_start3A_67 : memref<80x128xf32, #tpu.memory_space<vmem_shared>>) target(%arg9 : memref<80x128xf32, #tpu.memory_space<vmem>>) target_semaphore(%run_scoped3A : memref<!tpu.dma_semaphore, #tpu.memory_space<semaphore_mem>>)
      %dma_wait3A_68 = arith.constant 0 : i32
      %dma_wait3A_69 = tpu.memref_slice %arg6[%add3A_61, %dma_wait3A_68] : memref<10240x128xf32, #tpu.memory_space<vmem_shared>> -> memref<80x128xf32, #tpu.memory_space<vmem_shared>>
      %dma_wait3A_70 = arith.constant 0 : i32
      %dma_wait3A_71 = tpu.memref_slice %arg6[%add3A_61, %dma_wait3A_70] : memref<10240x128xf32, #tpu.memory_space<vmem_shared>> -> memref<80x128xf32, #tpu.memory_space<vmem_shared>>
      tpu.wait_dma2 semaphore(%run_scoped3A : memref<!tpu.dma_semaphore, #tpu.memory_space<semaphore_mem>>) src(%dma_wait3A_71 : memref<80x128xf32, #tpu.memory_space<vmem_shared>>) dst(%arg9 : memref<80x128xf32, #tpu.memory_space<vmem>>)
      tpu.yield
    }) : () -> ()
    "tpu.region"() ({
      %run_scoped3A = tpu.sem_alloc : memref<!tpu.dma_semaphore, #tpu.memory_space<semaphore_mem>>
      %dma_start3A_64 = arith.constant 0 : i32
      %dma_start3A_65 = tpu.memref_slice %arg5[%arg0, %add3A_61, %dma_start3A_64] : memref<2x10240x128xf32, #tpu.memory_space<hbm>> -> memref<1x80x128xf32, #tpu.memory_space<hbm>>
      %dma_start3A_66 = tpu.memref_squeeze %dma_start3A_65 : memref<1x80x128xf32, #tpu.memory_space<hbm>> -> memref<80x128xf32, #tpu.memory_space<hbm>>
      %dma_start3A_67 = arith.constant 0 : i32
      %dma_start3A_68 = tpu.memref_slice %arg5[%arg0, %add3A_61, %dma_start3A_67] : memref<2x10240x128xf32, #tpu.memory_space<hbm>> -> memref<1x80x128xf32, #tpu.memory_space<hbm>>
      %dma_start3A_69 = tpu.memref_squeeze %dma_start3A_68 : memref<1x80x128xf32, #tpu.memory_space<hbm>> -> memref<80x128xf32, #tpu.memory_space<hbm>>
      tpu.enqueue_dma source(%arg9 : memref<80x128xf32, #tpu.memory_space<vmem>>) target(%dma_start3A_69 : memref<80x128xf32, #tpu.memory_space<hbm>>) target_semaphore(%run_scoped3A : memref<!tpu.dma_semaphore, #tpu.memory_space<semaphore_mem>>)
      %dma_wait3A_70 = arith.constant 0 : i32
      %dma_wait3A_71 = tpu.memref_slice %arg5[%arg0, %add3A_61, %dma_wait3A_70] : memref<2x10240x128xf32, #tpu.memory_space<hbm>> -> memref<1x80x128xf32, #tpu.memory_space<hbm>>
      %dma_wait3A_72 = tpu.memref_squeeze %dma_wait3A_71 : memref<1x80x128xf32, #tpu.memory_space<hbm>> -> memref<80x128xf32, #tpu.memory_space<hbm>>
      %dma_wait3A_73 = arith.constant 0 : i32
      %dma_wait3A_74 = tpu.memref_slice %arg5[%arg0, %add3A_61, %dma_wait3A_73] : memref<2x10240x128xf32, #tpu.memory_space<hbm>> -> memref<1x80x128xf32, #tpu.memory_space<hbm>>
      %dma_wait3A_75 = tpu.memref_squeeze %dma_wait3A_74 : memref<1x80x128xf32, #tpu.memory_space<hbm>> -> memref<80x128xf32, #tpu.memory_space<hbm>>
      tpu.wait_dma2 semaphore(%run_scoped3A : memref<!tpu.dma_semaphore, #tpu.memory_space<semaphore_mem>>) src(%arg9 : memref<80x128xf32, #tpu.memory_space<vmem>>) dst(%dma_wait3A_75 : memref<80x128xf32, #tpu.memory_space<hbm>>)
      tpu.yield
    }) : () -> ()
    %add3A_62 = arith.constant 560 : i32
    %add3A_63 = arith.addi %mul3A_2, %add3A_62 : i32
    "tpu.region"() ({
      %run_scoped3A = tpu.sem_alloc : memref<!tpu.dma_semaphore, #tpu.memory_space<semaphore_mem>>
      %dma_start3A_64 = arith.constant 0 : i32
      %dma_start3A_65 = tpu.memref_slice %arg6[%add3A_63, %dma_start3A_64] : memref<10240x128xf32, #tpu.memory_space<vmem_shared>> -> memref<80x128xf32, #tpu.memory_space<vmem_shared>>
      %dma_start3A_66 = arith.constant 0 : i32
      %dma_start3A_67 = tpu.memref_slice %arg6[%add3A_63, %dma_start3A_66] : memref<10240x128xf32, #tpu.memory_space<vmem_shared>> -> memref<80x128xf32, #tpu.memory_space<vmem_shared>>
      tpu.enqueue_dma source(%dma_start3A_67 : memref<80x128xf32, #tpu.memory_space<vmem_shared>>) target(%arg9 : memref<80x128xf32, #tpu.memory_space<vmem>>) target_semaphore(%run_scoped3A : memref<!tpu.dma_semaphore, #tpu.memory_space<semaphore_mem>>)
      %dma_wait3A_68 = arith.constant 0 : i32
      %dma_wait3A_69 = tpu.memref_slice %arg6[%add3A_63, %dma_wait3A_68] : memref<10240x128xf32, #tpu.memory_space<vmem_shared>> -> memref<80x128xf32, #tpu.memory_space<vmem_shared>>
      %dma_wait3A_70 = arith.constant 0 : i32
      %dma_wait3A_71 = tpu.memref_slice %arg6[%add3A_63, %dma_wait3A_70] : memref<10240x128xf32, #tpu.memory_space<vmem_shared>> -> memref<80x128xf32, #tpu.memory_space<vmem_shared>>
      tpu.wait_dma2 semaphore(%run_scoped3A : memref<!tpu.dma_semaphore, #tpu.memory_space<semaphore_mem>>) src(%dma_wait3A_71 : memref<80x128xf32, #tpu.memory_space<vmem_shared>>) dst(%arg9 : memref<80x128xf32, #tpu.memory_space<vmem>>)
      tpu.yield
    }) : () -> ()
    "tpu.region"() ({
      %run_scoped3A = tpu.sem_alloc : memref<!tpu.dma_semaphore, #tpu.memory_space<semaphore_mem>>
      %dma_start3A_64 = arith.constant 0 : i32
      %dma_start3A_65 = tpu.memref_slice %arg5[%arg0, %add3A_63, %dma_start3A_64] : memref<2x10240x128xf32, #tpu.memory_space<hbm>> -> memref<1x80x128xf32, #tpu.memory_space<hbm>>
      %dma_start3A_66 = tpu.memref_squeeze %dma_start3A_65 : memref<1x80x128xf32, #tpu.memory_space<hbm>> -> memref<80x128xf32, #tpu.memory_space<hbm>>
      %dma_start3A_67 = arith.constant 0 : i32
      %dma_start3A_68 = tpu.memref_slice %arg5[%arg0, %add3A_63, %dma_start3A_67] : memref<2x10240x128xf32, #tpu.memory_space<hbm>> -> memref<1x80x128xf32, #tpu.memory_space<hbm>>
      %dma_start3A_69 = tpu.memref_squeeze %dma_start3A_68 : memref<1x80x128xf32, #tpu.memory_space<hbm>> -> memref<80x128xf32, #tpu.memory_space<hbm>>
      tpu.enqueue_dma source(%arg9 : memref<80x128xf32, #tpu.memory_space<vmem>>) target(%dma_start3A_69 : memref<80x128xf32, #tpu.memory_space<hbm>>) target_semaphore(%run_scoped3A : memref<!tpu.dma_semaphore, #tpu.memory_space<semaphore_mem>>)
      %dma_wait3A_70 = arith.constant 0 : i32
      %dma_wait3A_71 = tpu.memref_slice %arg5[%arg0, %add3A_63, %dma_wait3A_70] : memref<2x10240x128xf32, #tpu.memory_space<hbm>> -> memref<1x80x128xf32, #tpu.memory_space<hbm>>
      %dma_wait3A_72 = tpu.memref_squeeze %dma_wait3A_71 : memref<1x80x128xf32, #tpu.memory_space<hbm>> -> memref<80x128xf32, #tpu.memory_space<hbm>>
      %dma_wait3A_73 = arith.constant 0 : i32
      %dma_wait3A_74 = tpu.memref_slice %arg5[%arg0, %add3A_63, %dma_wait3A_73] : memref<2x10240x128xf32, #tpu.memory_space<hbm>> -> memref<1x80x128xf32, #tpu.memory_space<hbm>>
      %dma_wait3A_75 = tpu.memref_squeeze %dma_wait3A_74 : memref<1x80x128xf32, #tpu.memory_space<hbm>> -> memref<80x128xf32, #tpu.memory_space<hbm>>
      tpu.wait_dma2 semaphore(%run_scoped3A : memref<!tpu.dma_semaphore, #tpu.memory_space<semaphore_mem>>) src(%arg9 : memref<80x128xf32, #tpu.memory_space<vmem>>) dst(%dma_wait3A_75 : memref<80x128xf32, #tpu.memory_space<hbm>>)
      tpu.yield
    }) : () -> ()
    return
  }
}

#map = affine_map<(d0, d1) -> (0, 0)>
#map1 = affine_map<(d0, d1) -> (0)>
#map2 = affine_map<(d0, d1) -> (0, 0, 0)>
module attributes {stable_mosaic.version = 14 : i64} {
  func.func @sc_agg(%arg0: i32, %arg1: i32, %arg2: memref<10000x128xf32, #tpu.memory_space<hbm>>, %arg3: memref<320000xi32, #tpu.memory_space<hbm>>, %arg4: memref<320000xi32, #tpu.memory_space<hbm>>, %arg5: memref<80x128xf32, #tpu.memory_space<hbm>>, %arg6: memref<2x10240x128xf32, #tpu.memory_space<hbm>>, %arg7: memref<10240x128xf32, #tpu.memory_space<vmem_shared>>, %arg8: memref<80xi32, #tpu.memory_space<vmem>>, %arg9: memref<80xi32, #tpu.memory_space<vmem>>, %arg10: memref<80xi32, #tpu.memory_space<vmem>>, %arg11: memref<80xi32, #tpu.memory_space<vmem>>, %arg12: memref<80x128xf32, #tpu.memory_space<vmem>>, %arg13: memref<80x128xf32, #tpu.memory_space<vmem>>, %arg14: memref<!tpu.dma_semaphore, #tpu.memory_space<semaphore_mem>>, %arg15: memref<!tpu.dma_semaphore, #tpu.memory_space<semaphore_mem>>, %arg16: memref<!tpu.dma_semaphore, #tpu.memory_space<semaphore_mem>>, %arg17: memref<!tpu.dma_semaphore, #tpu.memory_space<semaphore_mem>>) attributes {dimension_semantics = [#tpu.dimension_semantics<core_parallel>, #tpu.dimension_semantics<subcore_parallel>], iteration_bounds = array<i64: 2, 16>, scalar_prefetch = 0 : i64, scratch_operands = 11 : i64, tpu.core_type = #tpu.core_type<sc_vector_subcore>, window_params = [{transform_indices = #map}, {transform_indices = #map1}, {transform_indices = #map1}, {transform_indices = #map}, {transform_indices = #map2}]} {
    %mul3A = arith.constant 2 : i32
    %mul3A_0 = arith.muli %arg1, %mul3A : i32
    %add3A = arith.addi %mul3A_0, %arg0 : i32
    %mul3A_1 = arith.constant 640 : i32
    %mul3A_2 = arith.muli %arg1, %mul3A_1 : i32
    %mul3A_3 = arith.constant 10000 : i32
    %mul3A_4 = arith.muli %add3A, %mul3A_3 : i32
    "tpu.region"() ({
      %run_scoped3A = tpu.sem_alloc : memref<!tpu.dma_semaphore, #tpu.memory_space<semaphore_mem>>
      tpu.enqueue_dma source(%arg5 : memref<80x128xf32, #tpu.memory_space<hbm>>) target(%arg12 : memref<80x128xf32, #tpu.memory_space<vmem>>) target_semaphore(%run_scoped3A : memref<!tpu.dma_semaphore, #tpu.memory_space<semaphore_mem>>)
      tpu.wait_dma2 semaphore(%run_scoped3A : memref<!tpu.dma_semaphore, #tpu.memory_space<semaphore_mem>>) src(%arg5 : memref<80x128xf32, #tpu.memory_space<hbm>>) dst(%arg12 : memref<80x128xf32, #tpu.memory_space<vmem>>)
      tpu.yield
    }) : () -> ()
    %add3A_5 = arith.constant 0 : i32
    %add3A_6 = arith.addi %mul3A_2, %add3A_5 : i32
    "tpu.region"() ({
      %run_scoped3A = tpu.sem_alloc : memref<!tpu.dma_semaphore, #tpu.memory_space<semaphore_mem>>
      %dma_start3A_64 = arith.constant 0 : i32
      %dma_start3A_65 = tpu.memref_slice %arg7[%add3A_6, %dma_start3A_64] : memref<10240x128xf32, #tpu.memory_space<vmem_shared>> -> memref<80x128xf32, #tpu.memory_space<vmem_shared>>
      %dma_start3A_66 = arith.constant 0 : i32
      %dma_start3A_67 = tpu.memref_slice %arg7[%add3A_6, %dma_start3A_66] : memref<10240x128xf32, #tpu.memory_space<vmem_shared>> -> memref<80x128xf32, #tpu.memory_space<vmem_shared>>
      tpu.enqueue_dma source(%arg12 : memref<80x128xf32, #tpu.memory_space<vmem>>) target(%dma_start3A_67 : memref<80x128xf32, #tpu.memory_space<vmem_shared>>) target_semaphore(%run_scoped3A : memref<!tpu.dma_semaphore, #tpu.memory_space<semaphore_mem>>)
      %dma_wait3A_68 = arith.constant 0 : i32
      %dma_wait3A_69 = tpu.memref_slice %arg7[%add3A_6, %dma_wait3A_68] : memref<10240x128xf32, #tpu.memory_space<vmem_shared>> -> memref<80x128xf32, #tpu.memory_space<vmem_shared>>
      %dma_wait3A_70 = arith.constant 0 : i32
      %dma_wait3A_71 = tpu.memref_slice %arg7[%add3A_6, %dma_wait3A_70] : memref<10240x128xf32, #tpu.memory_space<vmem_shared>> -> memref<80x128xf32, #tpu.memory_space<vmem_shared>>
      tpu.wait_dma2 semaphore(%run_scoped3A : memref<!tpu.dma_semaphore, #tpu.memory_space<semaphore_mem>>) src(%arg12 : memref<80x128xf32, #tpu.memory_space<vmem>>) dst(%dma_wait3A_71 : memref<80x128xf32, #tpu.memory_space<vmem_shared>>)
      tpu.yield
    }) : () -> ()
    %add3A_7 = arith.constant 80 : i32
    %add3A_8 = arith.addi %mul3A_2, %add3A_7 : i32
    "tpu.region"() ({
      %run_scoped3A = tpu.sem_alloc : memref<!tpu.dma_semaphore, #tpu.memory_space<semaphore_mem>>
      %dma_start3A_64 = arith.constant 0 : i32
      %dma_start3A_65 = tpu.memref_slice %arg7[%add3A_8, %dma_start3A_64] : memref<10240x128xf32, #tpu.memory_space<vmem_shared>> -> memref<80x128xf32, #tpu.memory_space<vmem_shared>>
      %dma_start3A_66 = arith.constant 0 : i32
      %dma_start3A_67 = tpu.memref_slice %arg7[%add3A_8, %dma_start3A_66] : memref<10240x128xf32, #tpu.memory_space<vmem_shared>> -> memref<80x128xf32, #tpu.memory_space<vmem_shared>>
      tpu.enqueue_dma source(%arg12 : memref<80x128xf32, #tpu.memory_space<vmem>>) target(%dma_start3A_67 : memref<80x128xf32, #tpu.memory_space<vmem_shared>>) target_semaphore(%run_scoped3A : memref<!tpu.dma_semaphore, #tpu.memory_space<semaphore_mem>>)
      %dma_wait3A_68 = arith.constant 0 : i32
      %dma_wait3A_69 = tpu.memref_slice %arg7[%add3A_8, %dma_wait3A_68] : memref<10240x128xf32, #tpu.memory_space<vmem_shared>> -> memref<80x128xf32, #tpu.memory_space<vmem_shared>>
      %dma_wait3A_70 = arith.constant 0 : i32
      %dma_wait3A_71 = tpu.memref_slice %arg7[%add3A_8, %dma_wait3A_70] : memref<10240x128xf32, #tpu.memory_space<vmem_shared>> -> memref<80x128xf32, #tpu.memory_space<vmem_shared>>
      tpu.wait_dma2 semaphore(%run_scoped3A : memref<!tpu.dma_semaphore, #tpu.memory_space<semaphore_mem>>) src(%arg12 : memref<80x128xf32, #tpu.memory_space<vmem>>) dst(%dma_wait3A_71 : memref<80x128xf32, #tpu.memory_space<vmem_shared>>)
      tpu.yield
    }) : () -> ()
    %add3A_9 = arith.constant 160 : i32
    %add3A_10 = arith.addi %mul3A_2, %add3A_9 : i32
    "tpu.region"() ({
      %run_scoped3A = tpu.sem_alloc : memref<!tpu.dma_semaphore, #tpu.memory_space<semaphore_mem>>
      %dma_start3A_64 = arith.constant 0 : i32
      %dma_start3A_65 = tpu.memref_slice %arg7[%add3A_10, %dma_start3A_64] : memref<10240x128xf32, #tpu.memory_space<vmem_shared>> -> memref<80x128xf32, #tpu.memory_space<vmem_shared>>
      %dma_start3A_66 = arith.constant 0 : i32
      %dma_start3A_67 = tpu.memref_slice %arg7[%add3A_10, %dma_start3A_66] : memref<10240x128xf32, #tpu.memory_space<vmem_shared>> -> memref<80x128xf32, #tpu.memory_space<vmem_shared>>
      tpu.enqueue_dma source(%arg12 : memref<80x128xf32, #tpu.memory_space<vmem>>) target(%dma_start3A_67 : memref<80x128xf32, #tpu.memory_space<vmem_shared>>) target_semaphore(%run_scoped3A : memref<!tpu.dma_semaphore, #tpu.memory_space<semaphore_mem>>)
      %dma_wait3A_68 = arith.constant 0 : i32
      %dma_wait3A_69 = tpu.memref_slice %arg7[%add3A_10, %dma_wait3A_68] : memref<10240x128xf32, #tpu.memory_space<vmem_shared>> -> memref<80x128xf32, #tpu.memory_space<vmem_shared>>
      %dma_wait3A_70 = arith.constant 0 : i32
      %dma_wait3A_71 = tpu.memref_slice %arg7[%add3A_10, %dma_wait3A_70] : memref<10240x128xf32, #tpu.memory_space<vmem_shared>> -> memref<80x128xf32, #tpu.memory_space<vmem_shared>>
      tpu.wait_dma2 semaphore(%run_scoped3A : memref<!tpu.dma_semaphore, #tpu.memory_space<semaphore_mem>>) src(%arg12 : memref<80x128xf32, #tpu.memory_space<vmem>>) dst(%dma_wait3A_71 : memref<80x128xf32, #tpu.memory_space<vmem_shared>>)
      tpu.yield
    }) : () -> ()
    %add3A_11 = arith.constant 240 : i32
    %add3A_12 = arith.addi %mul3A_2, %add3A_11 : i32
    "tpu.region"() ({
      %run_scoped3A = tpu.sem_alloc : memref<!tpu.dma_semaphore, #tpu.memory_space<semaphore_mem>>
      %dma_start3A_64 = arith.constant 0 : i32
      %dma_start3A_65 = tpu.memref_slice %arg7[%add3A_12, %dma_start3A_64] : memref<10240x128xf32, #tpu.memory_space<vmem_shared>> -> memref<80x128xf32, #tpu.memory_space<vmem_shared>>
      %dma_start3A_66 = arith.constant 0 : i32
      %dma_start3A_67 = tpu.memref_slice %arg7[%add3A_12, %dma_start3A_66] : memref<10240x128xf32, #tpu.memory_space<vmem_shared>> -> memref<80x128xf32, #tpu.memory_space<vmem_shared>>
      tpu.enqueue_dma source(%arg12 : memref<80x128xf32, #tpu.memory_space<vmem>>) target(%dma_start3A_67 : memref<80x128xf32, #tpu.memory_space<vmem_shared>>) target_semaphore(%run_scoped3A : memref<!tpu.dma_semaphore, #tpu.memory_space<semaphore_mem>>)
      %dma_wait3A_68 = arith.constant 0 : i32
      %dma_wait3A_69 = tpu.memref_slice %arg7[%add3A_12, %dma_wait3A_68] : memref<10240x128xf32, #tpu.memory_space<vmem_shared>> -> memref<80x128xf32, #tpu.memory_space<vmem_shared>>
      %dma_wait3A_70 = arith.constant 0 : i32
      %dma_wait3A_71 = tpu.memref_slice %arg7[%add3A_12, %dma_wait3A_70] : memref<10240x128xf32, #tpu.memory_space<vmem_shared>> -> memref<80x128xf32, #tpu.memory_space<vmem_shared>>
      tpu.wait_dma2 semaphore(%run_scoped3A : memref<!tpu.dma_semaphore, #tpu.memory_space<semaphore_mem>>) src(%arg12 : memref<80x128xf32, #tpu.memory_space<vmem>>) dst(%dma_wait3A_71 : memref<80x128xf32, #tpu.memory_space<vmem_shared>>)
      tpu.yield
    }) : () -> ()
    %add3A_13 = arith.constant 320 : i32
    %add3A_14 = arith.addi %mul3A_2, %add3A_13 : i32
    "tpu.region"() ({
      %run_scoped3A = tpu.sem_alloc : memref<!tpu.dma_semaphore, #tpu.memory_space<semaphore_mem>>
      %dma_start3A_64 = arith.constant 0 : i32
      %dma_start3A_65 = tpu.memref_slice %arg7[%add3A_14, %dma_start3A_64] : memref<10240x128xf32, #tpu.memory_space<vmem_shared>> -> memref<80x128xf32, #tpu.memory_space<vmem_shared>>
      %dma_start3A_66 = arith.constant 0 : i32
      %dma_start3A_67 = tpu.memref_slice %arg7[%add3A_14, %dma_start3A_66] : memref<10240x128xf32, #tpu.memory_space<vmem_shared>> -> memref<80x128xf32, #tpu.memory_space<vmem_shared>>
      tpu.enqueue_dma source(%arg12 : memref<80x128xf32, #tpu.memory_space<vmem>>) target(%dma_start3A_67 : memref<80x128xf32, #tpu.memory_space<vmem_shared>>) target_semaphore(%run_scoped3A : memref<!tpu.dma_semaphore, #tpu.memory_space<semaphore_mem>>)
      %dma_wait3A_68 = arith.constant 0 : i32
      %dma_wait3A_69 = tpu.memref_slice %arg7[%add3A_14, %dma_wait3A_68] : memref<10240x128xf32, #tpu.memory_space<vmem_shared>> -> memref<80x128xf32, #tpu.memory_space<vmem_shared>>
      %dma_wait3A_70 = arith.constant 0 : i32
      %dma_wait3A_71 = tpu.memref_slice %arg7[%add3A_14, %dma_wait3A_70] : memref<10240x128xf32, #tpu.memory_space<vmem_shared>> -> memref<80x128xf32, #tpu.memory_space<vmem_shared>>
      tpu.wait_dma2 semaphore(%run_scoped3A : memref<!tpu.dma_semaphore, #tpu.memory_space<semaphore_mem>>) src(%arg12 : memref<80x128xf32, #tpu.memory_space<vmem>>) dst(%dma_wait3A_71 : memref<80x128xf32, #tpu.memory_space<vmem_shared>>)
      tpu.yield
    }) : () -> ()
    %add3A_15 = arith.constant 400 : i32
    %add3A_16 = arith.addi %mul3A_2, %add3A_15 : i32
    "tpu.region"() ({
      %run_scoped3A = tpu.sem_alloc : memref<!tpu.dma_semaphore, #tpu.memory_space<semaphore_mem>>
      %dma_start3A_64 = arith.constant 0 : i32
      %dma_start3A_65 = tpu.memref_slice %arg7[%add3A_16, %dma_start3A_64] : memref<10240x128xf32, #tpu.memory_space<vmem_shared>> -> memref<80x128xf32, #tpu.memory_space<vmem_shared>>
      %dma_start3A_66 = arith.constant 0 : i32
      %dma_start3A_67 = tpu.memref_slice %arg7[%add3A_16, %dma_start3A_66] : memref<10240x128xf32, #tpu.memory_space<vmem_shared>> -> memref<80x128xf32, #tpu.memory_space<vmem_shared>>
      tpu.enqueue_dma source(%arg12 : memref<80x128xf32, #tpu.memory_space<vmem>>) target(%dma_start3A_67 : memref<80x128xf32, #tpu.memory_space<vmem_shared>>) target_semaphore(%run_scoped3A : memref<!tpu.dma_semaphore, #tpu.memory_space<semaphore_mem>>)
      %dma_wait3A_68 = arith.constant 0 : i32
      %dma_wait3A_69 = tpu.memref_slice %arg7[%add3A_16, %dma_wait3A_68] : memref<10240x128xf32, #tpu.memory_space<vmem_shared>> -> memref<80x128xf32, #tpu.memory_space<vmem_shared>>
      %dma_wait3A_70 = arith.constant 0 : i32
      %dma_wait3A_71 = tpu.memref_slice %arg7[%add3A_16, %dma_wait3A_70] : memref<10240x128xf32, #tpu.memory_space<vmem_shared>> -> memref<80x128xf32, #tpu.memory_space<vmem_shared>>
      tpu.wait_dma2 semaphore(%run_scoped3A : memref<!tpu.dma_semaphore, #tpu.memory_space<semaphore_mem>>) src(%arg12 : memref<80x128xf32, #tpu.memory_space<vmem>>) dst(%dma_wait3A_71 : memref<80x128xf32, #tpu.memory_space<vmem_shared>>)
      tpu.yield
    }) : () -> ()
    %add3A_17 = arith.constant 480 : i32
    %add3A_18 = arith.addi %mul3A_2, %add3A_17 : i32
    "tpu.region"() ({
      %run_scoped3A = tpu.sem_alloc : memref<!tpu.dma_semaphore, #tpu.memory_space<semaphore_mem>>
      %dma_start3A_64 = arith.constant 0 : i32
      %dma_start3A_65 = tpu.memref_slice %arg7[%add3A_18, %dma_start3A_64] : memref<10240x128xf32, #tpu.memory_space<vmem_shared>> -> memref<80x128xf32, #tpu.memory_space<vmem_shared>>
      %dma_start3A_66 = arith.constant 0 : i32
      %dma_start3A_67 = tpu.memref_slice %arg7[%add3A_18, %dma_start3A_66] : memref<10240x128xf32, #tpu.memory_space<vmem_shared>> -> memref<80x128xf32, #tpu.memory_space<vmem_shared>>
      tpu.enqueue_dma source(%arg12 : memref<80x128xf32, #tpu.memory_space<vmem>>) target(%dma_start3A_67 : memref<80x128xf32, #tpu.memory_space<vmem_shared>>) target_semaphore(%run_scoped3A : memref<!tpu.dma_semaphore, #tpu.memory_space<semaphore_mem>>)
      %dma_wait3A_68 = arith.constant 0 : i32
      %dma_wait3A_69 = tpu.memref_slice %arg7[%add3A_18, %dma_wait3A_68] : memref<10240x128xf32, #tpu.memory_space<vmem_shared>> -> memref<80x128xf32, #tpu.memory_space<vmem_shared>>
      %dma_wait3A_70 = arith.constant 0 : i32
      %dma_wait3A_71 = tpu.memref_slice %arg7[%add3A_18, %dma_wait3A_70] : memref<10240x128xf32, #tpu.memory_space<vmem_shared>> -> memref<80x128xf32, #tpu.memory_space<vmem_shared>>
      tpu.wait_dma2 semaphore(%run_scoped3A : memref<!tpu.dma_semaphore, #tpu.memory_space<semaphore_mem>>) src(%arg12 : memref<80x128xf32, #tpu.memory_space<vmem>>) dst(%dma_wait3A_71 : memref<80x128xf32, #tpu.memory_space<vmem_shared>>)
      tpu.yield
    }) : () -> ()
    %add3A_19 = arith.constant 560 : i32
    %add3A_20 = arith.addi %mul3A_2, %add3A_19 : i32
    "tpu.region"() ({
      %run_scoped3A = tpu.sem_alloc : memref<!tpu.dma_semaphore, #tpu.memory_space<semaphore_mem>>
      %dma_start3A_64 = arith.constant 0 : i32
      %dma_start3A_65 = tpu.memref_slice %arg7[%add3A_20, %dma_start3A_64] : memref<10240x128xf32, #tpu.memory_space<vmem_shared>> -> memref<80x128xf32, #tpu.memory_space<vmem_shared>>
      %dma_start3A_66 = arith.constant 0 : i32
      %dma_start3A_67 = tpu.memref_slice %arg7[%add3A_20, %dma_start3A_66] : memref<10240x128xf32, #tpu.memory_space<vmem_shared>> -> memref<80x128xf32, #tpu.memory_space<vmem_shared>>
      tpu.enqueue_dma source(%arg12 : memref<80x128xf32, #tpu.memory_space<vmem>>) target(%dma_start3A_67 : memref<80x128xf32, #tpu.memory_space<vmem_shared>>) target_semaphore(%run_scoped3A : memref<!tpu.dma_semaphore, #tpu.memory_space<semaphore_mem>>)
      %dma_wait3A_68 = arith.constant 0 : i32
      %dma_wait3A_69 = tpu.memref_slice %arg7[%add3A_20, %dma_wait3A_68] : memref<10240x128xf32, #tpu.memory_space<vmem_shared>> -> memref<80x128xf32, #tpu.memory_space<vmem_shared>>
      %dma_wait3A_70 = arith.constant 0 : i32
      %dma_wait3A_71 = tpu.memref_slice %arg7[%add3A_20, %dma_wait3A_70] : memref<10240x128xf32, #tpu.memory_space<vmem_shared>> -> memref<80x128xf32, #tpu.memory_space<vmem_shared>>
      tpu.wait_dma2 semaphore(%run_scoped3A : memref<!tpu.dma_semaphore, #tpu.memory_space<semaphore_mem>>) src(%arg12 : memref<80x128xf32, #tpu.memory_space<vmem>>) dst(%dma_wait3A_71 : memref<80x128xf32, #tpu.memory_space<vmem_shared>>)
      tpu.yield
    }) : () -> ()
    %barrier3A = arith.constant 0 : index
    tpu.barrier barrier_id(%barrier3A)
    "tpu.region"() ({
      %run_scoped3A = tpu.sem_alloc : memref<!tpu.dma_semaphore, #tpu.memory_space<semaphore_mem>>
      %dma_start3A_64 = tpu.memref_slice %arg3[%mul3A_4] : memref<320000xi32, #tpu.memory_space<hbm>> -> memref<80xi32, #tpu.memory_space<hbm>>
      %dma_start3A_65 = tpu.memref_slice %arg3[%mul3A_4] : memref<320000xi32, #tpu.memory_space<hbm>> -> memref<80xi32, #tpu.memory_space<hbm>>
      tpu.enqueue_dma source(%dma_start3A_65 : memref<80xi32, #tpu.memory_space<hbm>>) target(%arg8 : memref<80xi32, #tpu.memory_space<vmem>>) target_semaphore(%run_scoped3A : memref<!tpu.dma_semaphore, #tpu.memory_space<semaphore_mem>>)
      %dma_wait3A_66 = tpu.memref_slice %arg3[%mul3A_4] : memref<320000xi32, #tpu.memory_space<hbm>> -> memref<80xi32, #tpu.memory_space<hbm>>
      %dma_wait3A_67 = tpu.memref_slice %arg3[%mul3A_4] : memref<320000xi32, #tpu.memory_space<hbm>> -> memref<80xi32, #tpu.memory_space<hbm>>
      tpu.wait_dma2 semaphore(%run_scoped3A : memref<!tpu.dma_semaphore, #tpu.memory_space<semaphore_mem>>) src(%dma_wait3A_67 : memref<80xi32, #tpu.memory_space<hbm>>) dst(%arg8 : memref<80xi32, #tpu.memory_space<vmem>>)
      tpu.yield
    }) : () -> ()
    "tpu.region"() ({
      %run_scoped3A = tpu.sem_alloc : memref<!tpu.dma_semaphore, #tpu.memory_space<semaphore_mem>>
      %dma_start3A_64 = tpu.memref_slice %arg4[%mul3A_4] : memref<320000xi32, #tpu.memory_space<hbm>> -> memref<80xi32, #tpu.memory_space<hbm>>
      %dma_start3A_65 = tpu.memref_slice %arg4[%mul3A_4] : memref<320000xi32, #tpu.memory_space<hbm>> -> memref<80xi32, #tpu.memory_space<hbm>>
      tpu.enqueue_dma source(%dma_start3A_65 : memref<80xi32, #tpu.memory_space<hbm>>) target(%arg10 : memref<80xi32, #tpu.memory_space<vmem>>) target_semaphore(%run_scoped3A : memref<!tpu.dma_semaphore, #tpu.memory_space<semaphore_mem>>)
      %dma_wait3A_66 = tpu.memref_slice %arg4[%mul3A_4] : memref<320000xi32, #tpu.memory_space<hbm>> -> memref<80xi32, #tpu.memory_space<hbm>>
      %dma_wait3A_67 = tpu.memref_slice %arg4[%mul3A_4] : memref<320000xi32, #tpu.memory_space<hbm>> -> memref<80xi32, #tpu.memory_space<hbm>>
      tpu.wait_dma2 semaphore(%run_scoped3A : memref<!tpu.dma_semaphore, #tpu.memory_space<semaphore_mem>>) src(%dma_wait3A_67 : memref<80xi32, #tpu.memory_space<hbm>>) dst(%arg10 : memref<80xi32, #tpu.memory_space<vmem>>)
      tpu.yield
    }) : () -> ()
    %dma_start3A = arith.constant 0 : i32
    %dma_start3A_21 = arith.constant 0 : i32
    %dma_start3A_22 = tpu.memref_slice %arg2[%dma_start3A, %dma_start3A_21] : memref<10000x128xf32, #tpu.memory_space<hbm>> -> memref<10000x128xf32, #tpu.memory_space<hbm>>
    tpu.enqueue_indirect_dma source(%dma_start3A_22 : memref<10000x128xf32, #tpu.memory_space<hbm>>) target(%arg12 : memref<80x128xf32, #tpu.memory_space<vmem>>) offsets(%arg8 : memref<80xi32, #tpu.memory_space<vmem>>) semaphore(%arg14 : memref<!tpu.dma_semaphore, #tpu.memory_space<semaphore_mem>>)
    %min3A = arith.constant 1 : i32
    %min3A_23 = arith.constant 124 : i32
    %min3A_24 = arith.minsi %min3A, %min3A_23 : i32
    %mul3A_25 = arith.constant 80 : i32
    %mul3A_26 = arith.muli %min3A_24, %mul3A_25 : i32
    %add3A_27 = arith.addi %mul3A_4, %mul3A_26 : i32
    %dma_start3A_28 = tpu.memref_slice %arg3[%add3A_27] : memref<320000xi32, #tpu.memory_space<hbm>> -> memref<80xi32, #tpu.memory_space<hbm>>
    %dma_start3A_29 = tpu.memref_slice %arg3[%add3A_27] : memref<320000xi32, #tpu.memory_space<hbm>> -> memref<80xi32, #tpu.memory_space<hbm>>
    tpu.enqueue_dma source(%dma_start3A_29 : memref<80xi32, #tpu.memory_space<hbm>>) target(%arg9 : memref<80xi32, #tpu.memory_space<vmem>>) target_semaphore(%arg17 : memref<!tpu.dma_semaphore, #tpu.memory_space<semaphore_mem>>)
    %dma_start3A_30 = tpu.memref_slice %arg4[%add3A_27] : memref<320000xi32, #tpu.memory_space<hbm>> -> memref<80xi32, #tpu.memory_space<hbm>>
    %dma_start3A_31 = tpu.memref_slice %arg4[%add3A_27] : memref<320000xi32, #tpu.memory_space<hbm>> -> memref<80xi32, #tpu.memory_space<hbm>>
    tpu.enqueue_dma source(%dma_start3A_31 : memref<80xi32, #tpu.memory_space<hbm>>) target(%arg11 : memref<80xi32, #tpu.memory_space<vmem>>) target_semaphore(%arg17 : memref<!tpu.dma_semaphore, #tpu.memory_space<semaphore_mem>>)
    %scan3A = arith.constant 0 : i32
    %scan3A_32 = arith.constant 0 : i32
    %scan3A_33 = arith.constant 62 : i32
    %scan3A_34 = arith.addi %scan3A_32, %scan3A_33 : i32
    %scan3A_35 = arith.constant 1 : i32
    scf.for %scan3A_64 = %scan3A_32 to %scan3A_34 step %scan3A_35  : i32 {
      %mul3A_65 = arith.constant 2 : i32
      %mul3A_66 = arith.muli %mul3A_65, %scan3A_64 : i32
      %add3A_67 = arith.constant 2 : i32
      %add3A_68 = arith.addi %mul3A_66, %add3A_67 : i32
      %dma_wait3A_69 = arith.constant 0 : i32
      %dma_wait3A_70 = tpu.memref_slice %arg3[%dma_wait3A_69] : memref<320000xi32, #tpu.memory_space<hbm>> -> memref<80xi32, #tpu.memory_space<hbm>>
      %dma_wait3A_71 = arith.constant 0 : i32
      %dma_wait3A_72 = tpu.memref_slice %arg3[%dma_wait3A_71] : memref<320000xi32, #tpu.memory_space<hbm>> -> memref<80xi32, #tpu.memory_space<hbm>>
      tpu.wait_dma2 semaphore(%arg17 : memref<!tpu.dma_semaphore, #tpu.memory_space<semaphore_mem>>) src(%dma_wait3A_72 : memref<80xi32, #tpu.memory_space<hbm>>) dst(%arg9 : memref<80xi32, #tpu.memory_space<vmem>>)
      %dma_wait3A_73 = arith.constant 0 : i32
      %dma_wait3A_74 = tpu.memref_slice %arg4[%dma_wait3A_73] : memref<320000xi32, #tpu.memory_space<hbm>> -> memref<80xi32, #tpu.memory_space<hbm>>
      %dma_wait3A_75 = arith.constant 0 : i32
      %dma_wait3A_76 = tpu.memref_slice %arg4[%dma_wait3A_75] : memref<320000xi32, #tpu.memory_space<hbm>> -> memref<80xi32, #tpu.memory_space<hbm>>
      tpu.wait_dma2 semaphore(%arg17 : memref<!tpu.dma_semaphore, #tpu.memory_space<semaphore_mem>>) src(%dma_wait3A_76 : memref<80xi32, #tpu.memory_space<hbm>>) dst(%arg11 : memref<80xi32, #tpu.memory_space<vmem>>)
      %dma_start3A_77 = arith.constant 0 : i32
      %dma_start3A_78 = arith.constant 0 : i32
      %dma_start3A_79 = tpu.memref_slice %arg2[%dma_start3A_77, %dma_start3A_78] : memref<10000x128xf32, #tpu.memory_space<hbm>> -> memref<10000x128xf32, #tpu.memory_space<hbm>>
      tpu.enqueue_indirect_dma source(%dma_start3A_79 : memref<10000x128xf32, #tpu.memory_space<hbm>>) target(%arg13 : memref<80x128xf32, #tpu.memory_space<vmem>>) offsets(%arg9 : memref<80xi32, #tpu.memory_space<vmem>>) semaphore(%arg15 : memref<!tpu.dma_semaphore, #tpu.memory_space<semaphore_mem>>)
      %dma_wait3A_80 = arith.constant 0 : i32
      %dma_wait3A_81 = arith.constant 0 : i32
      %dma_wait3A_82 = tpu.memref_slice %arg2[%dma_wait3A_80, %dma_wait3A_81] : memref<10000x128xf32, #tpu.memory_space<hbm>> -> memref<10000x128xf32, #tpu.memory_space<hbm>>
      tpu.wait_indirect_dma semaphore(%arg14 : memref<!tpu.dma_semaphore, #tpu.memory_space<semaphore_mem>>) src(%dma_wait3A_82 : memref<10000x128xf32, #tpu.memory_space<hbm>>) dst(%arg12 : memref<80x128xf32, #tpu.memory_space<vmem>>)
      "tpu.region"() ({
        %run_scoped3A = tpu.sem_alloc : memref<!tpu.dma_semaphore, #tpu.memory_space<semaphore_mem>>
        %dma_start3A_117 = arith.constant 0 : i32
        %dma_start3A_118 = arith.constant 0 : i32
        %dma_start3A_119 = tpu.memref_slice %arg7[%dma_start3A_117, %dma_start3A_118] : memref<10240x128xf32, #tpu.memory_space<vmem_shared>> -> memref<10240x128xf32, #tpu.memory_space<vmem_shared>>
        tpu.enqueue_indirect_dma source(%arg12 : memref<80x128xf32, #tpu.memory_space<vmem>>) target(%dma_start3A_119 : memref<10240x128xf32, #tpu.memory_space<vmem_shared>>) offsets(%arg10 : memref<80xi32, #tpu.memory_space<vmem>>) semaphore(%run_scoped3A : memref<!tpu.dma_semaphore, #tpu.memory_space<semaphore_mem>>) {add = true}
        %dma_wait3A_120 = arith.constant 0 : i32
        %dma_wait3A_121 = arith.constant 0 : i32
        %dma_wait3A_122 = tpu.memref_slice %arg7[%dma_wait3A_120, %dma_wait3A_121] : memref<10240x128xf32, #tpu.memory_space<vmem_shared>> -> memref<10240x128xf32, #tpu.memory_space<vmem_shared>>
        tpu.wait_indirect_dma semaphore(%run_scoped3A : memref<!tpu.dma_semaphore, #tpu.memory_space<semaphore_mem>>) src(%arg12 : memref<80x128xf32, #tpu.memory_space<vmem>>) dst(%dma_wait3A_122 : memref<10240x128xf32, #tpu.memory_space<vmem_shared>>)
        tpu.yield
      }) : () -> ()
      %min3A_83 = arith.constant 124 : i32
      %min3A_84 = arith.minsi %add3A_68, %min3A_83 : i32
      %mul3A_85 = arith.constant 80 : i32
      %mul3A_86 = arith.muli %min3A_84, %mul3A_85 : i32
      %add3A_87 = arith.addi %mul3A_4, %mul3A_86 : i32
      %dma_start3A_88 = tpu.memref_slice %arg3[%add3A_87] : memref<320000xi32, #tpu.memory_space<hbm>> -> memref<80xi32, #tpu.memory_space<hbm>>
      %dma_start3A_89 = tpu.memref_slice %arg3[%add3A_87] : memref<320000xi32, #tpu.memory_space<hbm>> -> memref<80xi32, #tpu.memory_space<hbm>>
      tpu.enqueue_dma source(%dma_start3A_89 : memref<80xi32, #tpu.memory_space<hbm>>) target(%arg8 : memref<80xi32, #tpu.memory_space<vmem>>) target_semaphore(%arg16 : memref<!tpu.dma_semaphore, #tpu.memory_space<semaphore_mem>>)
      %dma_start3A_90 = tpu.memref_slice %arg4[%add3A_87] : memref<320000xi32, #tpu.memory_space<hbm>> -> memref<80xi32, #tpu.memory_space<hbm>>
      %dma_start3A_91 = tpu.memref_slice %arg4[%add3A_87] : memref<320000xi32, #tpu.memory_space<hbm>> -> memref<80xi32, #tpu.memory_space<hbm>>
      tpu.enqueue_dma source(%dma_start3A_91 : memref<80xi32, #tpu.memory_space<hbm>>) target(%arg10 : memref<80xi32, #tpu.memory_space<vmem>>) target_semaphore(%arg16 : memref<!tpu.dma_semaphore, #tpu.memory_space<semaphore_mem>>)
      %dma_wait3A_92 = arith.constant 0 : i32
      %dma_wait3A_93 = tpu.memref_slice %arg3[%dma_wait3A_92] : memref<320000xi32, #tpu.memory_space<hbm>> -> memref<80xi32, #tpu.memory_space<hbm>>
      %dma_wait3A_94 = arith.constant 0 : i32
      %dma_wait3A_95 = tpu.memref_slice %arg3[%dma_wait3A_94] : memref<320000xi32, #tpu.memory_space<hbm>> -> memref<80xi32, #tpu.memory_space<hbm>>
      tpu.wait_dma2 semaphore(%arg16 : memref<!tpu.dma_semaphore, #tpu.memory_space<semaphore_mem>>) src(%dma_wait3A_95 : memref<80xi32, #tpu.memory_space<hbm>>) dst(%arg8 : memref<80xi32, #tpu.memory_space<vmem>>)
      %dma_wait3A_96 = arith.constant 0 : i32
      %dma_wait3A_97 = tpu.memref_slice %arg4[%dma_wait3A_96] : memref<320000xi32, #tpu.memory_space<hbm>> -> memref<80xi32, #tpu.memory_space<hbm>>
      %dma_wait3A_98 = arith.constant 0 : i32
      %dma_wait3A_99 = tpu.memref_slice %arg4[%dma_wait3A_98] : memref<320000xi32, #tpu.memory_space<hbm>> -> memref<80xi32, #tpu.memory_space<hbm>>
      tpu.wait_dma2 semaphore(%arg16 : memref<!tpu.dma_semaphore, #tpu.memory_space<semaphore_mem>>) src(%dma_wait3A_99 : memref<80xi32, #tpu.memory_space<hbm>>) dst(%arg10 : memref<80xi32, #tpu.memory_space<vmem>>)
      %dma_start3A_100 = arith.constant 0 : i32
      %dma_start3A_101 = arith.constant 0 : i32
      %dma_start3A_102 = tpu.memref_slice %arg2[%dma_start3A_100, %dma_start3A_101] : memref<10000x128xf32, #tpu.memory_space<hbm>> -> memref<10000x128xf32, #tpu.memory_space<hbm>>
      tpu.enqueue_indirect_dma source(%dma_start3A_102 : memref<10000x128xf32, #tpu.memory_space<hbm>>) target(%arg12 : memref<80x128xf32, #tpu.memory_space<vmem>>) offsets(%arg8 : memref<80xi32, #tpu.memory_space<vmem>>) semaphore(%arg14 : memref<!tpu.dma_semaphore, #tpu.memory_space<semaphore_mem>>)
      %dma_wait3A_103 = arith.constant 0 : i32
      %dma_wait3A_104 = arith.constant 0 : i32
      %dma_wait3A_105 = tpu.memref_slice %arg2[%dma_wait3A_103, %dma_wait3A_104] : memref<10000x128xf32, #tpu.memory_space<hbm>> -> memref<10000x128xf32, #tpu.memory_space<hbm>>
      tpu.wait_indirect_dma semaphore(%arg15 : memref<!tpu.dma_semaphore, #tpu.memory_space<semaphore_mem>>) src(%dma_wait3A_105 : memref<10000x128xf32, #tpu.memory_space<hbm>>) dst(%arg13 : memref<80x128xf32, #tpu.memory_space<vmem>>)
      "tpu.region"() ({
        %run_scoped3A = tpu.sem_alloc : memref<!tpu.dma_semaphore, #tpu.memory_space<semaphore_mem>>
        %dma_start3A_117 = arith.constant 0 : i32
        %dma_start3A_118 = arith.constant 0 : i32
        %dma_start3A_119 = tpu.memref_slice %arg7[%dma_start3A_117, %dma_start3A_118] : memref<10240x128xf32, #tpu.memory_space<vmem_shared>> -> memref<10240x128xf32, #tpu.memory_space<vmem_shared>>
        tpu.enqueue_indirect_dma source(%arg13 : memref<80x128xf32, #tpu.memory_space<vmem>>) target(%dma_start3A_119 : memref<10240x128xf32, #tpu.memory_space<vmem_shared>>) offsets(%arg11 : memref<80xi32, #tpu.memory_space<vmem>>) semaphore(%run_scoped3A : memref<!tpu.dma_semaphore, #tpu.memory_space<semaphore_mem>>) {add = true}
        %dma_wait3A_120 = arith.constant 0 : i32
        %dma_wait3A_121 = arith.constant 0 : i32
        %dma_wait3A_122 = tpu.memref_slice %arg7[%dma_wait3A_120, %dma_wait3A_121] : memref<10240x128xf32, #tpu.memory_space<vmem_shared>> -> memref<10240x128xf32, #tpu.memory_space<vmem_shared>>
        tpu.wait_indirect_dma semaphore(%run_scoped3A : memref<!tpu.dma_semaphore, #tpu.memory_space<semaphore_mem>>) src(%arg13 : memref<80x128xf32, #tpu.memory_space<vmem>>) dst(%dma_wait3A_122 : memref<10240x128xf32, #tpu.memory_space<vmem_shared>>)
        tpu.yield
      }) : () -> ()
      %add3A_106 = arith.constant 1 : i32
      %add3A_107 = arith.addi %add3A_68, %add3A_106 : i32
      %min3A_108 = arith.constant 124 : i32
      %min3A_109 = arith.minsi %add3A_107, %min3A_108 : i32
      %mul3A_110 = arith.constant 80 : i32
      %mul3A_111 = arith.muli %min3A_109, %mul3A_110 : i32
      %add3A_112 = arith.addi %mul3A_4, %mul3A_111 : i32
      %dma_start3A_113 = tpu.memref_slice %arg3[%add3A_112] : memref<320000xi32, #tpu.memory_space<hbm>> -> memref<80xi32, #tpu.memory_space<hbm>>
      %dma_start3A_114 = tpu.memref_slice %arg3[%add3A_112] : memref<320000xi32, #tpu.memory_space<hbm>> -> memref<80xi32, #tpu.memory_space<hbm>>
      tpu.enqueue_dma source(%dma_start3A_114 : memref<80xi32, #tpu.memory_space<hbm>>) target(%arg9 : memref<80xi32, #tpu.memory_space<vmem>>) target_semaphore(%arg17 : memref<!tpu.dma_semaphore, #tpu.memory_space<semaphore_mem>>)
      %dma_start3A_115 = tpu.memref_slice %arg4[%add3A_112] : memref<320000xi32, #tpu.memory_space<hbm>> -> memref<80xi32, #tpu.memory_space<hbm>>
      %dma_start3A_116 = tpu.memref_slice %arg4[%add3A_112] : memref<320000xi32, #tpu.memory_space<hbm>> -> memref<80xi32, #tpu.memory_space<hbm>>
      tpu.enqueue_dma source(%dma_start3A_116 : memref<80xi32, #tpu.memory_space<hbm>>) target(%arg11 : memref<80xi32, #tpu.memory_space<vmem>>) target_semaphore(%arg17 : memref<!tpu.dma_semaphore, #tpu.memory_space<semaphore_mem>>)
    }
    %scan3A_36 = arith.constant 62 : i32
    %dma_wait3A = arith.constant 0 : i32
    %dma_wait3A_37 = tpu.memref_slice %arg3[%dma_wait3A] : memref<320000xi32, #tpu.memory_space<hbm>> -> memref<80xi32, #tpu.memory_space<hbm>>
    %dma_wait3A_38 = arith.constant 0 : i32
    %dma_wait3A_39 = tpu.memref_slice %arg3[%dma_wait3A_38] : memref<320000xi32, #tpu.memory_space<hbm>> -> memref<80xi32, #tpu.memory_space<hbm>>
    tpu.wait_dma2 semaphore(%arg17 : memref<!tpu.dma_semaphore, #tpu.memory_space<semaphore_mem>>) src(%dma_wait3A_39 : memref<80xi32, #tpu.memory_space<hbm>>) dst(%arg9 : memref<80xi32, #tpu.memory_space<vmem>>)
    %dma_wait3A_40 = arith.constant 0 : i32
    %dma_wait3A_41 = tpu.memref_slice %arg4[%dma_wait3A_40] : memref<320000xi32, #tpu.memory_space<hbm>> -> memref<80xi32, #tpu.memory_space<hbm>>
    %dma_wait3A_42 = arith.constant 0 : i32
    %dma_wait3A_43 = tpu.memref_slice %arg4[%dma_wait3A_42] : memref<320000xi32, #tpu.memory_space<hbm>> -> memref<80xi32, #tpu.memory_space<hbm>>
    tpu.wait_dma2 semaphore(%arg17 : memref<!tpu.dma_semaphore, #tpu.memory_space<semaphore_mem>>) src(%dma_wait3A_43 : memref<80xi32, #tpu.memory_space<hbm>>) dst(%arg11 : memref<80xi32, #tpu.memory_space<vmem>>)
    %dma_wait3A_44 = arith.constant 0 : i32
    %dma_wait3A_45 = arith.constant 0 : i32
    %dma_wait3A_46 = tpu.memref_slice %arg2[%dma_wait3A_44, %dma_wait3A_45] : memref<10000x128xf32, #tpu.memory_space<hbm>> -> memref<10000x128xf32, #tpu.memory_space<hbm>>
    tpu.wait_indirect_dma semaphore(%arg14 : memref<!tpu.dma_semaphore, #tpu.memory_space<semaphore_mem>>) src(%dma_wait3A_46 : memref<10000x128xf32, #tpu.memory_space<hbm>>) dst(%arg12 : memref<80x128xf32, #tpu.memory_space<vmem>>)
    "tpu.region"() ({
      %run_scoped3A = tpu.sem_alloc : memref<!tpu.dma_semaphore, #tpu.memory_space<semaphore_mem>>
      %dma_start3A_64 = arith.constant 0 : i32
      %dma_start3A_65 = arith.constant 0 : i32
      %dma_start3A_66 = tpu.memref_slice %arg7[%dma_start3A_64, %dma_start3A_65] : memref<10240x128xf32, #tpu.memory_space<vmem_shared>> -> memref<10240x128xf32, #tpu.memory_space<vmem_shared>>
      tpu.enqueue_indirect_dma source(%arg12 : memref<80x128xf32, #tpu.memory_space<vmem>>) target(%dma_start3A_66 : memref<10240x128xf32, #tpu.memory_space<vmem_shared>>) offsets(%arg10 : memref<80xi32, #tpu.memory_space<vmem>>) semaphore(%run_scoped3A : memref<!tpu.dma_semaphore, #tpu.memory_space<semaphore_mem>>) {add = true}
      %dma_wait3A_67 = arith.constant 0 : i32
      %dma_wait3A_68 = arith.constant 0 : i32
      %dma_wait3A_69 = tpu.memref_slice %arg7[%dma_wait3A_67, %dma_wait3A_68] : memref<10240x128xf32, #tpu.memory_space<vmem_shared>> -> memref<10240x128xf32, #tpu.memory_space<vmem_shared>>
      tpu.wait_indirect_dma semaphore(%run_scoped3A : memref<!tpu.dma_semaphore, #tpu.memory_space<semaphore_mem>>) src(%arg12 : memref<80x128xf32, #tpu.memory_space<vmem>>) dst(%dma_wait3A_69 : memref<10240x128xf32, #tpu.memory_space<vmem_shared>>)
      tpu.yield
    }) : () -> ()
    %barrier3A_47 = arith.constant 0 : index
    tpu.barrier barrier_id(%barrier3A_47)
    %add3A_48 = arith.constant 0 : i32
    %add3A_49 = arith.addi %mul3A_2, %add3A_48 : i32
    "tpu.region"() ({
      %run_scoped3A = tpu.sem_alloc : memref<!tpu.dma_semaphore, #tpu.memory_space<semaphore_mem>>
      %dma_start3A_64 = arith.constant 0 : i32
      %dma_start3A_65 = tpu.memref_slice %arg7[%add3A_49, %dma_start3A_64] : memref<10240x128xf32, #tpu.memory_space<vmem_shared>> -> memref<80x128xf32, #tpu.memory_space<vmem_shared>>
      %dma_start3A_66 = arith.constant 0 : i32
      %dma_start3A_67 = tpu.memref_slice %arg7[%add3A_49, %dma_start3A_66] : memref<10240x128xf32, #tpu.memory_space<vmem_shared>> -> memref<80x128xf32, #tpu.memory_space<vmem_shared>>
      tpu.enqueue_dma source(%dma_start3A_67 : memref<80x128xf32, #tpu.memory_space<vmem_shared>>) target(%arg12 : memref<80x128xf32, #tpu.memory_space<vmem>>) target_semaphore(%run_scoped3A : memref<!tpu.dma_semaphore, #tpu.memory_space<semaphore_mem>>)
      %dma_wait3A_68 = arith.constant 0 : i32
      %dma_wait3A_69 = tpu.memref_slice %arg7[%add3A_49, %dma_wait3A_68] : memref<10240x128xf32, #tpu.memory_space<vmem_shared>> -> memref<80x128xf32, #tpu.memory_space<vmem_shared>>
      %dma_wait3A_70 = arith.constant 0 : i32
      %dma_wait3A_71 = tpu.memref_slice %arg7[%add3A_49, %dma_wait3A_70] : memref<10240x128xf32, #tpu.memory_space<vmem_shared>> -> memref<80x128xf32, #tpu.memory_space<vmem_shared>>
      tpu.wait_dma2 semaphore(%run_scoped3A : memref<!tpu.dma_semaphore, #tpu.memory_space<semaphore_mem>>) src(%dma_wait3A_71 : memref<80x128xf32, #tpu.memory_space<vmem_shared>>) dst(%arg12 : memref<80x128xf32, #tpu.memory_space<vmem>>)
      tpu.yield
    }) : () -> ()
    "tpu.region"() ({
      %run_scoped3A = tpu.sem_alloc : memref<!tpu.dma_semaphore, #tpu.memory_space<semaphore_mem>>
      %dma_start3A_64 = arith.constant 0 : i32
      %dma_start3A_65 = tpu.memref_slice %arg6[%arg0, %add3A_49, %dma_start3A_64] : memref<2x10240x128xf32, #tpu.memory_space<hbm>> -> memref<1x80x128xf32, #tpu.memory_space<hbm>>
      %dma_start3A_66 = tpu.memref_squeeze %dma_start3A_65 : memref<1x80x128xf32, #tpu.memory_space<hbm>> -> memref<80x128xf32, #tpu.memory_space<hbm>>
      %dma_start3A_67 = arith.constant 0 : i32
      %dma_start3A_68 = tpu.memref_slice %arg6[%arg0, %add3A_49, %dma_start3A_67] : memref<2x10240x128xf32, #tpu.memory_space<hbm>> -> memref<1x80x128xf32, #tpu.memory_space<hbm>>
      %dma_start3A_69 = tpu.memref_squeeze %dma_start3A_68 : memref<1x80x128xf32, #tpu.memory_space<hbm>> -> memref<80x128xf32, #tpu.memory_space<hbm>>
      tpu.enqueue_dma source(%arg12 : memref<80x128xf32, #tpu.memory_space<vmem>>) target(%dma_start3A_69 : memref<80x128xf32, #tpu.memory_space<hbm>>) target_semaphore(%run_scoped3A : memref<!tpu.dma_semaphore, #tpu.memory_space<semaphore_mem>>)
      %dma_wait3A_70 = arith.constant 0 : i32
      %dma_wait3A_71 = tpu.memref_slice %arg6[%arg0, %add3A_49, %dma_wait3A_70] : memref<2x10240x128xf32, #tpu.memory_space<hbm>> -> memref<1x80x128xf32, #tpu.memory_space<hbm>>
      %dma_wait3A_72 = tpu.memref_squeeze %dma_wait3A_71 : memref<1x80x128xf32, #tpu.memory_space<hbm>> -> memref<80x128xf32, #tpu.memory_space<hbm>>
      %dma_wait3A_73 = arith.constant 0 : i32
      %dma_wait3A_74 = tpu.memref_slice %arg6[%arg0, %add3A_49, %dma_wait3A_73] : memref<2x10240x128xf32, #tpu.memory_space<hbm>> -> memref<1x80x128xf32, #tpu.memory_space<hbm>>
      %dma_wait3A_75 = tpu.memref_squeeze %dma_wait3A_74 : memref<1x80x128xf32, #tpu.memory_space<hbm>> -> memref<80x128xf32, #tpu.memory_space<hbm>>
      tpu.wait_dma2 semaphore(%run_scoped3A : memref<!tpu.dma_semaphore, #tpu.memory_space<semaphore_mem>>) src(%arg12 : memref<80x128xf32, #tpu.memory_space<vmem>>) dst(%dma_wait3A_75 : memref<80x128xf32, #tpu.memory_space<hbm>>)
      tpu.yield
    }) : () -> ()
    %add3A_50 = arith.constant 80 : i32
    %add3A_51 = arith.addi %mul3A_2, %add3A_50 : i32
    "tpu.region"() ({
      %run_scoped3A = tpu.sem_alloc : memref<!tpu.dma_semaphore, #tpu.memory_space<semaphore_mem>>
      %dma_start3A_64 = arith.constant 0 : i32
      %dma_start3A_65 = tpu.memref_slice %arg7[%add3A_51, %dma_start3A_64] : memref<10240x128xf32, #tpu.memory_space<vmem_shared>> -> memref<80x128xf32, #tpu.memory_space<vmem_shared>>
      %dma_start3A_66 = arith.constant 0 : i32
      %dma_start3A_67 = tpu.memref_slice %arg7[%add3A_51, %dma_start3A_66] : memref<10240x128xf32, #tpu.memory_space<vmem_shared>> -> memref<80x128xf32, #tpu.memory_space<vmem_shared>>
      tpu.enqueue_dma source(%dma_start3A_67 : memref<80x128xf32, #tpu.memory_space<vmem_shared>>) target(%arg12 : memref<80x128xf32, #tpu.memory_space<vmem>>) target_semaphore(%run_scoped3A : memref<!tpu.dma_semaphore, #tpu.memory_space<semaphore_mem>>)
      %dma_wait3A_68 = arith.constant 0 : i32
      %dma_wait3A_69 = tpu.memref_slice %arg7[%add3A_51, %dma_wait3A_68] : memref<10240x128xf32, #tpu.memory_space<vmem_shared>> -> memref<80x128xf32, #tpu.memory_space<vmem_shared>>
      %dma_wait3A_70 = arith.constant 0 : i32
      %dma_wait3A_71 = tpu.memref_slice %arg7[%add3A_51, %dma_wait3A_70] : memref<10240x128xf32, #tpu.memory_space<vmem_shared>> -> memref<80x128xf32, #tpu.memory_space<vmem_shared>>
      tpu.wait_dma2 semaphore(%run_scoped3A : memref<!tpu.dma_semaphore, #tpu.memory_space<semaphore_mem>>) src(%dma_wait3A_71 : memref<80x128xf32, #tpu.memory_space<vmem_shared>>) dst(%arg12 : memref<80x128xf32, #tpu.memory_space<vmem>>)
      tpu.yield
    }) : () -> ()
    "tpu.region"() ({
      %run_scoped3A = tpu.sem_alloc : memref<!tpu.dma_semaphore, #tpu.memory_space<semaphore_mem>>
      %dma_start3A_64 = arith.constant 0 : i32
      %dma_start3A_65 = tpu.memref_slice %arg6[%arg0, %add3A_51, %dma_start3A_64] : memref<2x10240x128xf32, #tpu.memory_space<hbm>> -> memref<1x80x128xf32, #tpu.memory_space<hbm>>
      %dma_start3A_66 = tpu.memref_squeeze %dma_start3A_65 : memref<1x80x128xf32, #tpu.memory_space<hbm>> -> memref<80x128xf32, #tpu.memory_space<hbm>>
      %dma_start3A_67 = arith.constant 0 : i32
      %dma_start3A_68 = tpu.memref_slice %arg6[%arg0, %add3A_51, %dma_start3A_67] : memref<2x10240x128xf32, #tpu.memory_space<hbm>> -> memref<1x80x128xf32, #tpu.memory_space<hbm>>
      %dma_start3A_69 = tpu.memref_squeeze %dma_start3A_68 : memref<1x80x128xf32, #tpu.memory_space<hbm>> -> memref<80x128xf32, #tpu.memory_space<hbm>>
      tpu.enqueue_dma source(%arg12 : memref<80x128xf32, #tpu.memory_space<vmem>>) target(%dma_start3A_69 : memref<80x128xf32, #tpu.memory_space<hbm>>) target_semaphore(%run_scoped3A : memref<!tpu.dma_semaphore, #tpu.memory_space<semaphore_mem>>)
      %dma_wait3A_70 = arith.constant 0 : i32
      %dma_wait3A_71 = tpu.memref_slice %arg6[%arg0, %add3A_51, %dma_wait3A_70] : memref<2x10240x128xf32, #tpu.memory_space<hbm>> -> memref<1x80x128xf32, #tpu.memory_space<hbm>>
      %dma_wait3A_72 = tpu.memref_squeeze %dma_wait3A_71 : memref<1x80x128xf32, #tpu.memory_space<hbm>> -> memref<80x128xf32, #tpu.memory_space<hbm>>
      %dma_wait3A_73 = arith.constant 0 : i32
      %dma_wait3A_74 = tpu.memref_slice %arg6[%arg0, %add3A_51, %dma_wait3A_73] : memref<2x10240x128xf32, #tpu.memory_space<hbm>> -> memref<1x80x128xf32, #tpu.memory_space<hbm>>
      %dma_wait3A_75 = tpu.memref_squeeze %dma_wait3A_74 : memref<1x80x128xf32, #tpu.memory_space<hbm>> -> memref<80x128xf32, #tpu.memory_space<hbm>>
      tpu.wait_dma2 semaphore(%run_scoped3A : memref<!tpu.dma_semaphore, #tpu.memory_space<semaphore_mem>>) src(%arg12 : memref<80x128xf32, #tpu.memory_space<vmem>>) dst(%dma_wait3A_75 : memref<80x128xf32, #tpu.memory_space<hbm>>)
      tpu.yield
    }) : () -> ()
    %add3A_52 = arith.constant 160 : i32
    %add3A_53 = arith.addi %mul3A_2, %add3A_52 : i32
    "tpu.region"() ({
      %run_scoped3A = tpu.sem_alloc : memref<!tpu.dma_semaphore, #tpu.memory_space<semaphore_mem>>
      %dma_start3A_64 = arith.constant 0 : i32
      %dma_start3A_65 = tpu.memref_slice %arg7[%add3A_53, %dma_start3A_64] : memref<10240x128xf32, #tpu.memory_space<vmem_shared>> -> memref<80x128xf32, #tpu.memory_space<vmem_shared>>
      %dma_start3A_66 = arith.constant 0 : i32
      %dma_start3A_67 = tpu.memref_slice %arg7[%add3A_53, %dma_start3A_66] : memref<10240x128xf32, #tpu.memory_space<vmem_shared>> -> memref<80x128xf32, #tpu.memory_space<vmem_shared>>
      tpu.enqueue_dma source(%dma_start3A_67 : memref<80x128xf32, #tpu.memory_space<vmem_shared>>) target(%arg12 : memref<80x128xf32, #tpu.memory_space<vmem>>) target_semaphore(%run_scoped3A : memref<!tpu.dma_semaphore, #tpu.memory_space<semaphore_mem>>)
      %dma_wait3A_68 = arith.constant 0 : i32
      %dma_wait3A_69 = tpu.memref_slice %arg7[%add3A_53, %dma_wait3A_68] : memref<10240x128xf32, #tpu.memory_space<vmem_shared>> -> memref<80x128xf32, #tpu.memory_space<vmem_shared>>
      %dma_wait3A_70 = arith.constant 0 : i32
      %dma_wait3A_71 = tpu.memref_slice %arg7[%add3A_53, %dma_wait3A_70] : memref<10240x128xf32, #tpu.memory_space<vmem_shared>> -> memref<80x128xf32, #tpu.memory_space<vmem_shared>>
      tpu.wait_dma2 semaphore(%run_scoped3A : memref<!tpu.dma_semaphore, #tpu.memory_space<semaphore_mem>>) src(%dma_wait3A_71 : memref<80x128xf32, #tpu.memory_space<vmem_shared>>) dst(%arg12 : memref<80x128xf32, #tpu.memory_space<vmem>>)
      tpu.yield
    }) : () -> ()
    "tpu.region"() ({
      %run_scoped3A = tpu.sem_alloc : memref<!tpu.dma_semaphore, #tpu.memory_space<semaphore_mem>>
      %dma_start3A_64 = arith.constant 0 : i32
      %dma_start3A_65 = tpu.memref_slice %arg6[%arg0, %add3A_53, %dma_start3A_64] : memref<2x10240x128xf32, #tpu.memory_space<hbm>> -> memref<1x80x128xf32, #tpu.memory_space<hbm>>
      %dma_start3A_66 = tpu.memref_squeeze %dma_start3A_65 : memref<1x80x128xf32, #tpu.memory_space<hbm>> -> memref<80x128xf32, #tpu.memory_space<hbm>>
      %dma_start3A_67 = arith.constant 0 : i32
      %dma_start3A_68 = tpu.memref_slice %arg6[%arg0, %add3A_53, %dma_start3A_67] : memref<2x10240x128xf32, #tpu.memory_space<hbm>> -> memref<1x80x128xf32, #tpu.memory_space<hbm>>
      %dma_start3A_69 = tpu.memref_squeeze %dma_start3A_68 : memref<1x80x128xf32, #tpu.memory_space<hbm>> -> memref<80x128xf32, #tpu.memory_space<hbm>>
      tpu.enqueue_dma source(%arg12 : memref<80x128xf32, #tpu.memory_space<vmem>>) target(%dma_start3A_69 : memref<80x128xf32, #tpu.memory_space<hbm>>) target_semaphore(%run_scoped3A : memref<!tpu.dma_semaphore, #tpu.memory_space<semaphore_mem>>)
      %dma_wait3A_70 = arith.constant 0 : i32
      %dma_wait3A_71 = tpu.memref_slice %arg6[%arg0, %add3A_53, %dma_wait3A_70] : memref<2x10240x128xf32, #tpu.memory_space<hbm>> -> memref<1x80x128xf32, #tpu.memory_space<hbm>>
      %dma_wait3A_72 = tpu.memref_squeeze %dma_wait3A_71 : memref<1x80x128xf32, #tpu.memory_space<hbm>> -> memref<80x128xf32, #tpu.memory_space<hbm>>
      %dma_wait3A_73 = arith.constant 0 : i32
      %dma_wait3A_74 = tpu.memref_slice %arg6[%arg0, %add3A_53, %dma_wait3A_73] : memref<2x10240x128xf32, #tpu.memory_space<hbm>> -> memref<1x80x128xf32, #tpu.memory_space<hbm>>
      %dma_wait3A_75 = tpu.memref_squeeze %dma_wait3A_74 : memref<1x80x128xf32, #tpu.memory_space<hbm>> -> memref<80x128xf32, #tpu.memory_space<hbm>>
      tpu.wait_dma2 semaphore(%run_scoped3A : memref<!tpu.dma_semaphore, #tpu.memory_space<semaphore_mem>>) src(%arg12 : memref<80x128xf32, #tpu.memory_space<vmem>>) dst(%dma_wait3A_75 : memref<80x128xf32, #tpu.memory_space<hbm>>)
      tpu.yield
    }) : () -> ()
    %add3A_54 = arith.constant 240 : i32
    %add3A_55 = arith.addi %mul3A_2, %add3A_54 : i32
    "tpu.region"() ({
      %run_scoped3A = tpu.sem_alloc : memref<!tpu.dma_semaphore, #tpu.memory_space<semaphore_mem>>
      %dma_start3A_64 = arith.constant 0 : i32
      %dma_start3A_65 = tpu.memref_slice %arg7[%add3A_55, %dma_start3A_64] : memref<10240x128xf32, #tpu.memory_space<vmem_shared>> -> memref<80x128xf32, #tpu.memory_space<vmem_shared>>
      %dma_start3A_66 = arith.constant 0 : i32
      %dma_start3A_67 = tpu.memref_slice %arg7[%add3A_55, %dma_start3A_66] : memref<10240x128xf32, #tpu.memory_space<vmem_shared>> -> memref<80x128xf32, #tpu.memory_space<vmem_shared>>
      tpu.enqueue_dma source(%dma_start3A_67 : memref<80x128xf32, #tpu.memory_space<vmem_shared>>) target(%arg12 : memref<80x128xf32, #tpu.memory_space<vmem>>) target_semaphore(%run_scoped3A : memref<!tpu.dma_semaphore, #tpu.memory_space<semaphore_mem>>)
      %dma_wait3A_68 = arith.constant 0 : i32
      %dma_wait3A_69 = tpu.memref_slice %arg7[%add3A_55, %dma_wait3A_68] : memref<10240x128xf32, #tpu.memory_space<vmem_shared>> -> memref<80x128xf32, #tpu.memory_space<vmem_shared>>
      %dma_wait3A_70 = arith.constant 0 : i32
      %dma_wait3A_71 = tpu.memref_slice %arg7[%add3A_55, %dma_wait3A_70] : memref<10240x128xf32, #tpu.memory_space<vmem_shared>> -> memref<80x128xf32, #tpu.memory_space<vmem_shared>>
      tpu.wait_dma2 semaphore(%run_scoped3A : memref<!tpu.dma_semaphore, #tpu.memory_space<semaphore_mem>>) src(%dma_wait3A_71 : memref<80x128xf32, #tpu.memory_space<vmem_shared>>) dst(%arg12 : memref<80x128xf32, #tpu.memory_space<vmem>>)
      tpu.yield
    }) : () -> ()
    "tpu.region"() ({
      %run_scoped3A = tpu.sem_alloc : memref<!tpu.dma_semaphore, #tpu.memory_space<semaphore_mem>>
      %dma_start3A_64 = arith.constant 0 : i32
      %dma_start3A_65 = tpu.memref_slice %arg6[%arg0, %add3A_55, %dma_start3A_64] : memref<2x10240x128xf32, #tpu.memory_space<hbm>> -> memref<1x80x128xf32, #tpu.memory_space<hbm>>
      %dma_start3A_66 = tpu.memref_squeeze %dma_start3A_65 : memref<1x80x128xf32, #tpu.memory_space<hbm>> -> memref<80x128xf32, #tpu.memory_space<hbm>>
      %dma_start3A_67 = arith.constant 0 : i32
      %dma_start3A_68 = tpu.memref_slice %arg6[%arg0, %add3A_55, %dma_start3A_67] : memref<2x10240x128xf32, #tpu.memory_space<hbm>> -> memref<1x80x128xf32, #tpu.memory_space<hbm>>
      %dma_start3A_69 = tpu.memref_squeeze %dma_start3A_68 : memref<1x80x128xf32, #tpu.memory_space<hbm>> -> memref<80x128xf32, #tpu.memory_space<hbm>>
      tpu.enqueue_dma source(%arg12 : memref<80x128xf32, #tpu.memory_space<vmem>>) target(%dma_start3A_69 : memref<80x128xf32, #tpu.memory_space<hbm>>) target_semaphore(%run_scoped3A : memref<!tpu.dma_semaphore, #tpu.memory_space<semaphore_mem>>)
      %dma_wait3A_70 = arith.constant 0 : i32
      %dma_wait3A_71 = tpu.memref_slice %arg6[%arg0, %add3A_55, %dma_wait3A_70] : memref<2x10240x128xf32, #tpu.memory_space<hbm>> -> memref<1x80x128xf32, #tpu.memory_space<hbm>>
      %dma_wait3A_72 = tpu.memref_squeeze %dma_wait3A_71 : memref<1x80x128xf32, #tpu.memory_space<hbm>> -> memref<80x128xf32, #tpu.memory_space<hbm>>
      %dma_wait3A_73 = arith.constant 0 : i32
      %dma_wait3A_74 = tpu.memref_slice %arg6[%arg0, %add3A_55, %dma_wait3A_73] : memref<2x10240x128xf32, #tpu.memory_space<hbm>> -> memref<1x80x128xf32, #tpu.memory_space<hbm>>
      %dma_wait3A_75 = tpu.memref_squeeze %dma_wait3A_74 : memref<1x80x128xf32, #tpu.memory_space<hbm>> -> memref<80x128xf32, #tpu.memory_space<hbm>>
      tpu.wait_dma2 semaphore(%run_scoped3A : memref<!tpu.dma_semaphore, #tpu.memory_space<semaphore_mem>>) src(%arg12 : memref<80x128xf32, #tpu.memory_space<vmem>>) dst(%dma_wait3A_75 : memref<80x128xf32, #tpu.memory_space<hbm>>)
      tpu.yield
    }) : () -> ()
    %add3A_56 = arith.constant 320 : i32
    %add3A_57 = arith.addi %mul3A_2, %add3A_56 : i32
    "tpu.region"() ({
      %run_scoped3A = tpu.sem_alloc : memref<!tpu.dma_semaphore, #tpu.memory_space<semaphore_mem>>
      %dma_start3A_64 = arith.constant 0 : i32
      %dma_start3A_65 = tpu.memref_slice %arg7[%add3A_57, %dma_start3A_64] : memref<10240x128xf32, #tpu.memory_space<vmem_shared>> -> memref<80x128xf32, #tpu.memory_space<vmem_shared>>
      %dma_start3A_66 = arith.constant 0 : i32
      %dma_start3A_67 = tpu.memref_slice %arg7[%add3A_57, %dma_start3A_66] : memref<10240x128xf32, #tpu.memory_space<vmem_shared>> -> memref<80x128xf32, #tpu.memory_space<vmem_shared>>
      tpu.enqueue_dma source(%dma_start3A_67 : memref<80x128xf32, #tpu.memory_space<vmem_shared>>) target(%arg12 : memref<80x128xf32, #tpu.memory_space<vmem>>) target_semaphore(%run_scoped3A : memref<!tpu.dma_semaphore, #tpu.memory_space<semaphore_mem>>)
      %dma_wait3A_68 = arith.constant 0 : i32
      %dma_wait3A_69 = tpu.memref_slice %arg7[%add3A_57, %dma_wait3A_68] : memref<10240x128xf32, #tpu.memory_space<vmem_shared>> -> memref<80x128xf32, #tpu.memory_space<vmem_shared>>
      %dma_wait3A_70 = arith.constant 0 : i32
      %dma_wait3A_71 = tpu.memref_slice %arg7[%add3A_57, %dma_wait3A_70] : memref<10240x128xf32, #tpu.memory_space<vmem_shared>> -> memref<80x128xf32, #tpu.memory_space<vmem_shared>>
      tpu.wait_dma2 semaphore(%run_scoped3A : memref<!tpu.dma_semaphore, #tpu.memory_space<semaphore_mem>>) src(%dma_wait3A_71 : memref<80x128xf32, #tpu.memory_space<vmem_shared>>) dst(%arg12 : memref<80x128xf32, #tpu.memory_space<vmem>>)
      tpu.yield
    }) : () -> ()
    "tpu.region"() ({
      %run_scoped3A = tpu.sem_alloc : memref<!tpu.dma_semaphore, #tpu.memory_space<semaphore_mem>>
      %dma_start3A_64 = arith.constant 0 : i32
      %dma_start3A_65 = tpu.memref_slice %arg6[%arg0, %add3A_57, %dma_start3A_64] : memref<2x10240x128xf32, #tpu.memory_space<hbm>> -> memref<1x80x128xf32, #tpu.memory_space<hbm>>
      %dma_start3A_66 = tpu.memref_squeeze %dma_start3A_65 : memref<1x80x128xf32, #tpu.memory_space<hbm>> -> memref<80x128xf32, #tpu.memory_space<hbm>>
      %dma_start3A_67 = arith.constant 0 : i32
      %dma_start3A_68 = tpu.memref_slice %arg6[%arg0, %add3A_57, %dma_start3A_67] : memref<2x10240x128xf32, #tpu.memory_space<hbm>> -> memref<1x80x128xf32, #tpu.memory_space<hbm>>
      %dma_start3A_69 = tpu.memref_squeeze %dma_start3A_68 : memref<1x80x128xf32, #tpu.memory_space<hbm>> -> memref<80x128xf32, #tpu.memory_space<hbm>>
      tpu.enqueue_dma source(%arg12 : memref<80x128xf32, #tpu.memory_space<vmem>>) target(%dma_start3A_69 : memref<80x128xf32, #tpu.memory_space<hbm>>) target_semaphore(%run_scoped3A : memref<!tpu.dma_semaphore, #tpu.memory_space<semaphore_mem>>)
      %dma_wait3A_70 = arith.constant 0 : i32
      %dma_wait3A_71 = tpu.memref_slice %arg6[%arg0, %add3A_57, %dma_wait3A_70] : memref<2x10240x128xf32, #tpu.memory_space<hbm>> -> memref<1x80x128xf32, #tpu.memory_space<hbm>>
      %dma_wait3A_72 = tpu.memref_squeeze %dma_wait3A_71 : memref<1x80x128xf32, #tpu.memory_space<hbm>> -> memref<80x128xf32, #tpu.memory_space<hbm>>
      %dma_wait3A_73 = arith.constant 0 : i32
      %dma_wait3A_74 = tpu.memref_slice %arg6[%arg0, %add3A_57, %dma_wait3A_73] : memref<2x10240x128xf32, #tpu.memory_space<hbm>> -> memref<1x80x128xf32, #tpu.memory_space<hbm>>
      %dma_wait3A_75 = tpu.memref_squeeze %dma_wait3A_74 : memref<1x80x128xf32, #tpu.memory_space<hbm>> -> memref<80x128xf32, #tpu.memory_space<hbm>>
      tpu.wait_dma2 semaphore(%run_scoped3A : memref<!tpu.dma_semaphore, #tpu.memory_space<semaphore_mem>>) src(%arg12 : memref<80x128xf32, #tpu.memory_space<vmem>>) dst(%dma_wait3A_75 : memref<80x128xf32, #tpu.memory_space<hbm>>)
      tpu.yield
    }) : () -> ()
    %add3A_58 = arith.constant 400 : i32
    %add3A_59 = arith.addi %mul3A_2, %add3A_58 : i32
    "tpu.region"() ({
      %run_scoped3A = tpu.sem_alloc : memref<!tpu.dma_semaphore, #tpu.memory_space<semaphore_mem>>
      %dma_start3A_64 = arith.constant 0 : i32
      %dma_start3A_65 = tpu.memref_slice %arg7[%add3A_59, %dma_start3A_64] : memref<10240x128xf32, #tpu.memory_space<vmem_shared>> -> memref<80x128xf32, #tpu.memory_space<vmem_shared>>
      %dma_start3A_66 = arith.constant 0 : i32
      %dma_start3A_67 = tpu.memref_slice %arg7[%add3A_59, %dma_start3A_66] : memref<10240x128xf32, #tpu.memory_space<vmem_shared>> -> memref<80x128xf32, #tpu.memory_space<vmem_shared>>
      tpu.enqueue_dma source(%dma_start3A_67 : memref<80x128xf32, #tpu.memory_space<vmem_shared>>) target(%arg12 : memref<80x128xf32, #tpu.memory_space<vmem>>) target_semaphore(%run_scoped3A : memref<!tpu.dma_semaphore, #tpu.memory_space<semaphore_mem>>)
      %dma_wait3A_68 = arith.constant 0 : i32
      %dma_wait3A_69 = tpu.memref_slice %arg7[%add3A_59, %dma_wait3A_68] : memref<10240x128xf32, #tpu.memory_space<vmem_shared>> -> memref<80x128xf32, #tpu.memory_space<vmem_shared>>
      %dma_wait3A_70 = arith.constant 0 : i32
      %dma_wait3A_71 = tpu.memref_slice %arg7[%add3A_59, %dma_wait3A_70] : memref<10240x128xf32, #tpu.memory_space<vmem_shared>> -> memref<80x128xf32, #tpu.memory_space<vmem_shared>>
      tpu.wait_dma2 semaphore(%run_scoped3A : memref<!tpu.dma_semaphore, #tpu.memory_space<semaphore_mem>>) src(%dma_wait3A_71 : memref<80x128xf32, #tpu.memory_space<vmem_shared>>) dst(%arg12 : memref<80x128xf32, #tpu.memory_space<vmem>>)
      tpu.yield
    }) : () -> ()
    "tpu.region"() ({
      %run_scoped3A = tpu.sem_alloc : memref<!tpu.dma_semaphore, #tpu.memory_space<semaphore_mem>>
      %dma_start3A_64 = arith.constant 0 : i32
      %dma_start3A_65 = tpu.memref_slice %arg6[%arg0, %add3A_59, %dma_start3A_64] : memref<2x10240x128xf32, #tpu.memory_space<hbm>> -> memref<1x80x128xf32, #tpu.memory_space<hbm>>
      %dma_start3A_66 = tpu.memref_squeeze %dma_start3A_65 : memref<1x80x128xf32, #tpu.memory_space<hbm>> -> memref<80x128xf32, #tpu.memory_space<hbm>>
      %dma_start3A_67 = arith.constant 0 : i32
      %dma_start3A_68 = tpu.memref_slice %arg6[%arg0, %add3A_59, %dma_start3A_67] : memref<2x10240x128xf32, #tpu.memory_space<hbm>> -> memref<1x80x128xf32, #tpu.memory_space<hbm>>
      %dma_start3A_69 = tpu.memref_squeeze %dma_start3A_68 : memref<1x80x128xf32, #tpu.memory_space<hbm>> -> memref<80x128xf32, #tpu.memory_space<hbm>>
      tpu.enqueue_dma source(%arg12 : memref<80x128xf32, #tpu.memory_space<vmem>>) target(%dma_start3A_69 : memref<80x128xf32, #tpu.memory_space<hbm>>) target_semaphore(%run_scoped3A : memref<!tpu.dma_semaphore, #tpu.memory_space<semaphore_mem>>)
      %dma_wait3A_70 = arith.constant 0 : i32
      %dma_wait3A_71 = tpu.memref_slice %arg6[%arg0, %add3A_59, %dma_wait3A_70] : memref<2x10240x128xf32, #tpu.memory_space<hbm>> -> memref<1x80x128xf32, #tpu.memory_space<hbm>>
      %dma_wait3A_72 = tpu.memref_squeeze %dma_wait3A_71 : memref<1x80x128xf32, #tpu.memory_space<hbm>> -> memref<80x128xf32, #tpu.memory_space<hbm>>
      %dma_wait3A_73 = arith.constant 0 : i32
      %dma_wait3A_74 = tpu.memref_slice %arg6[%arg0, %add3A_59, %dma_wait3A_73] : memref<2x10240x128xf32, #tpu.memory_space<hbm>> -> memref<1x80x128xf32, #tpu.memory_space<hbm>>
      %dma_wait3A_75 = tpu.memref_squeeze %dma_wait3A_74 : memref<1x80x128xf32, #tpu.memory_space<hbm>> -> memref<80x128xf32, #tpu.memory_space<hbm>>
      tpu.wait_dma2 semaphore(%run_scoped3A : memref<!tpu.dma_semaphore, #tpu.memory_space<semaphore_mem>>) src(%arg12 : memref<80x128xf32, #tpu.memory_space<vmem>>) dst(%dma_wait3A_75 : memref<80x128xf32, #tpu.memory_space<hbm>>)
      tpu.yield
    }) : () -> ()
    %add3A_60 = arith.constant 480 : i32
    %add3A_61 = arith.addi %mul3A_2, %add3A_60 : i32
    "tpu.region"() ({
      %run_scoped3A = tpu.sem_alloc : memref<!tpu.dma_semaphore, #tpu.memory_space<semaphore_mem>>
      %dma_start3A_64 = arith.constant 0 : i32
      %dma_start3A_65 = tpu.memref_slice %arg7[%add3A_61, %dma_start3A_64] : memref<10240x128xf32, #tpu.memory_space<vmem_shared>> -> memref<80x128xf32, #tpu.memory_space<vmem_shared>>
      %dma_start3A_66 = arith.constant 0 : i32
      %dma_start3A_67 = tpu.memref_slice %arg7[%add3A_61, %dma_start3A_66] : memref<10240x128xf32, #tpu.memory_space<vmem_shared>> -> memref<80x128xf32, #tpu.memory_space<vmem_shared>>
      tpu.enqueue_dma source(%dma_start3A_67 : memref<80x128xf32, #tpu.memory_space<vmem_shared>>) target(%arg12 : memref<80x128xf32, #tpu.memory_space<vmem>>) target_semaphore(%run_scoped3A : memref<!tpu.dma_semaphore, #tpu.memory_space<semaphore_mem>>)
      %dma_wait3A_68 = arith.constant 0 : i32
      %dma_wait3A_69 = tpu.memref_slice %arg7[%add3A_61, %dma_wait3A_68] : memref<10240x128xf32, #tpu.memory_space<vmem_shared>> -> memref<80x128xf32, #tpu.memory_space<vmem_shared>>
      %dma_wait3A_70 = arith.constant 0 : i32
      %dma_wait3A_71 = tpu.memref_slice %arg7[%add3A_61, %dma_wait3A_70] : memref<10240x128xf32, #tpu.memory_space<vmem_shared>> -> memref<80x128xf32, #tpu.memory_space<vmem_shared>>
      tpu.wait_dma2 semaphore(%run_scoped3A : memref<!tpu.dma_semaphore, #tpu.memory_space<semaphore_mem>>) src(%dma_wait3A_71 : memref<80x128xf32, #tpu.memory_space<vmem_shared>>) dst(%arg12 : memref<80x128xf32, #tpu.memory_space<vmem>>)
      tpu.yield
    }) : () -> ()
    "tpu.region"() ({
      %run_scoped3A = tpu.sem_alloc : memref<!tpu.dma_semaphore, #tpu.memory_space<semaphore_mem>>
      %dma_start3A_64 = arith.constant 0 : i32
      %dma_start3A_65 = tpu.memref_slice %arg6[%arg0, %add3A_61, %dma_start3A_64] : memref<2x10240x128xf32, #tpu.memory_space<hbm>> -> memref<1x80x128xf32, #tpu.memory_space<hbm>>
      %dma_start3A_66 = tpu.memref_squeeze %dma_start3A_65 : memref<1x80x128xf32, #tpu.memory_space<hbm>> -> memref<80x128xf32, #tpu.memory_space<hbm>>
      %dma_start3A_67 = arith.constant 0 : i32
      %dma_start3A_68 = tpu.memref_slice %arg6[%arg0, %add3A_61, %dma_start3A_67] : memref<2x10240x128xf32, #tpu.memory_space<hbm>> -> memref<1x80x128xf32, #tpu.memory_space<hbm>>
      %dma_start3A_69 = tpu.memref_squeeze %dma_start3A_68 : memref<1x80x128xf32, #tpu.memory_space<hbm>> -> memref<80x128xf32, #tpu.memory_space<hbm>>
      tpu.enqueue_dma source(%arg12 : memref<80x128xf32, #tpu.memory_space<vmem>>) target(%dma_start3A_69 : memref<80x128xf32, #tpu.memory_space<hbm>>) target_semaphore(%run_scoped3A : memref<!tpu.dma_semaphore, #tpu.memory_space<semaphore_mem>>)
      %dma_wait3A_70 = arith.constant 0 : i32
      %dma_wait3A_71 = tpu.memref_slice %arg6[%arg0, %add3A_61, %dma_wait3A_70] : memref<2x10240x128xf32, #tpu.memory_space<hbm>> -> memref<1x80x128xf32, #tpu.memory_space<hbm>>
      %dma_wait3A_72 = tpu.memref_squeeze %dma_wait3A_71 : memref<1x80x128xf32, #tpu.memory_space<hbm>> -> memref<80x128xf32, #tpu.memory_space<hbm>>
      %dma_wait3A_73 = arith.constant 0 : i32
      %dma_wait3A_74 = tpu.memref_slice %arg6[%arg0, %add3A_61, %dma_wait3A_73] : memref<2x10240x128xf32, #tpu.memory_space<hbm>> -> memref<1x80x128xf32, #tpu.memory_space<hbm>>
      %dma_wait3A_75 = tpu.memref_squeeze %dma_wait3A_74 : memref<1x80x128xf32, #tpu.memory_space<hbm>> -> memref<80x128xf32, #tpu.memory_space<hbm>>
      tpu.wait_dma2 semaphore(%run_scoped3A : memref<!tpu.dma_semaphore, #tpu.memory_space<semaphore_mem>>) src(%arg12 : memref<80x128xf32, #tpu.memory_space<vmem>>) dst(%dma_wait3A_75 : memref<80x128xf32, #tpu.memory_space<hbm>>)
      tpu.yield
    }) : () -> ()
    %add3A_62 = arith.constant 560 : i32
    %add3A_63 = arith.addi %mul3A_2, %add3A_62 : i32
    "tpu.region"() ({
      %run_scoped3A = tpu.sem_alloc : memref<!tpu.dma_semaphore, #tpu.memory_space<semaphore_mem>>
      %dma_start3A_64 = arith.constant 0 : i32
      %dma_start3A_65 = tpu.memref_slice %arg7[%add3A_63, %dma_start3A_64] : memref<10240x128xf32, #tpu.memory_space<vmem_shared>> -> memref<80x128xf32, #tpu.memory_space<vmem_shared>>
      %dma_start3A_66 = arith.constant 0 : i32
      %dma_start3A_67 = tpu.memref_slice %arg7[%add3A_63, %dma_start3A_66] : memref<10240x128xf32, #tpu.memory_space<vmem_shared>> -> memref<80x128xf32, #tpu.memory_space<vmem_shared>>
      tpu.enqueue_dma source(%dma_start3A_67 : memref<80x128xf32, #tpu.memory_space<vmem_shared>>) target(%arg12 : memref<80x128xf32, #tpu.memory_space<vmem>>) target_semaphore(%run_scoped3A : memref<!tpu.dma_semaphore, #tpu.memory_space<semaphore_mem>>)
      %dma_wait3A_68 = arith.constant 0 : i32
      %dma_wait3A_69 = tpu.memref_slice %arg7[%add3A_63, %dma_wait3A_68] : memref<10240x128xf32, #tpu.memory_space<vmem_shared>> -> memref<80x128xf32, #tpu.memory_space<vmem_shared>>
      %dma_wait3A_70 = arith.constant 0 : i32
      %dma_wait3A_71 = tpu.memref_slice %arg7[%add3A_63, %dma_wait3A_70] : memref<10240x128xf32, #tpu.memory_space<vmem_shared>> -> memref<80x128xf32, #tpu.memory_space<vmem_shared>>
      tpu.wait_dma2 semaphore(%run_scoped3A : memref<!tpu.dma_semaphore, #tpu.memory_space<semaphore_mem>>) src(%dma_wait3A_71 : memref<80x128xf32, #tpu.memory_space<vmem_shared>>) dst(%arg12 : memref<80x128xf32, #tpu.memory_space<vmem>>)
      tpu.yield
    }) : () -> ()
    "tpu.region"() ({
      %run_scoped3A = tpu.sem_alloc : memref<!tpu.dma_semaphore, #tpu.memory_space<semaphore_mem>>
      %dma_start3A_64 = arith.constant 0 : i32
      %dma_start3A_65 = tpu.memref_slice %arg6[%arg0, %add3A_63, %dma_start3A_64] : memref<2x10240x128xf32, #tpu.memory_space<hbm>> -> memref<1x80x128xf32, #tpu.memory_space<hbm>>
      %dma_start3A_66 = tpu.memref_squeeze %dma_start3A_65 : memref<1x80x128xf32, #tpu.memory_space<hbm>> -> memref<80x128xf32, #tpu.memory_space<hbm>>
      %dma_start3A_67 = arith.constant 0 : i32
      %dma_start3A_68 = tpu.memref_slice %arg6[%arg0, %add3A_63, %dma_start3A_67] : memref<2x10240x128xf32, #tpu.memory_space<hbm>> -> memref<1x80x128xf32, #tpu.memory_space<hbm>>
      %dma_start3A_69 = tpu.memref_squeeze %dma_start3A_68 : memref<1x80x128xf32, #tpu.memory_space<hbm>> -> memref<80x128xf32, #tpu.memory_space<hbm>>
      tpu.enqueue_dma source(%arg12 : memref<80x128xf32, #tpu.memory_space<vmem>>) target(%dma_start3A_69 : memref<80x128xf32, #tpu.memory_space<hbm>>) target_semaphore(%run_scoped3A : memref<!tpu.dma_semaphore, #tpu.memory_space<semaphore_mem>>)
      %dma_wait3A_70 = arith.constant 0 : i32
      %dma_wait3A_71 = tpu.memref_slice %arg6[%arg0, %add3A_63, %dma_wait3A_70] : memref<2x10240x128xf32, #tpu.memory_space<hbm>> -> memref<1x80x128xf32, #tpu.memory_space<hbm>>
      %dma_wait3A_72 = tpu.memref_squeeze %dma_wait3A_71 : memref<1x80x128xf32, #tpu.memory_space<hbm>> -> memref<80x128xf32, #tpu.memory_space<hbm>>
      %dma_wait3A_73 = arith.constant 0 : i32
      %dma_wait3A_74 = tpu.memref_slice %arg6[%arg0, %add3A_63, %dma_wait3A_73] : memref<2x10240x128xf32, #tpu.memory_space<hbm>> -> memref<1x80x128xf32, #tpu.memory_space<hbm>>
      %dma_wait3A_75 = tpu.memref_squeeze %dma_wait3A_74 : memref<1x80x128xf32, #tpu.memory_space<hbm>> -> memref<80x128xf32, #tpu.memory_space<hbm>>
      tpu.wait_dma2 semaphore(%run_scoped3A : memref<!tpu.dma_semaphore, #tpu.memory_space<semaphore_mem>>) src(%arg12 : memref<80x128xf32, #tpu.memory_space<vmem>>) dst(%dma_wait3A_75 : memref<80x128xf32, #tpu.memory_space<hbm>>)
      tpu.yield
    }) : () -> ()
    return
  }
}

#map = affine_map<(d0, d1) -> (0, 0)>
#map1 = affine_map<(d0, d1) -> (0)>
#map2 = affine_map<(d0, d1) -> (0, 0, 0)>
module attributes {stable_mosaic.version = 14 : i64} {
  func.func @sc_agg(%arg0: i32, %arg1: i32, %arg2: memref<10000x128xf32, #tpu.memory_space<hbm>>, %arg3: memref<320000xi32, #tpu.memory_space<hbm>>, %arg4: memref<320000xi32, #tpu.memory_space<hbm>>, %arg5: memref<80x128xf32, #tpu.memory_space<hbm>>, %arg6: memref<2x10240x128xf32, #tpu.memory_space<hbm>>, %arg7: memref<10240x128xf32, #tpu.memory_space<vmem_shared>>, %arg8: memref<80xi32, #tpu.memory_space<vmem>>, %arg9: memref<80xi32, #tpu.memory_space<vmem>>, %arg10: memref<80xi32, #tpu.memory_space<vmem>>, %arg11: memref<80xi32, #tpu.memory_space<vmem>>, %arg12: memref<80x128xf32, #tpu.memory_space<vmem>>, %arg13: memref<80x128xf32, #tpu.memory_space<vmem>>, %arg14: memref<!tpu.dma_semaphore, #tpu.memory_space<semaphore_mem>>, %arg15: memref<!tpu.dma_semaphore, #tpu.memory_space<semaphore_mem>>, %arg16: memref<!tpu.dma_semaphore, #tpu.memory_space<semaphore_mem>>, %arg17: memref<!tpu.dma_semaphore, #tpu.memory_space<semaphore_mem>>) attributes {dimension_semantics = [#tpu.dimension_semantics<core_parallel>, #tpu.dimension_semantics<subcore_parallel>], iteration_bounds = array<i64: 2, 16>, scalar_prefetch = 0 : i64, scratch_operands = 11 : i64, tpu.core_type = #tpu.core_type<sc_vector_subcore>, window_params = [{transform_indices = #map}, {transform_indices = #map1}, {transform_indices = #map1}, {transform_indices = #map}, {transform_indices = #map2}]} {
    %mul3A = arith.constant 2 : i32
    %mul3A_0 = arith.muli %arg1, %mul3A : i32
    %add3A = arith.addi %mul3A_0, %arg0 : i32
    %mul3A_1 = arith.constant 640 : i32
    %mul3A_2 = arith.muli %arg1, %mul3A_1 : i32
    %mul3A_3 = arith.constant 10000 : i32
    %mul3A_4 = arith.muli %add3A, %mul3A_3 : i32
    "tpu.region"() ({
      %run_scoped3A = tpu.sem_alloc : memref<!tpu.dma_semaphore, #tpu.memory_space<semaphore_mem>>
      tpu.enqueue_dma source(%arg5 : memref<80x128xf32, #tpu.memory_space<hbm>>) target(%arg12 : memref<80x128xf32, #tpu.memory_space<vmem>>) target_semaphore(%run_scoped3A : memref<!tpu.dma_semaphore, #tpu.memory_space<semaphore_mem>>)
      tpu.wait_dma2 semaphore(%run_scoped3A : memref<!tpu.dma_semaphore, #tpu.memory_space<semaphore_mem>>) src(%arg5 : memref<80x128xf32, #tpu.memory_space<hbm>>) dst(%arg12 : memref<80x128xf32, #tpu.memory_space<vmem>>)
      tpu.yield
    }) : () -> ()
    %add3A_5 = arith.constant 0 : i32
    %add3A_6 = arith.addi %mul3A_2, %add3A_5 : i32
    "tpu.region"() ({
      %run_scoped3A = tpu.sem_alloc : memref<!tpu.dma_semaphore, #tpu.memory_space<semaphore_mem>>
      %dma_start3A_64 = arith.constant 0 : i32
      %dma_start3A_65 = tpu.memref_slice %arg7[%add3A_6, %dma_start3A_64] : memref<10240x128xf32, #tpu.memory_space<vmem_shared>> -> memref<80x128xf32, #tpu.memory_space<vmem_shared>>
      %dma_start3A_66 = arith.constant 0 : i32
      %dma_start3A_67 = tpu.memref_slice %arg7[%add3A_6, %dma_start3A_66] : memref<10240x128xf32, #tpu.memory_space<vmem_shared>> -> memref<80x128xf32, #tpu.memory_space<vmem_shared>>
      tpu.enqueue_dma source(%arg12 : memref<80x128xf32, #tpu.memory_space<vmem>>) target(%dma_start3A_67 : memref<80x128xf32, #tpu.memory_space<vmem_shared>>) target_semaphore(%run_scoped3A : memref<!tpu.dma_semaphore, #tpu.memory_space<semaphore_mem>>)
      %dma_wait3A_68 = arith.constant 0 : i32
      %dma_wait3A_69 = tpu.memref_slice %arg7[%add3A_6, %dma_wait3A_68] : memref<10240x128xf32, #tpu.memory_space<vmem_shared>> -> memref<80x128xf32, #tpu.memory_space<vmem_shared>>
      %dma_wait3A_70 = arith.constant 0 : i32
      %dma_wait3A_71 = tpu.memref_slice %arg7[%add3A_6, %dma_wait3A_70] : memref<10240x128xf32, #tpu.memory_space<vmem_shared>> -> memref<80x128xf32, #tpu.memory_space<vmem_shared>>
      tpu.wait_dma2 semaphore(%run_scoped3A : memref<!tpu.dma_semaphore, #tpu.memory_space<semaphore_mem>>) src(%arg12 : memref<80x128xf32, #tpu.memory_space<vmem>>) dst(%dma_wait3A_71 : memref<80x128xf32, #tpu.memory_space<vmem_shared>>)
      tpu.yield
    }) : () -> ()
    %add3A_7 = arith.constant 80 : i32
    %add3A_8 = arith.addi %mul3A_2, %add3A_7 : i32
    "tpu.region"() ({
      %run_scoped3A = tpu.sem_alloc : memref<!tpu.dma_semaphore, #tpu.memory_space<semaphore_mem>>
      %dma_start3A_64 = arith.constant 0 : i32
      %dma_start3A_65 = tpu.memref_slice %arg7[%add3A_8, %dma_start3A_64] : memref<10240x128xf32, #tpu.memory_space<vmem_shared>> -> memref<80x128xf32, #tpu.memory_space<vmem_shared>>
      %dma_start3A_66 = arith.constant 0 : i32
      %dma_start3A_67 = tpu.memref_slice %arg7[%add3A_8, %dma_start3A_66] : memref<10240x128xf32, #tpu.memory_space<vmem_shared>> -> memref<80x128xf32, #tpu.memory_space<vmem_shared>>
      tpu.enqueue_dma source(%arg12 : memref<80x128xf32, #tpu.memory_space<vmem>>) target(%dma_start3A_67 : memref<80x128xf32, #tpu.memory_space<vmem_shared>>) target_semaphore(%run_scoped3A : memref<!tpu.dma_semaphore, #tpu.memory_space<semaphore_mem>>)
      %dma_wait3A_68 = arith.constant 0 : i32
      %dma_wait3A_69 = tpu.memref_slice %arg7[%add3A_8, %dma_wait3A_68] : memref<10240x128xf32, #tpu.memory_space<vmem_shared>> -> memref<80x128xf32, #tpu.memory_space<vmem_shared>>
      %dma_wait3A_70 = arith.constant 0 : i32
      %dma_wait3A_71 = tpu.memref_slice %arg7[%add3A_8, %dma_wait3A_70] : memref<10240x128xf32, #tpu.memory_space<vmem_shared>> -> memref<80x128xf32, #tpu.memory_space<vmem_shared>>
      tpu.wait_dma2 semaphore(%run_scoped3A : memref<!tpu.dma_semaphore, #tpu.memory_space<semaphore_mem>>) src(%arg12 : memref<80x128xf32, #tpu.memory_space<vmem>>) dst(%dma_wait3A_71 : memref<80x128xf32, #tpu.memory_space<vmem_shared>>)
      tpu.yield
    }) : () -> ()
    %add3A_9 = arith.constant 160 : i32
    %add3A_10 = arith.addi %mul3A_2, %add3A_9 : i32
    "tpu.region"() ({
      %run_scoped3A = tpu.sem_alloc : memref<!tpu.dma_semaphore, #tpu.memory_space<semaphore_mem>>
      %dma_start3A_64 = arith.constant 0 : i32
      %dma_start3A_65 = tpu.memref_slice %arg7[%add3A_10, %dma_start3A_64] : memref<10240x128xf32, #tpu.memory_space<vmem_shared>> -> memref<80x128xf32, #tpu.memory_space<vmem_shared>>
      %dma_start3A_66 = arith.constant 0 : i32
      %dma_start3A_67 = tpu.memref_slice %arg7[%add3A_10, %dma_start3A_66] : memref<10240x128xf32, #tpu.memory_space<vmem_shared>> -> memref<80x128xf32, #tpu.memory_space<vmem_shared>>
      tpu.enqueue_dma source(%arg12 : memref<80x128xf32, #tpu.memory_space<vmem>>) target(%dma_start3A_67 : memref<80x128xf32, #tpu.memory_space<vmem_shared>>) target_semaphore(%run_scoped3A : memref<!tpu.dma_semaphore, #tpu.memory_space<semaphore_mem>>)
      %dma_wait3A_68 = arith.constant 0 : i32
      %dma_wait3A_69 = tpu.memref_slice %arg7[%add3A_10, %dma_wait3A_68] : memref<10240x128xf32, #tpu.memory_space<vmem_shared>> -> memref<80x128xf32, #tpu.memory_space<vmem_shared>>
      %dma_wait3A_70 = arith.constant 0 : i32
      %dma_wait3A_71 = tpu.memref_slice %arg7[%add3A_10, %dma_wait3A_70] : memref<10240x128xf32, #tpu.memory_space<vmem_shared>> -> memref<80x128xf32, #tpu.memory_space<vmem_shared>>
      tpu.wait_dma2 semaphore(%run_scoped3A : memref<!tpu.dma_semaphore, #tpu.memory_space<semaphore_mem>>) src(%arg12 : memref<80x128xf32, #tpu.memory_space<vmem>>) dst(%dma_wait3A_71 : memref<80x128xf32, #tpu.memory_space<vmem_shared>>)
      tpu.yield
    }) : () -> ()
    %add3A_11 = arith.constant 240 : i32
    %add3A_12 = arith.addi %mul3A_2, %add3A_11 : i32
    "tpu.region"() ({
      %run_scoped3A = tpu.sem_alloc : memref<!tpu.dma_semaphore, #tpu.memory_space<semaphore_mem>>
      %dma_start3A_64 = arith.constant 0 : i32
      %dma_start3A_65 = tpu.memref_slice %arg7[%add3A_12, %dma_start3A_64] : memref<10240x128xf32, #tpu.memory_space<vmem_shared>> -> memref<80x128xf32, #tpu.memory_space<vmem_shared>>
      %dma_start3A_66 = arith.constant 0 : i32
      %dma_start3A_67 = tpu.memref_slice %arg7[%add3A_12, %dma_start3A_66] : memref<10240x128xf32, #tpu.memory_space<vmem_shared>> -> memref<80x128xf32, #tpu.memory_space<vmem_shared>>
      tpu.enqueue_dma source(%arg12 : memref<80x128xf32, #tpu.memory_space<vmem>>) target(%dma_start3A_67 : memref<80x128xf32, #tpu.memory_space<vmem_shared>>) target_semaphore(%run_scoped3A : memref<!tpu.dma_semaphore, #tpu.memory_space<semaphore_mem>>)
      %dma_wait3A_68 = arith.constant 0 : i32
      %dma_wait3A_69 = tpu.memref_slice %arg7[%add3A_12, %dma_wait3A_68] : memref<10240x128xf32, #tpu.memory_space<vmem_shared>> -> memref<80x128xf32, #tpu.memory_space<vmem_shared>>
      %dma_wait3A_70 = arith.constant 0 : i32
      %dma_wait3A_71 = tpu.memref_slice %arg7[%add3A_12, %dma_wait3A_70] : memref<10240x128xf32, #tpu.memory_space<vmem_shared>> -> memref<80x128xf32, #tpu.memory_space<vmem_shared>>
      tpu.wait_dma2 semaphore(%run_scoped3A : memref<!tpu.dma_semaphore, #tpu.memory_space<semaphore_mem>>) src(%arg12 : memref<80x128xf32, #tpu.memory_space<vmem>>) dst(%dma_wait3A_71 : memref<80x128xf32, #tpu.memory_space<vmem_shared>>)
      tpu.yield
    }) : () -> ()
    %add3A_13 = arith.constant 320 : i32
    %add3A_14 = arith.addi %mul3A_2, %add3A_13 : i32
    "tpu.region"() ({
      %run_scoped3A = tpu.sem_alloc : memref<!tpu.dma_semaphore, #tpu.memory_space<semaphore_mem>>
      %dma_start3A_64 = arith.constant 0 : i32
      %dma_start3A_65 = tpu.memref_slice %arg7[%add3A_14, %dma_start3A_64] : memref<10240x128xf32, #tpu.memory_space<vmem_shared>> -> memref<80x128xf32, #tpu.memory_space<vmem_shared>>
      %dma_start3A_66 = arith.constant 0 : i32
      %dma_start3A_67 = tpu.memref_slice %arg7[%add3A_14, %dma_start3A_66] : memref<10240x128xf32, #tpu.memory_space<vmem_shared>> -> memref<80x128xf32, #tpu.memory_space<vmem_shared>>
      tpu.enqueue_dma source(%arg12 : memref<80x128xf32, #tpu.memory_space<vmem>>) target(%dma_start3A_67 : memref<80x128xf32, #tpu.memory_space<vmem_shared>>) target_semaphore(%run_scoped3A : memref<!tpu.dma_semaphore, #tpu.memory_space<semaphore_mem>>)
      %dma_wait3A_68 = arith.constant 0 : i32
      %dma_wait3A_69 = tpu.memref_slice %arg7[%add3A_14, %dma_wait3A_68] : memref<10240x128xf32, #tpu.memory_space<vmem_shared>> -> memref<80x128xf32, #tpu.memory_space<vmem_shared>>
      %dma_wait3A_70 = arith.constant 0 : i32
      %dma_wait3A_71 = tpu.memref_slice %arg7[%add3A_14, %dma_wait3A_70] : memref<10240x128xf32, #tpu.memory_space<vmem_shared>> -> memref<80x128xf32, #tpu.memory_space<vmem_shared>>
      tpu.wait_dma2 semaphore(%run_scoped3A : memref<!tpu.dma_semaphore, #tpu.memory_space<semaphore_mem>>) src(%arg12 : memref<80x128xf32, #tpu.memory_space<vmem>>) dst(%dma_wait3A_71 : memref<80x128xf32, #tpu.memory_space<vmem_shared>>)
      tpu.yield
    }) : () -> ()
    %add3A_15 = arith.constant 400 : i32
    %add3A_16 = arith.addi %mul3A_2, %add3A_15 : i32
    "tpu.region"() ({
      %run_scoped3A = tpu.sem_alloc : memref<!tpu.dma_semaphore, #tpu.memory_space<semaphore_mem>>
      %dma_start3A_64 = arith.constant 0 : i32
      %dma_start3A_65 = tpu.memref_slice %arg7[%add3A_16, %dma_start3A_64] : memref<10240x128xf32, #tpu.memory_space<vmem_shared>> -> memref<80x128xf32, #tpu.memory_space<vmem_shared>>
      %dma_start3A_66 = arith.constant 0 : i32
      %dma_start3A_67 = tpu.memref_slice %arg7[%add3A_16, %dma_start3A_66] : memref<10240x128xf32, #tpu.memory_space<vmem_shared>> -> memref<80x128xf32, #tpu.memory_space<vmem_shared>>
      tpu.enqueue_dma source(%arg12 : memref<80x128xf32, #tpu.memory_space<vmem>>) target(%dma_start3A_67 : memref<80x128xf32, #tpu.memory_space<vmem_shared>>) target_semaphore(%run_scoped3A : memref<!tpu.dma_semaphore, #tpu.memory_space<semaphore_mem>>)
      %dma_wait3A_68 = arith.constant 0 : i32
      %dma_wait3A_69 = tpu.memref_slice %arg7[%add3A_16, %dma_wait3A_68] : memref<10240x128xf32, #tpu.memory_space<vmem_shared>> -> memref<80x128xf32, #tpu.memory_space<vmem_shared>>
      %dma_wait3A_70 = arith.constant 0 : i32
      %dma_wait3A_71 = tpu.memref_slice %arg7[%add3A_16, %dma_wait3A_70] : memref<10240x128xf32, #tpu.memory_space<vmem_shared>> -> memref<80x128xf32, #tpu.memory_space<vmem_shared>>
      tpu.wait_dma2 semaphore(%run_scoped3A : memref<!tpu.dma_semaphore, #tpu.memory_space<semaphore_mem>>) src(%arg12 : memref<80x128xf32, #tpu.memory_space<vmem>>) dst(%dma_wait3A_71 : memref<80x128xf32, #tpu.memory_space<vmem_shared>>)
      tpu.yield
    }) : () -> ()
    %add3A_17 = arith.constant 480 : i32
    %add3A_18 = arith.addi %mul3A_2, %add3A_17 : i32
    "tpu.region"() ({
      %run_scoped3A = tpu.sem_alloc : memref<!tpu.dma_semaphore, #tpu.memory_space<semaphore_mem>>
      %dma_start3A_64 = arith.constant 0 : i32
      %dma_start3A_65 = tpu.memref_slice %arg7[%add3A_18, %dma_start3A_64] : memref<10240x128xf32, #tpu.memory_space<vmem_shared>> -> memref<80x128xf32, #tpu.memory_space<vmem_shared>>
      %dma_start3A_66 = arith.constant 0 : i32
      %dma_start3A_67 = tpu.memref_slice %arg7[%add3A_18, %dma_start3A_66] : memref<10240x128xf32, #tpu.memory_space<vmem_shared>> -> memref<80x128xf32, #tpu.memory_space<vmem_shared>>
      tpu.enqueue_dma source(%arg12 : memref<80x128xf32, #tpu.memory_space<vmem>>) target(%dma_start3A_67 : memref<80x128xf32, #tpu.memory_space<vmem_shared>>) target_semaphore(%run_scoped3A : memref<!tpu.dma_semaphore, #tpu.memory_space<semaphore_mem>>)
      %dma_wait3A_68 = arith.constant 0 : i32
      %dma_wait3A_69 = tpu.memref_slice %arg7[%add3A_18, %dma_wait3A_68] : memref<10240x128xf32, #tpu.memory_space<vmem_shared>> -> memref<80x128xf32, #tpu.memory_space<vmem_shared>>
      %dma_wait3A_70 = arith.constant 0 : i32
      %dma_wait3A_71 = tpu.memref_slice %arg7[%add3A_18, %dma_wait3A_70] : memref<10240x128xf32, #tpu.memory_space<vmem_shared>> -> memref<80x128xf32, #tpu.memory_space<vmem_shared>>
      tpu.wait_dma2 semaphore(%run_scoped3A : memref<!tpu.dma_semaphore, #tpu.memory_space<semaphore_mem>>) src(%arg12 : memref<80x128xf32, #tpu.memory_space<vmem>>) dst(%dma_wait3A_71 : memref<80x128xf32, #tpu.memory_space<vmem_shared>>)
      tpu.yield
    }) : () -> ()
    %add3A_19 = arith.constant 560 : i32
    %add3A_20 = arith.addi %mul3A_2, %add3A_19 : i32
    "tpu.region"() ({
      %run_scoped3A = tpu.sem_alloc : memref<!tpu.dma_semaphore, #tpu.memory_space<semaphore_mem>>
      %dma_start3A_64 = arith.constant 0 : i32
      %dma_start3A_65 = tpu.memref_slice %arg7[%add3A_20, %dma_start3A_64] : memref<10240x128xf32, #tpu.memory_space<vmem_shared>> -> memref<80x128xf32, #tpu.memory_space<vmem_shared>>
      %dma_start3A_66 = arith.constant 0 : i32
      %dma_start3A_67 = tpu.memref_slice %arg7[%add3A_20, %dma_start3A_66] : memref<10240x128xf32, #tpu.memory_space<vmem_shared>> -> memref<80x128xf32, #tpu.memory_space<vmem_shared>>
      tpu.enqueue_dma source(%arg12 : memref<80x128xf32, #tpu.memory_space<vmem>>) target(%dma_start3A_67 : memref<80x128xf32, #tpu.memory_space<vmem_shared>>) target_semaphore(%run_scoped3A : memref<!tpu.dma_semaphore, #tpu.memory_space<semaphore_mem>>)
      %dma_wait3A_68 = arith.constant 0 : i32
      %dma_wait3A_69 = tpu.memref_slice %arg7[%add3A_20, %dma_wait3A_68] : memref<10240x128xf32, #tpu.memory_space<vmem_shared>> -> memref<80x128xf32, #tpu.memory_space<vmem_shared>>
      %dma_wait3A_70 = arith.constant 0 : i32
      %dma_wait3A_71 = tpu.memref_slice %arg7[%add3A_20, %dma_wait3A_70] : memref<10240x128xf32, #tpu.memory_space<vmem_shared>> -> memref<80x128xf32, #tpu.memory_space<vmem_shared>>
      tpu.wait_dma2 semaphore(%run_scoped3A : memref<!tpu.dma_semaphore, #tpu.memory_space<semaphore_mem>>) src(%arg12 : memref<80x128xf32, #tpu.memory_space<vmem>>) dst(%dma_wait3A_71 : memref<80x128xf32, #tpu.memory_space<vmem_shared>>)
      tpu.yield
    }) : () -> ()
    %barrier3A = arith.constant 0 : index
    tpu.barrier barrier_id(%barrier3A)
    "tpu.region"() ({
      %run_scoped3A = tpu.sem_alloc : memref<!tpu.dma_semaphore, #tpu.memory_space<semaphore_mem>>
      %dma_start3A_64 = tpu.memref_slice %arg3[%mul3A_4] : memref<320000xi32, #tpu.memory_space<hbm>> -> memref<80xi32, #tpu.memory_space<hbm>>
      %dma_start3A_65 = tpu.memref_slice %arg3[%mul3A_4] : memref<320000xi32, #tpu.memory_space<hbm>> -> memref<80xi32, #tpu.memory_space<hbm>>
      tpu.enqueue_dma source(%dma_start3A_65 : memref<80xi32, #tpu.memory_space<hbm>>) target(%arg8 : memref<80xi32, #tpu.memory_space<vmem>>) target_semaphore(%run_scoped3A : memref<!tpu.dma_semaphore, #tpu.memory_space<semaphore_mem>>)
      %dma_wait3A_66 = tpu.memref_slice %arg3[%mul3A_4] : memref<320000xi32, #tpu.memory_space<hbm>> -> memref<80xi32, #tpu.memory_space<hbm>>
      %dma_wait3A_67 = tpu.memref_slice %arg3[%mul3A_4] : memref<320000xi32, #tpu.memory_space<hbm>> -> memref<80xi32, #tpu.memory_space<hbm>>
      tpu.wait_dma2 semaphore(%run_scoped3A : memref<!tpu.dma_semaphore, #tpu.memory_space<semaphore_mem>>) src(%dma_wait3A_67 : memref<80xi32, #tpu.memory_space<hbm>>) dst(%arg8 : memref<80xi32, #tpu.memory_space<vmem>>)
      tpu.yield
    }) : () -> ()
    "tpu.region"() ({
      %run_scoped3A = tpu.sem_alloc : memref<!tpu.dma_semaphore, #tpu.memory_space<semaphore_mem>>
      %dma_start3A_64 = tpu.memref_slice %arg4[%mul3A_4] : memref<320000xi32, #tpu.memory_space<hbm>> -> memref<80xi32, #tpu.memory_space<hbm>>
      %dma_start3A_65 = tpu.memref_slice %arg4[%mul3A_4] : memref<320000xi32, #tpu.memory_space<hbm>> -> memref<80xi32, #tpu.memory_space<hbm>>
      tpu.enqueue_dma source(%dma_start3A_65 : memref<80xi32, #tpu.memory_space<hbm>>) target(%arg10 : memref<80xi32, #tpu.memory_space<vmem>>) target_semaphore(%run_scoped3A : memref<!tpu.dma_semaphore, #tpu.memory_space<semaphore_mem>>)
      %dma_wait3A_66 = tpu.memref_slice %arg4[%mul3A_4] : memref<320000xi32, #tpu.memory_space<hbm>> -> memref<80xi32, #tpu.memory_space<hbm>>
      %dma_wait3A_67 = tpu.memref_slice %arg4[%mul3A_4] : memref<320000xi32, #tpu.memory_space<hbm>> -> memref<80xi32, #tpu.memory_space<hbm>>
      tpu.wait_dma2 semaphore(%run_scoped3A : memref<!tpu.dma_semaphore, #tpu.memory_space<semaphore_mem>>) src(%dma_wait3A_67 : memref<80xi32, #tpu.memory_space<hbm>>) dst(%arg10 : memref<80xi32, #tpu.memory_space<vmem>>)
      tpu.yield
    }) : () -> ()
    %dma_start3A = arith.constant 0 : i32
    %dma_start3A_21 = arith.constant 0 : i32
    %dma_start3A_22 = tpu.memref_slice %arg2[%dma_start3A, %dma_start3A_21] : memref<10000x128xf32, #tpu.memory_space<hbm>> -> memref<10000x128xf32, #tpu.memory_space<hbm>>
    tpu.enqueue_indirect_dma source(%dma_start3A_22 : memref<10000x128xf32, #tpu.memory_space<hbm>>) target(%arg12 : memref<80x128xf32, #tpu.memory_space<vmem>>) offsets(%arg8 : memref<80xi32, #tpu.memory_space<vmem>>) semaphore(%arg14 : memref<!tpu.dma_semaphore, #tpu.memory_space<semaphore_mem>>)
    %min3A = arith.constant 1 : i32
    %min3A_23 = arith.constant 124 : i32
    %min3A_24 = arith.minsi %min3A, %min3A_23 : i32
    %mul3A_25 = arith.constant 80 : i32
    %mul3A_26 = arith.muli %min3A_24, %mul3A_25 : i32
    %add3A_27 = arith.addi %mul3A_4, %mul3A_26 : i32
    %dma_start3A_28 = tpu.memref_slice %arg3[%add3A_27] : memref<320000xi32, #tpu.memory_space<hbm>> -> memref<80xi32, #tpu.memory_space<hbm>>
    %dma_start3A_29 = tpu.memref_slice %arg3[%add3A_27] : memref<320000xi32, #tpu.memory_space<hbm>> -> memref<80xi32, #tpu.memory_space<hbm>>
    tpu.enqueue_dma source(%dma_start3A_29 : memref<80xi32, #tpu.memory_space<hbm>>) target(%arg9 : memref<80xi32, #tpu.memory_space<vmem>>) target_semaphore(%arg17 : memref<!tpu.dma_semaphore, #tpu.memory_space<semaphore_mem>>)
    %dma_start3A_30 = tpu.memref_slice %arg4[%add3A_27] : memref<320000xi32, #tpu.memory_space<hbm>> -> memref<80xi32, #tpu.memory_space<hbm>>
    %dma_start3A_31 = tpu.memref_slice %arg4[%add3A_27] : memref<320000xi32, #tpu.memory_space<hbm>> -> memref<80xi32, #tpu.memory_space<hbm>>
    tpu.enqueue_dma source(%dma_start3A_31 : memref<80xi32, #tpu.memory_space<hbm>>) target(%arg11 : memref<80xi32, #tpu.memory_space<vmem>>) target_semaphore(%arg17 : memref<!tpu.dma_semaphore, #tpu.memory_space<semaphore_mem>>)
    %scan3A = arith.constant 0 : i32
    %scan3A_32 = arith.constant 0 : i32
    %scan3A_33 = arith.constant 62 : i32
    %scan3A_34 = arith.addi %scan3A_32, %scan3A_33 : i32
    %scan3A_35 = arith.constant 1 : i32
    scf.for %scan3A_64 = %scan3A_32 to %scan3A_34 step %scan3A_35  : i32 {
      %mul3A_65 = arith.constant 2 : i32
      %mul3A_66 = arith.muli %mul3A_65, %scan3A_64 : i32
      %add3A_67 = arith.constant 2 : i32
      %add3A_68 = arith.addi %mul3A_66, %add3A_67 : i32
      %dma_wait3A_69 = arith.constant 0 : i32
      %dma_wait3A_70 = tpu.memref_slice %arg3[%dma_wait3A_69] : memref<320000xi32, #tpu.memory_space<hbm>> -> memref<80xi32, #tpu.memory_space<hbm>>
      %dma_wait3A_71 = arith.constant 0 : i32
      %dma_wait3A_72 = tpu.memref_slice %arg3[%dma_wait3A_71] : memref<320000xi32, #tpu.memory_space<hbm>> -> memref<80xi32, #tpu.memory_space<hbm>>
      tpu.wait_dma2 semaphore(%arg17 : memref<!tpu.dma_semaphore, #tpu.memory_space<semaphore_mem>>) src(%dma_wait3A_72 : memref<80xi32, #tpu.memory_space<hbm>>) dst(%arg9 : memref<80xi32, #tpu.memory_space<vmem>>)
      %dma_wait3A_73 = arith.constant 0 : i32
      %dma_wait3A_74 = tpu.memref_slice %arg4[%dma_wait3A_73] : memref<320000xi32, #tpu.memory_space<hbm>> -> memref<80xi32, #tpu.memory_space<hbm>>
      %dma_wait3A_75 = arith.constant 0 : i32
      %dma_wait3A_76 = tpu.memref_slice %arg4[%dma_wait3A_75] : memref<320000xi32, #tpu.memory_space<hbm>> -> memref<80xi32, #tpu.memory_space<hbm>>
      tpu.wait_dma2 semaphore(%arg17 : memref<!tpu.dma_semaphore, #tpu.memory_space<semaphore_mem>>) src(%dma_wait3A_76 : memref<80xi32, #tpu.memory_space<hbm>>) dst(%arg11 : memref<80xi32, #tpu.memory_space<vmem>>)
      %dma_start3A_77 = arith.constant 0 : i32
      %dma_start3A_78 = arith.constant 0 : i32
      %dma_start3A_79 = tpu.memref_slice %arg2[%dma_start3A_77, %dma_start3A_78] : memref<10000x128xf32, #tpu.memory_space<hbm>> -> memref<10000x128xf32, #tpu.memory_space<hbm>>
      tpu.enqueue_indirect_dma source(%dma_start3A_79 : memref<10000x128xf32, #tpu.memory_space<hbm>>) target(%arg13 : memref<80x128xf32, #tpu.memory_space<vmem>>) offsets(%arg9 : memref<80xi32, #tpu.memory_space<vmem>>) semaphore(%arg15 : memref<!tpu.dma_semaphore, #tpu.memory_space<semaphore_mem>>)
      %dma_wait3A_80 = arith.constant 0 : i32
      %dma_wait3A_81 = arith.constant 0 : i32
      %dma_wait3A_82 = tpu.memref_slice %arg2[%dma_wait3A_80, %dma_wait3A_81] : memref<10000x128xf32, #tpu.memory_space<hbm>> -> memref<10000x128xf32, #tpu.memory_space<hbm>>
      tpu.wait_indirect_dma semaphore(%arg14 : memref<!tpu.dma_semaphore, #tpu.memory_space<semaphore_mem>>) src(%dma_wait3A_82 : memref<10000x128xf32, #tpu.memory_space<hbm>>) dst(%arg12 : memref<80x128xf32, #tpu.memory_space<vmem>>)
      "tpu.region"() ({
        %run_scoped3A = tpu.sem_alloc : memref<!tpu.dma_semaphore, #tpu.memory_space<semaphore_mem>>
        %dma_start3A_117 = arith.constant 0 : i32
        %dma_start3A_118 = arith.constant 0 : i32
        %dma_start3A_119 = tpu.memref_slice %arg7[%dma_start3A_117, %dma_start3A_118] : memref<10240x128xf32, #tpu.memory_space<vmem_shared>> -> memref<10240x128xf32, #tpu.memory_space<vmem_shared>>
        tpu.enqueue_indirect_dma source(%arg12 : memref<80x128xf32, #tpu.memory_space<vmem>>) target(%dma_start3A_119 : memref<10240x128xf32, #tpu.memory_space<vmem_shared>>) offsets(%arg10 : memref<80xi32, #tpu.memory_space<vmem>>) semaphore(%run_scoped3A : memref<!tpu.dma_semaphore, #tpu.memory_space<semaphore_mem>>) {add = true}
        %dma_wait3A_120 = arith.constant 0 : i32
        %dma_wait3A_121 = arith.constant 0 : i32
        %dma_wait3A_122 = tpu.memref_slice %arg7[%dma_wait3A_120, %dma_wait3A_121] : memref<10240x128xf32, #tpu.memory_space<vmem_shared>> -> memref<10240x128xf32, #tpu.memory_space<vmem_shared>>
        tpu.wait_indirect_dma semaphore(%run_scoped3A : memref<!tpu.dma_semaphore, #tpu.memory_space<semaphore_mem>>) src(%arg12 : memref<80x128xf32, #tpu.memory_space<vmem>>) dst(%dma_wait3A_122 : memref<10240x128xf32, #tpu.memory_space<vmem_shared>>)
        tpu.yield
      }) : () -> ()
      %min3A_83 = arith.constant 124 : i32
      %min3A_84 = arith.minsi %add3A_68, %min3A_83 : i32
      %mul3A_85 = arith.constant 80 : i32
      %mul3A_86 = arith.muli %min3A_84, %mul3A_85 : i32
      %add3A_87 = arith.addi %mul3A_4, %mul3A_86 : i32
      %dma_start3A_88 = tpu.memref_slice %arg3[%add3A_87] : memref<320000xi32, #tpu.memory_space<hbm>> -> memref<80xi32, #tpu.memory_space<hbm>>
      %dma_start3A_89 = tpu.memref_slice %arg3[%add3A_87] : memref<320000xi32, #tpu.memory_space<hbm>> -> memref<80xi32, #tpu.memory_space<hbm>>
      tpu.enqueue_dma source(%dma_start3A_89 : memref<80xi32, #tpu.memory_space<hbm>>) target(%arg8 : memref<80xi32, #tpu.memory_space<vmem>>) target_semaphore(%arg16 : memref<!tpu.dma_semaphore, #tpu.memory_space<semaphore_mem>>)
      %dma_start3A_90 = tpu.memref_slice %arg4[%add3A_87] : memref<320000xi32, #tpu.memory_space<hbm>> -> memref<80xi32, #tpu.memory_space<hbm>>
      %dma_start3A_91 = tpu.memref_slice %arg4[%add3A_87] : memref<320000xi32, #tpu.memory_space<hbm>> -> memref<80xi32, #tpu.memory_space<hbm>>
      tpu.enqueue_dma source(%dma_start3A_91 : memref<80xi32, #tpu.memory_space<hbm>>) target(%arg10 : memref<80xi32, #tpu.memory_space<vmem>>) target_semaphore(%arg16 : memref<!tpu.dma_semaphore, #tpu.memory_space<semaphore_mem>>)
      %dma_wait3A_92 = arith.constant 0 : i32
      %dma_wait3A_93 = tpu.memref_slice %arg3[%dma_wait3A_92] : memref<320000xi32, #tpu.memory_space<hbm>> -> memref<80xi32, #tpu.memory_space<hbm>>
      %dma_wait3A_94 = arith.constant 0 : i32
      %dma_wait3A_95 = tpu.memref_slice %arg3[%dma_wait3A_94] : memref<320000xi32, #tpu.memory_space<hbm>> -> memref<80xi32, #tpu.memory_space<hbm>>
      tpu.wait_dma2 semaphore(%arg16 : memref<!tpu.dma_semaphore, #tpu.memory_space<semaphore_mem>>) src(%dma_wait3A_95 : memref<80xi32, #tpu.memory_space<hbm>>) dst(%arg8 : memref<80xi32, #tpu.memory_space<vmem>>)
      %dma_wait3A_96 = arith.constant 0 : i32
      %dma_wait3A_97 = tpu.memref_slice %arg4[%dma_wait3A_96] : memref<320000xi32, #tpu.memory_space<hbm>> -> memref<80xi32, #tpu.memory_space<hbm>>
      %dma_wait3A_98 = arith.constant 0 : i32
      %dma_wait3A_99 = tpu.memref_slice %arg4[%dma_wait3A_98] : memref<320000xi32, #tpu.memory_space<hbm>> -> memref<80xi32, #tpu.memory_space<hbm>>
      tpu.wait_dma2 semaphore(%arg16 : memref<!tpu.dma_semaphore, #tpu.memory_space<semaphore_mem>>) src(%dma_wait3A_99 : memref<80xi32, #tpu.memory_space<hbm>>) dst(%arg10 : memref<80xi32, #tpu.memory_space<vmem>>)
      %dma_start3A_100 = arith.constant 0 : i32
      %dma_start3A_101 = arith.constant 0 : i32
      %dma_start3A_102 = tpu.memref_slice %arg2[%dma_start3A_100, %dma_start3A_101] : memref<10000x128xf32, #tpu.memory_space<hbm>> -> memref<10000x128xf32, #tpu.memory_space<hbm>>
      tpu.enqueue_indirect_dma source(%dma_start3A_102 : memref<10000x128xf32, #tpu.memory_space<hbm>>) target(%arg12 : memref<80x128xf32, #tpu.memory_space<vmem>>) offsets(%arg8 : memref<80xi32, #tpu.memory_space<vmem>>) semaphore(%arg14 : memref<!tpu.dma_semaphore, #tpu.memory_space<semaphore_mem>>)
      %dma_wait3A_103 = arith.constant 0 : i32
      %dma_wait3A_104 = arith.constant 0 : i32
      %dma_wait3A_105 = tpu.memref_slice %arg2[%dma_wait3A_103, %dma_wait3A_104] : memref<10000x128xf32, #tpu.memory_space<hbm>> -> memref<10000x128xf32, #tpu.memory_space<hbm>>
      tpu.wait_indirect_dma semaphore(%arg15 : memref<!tpu.dma_semaphore, #tpu.memory_space<semaphore_mem>>) src(%dma_wait3A_105 : memref<10000x128xf32, #tpu.memory_space<hbm>>) dst(%arg13 : memref<80x128xf32, #tpu.memory_space<vmem>>)
      "tpu.region"() ({
        %run_scoped3A = tpu.sem_alloc : memref<!tpu.dma_semaphore, #tpu.memory_space<semaphore_mem>>
        %dma_start3A_117 = arith.constant 0 : i32
        %dma_start3A_118 = arith.constant 0 : i32
        %dma_start3A_119 = tpu.memref_slice %arg7[%dma_start3A_117, %dma_start3A_118] : memref<10240x128xf32, #tpu.memory_space<vmem_shared>> -> memref<10240x128xf32, #tpu.memory_space<vmem_shared>>
        tpu.enqueue_indirect_dma source(%arg13 : memref<80x128xf32, #tpu.memory_space<vmem>>) target(%dma_start3A_119 : memref<10240x128xf32, #tpu.memory_space<vmem_shared>>) offsets(%arg11 : memref<80xi32, #tpu.memory_space<vmem>>) semaphore(%run_scoped3A : memref<!tpu.dma_semaphore, #tpu.memory_space<semaphore_mem>>) {add = true}
        %dma_wait3A_120 = arith.constant 0 : i32
        %dma_wait3A_121 = arith.constant 0 : i32
        %dma_wait3A_122 = tpu.memref_slice %arg7[%dma_wait3A_120, %dma_wait3A_121] : memref<10240x128xf32, #tpu.memory_space<vmem_shared>> -> memref<10240x128xf32, #tpu.memory_space<vmem_shared>>
        tpu.wait_indirect_dma semaphore(%run_scoped3A : memref<!tpu.dma_semaphore, #tpu.memory_space<semaphore_mem>>) src(%arg13 : memref<80x128xf32, #tpu.memory_space<vmem>>) dst(%dma_wait3A_122 : memref<10240x128xf32, #tpu.memory_space<vmem_shared>>)
        tpu.yield
      }) : () -> ()
      %add3A_106 = arith.constant 1 : i32
      %add3A_107 = arith.addi %add3A_68, %add3A_106 : i32
      %min3A_108 = arith.constant 124 : i32
      %min3A_109 = arith.minsi %add3A_107, %min3A_108 : i32
      %mul3A_110 = arith.constant 80 : i32
      %mul3A_111 = arith.muli %min3A_109, %mul3A_110 : i32
      %add3A_112 = arith.addi %mul3A_4, %mul3A_111 : i32
      %dma_start3A_113 = tpu.memref_slice %arg3[%add3A_112] : memref<320000xi32, #tpu.memory_space<hbm>> -> memref<80xi32, #tpu.memory_space<hbm>>
      %dma_start3A_114 = tpu.memref_slice %arg3[%add3A_112] : memref<320000xi32, #tpu.memory_space<hbm>> -> memref<80xi32, #tpu.memory_space<hbm>>
      tpu.enqueue_dma source(%dma_start3A_114 : memref<80xi32, #tpu.memory_space<hbm>>) target(%arg9 : memref<80xi32, #tpu.memory_space<vmem>>) target_semaphore(%arg17 : memref<!tpu.dma_semaphore, #tpu.memory_space<semaphore_mem>>)
      %dma_start3A_115 = tpu.memref_slice %arg4[%add3A_112] : memref<320000xi32, #tpu.memory_space<hbm>> -> memref<80xi32, #tpu.memory_space<hbm>>
      %dma_start3A_116 = tpu.memref_slice %arg4[%add3A_112] : memref<320000xi32, #tpu.memory_space<hbm>> -> memref<80xi32, #tpu.memory_space<hbm>>
      tpu.enqueue_dma source(%dma_start3A_116 : memref<80xi32, #tpu.memory_space<hbm>>) target(%arg11 : memref<80xi32, #tpu.memory_space<vmem>>) target_semaphore(%arg17 : memref<!tpu.dma_semaphore, #tpu.memory_space<semaphore_mem>>)
    }
    %scan3A_36 = arith.constant 62 : i32
    %dma_wait3A = arith.constant 0 : i32
    %dma_wait3A_37 = tpu.memref_slice %arg3[%dma_wait3A] : memref<320000xi32, #tpu.memory_space<hbm>> -> memref<80xi32, #tpu.memory_space<hbm>>
    %dma_wait3A_38 = arith.constant 0 : i32
    %dma_wait3A_39 = tpu.memref_slice %arg3[%dma_wait3A_38] : memref<320000xi32, #tpu.memory_space<hbm>> -> memref<80xi32, #tpu.memory_space<hbm>>
    tpu.wait_dma2 semaphore(%arg17 : memref<!tpu.dma_semaphore, #tpu.memory_space<semaphore_mem>>) src(%dma_wait3A_39 : memref<80xi32, #tpu.memory_space<hbm>>) dst(%arg9 : memref<80xi32, #tpu.memory_space<vmem>>)
    %dma_wait3A_40 = arith.constant 0 : i32
    %dma_wait3A_41 = tpu.memref_slice %arg4[%dma_wait3A_40] : memref<320000xi32, #tpu.memory_space<hbm>> -> memref<80xi32, #tpu.memory_space<hbm>>
    %dma_wait3A_42 = arith.constant 0 : i32
    %dma_wait3A_43 = tpu.memref_slice %arg4[%dma_wait3A_42] : memref<320000xi32, #tpu.memory_space<hbm>> -> memref<80xi32, #tpu.memory_space<hbm>>
    tpu.wait_dma2 semaphore(%arg17 : memref<!tpu.dma_semaphore, #tpu.memory_space<semaphore_mem>>) src(%dma_wait3A_43 : memref<80xi32, #tpu.memory_space<hbm>>) dst(%arg11 : memref<80xi32, #tpu.memory_space<vmem>>)
    %dma_wait3A_44 = arith.constant 0 : i32
    %dma_wait3A_45 = arith.constant 0 : i32
    %dma_wait3A_46 = tpu.memref_slice %arg2[%dma_wait3A_44, %dma_wait3A_45] : memref<10000x128xf32, #tpu.memory_space<hbm>> -> memref<10000x128xf32, #tpu.memory_space<hbm>>
    tpu.wait_indirect_dma semaphore(%arg14 : memref<!tpu.dma_semaphore, #tpu.memory_space<semaphore_mem>>) src(%dma_wait3A_46 : memref<10000x128xf32, #tpu.memory_space<hbm>>) dst(%arg12 : memref<80x128xf32, #tpu.memory_space<vmem>>)
    "tpu.region"() ({
      %run_scoped3A = tpu.sem_alloc : memref<!tpu.dma_semaphore, #tpu.memory_space<semaphore_mem>>
      %dma_start3A_64 = arith.constant 0 : i32
      %dma_start3A_65 = arith.constant 0 : i32
      %dma_start3A_66 = tpu.memref_slice %arg7[%dma_start3A_64, %dma_start3A_65] : memref<10240x128xf32, #tpu.memory_space<vmem_shared>> -> memref<10240x128xf32, #tpu.memory_space<vmem_shared>>
      tpu.enqueue_indirect_dma source(%arg12 : memref<80x128xf32, #tpu.memory_space<vmem>>) target(%dma_start3A_66 : memref<10240x128xf32, #tpu.memory_space<vmem_shared>>) offsets(%arg10 : memref<80xi32, #tpu.memory_space<vmem>>) semaphore(%run_scoped3A : memref<!tpu.dma_semaphore, #tpu.memory_space<semaphore_mem>>) {add = true}
      %dma_wait3A_67 = arith.constant 0 : i32
      %dma_wait3A_68 = arith.constant 0 : i32
      %dma_wait3A_69 = tpu.memref_slice %arg7[%dma_wait3A_67, %dma_wait3A_68] : memref<10240x128xf32, #tpu.memory_space<vmem_shared>> -> memref<10240x128xf32, #tpu.memory_space<vmem_shared>>
      tpu.wait_indirect_dma semaphore(%run_scoped3A : memref<!tpu.dma_semaphore, #tpu.memory_space<semaphore_mem>>) src(%arg12 : memref<80x128xf32, #tpu.memory_space<vmem>>) dst(%dma_wait3A_69 : memref<10240x128xf32, #tpu.memory_space<vmem_shared>>)
      tpu.yield
    }) : () -> ()
    %barrier3A_47 = arith.constant 0 : index
    tpu.barrier barrier_id(%barrier3A_47)
    %add3A_48 = arith.constant 0 : i32
    %add3A_49 = arith.addi %mul3A_2, %add3A_48 : i32
    "tpu.region"() ({
      %run_scoped3A = tpu.sem_alloc : memref<!tpu.dma_semaphore, #tpu.memory_space<semaphore_mem>>
      %dma_start3A_64 = arith.constant 0 : i32
      %dma_start3A_65 = tpu.memref_slice %arg7[%add3A_49, %dma_start3A_64] : memref<10240x128xf32, #tpu.memory_space<vmem_shared>> -> memref<80x128xf32, #tpu.memory_space<vmem_shared>>
      %dma_start3A_66 = arith.constant 0 : i32
      %dma_start3A_67 = tpu.memref_slice %arg7[%add3A_49, %dma_start3A_66] : memref<10240x128xf32, #tpu.memory_space<vmem_shared>> -> memref<80x128xf32, #tpu.memory_space<vmem_shared>>
      tpu.enqueue_dma source(%dma_start3A_67 : memref<80x128xf32, #tpu.memory_space<vmem_shared>>) target(%arg12 : memref<80x128xf32, #tpu.memory_space<vmem>>) target_semaphore(%run_scoped3A : memref<!tpu.dma_semaphore, #tpu.memory_space<semaphore_mem>>)
      %dma_wait3A_68 = arith.constant 0 : i32
      %dma_wait3A_69 = tpu.memref_slice %arg7[%add3A_49, %dma_wait3A_68] : memref<10240x128xf32, #tpu.memory_space<vmem_shared>> -> memref<80x128xf32, #tpu.memory_space<vmem_shared>>
      %dma_wait3A_70 = arith.constant 0 : i32
      %dma_wait3A_71 = tpu.memref_slice %arg7[%add3A_49, %dma_wait3A_70] : memref<10240x128xf32, #tpu.memory_space<vmem_shared>> -> memref<80x128xf32, #tpu.memory_space<vmem_shared>>
      tpu.wait_dma2 semaphore(%run_scoped3A : memref<!tpu.dma_semaphore, #tpu.memory_space<semaphore_mem>>) src(%dma_wait3A_71 : memref<80x128xf32, #tpu.memory_space<vmem_shared>>) dst(%arg12 : memref<80x128xf32, #tpu.memory_space<vmem>>)
      tpu.yield
    }) : () -> ()
    "tpu.region"() ({
      %run_scoped3A = tpu.sem_alloc : memref<!tpu.dma_semaphore, #tpu.memory_space<semaphore_mem>>
      %dma_start3A_64 = arith.constant 0 : i32
      %dma_start3A_65 = tpu.memref_slice %arg6[%arg0, %add3A_49, %dma_start3A_64] : memref<2x10240x128xf32, #tpu.memory_space<hbm>> -> memref<1x80x128xf32, #tpu.memory_space<hbm>>
      %dma_start3A_66 = tpu.memref_squeeze %dma_start3A_65 : memref<1x80x128xf32, #tpu.memory_space<hbm>> -> memref<80x128xf32, #tpu.memory_space<hbm>>
      %dma_start3A_67 = arith.constant 0 : i32
      %dma_start3A_68 = tpu.memref_slice %arg6[%arg0, %add3A_49, %dma_start3A_67] : memref<2x10240x128xf32, #tpu.memory_space<hbm>> -> memref<1x80x128xf32, #tpu.memory_space<hbm>>
      %dma_start3A_69 = tpu.memref_squeeze %dma_start3A_68 : memref<1x80x128xf32, #tpu.memory_space<hbm>> -> memref<80x128xf32, #tpu.memory_space<hbm>>
      tpu.enqueue_dma source(%arg12 : memref<80x128xf32, #tpu.memory_space<vmem>>) target(%dma_start3A_69 : memref<80x128xf32, #tpu.memory_space<hbm>>) target_semaphore(%run_scoped3A : memref<!tpu.dma_semaphore, #tpu.memory_space<semaphore_mem>>)
      %dma_wait3A_70 = arith.constant 0 : i32
      %dma_wait3A_71 = tpu.memref_slice %arg6[%arg0, %add3A_49, %dma_wait3A_70] : memref<2x10240x128xf32, #tpu.memory_space<hbm>> -> memref<1x80x128xf32, #tpu.memory_space<hbm>>
      %dma_wait3A_72 = tpu.memref_squeeze %dma_wait3A_71 : memref<1x80x128xf32, #tpu.memory_space<hbm>> -> memref<80x128xf32, #tpu.memory_space<hbm>>
      %dma_wait3A_73 = arith.constant 0 : i32
      %dma_wait3A_74 = tpu.memref_slice %arg6[%arg0, %add3A_49, %dma_wait3A_73] : memref<2x10240x128xf32, #tpu.memory_space<hbm>> -> memref<1x80x128xf32, #tpu.memory_space<hbm>>
      %dma_wait3A_75 = tpu.memref_squeeze %dma_wait3A_74 : memref<1x80x128xf32, #tpu.memory_space<hbm>> -> memref<80x128xf32, #tpu.memory_space<hbm>>
      tpu.wait_dma2 semaphore(%run_scoped3A : memref<!tpu.dma_semaphore, #tpu.memory_space<semaphore_mem>>) src(%arg12 : memref<80x128xf32, #tpu.memory_space<vmem>>) dst(%dma_wait3A_75 : memref<80x128xf32, #tpu.memory_space<hbm>>)
      tpu.yield
    }) : () -> ()
    %add3A_50 = arith.constant 80 : i32
    %add3A_51 = arith.addi %mul3A_2, %add3A_50 : i32
    "tpu.region"() ({
      %run_scoped3A = tpu.sem_alloc : memref<!tpu.dma_semaphore, #tpu.memory_space<semaphore_mem>>
      %dma_start3A_64 = arith.constant 0 : i32
      %dma_start3A_65 = tpu.memref_slice %arg7[%add3A_51, %dma_start3A_64] : memref<10240x128xf32, #tpu.memory_space<vmem_shared>> -> memref<80x128xf32, #tpu.memory_space<vmem_shared>>
      %dma_start3A_66 = arith.constant 0 : i32
      %dma_start3A_67 = tpu.memref_slice %arg7[%add3A_51, %dma_start3A_66] : memref<10240x128xf32, #tpu.memory_space<vmem_shared>> -> memref<80x128xf32, #tpu.memory_space<vmem_shared>>
      tpu.enqueue_dma source(%dma_start3A_67 : memref<80x128xf32, #tpu.memory_space<vmem_shared>>) target(%arg12 : memref<80x128xf32, #tpu.memory_space<vmem>>) target_semaphore(%run_scoped3A : memref<!tpu.dma_semaphore, #tpu.memory_space<semaphore_mem>>)
      %dma_wait3A_68 = arith.constant 0 : i32
      %dma_wait3A_69 = tpu.memref_slice %arg7[%add3A_51, %dma_wait3A_68] : memref<10240x128xf32, #tpu.memory_space<vmem_shared>> -> memref<80x128xf32, #tpu.memory_space<vmem_shared>>
      %dma_wait3A_70 = arith.constant 0 : i32
      %dma_wait3A_71 = tpu.memref_slice %arg7[%add3A_51, %dma_wait3A_70] : memref<10240x128xf32, #tpu.memory_space<vmem_shared>> -> memref<80x128xf32, #tpu.memory_space<vmem_shared>>
      tpu.wait_dma2 semaphore(%run_scoped3A : memref<!tpu.dma_semaphore, #tpu.memory_space<semaphore_mem>>) src(%dma_wait3A_71 : memref<80x128xf32, #tpu.memory_space<vmem_shared>>) dst(%arg12 : memref<80x128xf32, #tpu.memory_space<vmem>>)
      tpu.yield
    }) : () -> ()
    "tpu.region"() ({
      %run_scoped3A = tpu.sem_alloc : memref<!tpu.dma_semaphore, #tpu.memory_space<semaphore_mem>>
      %dma_start3A_64 = arith.constant 0 : i32
      %dma_start3A_65 = tpu.memref_slice %arg6[%arg0, %add3A_51, %dma_start3A_64] : memref<2x10240x128xf32, #tpu.memory_space<hbm>> -> memref<1x80x128xf32, #tpu.memory_space<hbm>>
      %dma_start3A_66 = tpu.memref_squeeze %dma_start3A_65 : memref<1x80x128xf32, #tpu.memory_space<hbm>> -> memref<80x128xf32, #tpu.memory_space<hbm>>
      %dma_start3A_67 = arith.constant 0 : i32
      %dma_start3A_68 = tpu.memref_slice %arg6[%arg0, %add3A_51, %dma_start3A_67] : memref<2x10240x128xf32, #tpu.memory_space<hbm>> -> memref<1x80x128xf32, #tpu.memory_space<hbm>>
      %dma_start3A_69 = tpu.memref_squeeze %dma_start3A_68 : memref<1x80x128xf32, #tpu.memory_space<hbm>> -> memref<80x128xf32, #tpu.memory_space<hbm>>
      tpu.enqueue_dma source(%arg12 : memref<80x128xf32, #tpu.memory_space<vmem>>) target(%dma_start3A_69 : memref<80x128xf32, #tpu.memory_space<hbm>>) target_semaphore(%run_scoped3A : memref<!tpu.dma_semaphore, #tpu.memory_space<semaphore_mem>>)
      %dma_wait3A_70 = arith.constant 0 : i32
      %dma_wait3A_71 = tpu.memref_slice %arg6[%arg0, %add3A_51, %dma_wait3A_70] : memref<2x10240x128xf32, #tpu.memory_space<hbm>> -> memref<1x80x128xf32, #tpu.memory_space<hbm>>
      %dma_wait3A_72 = tpu.memref_squeeze %dma_wait3A_71 : memref<1x80x128xf32, #tpu.memory_space<hbm>> -> memref<80x128xf32, #tpu.memory_space<hbm>>
      %dma_wait3A_73 = arith.constant 0 : i32
      %dma_wait3A_74 = tpu.memref_slice %arg6[%arg0, %add3A_51, %dma_wait3A_73] : memref<2x10240x128xf32, #tpu.memory_space<hbm>> -> memref<1x80x128xf32, #tpu.memory_space<hbm>>
      %dma_wait3A_75 = tpu.memref_squeeze %dma_wait3A_74 : memref<1x80x128xf32, #tpu.memory_space<hbm>> -> memref<80x128xf32, #tpu.memory_space<hbm>>
      tpu.wait_dma2 semaphore(%run_scoped3A : memref<!tpu.dma_semaphore, #tpu.memory_space<semaphore_mem>>) src(%arg12 : memref<80x128xf32, #tpu.memory_space<vmem>>) dst(%dma_wait3A_75 : memref<80x128xf32, #tpu.memory_space<hbm>>)
      tpu.yield
    }) : () -> ()
    %add3A_52 = arith.constant 160 : i32
    %add3A_53 = arith.addi %mul3A_2, %add3A_52 : i32
    "tpu.region"() ({
      %run_scoped3A = tpu.sem_alloc : memref<!tpu.dma_semaphore, #tpu.memory_space<semaphore_mem>>
      %dma_start3A_64 = arith.constant 0 : i32
      %dma_start3A_65 = tpu.memref_slice %arg7[%add3A_53, %dma_start3A_64] : memref<10240x128xf32, #tpu.memory_space<vmem_shared>> -> memref<80x128xf32, #tpu.memory_space<vmem_shared>>
      %dma_start3A_66 = arith.constant 0 : i32
      %dma_start3A_67 = tpu.memref_slice %arg7[%add3A_53, %dma_start3A_66] : memref<10240x128xf32, #tpu.memory_space<vmem_shared>> -> memref<80x128xf32, #tpu.memory_space<vmem_shared>>
      tpu.enqueue_dma source(%dma_start3A_67 : memref<80x128xf32, #tpu.memory_space<vmem_shared>>) target(%arg12 : memref<80x128xf32, #tpu.memory_space<vmem>>) target_semaphore(%run_scoped3A : memref<!tpu.dma_semaphore, #tpu.memory_space<semaphore_mem>>)
      %dma_wait3A_68 = arith.constant 0 : i32
      %dma_wait3A_69 = tpu.memref_slice %arg7[%add3A_53, %dma_wait3A_68] : memref<10240x128xf32, #tpu.memory_space<vmem_shared>> -> memref<80x128xf32, #tpu.memory_space<vmem_shared>>
      %dma_wait3A_70 = arith.constant 0 : i32
      %dma_wait3A_71 = tpu.memref_slice %arg7[%add3A_53, %dma_wait3A_70] : memref<10240x128xf32, #tpu.memory_space<vmem_shared>> -> memref<80x128xf32, #tpu.memory_space<vmem_shared>>
      tpu.wait_dma2 semaphore(%run_scoped3A : memref<!tpu.dma_semaphore, #tpu.memory_space<semaphore_mem>>) src(%dma_wait3A_71 : memref<80x128xf32, #tpu.memory_space<vmem_shared>>) dst(%arg12 : memref<80x128xf32, #tpu.memory_space<vmem>>)
      tpu.yield
    }) : () -> ()
    "tpu.region"() ({
      %run_scoped3A = tpu.sem_alloc : memref<!tpu.dma_semaphore, #tpu.memory_space<semaphore_mem>>
      %dma_start3A_64 = arith.constant 0 : i32
      %dma_start3A_65 = tpu.memref_slice %arg6[%arg0, %add3A_53, %dma_start3A_64] : memref<2x10240x128xf32, #tpu.memory_space<hbm>> -> memref<1x80x128xf32, #tpu.memory_space<hbm>>
      %dma_start3A_66 = tpu.memref_squeeze %dma_start3A_65 : memref<1x80x128xf32, #tpu.memory_space<hbm>> -> memref<80x128xf32, #tpu.memory_space<hbm>>
      %dma_start3A_67 = arith.constant 0 : i32
      %dma_start3A_68 = tpu.memref_slice %arg6[%arg0, %add3A_53, %dma_start3A_67] : memref<2x10240x128xf32, #tpu.memory_space<hbm>> -> memref<1x80x128xf32, #tpu.memory_space<hbm>>
      %dma_start3A_69 = tpu.memref_squeeze %dma_start3A_68 : memref<1x80x128xf32, #tpu.memory_space<hbm>> -> memref<80x128xf32, #tpu.memory_space<hbm>>
      tpu.enqueue_dma source(%arg12 : memref<80x128xf32, #tpu.memory_space<vmem>>) target(%dma_start3A_69 : memref<80x128xf32, #tpu.memory_space<hbm>>) target_semaphore(%run_scoped3A : memref<!tpu.dma_semaphore, #tpu.memory_space<semaphore_mem>>)
      %dma_wait3A_70 = arith.constant 0 : i32
      %dma_wait3A_71 = tpu.memref_slice %arg6[%arg0, %add3A_53, %dma_wait3A_70] : memref<2x10240x128xf32, #tpu.memory_space<hbm>> -> memref<1x80x128xf32, #tpu.memory_space<hbm>>
      %dma_wait3A_72 = tpu.memref_squeeze %dma_wait3A_71 : memref<1x80x128xf32, #tpu.memory_space<hbm>> -> memref<80x128xf32, #tpu.memory_space<hbm>>
      %dma_wait3A_73 = arith.constant 0 : i32
      %dma_wait3A_74 = tpu.memref_slice %arg6[%arg0, %add3A_53, %dma_wait3A_73] : memref<2x10240x128xf32, #tpu.memory_space<hbm>> -> memref<1x80x128xf32, #tpu.memory_space<hbm>>
      %dma_wait3A_75 = tpu.memref_squeeze %dma_wait3A_74 : memref<1x80x128xf32, #tpu.memory_space<hbm>> -> memref<80x128xf32, #tpu.memory_space<hbm>>
      tpu.wait_dma2 semaphore(%run_scoped3A : memref<!tpu.dma_semaphore, #tpu.memory_space<semaphore_mem>>) src(%arg12 : memref<80x128xf32, #tpu.memory_space<vmem>>) dst(%dma_wait3A_75 : memref<80x128xf32, #tpu.memory_space<hbm>>)
      tpu.yield
    }) : () -> ()
    %add3A_54 = arith.constant 240 : i32
    %add3A_55 = arith.addi %mul3A_2, %add3A_54 : i32
    "tpu.region"() ({
      %run_scoped3A = tpu.sem_alloc : memref<!tpu.dma_semaphore, #tpu.memory_space<semaphore_mem>>
      %dma_start3A_64 = arith.constant 0 : i32
      %dma_start3A_65 = tpu.memref_slice %arg7[%add3A_55, %dma_start3A_64] : memref<10240x128xf32, #tpu.memory_space<vmem_shared>> -> memref<80x128xf32, #tpu.memory_space<vmem_shared>>
      %dma_start3A_66 = arith.constant 0 : i32
      %dma_start3A_67 = tpu.memref_slice %arg7[%add3A_55, %dma_start3A_66] : memref<10240x128xf32, #tpu.memory_space<vmem_shared>> -> memref<80x128xf32, #tpu.memory_space<vmem_shared>>
      tpu.enqueue_dma source(%dma_start3A_67 : memref<80x128xf32, #tpu.memory_space<vmem_shared>>) target(%arg12 : memref<80x128xf32, #tpu.memory_space<vmem>>) target_semaphore(%run_scoped3A : memref<!tpu.dma_semaphore, #tpu.memory_space<semaphore_mem>>)
      %dma_wait3A_68 = arith.constant 0 : i32
      %dma_wait3A_69 = tpu.memref_slice %arg7[%add3A_55, %dma_wait3A_68] : memref<10240x128xf32, #tpu.memory_space<vmem_shared>> -> memref<80x128xf32, #tpu.memory_space<vmem_shared>>
      %dma_wait3A_70 = arith.constant 0 : i32
      %dma_wait3A_71 = tpu.memref_slice %arg7[%add3A_55, %dma_wait3A_70] : memref<10240x128xf32, #tpu.memory_space<vmem_shared>> -> memref<80x128xf32, #tpu.memory_space<vmem_shared>>
      tpu.wait_dma2 semaphore(%run_scoped3A : memref<!tpu.dma_semaphore, #tpu.memory_space<semaphore_mem>>) src(%dma_wait3A_71 : memref<80x128xf32, #tpu.memory_space<vmem_shared>>) dst(%arg12 : memref<80x128xf32, #tpu.memory_space<vmem>>)
      tpu.yield
    }) : () -> ()
    "tpu.region"() ({
      %run_scoped3A = tpu.sem_alloc : memref<!tpu.dma_semaphore, #tpu.memory_space<semaphore_mem>>
      %dma_start3A_64 = arith.constant 0 : i32
      %dma_start3A_65 = tpu.memref_slice %arg6[%arg0, %add3A_55, %dma_start3A_64] : memref<2x10240x128xf32, #tpu.memory_space<hbm>> -> memref<1x80x128xf32, #tpu.memory_space<hbm>>
      %dma_start3A_66 = tpu.memref_squeeze %dma_start3A_65 : memref<1x80x128xf32, #tpu.memory_space<hbm>> -> memref<80x128xf32, #tpu.memory_space<hbm>>
      %dma_start3A_67 = arith.constant 0 : i32
      %dma_start3A_68 = tpu.memref_slice %arg6[%arg0, %add3A_55, %dma_start3A_67] : memref<2x10240x128xf32, #tpu.memory_space<hbm>> -> memref<1x80x128xf32, #tpu.memory_space<hbm>>
      %dma_start3A_69 = tpu.memref_squeeze %dma_start3A_68 : memref<1x80x128xf32, #tpu.memory_space<hbm>> -> memref<80x128xf32, #tpu.memory_space<hbm>>
      tpu.enqueue_dma source(%arg12 : memref<80x128xf32, #tpu.memory_space<vmem>>) target(%dma_start3A_69 : memref<80x128xf32, #tpu.memory_space<hbm>>) target_semaphore(%run_scoped3A : memref<!tpu.dma_semaphore, #tpu.memory_space<semaphore_mem>>)
      %dma_wait3A_70 = arith.constant 0 : i32
      %dma_wait3A_71 = tpu.memref_slice %arg6[%arg0, %add3A_55, %dma_wait3A_70] : memref<2x10240x128xf32, #tpu.memory_space<hbm>> -> memref<1x80x128xf32, #tpu.memory_space<hbm>>
      %dma_wait3A_72 = tpu.memref_squeeze %dma_wait3A_71 : memref<1x80x128xf32, #tpu.memory_space<hbm>> -> memref<80x128xf32, #tpu.memory_space<hbm>>
      %dma_wait3A_73 = arith.constant 0 : i32
      %dma_wait3A_74 = tpu.memref_slice %arg6[%arg0, %add3A_55, %dma_wait3A_73] : memref<2x10240x128xf32, #tpu.memory_space<hbm>> -> memref<1x80x128xf32, #tpu.memory_space<hbm>>
      %dma_wait3A_75 = tpu.memref_squeeze %dma_wait3A_74 : memref<1x80x128xf32, #tpu.memory_space<hbm>> -> memref<80x128xf32, #tpu.memory_space<hbm>>
      tpu.wait_dma2 semaphore(%run_scoped3A : memref<!tpu.dma_semaphore, #tpu.memory_space<semaphore_mem>>) src(%arg12 : memref<80x128xf32, #tpu.memory_space<vmem>>) dst(%dma_wait3A_75 : memref<80x128xf32, #tpu.memory_space<hbm>>)
      tpu.yield
    }) : () -> ()
    %add3A_56 = arith.constant 320 : i32
    %add3A_57 = arith.addi %mul3A_2, %add3A_56 : i32
    "tpu.region"() ({
      %run_scoped3A = tpu.sem_alloc : memref<!tpu.dma_semaphore, #tpu.memory_space<semaphore_mem>>
      %dma_start3A_64 = arith.constant 0 : i32
      %dma_start3A_65 = tpu.memref_slice %arg7[%add3A_57, %dma_start3A_64] : memref<10240x128xf32, #tpu.memory_space<vmem_shared>> -> memref<80x128xf32, #tpu.memory_space<vmem_shared>>
      %dma_start3A_66 = arith.constant 0 : i32
      %dma_start3A_67 = tpu.memref_slice %arg7[%add3A_57, %dma_start3A_66] : memref<10240x128xf32, #tpu.memory_space<vmem_shared>> -> memref<80x128xf32, #tpu.memory_space<vmem_shared>>
      tpu.enqueue_dma source(%dma_start3A_67 : memref<80x128xf32, #tpu.memory_space<vmem_shared>>) target(%arg12 : memref<80x128xf32, #tpu.memory_space<vmem>>) target_semaphore(%run_scoped3A : memref<!tpu.dma_semaphore, #tpu.memory_space<semaphore_mem>>)
      %dma_wait3A_68 = arith.constant 0 : i32
      %dma_wait3A_69 = tpu.memref_slice %arg7[%add3A_57, %dma_wait3A_68] : memref<10240x128xf32, #tpu.memory_space<vmem_shared>> -> memref<80x128xf32, #tpu.memory_space<vmem_shared>>
      %dma_wait3A_70 = arith.constant 0 : i32
      %dma_wait3A_71 = tpu.memref_slice %arg7[%add3A_57, %dma_wait3A_70] : memref<10240x128xf32, #tpu.memory_space<vmem_shared>> -> memref<80x128xf32, #tpu.memory_space<vmem_shared>>
      tpu.wait_dma2 semaphore(%run_scoped3A : memref<!tpu.dma_semaphore, #tpu.memory_space<semaphore_mem>>) src(%dma_wait3A_71 : memref<80x128xf32, #tpu.memory_space<vmem_shared>>) dst(%arg12 : memref<80x128xf32, #tpu.memory_space<vmem>>)
      tpu.yield
    }) : () -> ()
    "tpu.region"() ({
      %run_scoped3A = tpu.sem_alloc : memref<!tpu.dma_semaphore, #tpu.memory_space<semaphore_mem>>
      %dma_start3A_64 = arith.constant 0 : i32
      %dma_start3A_65 = tpu.memref_slice %arg6[%arg0, %add3A_57, %dma_start3A_64] : memref<2x10240x128xf32, #tpu.memory_space<hbm>> -> memref<1x80x128xf32, #tpu.memory_space<hbm>>
      %dma_start3A_66 = tpu.memref_squeeze %dma_start3A_65 : memref<1x80x128xf32, #tpu.memory_space<hbm>> -> memref<80x128xf32, #tpu.memory_space<hbm>>
      %dma_start3A_67 = arith.constant 0 : i32
      %dma_start3A_68 = tpu.memref_slice %arg6[%arg0, %add3A_57, %dma_start3A_67] : memref<2x10240x128xf32, #tpu.memory_space<hbm>> -> memref<1x80x128xf32, #tpu.memory_space<hbm>>
      %dma_start3A_69 = tpu.memref_squeeze %dma_start3A_68 : memref<1x80x128xf32, #tpu.memory_space<hbm>> -> memref<80x128xf32, #tpu.memory_space<hbm>>
      tpu.enqueue_dma source(%arg12 : memref<80x128xf32, #tpu.memory_space<vmem>>) target(%dma_start3A_69 : memref<80x128xf32, #tpu.memory_space<hbm>>) target_semaphore(%run_scoped3A : memref<!tpu.dma_semaphore, #tpu.memory_space<semaphore_mem>>)
      %dma_wait3A_70 = arith.constant 0 : i32
      %dma_wait3A_71 = tpu.memref_slice %arg6[%arg0, %add3A_57, %dma_wait3A_70] : memref<2x10240x128xf32, #tpu.memory_space<hbm>> -> memref<1x80x128xf32, #tpu.memory_space<hbm>>
      %dma_wait3A_72 = tpu.memref_squeeze %dma_wait3A_71 : memref<1x80x128xf32, #tpu.memory_space<hbm>> -> memref<80x128xf32, #tpu.memory_space<hbm>>
      %dma_wait3A_73 = arith.constant 0 : i32
      %dma_wait3A_74 = tpu.memref_slice %arg6[%arg0, %add3A_57, %dma_wait3A_73] : memref<2x10240x128xf32, #tpu.memory_space<hbm>> -> memref<1x80x128xf32, #tpu.memory_space<hbm>>
      %dma_wait3A_75 = tpu.memref_squeeze %dma_wait3A_74 : memref<1x80x128xf32, #tpu.memory_space<hbm>> -> memref<80x128xf32, #tpu.memory_space<hbm>>
      tpu.wait_dma2 semaphore(%run_scoped3A : memref<!tpu.dma_semaphore, #tpu.memory_space<semaphore_mem>>) src(%arg12 : memref<80x128xf32, #tpu.memory_space<vmem>>) dst(%dma_wait3A_75 : memref<80x128xf32, #tpu.memory_space<hbm>>)
      tpu.yield
    }) : () -> ()
    %add3A_58 = arith.constant 400 : i32
    %add3A_59 = arith.addi %mul3A_2, %add3A_58 : i32
    "tpu.region"() ({
      %run_scoped3A = tpu.sem_alloc : memref<!tpu.dma_semaphore, #tpu.memory_space<semaphore_mem>>
      %dma_start3A_64 = arith.constant 0 : i32
      %dma_start3A_65 = tpu.memref_slice %arg7[%add3A_59, %dma_start3A_64] : memref<10240x128xf32, #tpu.memory_space<vmem_shared>> -> memref<80x128xf32, #tpu.memory_space<vmem_shared>>
      %dma_start3A_66 = arith.constant 0 : i32
      %dma_start3A_67 = tpu.memref_slice %arg7[%add3A_59, %dma_start3A_66] : memref<10240x128xf32, #tpu.memory_space<vmem_shared>> -> memref<80x128xf32, #tpu.memory_space<vmem_shared>>
      tpu.enqueue_dma source(%dma_start3A_67 : memref<80x128xf32, #tpu.memory_space<vmem_shared>>) target(%arg12 : memref<80x128xf32, #tpu.memory_space<vmem>>) target_semaphore(%run_scoped3A : memref<!tpu.dma_semaphore, #tpu.memory_space<semaphore_mem>>)
      %dma_wait3A_68 = arith.constant 0 : i32
      %dma_wait3A_69 = tpu.memref_slice %arg7[%add3A_59, %dma_wait3A_68] : memref<10240x128xf32, #tpu.memory_space<vmem_shared>> -> memref<80x128xf32, #tpu.memory_space<vmem_shared>>
      %dma_wait3A_70 = arith.constant 0 : i32
      %dma_wait3A_71 = tpu.memref_slice %arg7[%add3A_59, %dma_wait3A_70] : memref<10240x128xf32, #tpu.memory_space<vmem_shared>> -> memref<80x128xf32, #tpu.memory_space<vmem_shared>>
      tpu.wait_dma2 semaphore(%run_scoped3A : memref<!tpu.dma_semaphore, #tpu.memory_space<semaphore_mem>>) src(%dma_wait3A_71 : memref<80x128xf32, #tpu.memory_space<vmem_shared>>) dst(%arg12 : memref<80x128xf32, #tpu.memory_space<vmem>>)
      tpu.yield
    }) : () -> ()
    "tpu.region"() ({
      %run_scoped3A = tpu.sem_alloc : memref<!tpu.dma_semaphore, #tpu.memory_space<semaphore_mem>>
      %dma_start3A_64 = arith.constant 0 : i32
      %dma_start3A_65 = tpu.memref_slice %arg6[%arg0, %add3A_59, %dma_start3A_64] : memref<2x10240x128xf32, #tpu.memory_space<hbm>> -> memref<1x80x128xf32, #tpu.memory_space<hbm>>
      %dma_start3A_66 = tpu.memref_squeeze %dma_start3A_65 : memref<1x80x128xf32, #tpu.memory_space<hbm>> -> memref<80x128xf32, #tpu.memory_space<hbm>>
      %dma_start3A_67 = arith.constant 0 : i32
      %dma_start3A_68 = tpu.memref_slice %arg6[%arg0, %add3A_59, %dma_start3A_67] : memref<2x10240x128xf32, #tpu.memory_space<hbm>> -> memref<1x80x128xf32, #tpu.memory_space<hbm>>
      %dma_start3A_69 = tpu.memref_squeeze %dma_start3A_68 : memref<1x80x128xf32, #tpu.memory_space<hbm>> -> memref<80x128xf32, #tpu.memory_space<hbm>>
      tpu.enqueue_dma source(%arg12 : memref<80x128xf32, #tpu.memory_space<vmem>>) target(%dma_start3A_69 : memref<80x128xf32, #tpu.memory_space<hbm>>) target_semaphore(%run_scoped3A : memref<!tpu.dma_semaphore, #tpu.memory_space<semaphore_mem>>)
      %dma_wait3A_70 = arith.constant 0 : i32
      %dma_wait3A_71 = tpu.memref_slice %arg6[%arg0, %add3A_59, %dma_wait3A_70] : memref<2x10240x128xf32, #tpu.memory_space<hbm>> -> memref<1x80x128xf32, #tpu.memory_space<hbm>>
      %dma_wait3A_72 = tpu.memref_squeeze %dma_wait3A_71 : memref<1x80x128xf32, #tpu.memory_space<hbm>> -> memref<80x128xf32, #tpu.memory_space<hbm>>
      %dma_wait3A_73 = arith.constant 0 : i32
      %dma_wait3A_74 = tpu.memref_slice %arg6[%arg0, %add3A_59, %dma_wait3A_73] : memref<2x10240x128xf32, #tpu.memory_space<hbm>> -> memref<1x80x128xf32, #tpu.memory_space<hbm>>
      %dma_wait3A_75 = tpu.memref_squeeze %dma_wait3A_74 : memref<1x80x128xf32, #tpu.memory_space<hbm>> -> memref<80x128xf32, #tpu.memory_space<hbm>>
      tpu.wait_dma2 semaphore(%run_scoped3A : memref<!tpu.dma_semaphore, #tpu.memory_space<semaphore_mem>>) src(%arg12 : memref<80x128xf32, #tpu.memory_space<vmem>>) dst(%dma_wait3A_75 : memref<80x128xf32, #tpu.memory_space<hbm>>)
      tpu.yield
    }) : () -> ()
    %add3A_60 = arith.constant 480 : i32
    %add3A_61 = arith.addi %mul3A_2, %add3A_60 : i32
    "tpu.region"() ({
      %run_scoped3A = tpu.sem_alloc : memref<!tpu.dma_semaphore, #tpu.memory_space<semaphore_mem>>
      %dma_start3A_64 = arith.constant 0 : i32
      %dma_start3A_65 = tpu.memref_slice %arg7[%add3A_61, %dma_start3A_64] : memref<10240x128xf32, #tpu.memory_space<vmem_shared>> -> memref<80x128xf32, #tpu.memory_space<vmem_shared>>
      %dma_start3A_66 = arith.constant 0 : i32
      %dma_start3A_67 = tpu.memref_slice %arg7[%add3A_61, %dma_start3A_66] : memref<10240x128xf32, #tpu.memory_space<vmem_shared>> -> memref<80x128xf32, #tpu.memory_space<vmem_shared>>
      tpu.enqueue_dma source(%dma_start3A_67 : memref<80x128xf32, #tpu.memory_space<vmem_shared>>) target(%arg12 : memref<80x128xf32, #tpu.memory_space<vmem>>) target_semaphore(%run_scoped3A : memref<!tpu.dma_semaphore, #tpu.memory_space<semaphore_mem>>)
      %dma_wait3A_68 = arith.constant 0 : i32
      %dma_wait3A_69 = tpu.memref_slice %arg7[%add3A_61, %dma_wait3A_68] : memref<10240x128xf32, #tpu.memory_space<vmem_shared>> -> memref<80x128xf32, #tpu.memory_space<vmem_shared>>
      %dma_wait3A_70 = arith.constant 0 : i32
      %dma_wait3A_71 = tpu.memref_slice %arg7[%add3A_61, %dma_wait3A_70] : memref<10240x128xf32, #tpu.memory_space<vmem_shared>> -> memref<80x128xf32, #tpu.memory_space<vmem_shared>>
      tpu.wait_dma2 semaphore(%run_scoped3A : memref<!tpu.dma_semaphore, #tpu.memory_space<semaphore_mem>>) src(%dma_wait3A_71 : memref<80x128xf32, #tpu.memory_space<vmem_shared>>) dst(%arg12 : memref<80x128xf32, #tpu.memory_space<vmem>>)
      tpu.yield
    }) : () -> ()
    "tpu.region"() ({
      %run_scoped3A = tpu.sem_alloc : memref<!tpu.dma_semaphore, #tpu.memory_space<semaphore_mem>>
      %dma_start3A_64 = arith.constant 0 : i32
      %dma_start3A_65 = tpu.memref_slice %arg6[%arg0, %add3A_61, %dma_start3A_64] : memref<2x10240x128xf32, #tpu.memory_space<hbm>> -> memref<1x80x128xf32, #tpu.memory_space<hbm>>
      %dma_start3A_66 = tpu.memref_squeeze %dma_start3A_65 : memref<1x80x128xf32, #tpu.memory_space<hbm>> -> memref<80x128xf32, #tpu.memory_space<hbm>>
      %dma_start3A_67 = arith.constant 0 : i32
      %dma_start3A_68 = tpu.memref_slice %arg6[%arg0, %add3A_61, %dma_start3A_67] : memref<2x10240x128xf32, #tpu.memory_space<hbm>> -> memref<1x80x128xf32, #tpu.memory_space<hbm>>
      %dma_start3A_69 = tpu.memref_squeeze %dma_start3A_68 : memref<1x80x128xf32, #tpu.memory_space<hbm>> -> memref<80x128xf32, #tpu.memory_space<hbm>>
      tpu.enqueue_dma source(%arg12 : memref<80x128xf32, #tpu.memory_space<vmem>>) target(%dma_start3A_69 : memref<80x128xf32, #tpu.memory_space<hbm>>) target_semaphore(%run_scoped3A : memref<!tpu.dma_semaphore, #tpu.memory_space<semaphore_mem>>)
      %dma_wait3A_70 = arith.constant 0 : i32
      %dma_wait3A_71 = tpu.memref_slice %arg6[%arg0, %add3A_61, %dma_wait3A_70] : memref<2x10240x128xf32, #tpu.memory_space<hbm>> -> memref<1x80x128xf32, #tpu.memory_space<hbm>>
      %dma_wait3A_72 = tpu.memref_squeeze %dma_wait3A_71 : memref<1x80x128xf32, #tpu.memory_space<hbm>> -> memref<80x128xf32, #tpu.memory_space<hbm>>
      %dma_wait3A_73 = arith.constant 0 : i32
      %dma_wait3A_74 = tpu.memref_slice %arg6[%arg0, %add3A_61, %dma_wait3A_73] : memref<2x10240x128xf32, #tpu.memory_space<hbm>> -> memref<1x80x128xf32, #tpu.memory_space<hbm>>
      %dma_wait3A_75 = tpu.memref_squeeze %dma_wait3A_74 : memref<1x80x128xf32, #tpu.memory_space<hbm>> -> memref<80x128xf32, #tpu.memory_space<hbm>>
      tpu.wait_dma2 semaphore(%run_scoped3A : memref<!tpu.dma_semaphore, #tpu.memory_space<semaphore_mem>>) src(%arg12 : memref<80x128xf32, #tpu.memory_space<vmem>>) dst(%dma_wait3A_75 : memref<80x128xf32, #tpu.memory_space<hbm>>)
      tpu.yield
    }) : () -> ()
    %add3A_62 = arith.constant 560 : i32
    %add3A_63 = arith.addi %mul3A_2, %add3A_62 : i32
    "tpu.region"() ({
      %run_scoped3A = tpu.sem_alloc : memref<!tpu.dma_semaphore, #tpu.memory_space<semaphore_mem>>
      %dma_start3A_64 = arith.constant 0 : i32
      %dma_start3A_65 = tpu.memref_slice %arg7[%add3A_63, %dma_start3A_64] : memref<10240x128xf32, #tpu.memory_space<vmem_shared>> -> memref<80x128xf32, #tpu.memory_space<vmem_shared>>
      %dma_start3A_66 = arith.constant 0 : i32
      %dma_start3A_67 = tpu.memref_slice %arg7[%add3A_63, %dma_start3A_66] : memref<10240x128xf32, #tpu.memory_space<vmem_shared>> -> memref<80x128xf32, #tpu.memory_space<vmem_shared>>
      tpu.enqueue_dma source(%dma_start3A_67 : memref<80x128xf32, #tpu.memory_space<vmem_shared>>) target(%arg12 : memref<80x128xf32, #tpu.memory_space<vmem>>) target_semaphore(%run_scoped3A : memref<!tpu.dma_semaphore, #tpu.memory_space<semaphore_mem>>)
      %dma_wait3A_68 = arith.constant 0 : i32
      %dma_wait3A_69 = tpu.memref_slice %arg7[%add3A_63, %dma_wait3A_68] : memref<10240x128xf32, #tpu.memory_space<vmem_shared>> -> memref<80x128xf32, #tpu.memory_space<vmem_shared>>
      %dma_wait3A_70 = arith.constant 0 : i32
      %dma_wait3A_71 = tpu.memref_slice %arg7[%add3A_63, %dma_wait3A_70] : memref<10240x128xf32, #tpu.memory_space<vmem_shared>> -> memref<80x128xf32, #tpu.memory_space<vmem_shared>>
      tpu.wait_dma2 semaphore(%run_scoped3A : memref<!tpu.dma_semaphore, #tpu.memory_space<semaphore_mem>>) src(%dma_wait3A_71 : memref<80x128xf32, #tpu.memory_space<vmem_shared>>) dst(%arg12 : memref<80x128xf32, #tpu.memory_space<vmem>>)
      tpu.yield
    }) : () -> ()
    "tpu.region"() ({
      %run_scoped3A = tpu.sem_alloc : memref<!tpu.dma_semaphore, #tpu.memory_space<semaphore_mem>>
      %dma_start3A_64 = arith.constant 0 : i32
      %dma_start3A_65 = tpu.memref_slice %arg6[%arg0, %add3A_63, %dma_start3A_64] : memref<2x10240x128xf32, #tpu.memory_space<hbm>> -> memref<1x80x128xf32, #tpu.memory_space<hbm>>
      %dma_start3A_66 = tpu.memref_squeeze %dma_start3A_65 : memref<1x80x128xf32, #tpu.memory_space<hbm>> -> memref<80x128xf32, #tpu.memory_space<hbm>>
      %dma_start3A_67 = arith.constant 0 : i32
      %dma_start3A_68 = tpu.memref_slice %arg6[%arg0, %add3A_63, %dma_start3A_67] : memref<2x10240x128xf32, #tpu.memory_space<hbm>> -> memref<1x80x128xf32, #tpu.memory_space<hbm>>
      %dma_start3A_69 = tpu.memref_squeeze %dma_start3A_68 : memref<1x80x128xf32, #tpu.memory_space<hbm>> -> memref<80x128xf32, #tpu.memory_space<hbm>>
      tpu.enqueue_dma source(%arg12 : memref<80x128xf32, #tpu.memory_space<vmem>>) target(%dma_start3A_69 : memref<80x128xf32, #tpu.memory_space<hbm>>) target_semaphore(%run_scoped3A : memref<!tpu.dma_semaphore, #tpu.memory_space<semaphore_mem>>)
      %dma_wait3A_70 = arith.constant 0 : i32
      %dma_wait3A_71 = tpu.memref_slice %arg6[%arg0, %add3A_63, %dma_wait3A_70] : memref<2x10240x128xf32, #tpu.memory_space<hbm>> -> memref<1x80x128xf32, #tpu.memory_space<hbm>>
      %dma_wait3A_72 = tpu.memref_squeeze %dma_wait3A_71 : memref<1x80x128xf32, #tpu.memory_space<hbm>> -> memref<80x128xf32, #tpu.memory_space<hbm>>
      %dma_wait3A_73 = arith.constant 0 : i32
      %dma_wait3A_74 = tpu.memref_slice %arg6[%arg0, %add3A_63, %dma_wait3A_73] : memref<2x10240x128xf32, #tpu.memory_space<hbm>> -> memref<1x80x128xf32, #tpu.memory_space<hbm>>
      %dma_wait3A_75 = tpu.memref_squeeze %dma_wait3A_74 : memref<1x80x128xf32, #tpu.memory_space<hbm>> -> memref<80x128xf32, #tpu.memory_space<hbm>>
      tpu.wait_dma2 semaphore(%run_scoped3A : memref<!tpu.dma_semaphore, #tpu.memory_space<semaphore_mem>>) src(%arg12 : memref<80x128xf32, #tpu.memory_space<vmem>>) dst(%dma_wait3A_75 : memref<80x128xf32, #tpu.memory_space<hbm>>)
      tpu.yield
    }) : () -> ()
    return
  }
}

module attributes {stable_mosaic.version = 14 : i64} {
  func.func @_tc1_body(%arg0: i32, %arg1: memref<2x1000x128xf32, #tpu.memory_space<vmem>>, %arg2: memref<2x1000x128xf32, #tpu.memory_space<vmem>>, %arg3: memref<1000x128xf32, #tpu.memory_space<vmem>>, %arg4: memref<128x128xf32, #tpu.memory_space<vmem>>, %arg5: memref<1x128xf32, #tpu.memory_space<vmem>>, %arg6: memref<128x128xf32, #tpu.memory_space<vmem>>, %arg7: memref<1000x128xf32, #tpu.memory_space<vmem>>) attributes {dimension_semantics = [#tpu.dimension_semantics<arbitrary>], iteration_bounds = array<i64: 10>, scalar_prefetch = 0 : i64, scratch_operands = 0 : i64, tpu.core_type = #tpu.core_type<tc>, window_params = [{transform_indices = @transform_0, window_bounds = array<i64: 2, 1000, 128>}, {transform_indices = @transform_1, window_bounds = array<i64: 2, 1000, 128>}, {transform_indices = @transform_2, window_bounds = array<i64: 1000, 128>}, {pipeline_mode = #tpu.pipeline_mode<synchronous>, transform_indices = @transform_3, window_bounds = array<i64: 128, 128>}, {pipeline_mode = #tpu.pipeline_mode<synchronous>, transform_indices = @transform_4, window_bounds = array<i64: 1, 128>}, {pipeline_mode = #tpu.pipeline_mode<synchronous>, transform_indices = @transform_5, window_bounds = array<i64: 128, 128>}, {transform_indices = @transform_6, window_bounds = array<i64: 1000, 128>}]} {
    %get3A = arith.constant 0 : index
    %get3A_0 = arith.constant 0 : index
    %get3A_1 = arith.constant 0 : index
    %get3A_2 = vector.load %arg1[%get3A, %get3A_0, %get3A_1] : memref<2x1000x128xf32, #tpu.memory_space<vmem>>, vector<1x1000x128xf32>
    %get3A_3 = vector.shape_cast %get3A_2 : vector<1x1000x128xf32> to vector<1000x128xf32>
    %get3A_4 = arith.constant 1 : index
    %get3A_5 = arith.constant 0 : index
    %get3A_6 = arith.constant 0 : index
    %get3A_7 = vector.load %arg1[%get3A_4, %get3A_5, %get3A_6] : memref<2x1000x128xf32, #tpu.memory_space<vmem>>, vector<1x1000x128xf32>
    %get3A_8 = vector.shape_cast %get3A_7 : vector<1x1000x128xf32> to vector<1000x128xf32>
    %add3A = arith.addf %get3A_3, %get3A_8 : vector<1000x128xf32>
    %get3A_9 = arith.constant 0 : index
    %get3A_10 = arith.constant 0 : index
    %get3A_11 = arith.constant 0 : index
    %get3A_12 = vector.load %arg2[%get3A_9, %get3A_10, %get3A_11] : memref<2x1000x128xf32, #tpu.memory_space<vmem>>, vector<1x1000x1xf32>
    %get3A_13 = vector.shape_cast %get3A_12 : vector<1x1000x1xf32> to vector<1000xf32>
    %get3A_14 = arith.constant 1 : index
    %get3A_15 = arith.constant 0 : index
    %get3A_16 = arith.constant 0 : index
    %get3A_17 = vector.load %arg2[%get3A_14, %get3A_15, %get3A_16] : memref<2x1000x128xf32, #tpu.memory_space<vmem>>, vector<1x1000x1xf32>
    %get3A_18 = vector.shape_cast %get3A_17 : vector<1x1000x1xf32> to vector<1000xf32>
    %add3A_19 = arith.addf %get3A_13, %get3A_18 : vector<1000xf32>
    %max3A = arith.constant 1.000000e+00 : f32
    %max3A_20 = vector.broadcast %max3A : f32 to vector<1000xf32>
    %max3A_21 = arith.maximumf %add3A_19, %max3A_20 : vector<1000xf32>
    %div3A = arith.constant 1.000000e+00 : f32
    %div3A_22 = vector.broadcast %div3A : f32 to vector<1000xf32>
    %div3A_23 = arith.divf %div3A_22, %max3A_21 : vector<1000xf32>
    %broadcast_in_dim3A = vector.shape_cast %div3A_23 : vector<1000xf32> to vector<1000x1xf32>
    %mul3A = vector.broadcast %broadcast_in_dim3A : vector<1000x1xf32> to vector<1000x128xf32>
    %mul3A_24 = arith.mulf %add3A, %mul3A : vector<1000x128xf32>
    %get3A_25 = arith.constant 0 : index
    %get3A_26 = arith.constant 0 : index
    %get3A_27 = vector.load %arg4[%get3A_25, %get3A_26] : memref<128x128xf32, #tpu.memory_space<vmem>>, vector<128x128xf32>
    %dot_general3A = arith.constant dense<0.000000e+00> : vector<1000x128xf32>
    %dot_general3A_28 = tpu.matmul %mul3A_24, %get3A_27, %dot_general3A {dimension_numbers = #tpu.dot_dimension_numbers<[1], [0], [0], [1], [0, 0, 1, 1], [], []>, transpose_lhs_hint = false} : vector<1000x128xf32>, vector<128x128xf32>, vector<1000x128xf32> -> vector<1000x128xf32>
    %get3A_29 = arith.constant 0 : index
    %get3A_30 = arith.constant 0 : index
    %get3A_31 = vector.load %arg5[%get3A_29, %get3A_30] : memref<1x128xf32, #tpu.memory_space<vmem>>, vector<1x128xf32>
    %get3A_32 = vector.shape_cast %get3A_31 : vector<1x128xf32> to vector<128xf32>
    %broadcast_in_dim3A_33 = vector.shape_cast %get3A_32 : vector<128xf32> to vector<1x128xf32>
    %add3A_34 = vector.broadcast %broadcast_in_dim3A_33 : vector<1x128xf32> to vector<1000x128xf32>
    %add3A_35 = arith.addf %dot_general3A_28, %add3A_34 : vector<1000x128xf32>
    %get3A_36 = arith.constant 0 : index
    %get3A_37 = arith.constant 0 : index
    %get3A_38 = vector.load %arg3[%get3A_36, %get3A_37] : memref<1000x128xf32, #tpu.memory_space<vmem>>, vector<1000x128xf32>
    %get3A_39 = arith.constant 0 : index
    %get3A_40 = arith.constant 0 : index
    %get3A_41 = vector.load %arg6[%get3A_39, %get3A_40] : memref<128x128xf32, #tpu.memory_space<vmem>>, vector<128x128xf32>
    %dot_general3A_42 = arith.constant dense<0.000000e+00> : vector<1000x128xf32>
    %dot_general3A_43 = tpu.matmul %get3A_38, %get3A_41, %dot_general3A_42 {dimension_numbers = #tpu.dot_dimension_numbers<[1], [0], [0], [1], [0, 0, 1, 1], [], []>, transpose_lhs_hint = false} : vector<1000x128xf32>, vector<128x128xf32>, vector<1000x128xf32> -> vector<1000x128xf32>
    %add3A_44 = arith.addf %add3A_35, %dot_general3A_43 : vector<1000x128xf32>
    %gt3A = arith.constant 0.000000e+00 : f32
    %gt3A_45 = vector.broadcast %gt3A : f32 to vector<1000x128xf32>
    %gt3A_46 = arith.cmpf ogt, %add3A_44, %gt3A_45 : vector<1000x128xf32>
    %mul3A_47 = arith.constant 1.500000e-01 : f32
    %mul3A_48 = vector.broadcast %mul3A_47 : f32 to vector<1000x128xf32>
    %mul3A_49 = arith.mulf %mul3A_48, %add3A_44 : vector<1000x128xf32>
    %select_n3A = arith.select %gt3A_46, %add3A_44, %mul3A_49 : vector<1000x128xi1>, vector<1000x128xf32>
    %swap3A = arith.constant 0 : index
    %swap3A_50 = arith.constant 0 : index
    %swap3A_51 = vector.load %arg7[%swap3A, %swap3A_50] : memref<1000x128xf32, #tpu.memory_space<vmem>>, vector<1000x128xf32>
    tpu.vector_store %arg7[%swap3A, %swap3A_50], %select_n3A {strides = array<i32>} : memref<1000x128xf32, #tpu.memory_space<vmem>>, vector<1000x128xf32>,
    return
  }
  func.func @transform_0(%arg0: i32) -> (i32, i32, i32) {
    %c0_i32 = arith.constant 0 : i32
    %c0_i32_0 = arith.constant 0 : i32
    %c0_i32_1 = arith.constant 0 : i32
    return %c0_i32, %arg0, %c0_i32_0 : i32, i32, i32
  }
  func.func @transform_1(%arg0: i32) -> (i32, i32, i32) {
    %c0_i32 = arith.constant 0 : i32
    %c0_i32_0 = arith.constant 0 : i32
    %c0_i32_1 = arith.constant 0 : i32
    return %c0_i32, %arg0, %c0_i32_0 : i32, i32, i32
  }
  func.func @transform_2(%arg0: i32) -> (i32, i32) {
    %c0_i32 = arith.constant 0 : i32
    %c0_i32_0 = arith.constant 0 : i32
    return %arg0, %c0_i32 : i32, i32
  }
  func.func @transform_3(%arg0: i32) -> (i32, i32) {
    %c0_i32 = arith.constant 0 : i32
    %c0_i32_0 = arith.constant 0 : i32
    %c0_i32_1 = arith.constant 0 : i32
    return %c0_i32, %c0_i32_0 : i32, i32
  }
  func.func @transform_4(%arg0: i32) -> (i32, i32) {
    %c0_i32 = arith.constant 0 : i32
    %c0_i32_0 = arith.constant 0 : i32
    %c0_i32_1 = arith.constant 0 : i32
    return %c0_i32, %c0_i32_0 : i32, i32
  }
  func.func @transform_5(%arg0: i32) -> (i32, i32) {
    %c0_i32 = arith.constant 0 : i32
    %c0_i32_0 = arith.constant 0 : i32
    %c0_i32_1 = arith.constant 0 : i32
    return %c0_i32, %c0_i32_0 : i32, i32
  }
  func.func @transform_6(%arg0: i32) -> (i32, i32) {
    %c0_i32 = arith.constant 0 : i32
    %c0_i32_0 = arith.constant 0 : i32
    return %arg0, %c0_i32 : i32, i32
  }
}

module attributes {stable_mosaic.version = 14 : i64} {
  func.func @_tc2_body(%arg0: i32, %arg1: memref<2x1000x128xf32, #tpu.memory_space<vmem>>, %arg2: memref<2x1000x128xf32, #tpu.memory_space<vmem>>, %arg3: memref<1000x128xf32, #tpu.memory_space<vmem>>, %arg4: memref<128x256xf32, #tpu.memory_space<vmem>>, %arg5: memref<1x256xf32, #tpu.memory_space<vmem>>, %arg6: memref<128x256xf32, #tpu.memory_space<vmem>>, %arg7: memref<256x64xf32, #tpu.memory_space<vmem>>, %arg8: memref<256x64xf32, #tpu.memory_space<vmem>>, %arg9: memref<1x64xf32, #tpu.memory_space<vmem>>, %arg10: memref<1000x128xf32, #tpu.memory_space<vmem>>, %arg11: memref<1000x64xf32, #tpu.memory_space<vmem>>) attributes {dimension_semantics = [#tpu.dimension_semantics<arbitrary>], iteration_bounds = array<i64: 10>, scalar_prefetch = 0 : i64, scratch_operands = 0 : i64, tpu.core_type = #tpu.core_type<tc>, window_params = [{transform_indices = @transform_0, window_bounds = array<i64: 2, 1000, 128>}, {transform_indices = @transform_1, window_bounds = array<i64: 2, 1000, 128>}, {transform_indices = @transform_2, window_bounds = array<i64: 1000, 128>}, {pipeline_mode = #tpu.pipeline_mode<synchronous>, transform_indices = @transform_3, window_bounds = array<i64: 128, 256>}, {pipeline_mode = #tpu.pipeline_mode<synchronous>, transform_indices = @transform_4, window_bounds = array<i64: 1, 256>}, {pipeline_mode = #tpu.pipeline_mode<synchronous>, transform_indices = @transform_5, window_bounds = array<i64: 128, 256>}, {pipeline_mode = #tpu.pipeline_mode<synchronous>, transform_indices = @transform_6, window_bounds = array<i64: 256, 64>}, {pipeline_mode = #tpu.pipeline_mode<synchronous>, transform_indices = @transform_7, window_bounds = array<i64: 256, 64>}, {pipeline_mode = #tpu.pipeline_mode<synchronous>, transform_indices = @transform_8, window_bounds = array<i64: 1, 64>}, {transform_indices = @transform_9, window_bounds = array<i64: 1000, 128>}, {transform_indices = @transform_10, window_bounds = array<i64: 1000, 64>}]} {
    %get3A = arith.constant 0 : index
    %get3A_0 = arith.constant 0 : index
    %get3A_1 = arith.constant 0 : index
    %get3A_2 = vector.load %arg1[%get3A, %get3A_0, %get3A_1] : memref<2x1000x128xf32, #tpu.memory_space<vmem>>, vector<1x1000x128xf32>
    %get3A_3 = vector.shape_cast %get3A_2 : vector<1x1000x128xf32> to vector<1000x128xf32>
    %get3A_4 = arith.constant 1 : index
    %get3A_5 = arith.constant 0 : index
    %get3A_6 = arith.constant 0 : index
    %get3A_7 = vector.load %arg1[%get3A_4, %get3A_5, %get3A_6] : memref<2x1000x128xf32, #tpu.memory_space<vmem>>, vector<1x1000x128xf32>
    %get3A_8 = vector.shape_cast %get3A_7 : vector<1x1000x128xf32> to vector<1000x128xf32>
    %add3A = arith.addf %get3A_3, %get3A_8 : vector<1000x128xf32>
    %get3A_9 = arith.constant 0 : index
    %get3A_10 = arith.constant 0 : index
    %get3A_11 = arith.constant 0 : index
    %get3A_12 = vector.load %arg2[%get3A_9, %get3A_10, %get3A_11] : memref<2x1000x128xf32, #tpu.memory_space<vmem>>, vector<1x1000x1xf32>
    %get3A_13 = vector.shape_cast %get3A_12 : vector<1x1000x1xf32> to vector<1000xf32>
    %get3A_14 = arith.constant 1 : index
    %get3A_15 = arith.constant 0 : index
    %get3A_16 = arith.constant 0 : index
    %get3A_17 = vector.load %arg2[%get3A_14, %get3A_15, %get3A_16] : memref<2x1000x128xf32, #tpu.memory_space<vmem>>, vector<1x1000x1xf32>
    %get3A_18 = vector.shape_cast %get3A_17 : vector<1x1000x1xf32> to vector<1000xf32>
    %add3A_19 = arith.addf %get3A_13, %get3A_18 : vector<1000xf32>
    %max3A = arith.constant 1.000000e+00 : f32
    %max3A_20 = vector.broadcast %max3A : f32 to vector<1000xf32>
    %max3A_21 = arith.maximumf %add3A_19, %max3A_20 : vector<1000xf32>
    %div3A = arith.constant 1.000000e+00 : f32
    %div3A_22 = vector.broadcast %div3A : f32 to vector<1000xf32>
    %div3A_23 = arith.divf %div3A_22, %max3A_21 : vector<1000xf32>
    %broadcast_in_dim3A = vector.shape_cast %div3A_23 : vector<1000xf32> to vector<1000x1xf32>
    %mul3A = vector.broadcast %broadcast_in_dim3A : vector<1000x1xf32> to vector<1000x128xf32>
    %mul3A_24 = arith.mulf %add3A, %mul3A : vector<1000x128xf32>
    %get3A_25 = arith.constant 0 : index
    %get3A_26 = arith.constant 0 : index
    %get3A_27 = vector.load %arg4[%get3A_25, %get3A_26] : memref<128x256xf32, #tpu.memory_space<vmem>>, vector<128x256xf32>
    %dot_general3A = arith.constant dense<0.000000e+00> : vector<1000x256xf32>
    %dot_general3A_28 = tpu.matmul %mul3A_24, %get3A_27, %dot_general3A {dimension_numbers = #tpu.dot_dimension_numbers<[1], [0], [0], [1], [0, 0, 1, 1], [], []>, transpose_lhs_hint = false} : vector<1000x128xf32>, vector<128x256xf32>, vector<1000x256xf32> -> vector<1000x256xf32>
    %get3A_29 = arith.constant 0 : index
    %get3A_30 = arith.constant 0 : index
    %get3A_31 = vector.load %arg5[%get3A_29, %get3A_30] : memref<1x256xf32, #tpu.memory_space<vmem>>, vector<1x256xf32>
    %get3A_32 = vector.shape_cast %get3A_31 : vector<1x256xf32> to vector<256xf32>
    %broadcast_in_dim3A_33 = vector.shape_cast %get3A_32 : vector<256xf32> to vector<1x256xf32>
    %add3A_34 = vector.broadcast %broadcast_in_dim3A_33 : vector<1x256xf32> to vector<1000x256xf32>
    %add3A_35 = arith.addf %dot_general3A_28, %add3A_34 : vector<1000x256xf32>
    %get3A_36 = arith.constant 0 : index
    %get3A_37 = arith.constant 0 : index
    %get3A_38 = vector.load %arg3[%get3A_36, %get3A_37] : memref<1000x128xf32, #tpu.memory_space<vmem>>, vector<1000x128xf32>
    %get3A_39 = arith.constant 0 : index
    %get3A_40 = arith.constant 0 : index
    %get3A_41 = vector.load %arg6[%get3A_39, %get3A_40] : memref<128x256xf32, #tpu.memory_space<vmem>>, vector<128x256xf32>
    %dot_general3A_42 = arith.constant dense<0.000000e+00> : vector<1000x256xf32>
    %dot_general3A_43 = tpu.matmul %get3A_38, %get3A_41, %dot_general3A_42 {dimension_numbers = #tpu.dot_dimension_numbers<[1], [0], [0], [1], [0, 0, 1, 1], [], []>, transpose_lhs_hint = false} : vector<1000x128xf32>, vector<128x256xf32>, vector<1000x256xf32> -> vector<1000x256xf32>
    %add3A_44 = arith.addf %add3A_35, %dot_general3A_43 : vector<1000x256xf32>
    %gt3A = arith.constant 0.000000e+00 : f32
    %gt3A_45 = vector.broadcast %gt3A : f32 to vector<1000x256xf32>
    %gt3A_46 = arith.cmpf ogt, %add3A_44, %gt3A_45 : vector<1000x256xf32>
    %mul3A_47 = arith.constant 1.500000e-01 : f32
    %mul3A_48 = vector.broadcast %mul3A_47 : f32 to vector<1000x256xf32>
    %mul3A_49 = arith.mulf %mul3A_48, %add3A_44 : vector<1000x256xf32>
    %select_n3A = arith.select %gt3A_46, %add3A_44, %mul3A_49 : vector<1000x256xi1>, vector<1000x256xf32>
    %get3A_50 = arith.constant 0 : index
    %get3A_51 = arith.constant 0 : index
    %get3A_52 = vector.load %arg7[%get3A_50, %get3A_51] : memref<256x64xf32, #tpu.memory_space<vmem>>, vector<256x64xf32>
    %dot_general3A_53 = arith.constant dense<0.000000e+00> : vector<1000x64xf32>
    %dot_general3A_54 = tpu.matmul %select_n3A, %get3A_52, %dot_general3A_53 {dimension_numbers = #tpu.dot_dimension_numbers<[1], [0], [0], [1], [0, 0, 1, 1], [], []>, transpose_lhs_hint = false} : vector<1000x256xf32>, vector<256x64xf32>, vector<1000x64xf32> -> vector<1000x64xf32>
    %broadcast_in_dim3A_55 = arith.constant 0.000000e+00 : f32
    %broadcast_in_dim3A_56 = vector.broadcast %broadcast_in_dim3A_55 : f32 to vector<1000x64xf32>
    %concatenate3A = tpu.concatenate %dot_general3A_54, %broadcast_in_dim3A_56 in 1 : vector<1000x64xf32>, vector<1000x64xf32> -> vector<1000x128xf32>
    %swap3A = arith.constant 0 : index
    %swap3A_57 = arith.constant 0 : index
    %swap3A_58 = vector.load %arg10[%swap3A, %swap3A_57] : memref<1000x128xf32, #tpu.memory_space<vmem>>, vector<1000x128xf32>
    tpu.vector_store %arg10[%swap3A, %swap3A_57], %concatenate3A {strides = array<i32>} : memref<1000x128xf32, #tpu.memory_space<vmem>>, vector<1000x128xf32>,
    %get3A_59 = arith.constant 0 : index
    %get3A_60 = arith.constant 0 : index
    %get3A_61 = vector.load %arg8[%get3A_59, %get3A_60] : memref<256x64xf32, #tpu.memory_space<vmem>>, vector<256x64xf32>
    %dot_general3A_62 = arith.constant dense<0.000000e+00> : vector<1000x64xf32>
    %dot_general3A_63 = tpu.matmul %select_n3A, %get3A_61, %dot_general3A_62 {dimension_numbers = #tpu.dot_dimension_numbers<[1], [0], [0], [1], [0, 0, 1, 1], [], []>, transpose_lhs_hint = false} : vector<1000x256xf32>, vector<256x64xf32>, vector<1000x64xf32> -> vector<1000x64xf32>
    %get3A_64 = arith.constant 0 : index
    %get3A_65 = arith.constant 0 : index
    %get3A_66 = vector.load %arg9[%get3A_64, %get3A_65] : memref<1x64xf32, #tpu.memory_space<vmem>>, vector<1x64xf32>
    %get3A_67 = vector.shape_cast %get3A_66 : vector<1x64xf32> to vector<64xf32>
    %broadcast_in_dim3A_68 = vector.shape_cast %get3A_67 : vector<64xf32> to vector<1x64xf32>
    %add3A_69 = vector.broadcast %broadcast_in_dim3A_68 : vector<1x64xf32> to vector<1000x64xf32>
    %add3A_70 = arith.addf %dot_general3A_63, %add3A_69 : vector<1000x64xf32>
    %swap3A_71 = arith.constant 0 : index
    %swap3A_72 = arith.constant 0 : index
    %swap3A_73 = vector.load %arg11[%swap3A_71, %swap3A_72] : memref<1000x64xf32, #tpu.memory_space<vmem>>, vector<1000x64xf32>
    tpu.vector_store %arg11[%swap3A_71, %swap3A_72], %add3A_70 {strides = array<i32>} : memref<1000x64xf32, #tpu.memory_space<vmem>>, vector<1000x64xf32>,
    return
  }
  func.func @transform_0(%arg0: i32) -> (i32, i32, i32) {
    %c0_i32 = arith.constant 0 : i32
    %c0_i32_0 = arith.constant 0 : i32
    %c0_i32_1 = arith.constant 0 : i32
    return %c0_i32, %arg0, %c0_i32_0 : i32, i32, i32
  }
  func.func @transform_1(%arg0: i32) -> (i32, i32, i32) {
    %c0_i32 = arith.constant 0 : i32
    %c0_i32_0 = arith.constant 0 : i32
    %c0_i32_1 = arith.constant 0 : i32
    return %c0_i32, %arg0, %c0_i32_0 : i32, i32, i32
  }
  func.func @transform_2(%arg0: i32) -> (i32, i32) {
    %c0_i32 = arith.constant 0 : i32
    %c0_i32_0 = arith.constant 0 : i32
    return %arg0, %c0_i32 : i32, i32
  }
  func.func @transform_3(%arg0: i32) -> (i32, i32) {
    %c0_i32 = arith.constant 0 : i32
    %c0_i32_0 = arith.constant 0 : i32
    %c0_i32_1 = arith.constant 0 : i32
    return %c0_i32, %c0_i32_0 : i32, i32
  }
  func.func @transform_4(%arg0: i32) -> (i32, i32) {
    %c0_i32 = arith.constant 0 : i32
    %c0_i32_0 = arith.constant 0 : i32
    %c0_i32_1 = arith.constant 0 : i32
    return %c0_i32, %c0_i32_0 : i32, i32
  }
  func.func @transform_5(%arg0: i32) -> (i32, i32) {
    %c0_i32 = arith.constant 0 : i32
    %c0_i32_0 = arith.constant 0 : i32
    %c0_i32_1 = arith.constant 0 : i32
    return %c0_i32, %c0_i32_0 : i32, i32
  }
  func.func @transform_6(%arg0: i32) -> (i32, i32) {
    %c0_i32 = arith.constant 0 : i32
    %c0_i32_0 = arith.constant 0 : i32
    %c0_i32_1 = arith.constant 0 : i32
    return %c0_i32, %c0_i32_0 : i32, i32
  }
  func.func @transform_7(%arg0: i32) -> (i32, i32) {
    %c0_i32 = arith.constant 0 : i32
    %c0_i32_0 = arith.constant 0 : i32
    %c0_i32_1 = arith.constant 0 : i32
    return %c0_i32, %c0_i32_0 : i32, i32
  }
  func.func @transform_8(%arg0: i32) -> (i32, i32) {
    %c0_i32 = arith.constant 0 : i32
    %c0_i32_0 = arith.constant 0 : i32
    %c0_i32_1 = arith.constant 0 : i32
    return %c0_i32, %c0_i32_0 : i32, i32
  }
  func.func @transform_9(%arg0: i32) -> (i32, i32) {
    %c0_i32 = arith.constant 0 : i32
    %c0_i32_0 = arith.constant 0 : i32
    return %arg0, %c0_i32 : i32, i32
  }
  func.func @transform_10(%arg0: i32) -> (i32, i32) {
    %c0_i32 = arith.constant 0 : i32
    %c0_i32_0 = arith.constant 0 : i32
    return %arg0, %c0_i32 : i32, i32
  }
}

module attributes {stable_mosaic.version = 14 : i64} {
  func.func @_tc3_body(%arg0: i32, %arg1: memref<2x1000x128xf32, #tpu.memory_space<vmem>>, %arg2: memref<2x1000x128xf32, #tpu.memory_space<vmem>>, %arg3: memref<1000x64xf32, #tpu.memory_space<vmem>>, %arg4: memref<64x32xf32, #tpu.memory_space<vmem>>, %arg5: memref<1x32xf32, #tpu.memory_space<vmem>>, %arg6: memref<32x32xf32, #tpu.memory_space<vmem>>, %arg7: memref<1x32xf32, #tpu.memory_space<vmem>>, %arg8: memref<32x2xf32, #tpu.memory_space<vmem>>, %arg9: memref<1x2xf32, #tpu.memory_space<vmem>>, %arg10: memref<1000x2xf32, #tpu.memory_space<vmem>>) attributes {dimension_semantics = [#tpu.dimension_semantics<arbitrary>], iteration_bounds = array<i64: 10>, scalar_prefetch = 0 : i64, scratch_operands = 0 : i64, tpu.core_type = #tpu.core_type<tc>, window_params = [{transform_indices = @transform_0, window_bounds = array<i64: 2, 1000, 128>}, {transform_indices = @transform_1, window_bounds = array<i64: 2, 1000, 128>}, {transform_indices = @transform_2, window_bounds = array<i64: 1000, 64>}, {pipeline_mode = #tpu.pipeline_mode<synchronous>, transform_indices = @transform_3, window_bounds = array<i64: 64, 32>}, {pipeline_mode = #tpu.pipeline_mode<synchronous>, transform_indices = @transform_4, window_bounds = array<i64: 1, 32>}, {pipeline_mode = #tpu.pipeline_mode<synchronous>, transform_indices = @transform_5, window_bounds = array<i64: 32, 32>}, {pipeline_mode = #tpu.pipeline_mode<synchronous>, transform_indices = @transform_6, window_bounds = array<i64: 1, 32>}, {pipeline_mode = #tpu.pipeline_mode<synchronous>, transform_indices = @transform_7, window_bounds = array<i64: 32, 2>}, {pipeline_mode = #tpu.pipeline_mode<synchronous>, transform_indices = @transform_8, window_bounds = array<i64: 1, 2>}, {transform_indices = @transform_9, window_bounds = array<i64: 1000, 2>}]} {
    %get3A = arith.constant 0 : index
    %get3A_0 = arith.constant 0 : index
    %get3A_1 = arith.constant 0 : index
    %get3A_2 = vector.load %arg1[%get3A, %get3A_0, %get3A_1] : memref<2x1000x128xf32, #tpu.memory_space<vmem>>, vector<1x1000x64xf32>
    %get3A_3 = vector.shape_cast %get3A_2 : vector<1x1000x64xf32> to vector<1000x64xf32>
    %get3A_4 = arith.constant 1 : index
    %get3A_5 = arith.constant 0 : index
    %get3A_6 = arith.constant 0 : index
    %get3A_7 = vector.load %arg1[%get3A_4, %get3A_5, %get3A_6] : memref<2x1000x128xf32, #tpu.memory_space<vmem>>, vector<1x1000x64xf32>
    %get3A_8 = vector.shape_cast %get3A_7 : vector<1x1000x64xf32> to vector<1000x64xf32>
    %add3A = arith.addf %get3A_3, %get3A_8 : vector<1000x64xf32>
    %get3A_9 = arith.constant 0 : index
    %get3A_10 = arith.constant 0 : index
    %get3A_11 = arith.constant 0 : index
    %get3A_12 = vector.load %arg2[%get3A_9, %get3A_10, %get3A_11] : memref<2x1000x128xf32, #tpu.memory_space<vmem>>, vector<1x1000x1xf32>
    %get3A_13 = vector.shape_cast %get3A_12 : vector<1x1000x1xf32> to vector<1000xf32>
    %get3A_14 = arith.constant 1 : index
    %get3A_15 = arith.constant 0 : index
    %get3A_16 = arith.constant 0 : index
    %get3A_17 = vector.load %arg2[%get3A_14, %get3A_15, %get3A_16] : memref<2x1000x128xf32, #tpu.memory_space<vmem>>, vector<1x1000x1xf32>
    %get3A_18 = vector.shape_cast %get3A_17 : vector<1x1000x1xf32> to vector<1000xf32>
    %add3A_19 = arith.addf %get3A_13, %get3A_18 : vector<1000xf32>
    %max3A = arith.constant 1.000000e+00 : f32
    %max3A_20 = vector.broadcast %max3A : f32 to vector<1000xf32>
    %max3A_21 = arith.maximumf %add3A_19, %max3A_20 : vector<1000xf32>
    %div3A = arith.constant 1.000000e+00 : f32
    %div3A_22 = vector.broadcast %div3A : f32 to vector<1000xf32>
    %div3A_23 = arith.divf %div3A_22, %max3A_21 : vector<1000xf32>
    %broadcast_in_dim3A = vector.shape_cast %div3A_23 : vector<1000xf32> to vector<1000x1xf32>
    %mul3A = vector.broadcast %broadcast_in_dim3A : vector<1000x1xf32> to vector<1000x64xf32>
    %mul3A_24 = arith.mulf %add3A, %mul3A : vector<1000x64xf32>
    %get3A_25 = arith.constant 0 : index
    %get3A_26 = arith.constant 0 : index
    %get3A_27 = vector.load %arg3[%get3A_25, %get3A_26] : memref<1000x64xf32, #tpu.memory_space<vmem>>, vector<1000x64xf32>
    %add3A_28 = arith.addf %mul3A_24, %get3A_27 : vector<1000x64xf32>
    %gt3A = arith.constant 0.000000e+00 : f32
    %gt3A_29 = vector.broadcast %gt3A : f32 to vector<1000x64xf32>
    %gt3A_30 = arith.cmpf ogt, %add3A_28, %gt3A_29 : vector<1000x64xf32>
    %mul3A_31 = arith.constant 1.500000e-01 : f32
    %mul3A_32 = vector.broadcast %mul3A_31 : f32 to vector<1000x64xf32>
    %mul3A_33 = arith.mulf %mul3A_32, %add3A_28 : vector<1000x64xf32>
    %select_n3A = arith.select %gt3A_30, %add3A_28, %mul3A_33 : vector<1000x64xi1>, vector<1000x64xf32>
    %get3A_34 = arith.constant 0 : index
    %get3A_35 = arith.constant 0 : index
    %get3A_36 = vector.load %arg4[%get3A_34, %get3A_35] : memref<64x32xf32, #tpu.memory_space<vmem>>, vector<64x32xf32>
    %dot_general3A = arith.constant dense<0.000000e+00> : vector<1000x32xf32>
    %dot_general3A_37 = tpu.matmul %select_n3A, %get3A_36, %dot_general3A {dimension_numbers = #tpu.dot_dimension_numbers<[1], [0], [0], [1], [0, 0, 1, 1], [], []>, transpose_lhs_hint = false} : vector<1000x64xf32>, vector<64x32xf32>, vector<1000x32xf32> -> vector<1000x32xf32>
    %get3A_38 = arith.constant 0 : index
    %get3A_39 = arith.constant 0 : index
    %get3A_40 = vector.load %arg5[%get3A_38, %get3A_39] : memref<1x32xf32, #tpu.memory_space<vmem>>, vector<1x32xf32>
    %get3A_41 = vector.shape_cast %get3A_40 : vector<1x32xf32> to vector<32xf32>
    %broadcast_in_dim3A_42 = vector.shape_cast %get3A_41 : vector<32xf32> to vector<1x32xf32>
    %add3A_43 = vector.broadcast %broadcast_in_dim3A_42 : vector<1x32xf32> to vector<1000x32xf32>
    %add3A_44 = arith.addf %dot_general3A_37, %add3A_43 : vector<1000x32xf32>
    %get3A_45 = arith.constant 0 : index
    %get3A_46 = arith.constant 0 : index
    %get3A_47 = vector.load %arg6[%get3A_45, %get3A_46] : memref<32x32xf32, #tpu.memory_space<vmem>>, vector<32x32xf32>
    %dot_general3A_48 = arith.constant dense<0.000000e+00> : vector<1000x32xf32>
    %dot_general3A_49 = tpu.matmul %add3A_44, %get3A_47, %dot_general3A_48 {dimension_numbers = #tpu.dot_dimension_numbers<[1], [0], [0], [1], [0, 0, 1, 1], [], []>, transpose_lhs_hint = false} : vector<1000x32xf32>, vector<32x32xf32>, vector<1000x32xf32> -> vector<1000x32xf32>
    %get3A_50 = arith.constant 0 : index
    %get3A_51 = arith.constant 0 : index
    %get3A_52 = vector.load %arg7[%get3A_50, %get3A_51] : memref<1x32xf32, #tpu.memory_space<vmem>>, vector<1x32xf32>
    %get3A_53 = vector.shape_cast %get3A_52 : vector<1x32xf32> to vector<32xf32>
    %broadcast_in_dim3A_54 = vector.shape_cast %get3A_53 : vector<32xf32> to vector<1x32xf32>
    %add3A_55 = vector.broadcast %broadcast_in_dim3A_54 : vector<1x32xf32> to vector<1000x32xf32>
    %add3A_56 = arith.addf %dot_general3A_49, %add3A_55 : vector<1000x32xf32>
    %gt3A_57 = arith.constant 0.000000e+00 : f32
    %gt3A_58 = vector.broadcast %gt3A_57 : f32 to vector<1000x32xf32>
    %gt3A_59 = arith.cmpf ogt, %add3A_56, %gt3A_58 : vector<1000x32xf32>
    %mul3A_60 = arith.constant 1.500000e-01 : f32
    %mul3A_61 = vector.broadcast %mul3A_60 : f32 to vector<1000x32xf32>
    %mul3A_62 = arith.mulf %mul3A_61, %add3A_56 : vector<1000x32xf32>
    %select_n3A_63 = arith.select %gt3A_59, %add3A_56, %mul3A_62 : vector<1000x32xi1>, vector<1000x32xf32>
    %get3A_64 = arith.constant 0 : index
    %get3A_65 = arith.constant 0 : index
    %get3A_66 = vector.load %arg8[%get3A_64, %get3A_65] : memref<32x2xf32, #tpu.memory_space<vmem>>, vector<32x2xf32>
    %dot_general3A_67 = arith.constant dense<0.000000e+00> : vector<1000x2xf32>
    %dot_general3A_68 = tpu.matmul %select_n3A_63, %get3A_66, %dot_general3A_67 {dimension_numbers = #tpu.dot_dimension_numbers<[1], [0], [0], [1], [0, 0, 1, 1], [], []>, transpose_lhs_hint = false} : vector<1000x32xf32>, vector<32x2xf32>, vector<1000x2xf32> -> vector<1000x2xf32>
    %get3A_69 = arith.constant 0 : index
    %get3A_70 = arith.constant 0 : index
    %get3A_71 = vector.load %arg9[%get3A_69, %get3A_70] : memref<1x2xf32, #tpu.memory_space<vmem>>, vector<1x2xf32>
    %get3A_72 = vector.shape_cast %get3A_71 : vector<1x2xf32> to vector<2xf32>
    %broadcast_in_dim3A_73 = vector.shape_cast %get3A_72 : vector<2xf32> to vector<1x2xf32>
    %add3A_74 = vector.broadcast %broadcast_in_dim3A_73 : vector<1x2xf32> to vector<1000x2xf32>
    %add3A_75 = arith.addf %dot_general3A_68, %add3A_74 : vector<1000x2xf32>
    %swap3A = arith.constant 0 : index
    %swap3A_76 = arith.constant 0 : index
    %swap3A_77 = vector.load %arg10[%swap3A, %swap3A_76] : memref<1000x2xf32, #tpu.memory_space<vmem>>, vector<1000x2xf32>
    tpu.vector_store %arg10[%swap3A, %swap3A_76], %add3A_75 {strides = array<i32>} : memref<1000x2xf32, #tpu.memory_space<vmem>>, vector<1000x2xf32>,
    return
  }
  func.func @transform_0(%arg0: i32) -> (i32, i32, i32) {
    %c0_i32 = arith.constant 0 : i32
    %c0_i32_0 = arith.constant 0 : i32
    %c0_i32_1 = arith.constant 0 : i32
    return %c0_i32, %arg0, %c0_i32_0 : i32, i32, i32
  }
  func.func @transform_1(%arg0: i32) -> (i32, i32, i32) {
    %c0_i32 = arith.constant 0 : i32
    %c0_i32_0 = arith.constant 0 : i32
    %c0_i32_1 = arith.constant 0 : i32
    return %c0_i32, %arg0, %c0_i32_0 : i32, i32, i32
  }
  func.func @transform_2(%arg0: i32) -> (i32, i32) {
    %c0_i32 = arith.constant 0 : i32
    %c0_i32_0 = arith.constant 0 : i32
    return %arg0, %c0_i32 : i32, i32
  }
  func.func @transform_3(%arg0: i32) -> (i32, i32) {
    %c0_i32 = arith.constant 0 : i32
    %c0_i32_0 = arith.constant 0 : i32
    %c0_i32_1 = arith.constant 0 : i32
    return %c0_i32, %c0_i32_0 : i32, i32
  }
  func.func @transform_4(%arg0: i32) -> (i32, i32) {
    %c0_i32 = arith.constant 0 : i32
    %c0_i32_0 = arith.constant 0 : i32
    %c0_i32_1 = arith.constant 0 : i32
    return %c0_i32, %c0_i32_0 : i32, i32
  }
  func.func @transform_5(%arg0: i32) -> (i32, i32) {
    %c0_i32 = arith.constant 0 : i32
    %c0_i32_0 = arith.constant 0 : i32
    %c0_i32_1 = arith.constant 0 : i32
    return %c0_i32, %c0_i32_0 : i32, i32
  }
  func.func @transform_6(%arg0: i32) -> (i32, i32) {
    %c0_i32 = arith.constant 0 : i32
    %c0_i32_0 = arith.constant 0 : i32
    %c0_i32_1 = arith.constant 0 : i32
    return %c0_i32, %c0_i32_0 : i32, i32
  }
  func.func @transform_7(%arg0: i32) -> (i32, i32) {
    %c0_i32 = arith.constant 0 : i32
    %c0_i32_0 = arith.constant 0 : i32
    %c0_i32_1 = arith.constant 0 : i32
    return %c0_i32, %c0_i32_0 : i32, i32
  }
  func.func @transform_8(%arg0: i32) -> (i32, i32) {
    %c0_i32 = arith.constant 0 : i32
    %c0_i32_0 = arith.constant 0 : i32
    %c0_i32_1 = arith.constant 0 : i32
    return %c0_i32, %c0_i32_0 : i32, i32
  }
  func.func @transform_9(%arg0: i32) -> (i32, i32) {
    %c0_i32 = arith.constant 0 : i32
    %c0_i32_0 = arith.constant 0 : i32
    return %arg0, %c0_i32 : i32, i32
  }
}

</mosaic_0001>

<sc_bundles>
// kernel: kernel.12.cloned.1.call-start
scs
__scs_entry_jumppad:
0x0: {  	(pc) =	sbr.rel $0x88, $3  }
0x1: {  	(tag) =	ssettag $0x0;
	lr =	simm.s32 $0x1  }
0x2: {  	[smem:$0x3F90] =	sst lr;
	_ =	strace $0xD0000000  }
0x3: {  	_ = 	snop  }
0x4: {  	_ = 	snop  }
0x5: {  	_ = 	snop  }
0x6: {  	_ = 	snop  }
0x7: {  	_ = 	snop  }
__scs_overlays_trampoline_lowered:
0x8: {  	[smem:$0x3F9F] =	sst s0  }
0x9: {  	[smem:$0x3FA0] =	sst s1  }
0xa: {  	[smem:$0x3FA1] =	sst s2  }
0xb: {  	[smem:$0x3FA2] =	sst s3  }
0xc: {  	[smem:$0x3FA3] =	sst s4  }
0xd: {  	[smem:$0x3FA4] =	sst s5  }
0xe: {  	[smem:$0x3FA5] =	sst s6  }
0xf: {  	[smem:$0x3FA6] =	sst s7  }
0x10: {  	[smem:$0x3FA7] =	sst s8  }
0x11: {  	[smem:$0x3FA8] =	sst s9;
	s0 =	simm.s32 @!p0 $0x0  }
0x12: {  	s1 =	sld [smem:$0x3F8E];
	s0 =	simm.s32 @p0 $0x1  }
0x13: {  	[smem:$0x3FA9] =	sst s0;
	s0 =	simm.s32 @!p1 $0x0  }
0x14: {  	s2 =	sld [smem:$0x3F8D];
	s0 =	simm.s32 @p1 $0x1  }
0x15: {  	[smem:$0x3FAA] =	sst s0;
	s0 =	simm.s32 @!p2 $0x0  }
0x16: {  	s3 =	sld [smem:$0x3FDB];
	s0 =	simm.s32 @p2 $0x1  }
0x17: {  	s4 =	simm.s32 $0x1BF5;
	[smem:$0x3FAC] =	sst s0  }
0x18: {  	s0 =	sld [smem:$0x3F8F];
	_ =	swait.ge [sflag:s4], $0x0  }
0x19: {  	s7 =	sld [smem:$0x3F90]  }
0x1a: {  	s8 =	sadd.s32 $0xFFFFE003, lr  }
0x1b: {  	s9 =	sadd.s32 $0xFFFFFEF7, lr;
	s5 =	simm.s32 $0xFFFFFFFF;
	p2 =	slt.u32 s8, $0xFFFFF086  }
0x1c: {  	p1 =	slt.u32 s9, $0xF7A;
	s5 =	simm.s32 @!p2 $0x0  }
0x1d: {  	s5 =	simm.s32 @p1 $0x1;
	p0 =	seq.s32 s7, s2  }
0x1e: {  	s7 =	smul.u32 @!p0 $0xF7A, s2;
	p2 =	seq.s32 @!p0 s5, $0x0  }
0x1f: {  	s9 =	smul.u32 $0xF7A, s1;
	s8 =	simm.s32 @!p0 $0x1BF5;
	p2 =	por !p2, p0  }
0x20: {  	[sflag:s8] =	ssyncset.s32 @!p0 $0xFFFFF086;
	s6 =	sadd.s32 @!p0 s3, s7;
	s7 =	simm.s32 @!p0 $0x108  }
0x21: {  	s3 =	sadd.s32 s3, s9;
	s6 =	sadd.s32 @!p0 $0x88, s6;
	s7 =	simm.s32 @p2 $0x1082  }
0x22: {  	[simem:s7], [sflag:s8] =	dma.local @!p0 [hbm:s6], $0xF7A  }
0x23: {  	s9 =	sor.u32 $0xD0000000, s2;
	s6 =	simm.s32 $0x108;
	_ =	swait.ge @!p0 [sflag:s8], $0x0  }
0x24: {  	s3 =	sadd.s32 $0x88, s3;
	s6 =	simm.s32 @!p1 $0x1082;
	[sflag:s4] =	ssyncset.s32 $0xFFFFF086  }
0x25: {  	[simem:s6], [sflag:s4] =	dma.local [hbm:s3], $0xF7A  }
0x26: {  	[smem:$0x3F90] =	sst s1;
	(tag) =	ssettag s2;
	_ =	strace s9  }
0x27: {  	s1 =	sld [smem:$0x3FA0]  }
0x28: {  	s2 =	sld [smem:$0x3FA1]  }
0x29: {  	s4 =	sld [smem:$0x3FA3]  }
0x2a: {  	p0 =	seq.s32 s5, $0x0;
	s5 =	sld [smem:$0x3FA4]  }
0x2b: {  	s6 =	sld [smem:$0x3FA5]  }
0x2c: {  	s7 =	sld [smem:$0x3FA6]  }
0x2d: {  	s3 =	simm.s32 $0x108;
	s8 =	sld [smem:$0x3FA7]  }
0x2e: {  	s3 =	simm.s32 @!p0 $0x1082;
	s9 =	sld [smem:$0x3FA8]  }
0x2f: {  	lr =	sadd.s32 s0, s3;
	s0 =	sld [smem:$0x3F9F]  }
0x30: {  	s3 =	sld [smem:$0x3FA2]  }
0x31: {  	[smem:$0x3FAB] =	sst s10  }
0x32: {  	s10 =	sld [smem:$0x3FA9];
	_ =	sdelay $0x3  }
0x33: {  	p0 =	seq.s32 s10, $0x1;
	s10 =	sld [smem:$0x3FAB];
	_ =	sdelay $0x3  }
0x34: {  	[smem:$0x3FAB] =	sst s10  }
0x35: {  	s10 =	sld [smem:$0x3FAA];
	_ =	sdelay $0x3  }
0x36: {  	p1 =	seq.s32 s10, $0x1;
	s10 =	sld [smem:$0x3FAB];
	_ =	sdelay $0x3  }
0x37: {  	[smem:$0x3FAB] =	sst s10  }
0x38: {  	s10 =	sld [smem:$0x3FAC]  }
0x39: {  	_ = 	snop;
	(pc) =	sbr.ind lr, $3  }
0x3a: {  	_ = 	snop  }
0x3b: {  	_ = 	snop  }
0x3c: {  	p2 =	seq.s32 s10, $0x1;
	s10 =	sld [smem:$0x3FAB]  }
0x3d: {  	_ =	shalt  }
0x3e: {  	_ =	shalt  }
0x3f: {  	_ =	shalt  }
0x40: {  	_ =	shalt  }
0x41: {  	_ =	shalt  }
0x42: {  	_ =	shalt  }
0x43: {  	_ =	shalt  }
0x44: {  	_ =	shalt  }
0x45: {  	_ =	shalt  }
0x46: {  	_ =	shalt  }
0x47: {  	_ =	shalt  }
0x48: {  	_ =	shalt  }
0x49: {  	_ =	shalt  }
0x4a: {  	_ =	shalt  }
0x4b: {  	_ =	shalt  }
0x4c: {  	_ =	shalt  }
0x4d: {  	_ =	shalt  }
0x4e: {  	_ =	shalt  }
0x4f: {  	_ =	shalt  }
0x50: {  	_ =	shalt  }
0x51: {  	_ =	shalt  }
0x52: {  	_ =	shalt  }
0x53: {  	_ =	shalt  }
0x54: {  	_ =	shalt  }
0x55: {  	_ =	shalt  }
0x56: {  	_ =	shalt  }
0x57: {  	_ =	shalt  }
0x58: {  	_ =	shalt  }
0x59: {  	_ =	shalt  }
0x5a: {  	_ =	shalt  }
0x5b: {  	_ =	shalt  }
0x5c: {  	_ =	shalt  }
0x5d: {  	_ =	shalt  }
0x5e: {  	_ =	shalt  }
0x5f: {  	_ =	shalt  }
0x60: {  	_ =	shalt  }
0x61: {  	_ =	shalt  }
0x62: {  	_ =	shalt  }
0x63: {  	_ =	shalt  }
0x64: {  	_ =	shalt  }
0x65: {  	_ =	shalt  }
0x66: {  	_ =	shalt  }
0x67: {  	_ =	shalt  }
0x68: {  	_ =	shalt  }
0x69: {  	_ =	shalt  }
0x6a: {  	_ =	shalt  }
0x6b: {  	_ =	shalt  }
0x6c: {  	_ =	shalt  }
0x6d: {  	_ =	shalt  }
0x6e: {  	_ =	shalt  }
0x6f: {  	_ =	shalt  }
0x70: {  	_ =	shalt  }
0x71: {  	_ =	shalt  }
0x72: {  	_ =	shalt  }
0x73: {  	_ =	shalt  }
0x74: {  	_ =	shalt  }
0x75: {  	_ =	shalt  }
0x76: {  	_ =	shalt  }
0x77: {  	_ =	shalt  }
0x78: {  	_ =	shalt  }
0x79: {  	_ =	shalt  }
0x7a: {  	_ =	shalt  }
0x7b: {  	_ =	shalt  }
0x7c: {  	_ =	shalt  }
0x7d: {  	_ =	shalt  }
0x7e: {  	_ =	shalt  }
0x7f: {  	_ =	shalt  }
0x80: {  	_ =	shalt  }
0x81: {  	_ =	shalt  }
0x82: {  	_ =	shalt  }
0x83: {  	_ =	shalt  }
0x84: {  	_ =	shalt  }
0x85: {  	_ =	shalt  }
0x86: {  	_ =	shalt  }
0x87: {  	_ =	shalt  }
.Lfunc_end0:
.L_simem_size_0:
called_computation.1_lowered:
.L_overlay_start_0:
0x88: {  	s2 =	sld [smem:$0x3FD9]  }
0x89: {  	s3 =	sld [smem:$0x3FFE];
	_ =	sdelay $0x1  }
0x8a: {  	s1 =	srdreg.scid  }
0x8b: {  	s0 =	sand.u32 $0x1, s1  }
0x8c: {  	s17 =	sshll.u32 s0, $0xA;
	s2 =	sadd.s32 s3, s2  }
0x8d: {  	s2 =	sadd.s32 s2, s17  }
0x8e: {  	[smem:$0x3FB7] =	sst s2  }
0x8f: {  	_ = 	snop  }
0x90: {  	s2 =	sld [smem:$0x3FC9]  }
0x91: {  	s18 =	sld [smem:$0x3FD0];
	(tm) =	ssettm $0x1  }
0x92: {  	s4 =	sld [smem:$0x3FFB];
	_ =	sdelay $0x3  }
0x93: {  	_ =	strace s4  }
0x94: {  	s4 =	sld [smem:$0x3FFC];
	_ =	sdelay $0x3  }
0x95: {  	_ =	strace s4  }
0x96: {  	s4 =	sld [smem:$0x3FFD];
	_ =	sdelay $0x3  }
0x97: {  	_ =	strace s4  }
0x98: {  	_ =	strace $0x8FFFFFFF  }
0x99: {  	s19 =	sld [smem:$0x3FDB];
	_ =	sdelay $0x1  }
0x9a: {  	s5 =	simm.s32 $_scs_section_size  }
0x9b: {  	s6 =	simm.s32 $_size__tile_overlayer_lowered;
	s7 =	simm.s32 $_tile_overlayer_lowered  }
0x9c: {  	s22 =	simm.s32 $0x1BFF;
	s21 =	sshll.u32 s7, $0x1;
	s4 =	sadd.s32 s5, s19  }
0x9d: {  	s8 =	simm.s32 $0x0;
	s20 =	sshll.u32 s6, $0x1;
	s6 =	sadd.s32 s21, s4  }
0x9e: {  	[timem:s8], [sflag:s22] =	dma.local [hbm:s6], s20  }
0x9f: {  	_ =	swait.ge [sflag:s22], s20  }
0xa0: {  	s5 =	ssub.s32 $0x0, s20;
	[sflag:s22] =	ssyncset.done $0x0  }
0xa1: {  	[sflag:s22] =	ssyncadd.s32 s5;
	_ =	sdelay $0x1  }
0xa2: {  	s23 =	simm.s32 $0x1B8B  }
0xa3: {  	_ =	swait.ge [sflag:s23], $0x1  }
0xa4: {  	[sflag:s23] =	ssyncset.done $0x0  }
0xa5: {  	s25 =	simm.s32 $0x1B8E;
	s24 =	sld [smem:$0x3FFE];
	[sflag:s23] =	ssyncadd.s32 $0xFFFFFFFF  }
0xa6: {  	s26 =	simm.s32 $execute0_lowered;
	[smem:$0x3FD2] =	sst s25  }
0xa7: {  	s6 =	sshll.u32 s26, $0x1;
	_ =	strace $0x80000046;
	[dreg:$0x1] =	wrdreg $0xFFFFFFFF  }
0xa8: {  	s28 =	simm.s32 $_size_execute0_lowered;
	s4 =	sadd.s32 s4, s6;
	[dreg:$0x0] =	wrdreg $0x0  }
0xa9: {  	s6 =	sshll.u32 s28, $0x1;
	[dreg:$0x2] =	wrdreg s4  }
0xaa: {  	[dreg:$0x3] =	wrdreg s6  }
0xab: {  	[dreg:$0x4] =	wrdreg $0xC0  }
0xac: {  	_ =	task [dreg:s8], $0x5FFFF  }
0xad: {  	[dreg:$0x1] =	wrdreg $0xFFFFFFFF  }
0xae: {  	[dreg:$0x0] =	wrdreg $0x60  }
0xaf: {  	[dreg:$0x2] =	wrdreg s2  }
0xb0: {  	[dreg:$0x3] =	wrdreg s24  }
0xb1: {  	[dreg:$0x4] =	wrdreg s18  }
0xb2: {  	[dreg:$0x5] =	wrdreg $0x0  }
0xb3: {  	[dreg:$0x6] =	wrdreg $0xA  }
0xb4: {  	_ =	task.clear_ibuf [dreg:s8], $0x7FFFF;
	_ =	strace $0x90000046  }
0xb5: {  	s29 =	simm.s32 $0xA;
	_ =	strace $0x80000048  }
0xb6: {  	_ =	swait.ge [sflag:s29], $0x1  }
0xb7: {  	[sflag:s29] =	ssyncadd.s32 $0xFFFFFFFF  }
0xb8: {  	_ =	strace $0x90000048  }
0xb9: {  	_ =	sfence  }
0xba: {  	s30 =	sld [smem:$0x0];
	_ =	sdelay $0x2  }
0xbb: {  	s31 =	sshll.u32 s1, $0xD;
	s1 =	sshrl.u32 s1, $0x2  }
0xbc: {  	s3 =	sand.u32 $0x4000, s31;
	s1 =	sadd.s32 s1, s30  }
0xbd: {  	s0 =	sor.u32 s3, s0;
	s1 =	sshll.u32 s1, $0x11  }
0xbe: {  	s0 =	sor.u32 s1, s0  }
0xbf: {  	s0 =	sadd.s32 $0x8F2B, s0  }
0xc0: {  	[sflag:s0] =	ssyncadd.remote.s32 $0x1  }
0xc1: {  	_ =	sfence.sel $0xFFFF  }
0xc2: {  	[dreg:$0x0] =	wrdreg $0xFFFFFFFF;
	(pc) =	sbr.abs _section_cstart, $3  }
0xc3: {  	[dreg:$0x1] =	wrdreg $0xFFFFFFFF  }
0xc4: {  	_ =	task.clear_ibuf [dreg:s8], $0x2FFFF;
	_ =	strace $0x9FFFFFFF  }
0xc5: {  	(tm) =	ssettm $0x7FFFFFFF  }
tec
execute0_lowered:
.L_overlay_start_1:
0x0: {  	(tag) =	ssettag $0x1  }
0x1: {  	s1 =	rddreg [dreg:$0x0]  }
0x2: {  	s0 =	rddreg [dreg:$0x1]  }
0x3: {  	s3 =	rddreg [dreg:$0x3];
	s2 =	srdreg.scid;
	s5 =	simm.s32 $0x0  }
0x4: {  	s19 =	stileid.u32;
	s28 =	simm.s32 $0x2;
	s29 =	simm.s32 $0x0  }
0x5: {  	s2 =	sand.u32 $0x1, s2;
	s7 =	sshll.u32 s19, $0x1;
	s8 =	smul.u32 $0x14000, s19  }
0x6: {  	s9 =	sadd.s32 $0x17600, s0;
	[smem:$0x7FF] =	sst s5;
	s4 =	ssub.s32 $0x2, s2  }
0x7: {  	s11 =	smul.u32 $0x140000, s2;
	s6 =	sshrl.u32 s4, $0x1;
	s10 =	sadd.s32 $0x5000, s8  }
0x8: {  	s12 =	sadd.s32 $0x7800, s8;
	s13 =	sadd.s32 $0xA000, s8;
	s16 =	sadd.s32 $0xC800, s8  }
0x9: {  	s17 =	sadd.s32 $0xF000, s8;
	s18 =	sadd.s32 $0x11800, s8;
	s4 =	ssub.s32 s4, s6  }
0xa: {  	s6 =	sor.u32 s2, s7;
	s7 =	sor.u32 $0x2800, s8;
	s8 =	sadd.s32 s8, s11  }
0xb: {  	s15 =	sadd.s32 s11, s10;
	s24 =	sadd.s32 s11, s12;
	s25 =	sadd.s32 s11, s13  }
0xc: {  	s26 =	sadd.s32 s11, s16;
	s2 =	smul.u32 $0x2710, s2;
	s12 =	sadd.s32 s12, s3  }
0xd: {  	s31 =	sadd.s32 s13, s3;
	s30 =	sadd.s32 s17, s3;
	s8 =	sshrl.u32 s8, $0x3  }
0xe: {  	s14 =	sadd.s32 s11, s7;
	s22 =	sshrl.u32 s15, $0x3;
	s20 =	sshrl.u32 s26, $0x3  }
0xf: {  	s15 =	sadd.s32 $0x3A00, s0;
	s26 =	smul.u32 $0x2710, s6;
	s4 =	smax.u32 s4, $0x1  }
0x10: {  	s8 =	sadd.s32 s9, s8;
	s21 =	sshrl.u32 s14, $0x3;
	s23 =	sadd.s32 s9, s22  }
0x11: {  	s14 =	sshrl.u32 s25, $0x3;
	s22 =	sadd.s32 s11, s17;
	s11 =	sadd.s32 s11, s18  }
0x12: {  	s25 =	smul.u32 $0x50000, s19;
	[dreg:$0x5] =	wrdreg s8;
	s8 =	sadd.s32 s9, s21  }
0x13: {  	[dreg:$0x7] =	wrdreg s23;
	s21 =	sadd.s32 s9, s20;
	s23 =	sshrl.u32 s11, $0x3  }
0x14: {  	s20 =	sadd.s32 s7, s3;
	s11 =	sadd.s32 s10, s3;
	s7 =	simm.s32 $0x5  }
0x15: {  	s10 =	simm.s32 $0x50;
	[dreg:$0x6] =	wrdreg s8;
	s8 =	sshrl.u32 s24, $0x3  }
0x16: {  	[dreg:$0xa] =	wrdreg s21;
	s24 =	smul.u32 $0x4E20, s19;
	s21 =	sadd.s32 s16, s3  }
0x17: {  	s17 =	smov.u32 s11;
	s11 =	simm.s32 $0x14080;
	s8 =	sadd.s32 s9, s8  }
0x18: {  	[dreg:$0x8] =	wrdreg s8;
	s8 =	sadd.s32 s9, s14;
	s14 =	sadd.s32 $0xD800, s0  }
0x19: {  	s0 =	sshrl.u32 s26, $0x3;
	[dreg:$0x9] =	wrdreg s8;
	s8 =	sshrl.u32 s22, $0x3  }
0x1a: {  	s2 =	sadd.s32 s2, s24;
	s13 =	sadd.s32 $0xA, s0;
	s8 =	sadd.s32 s9, s8  }
0x1b: {  	s22 =	sadd.s32 s18, s3;
	[dreg:$0xb] =	wrdreg s8;
	s8 =	sadd.s32 s9, s23  }
0x1c: {  	s18 =	smov.u32 s12;
	s16 =	sadd.s32 s14, s13;
	[dreg:$0xc] =	wrdreg s8  }
0x1d: {  	s6 =	sadd.s32 s15, s13;
	_ =	strace $0x80000047;
	[dreg:$0x10] =	wrdreg s16  }
0x1e: {  	s24 =	sadd.s32 $0xF0, s2;
	s2 =	sadd.s32 $0xA0, s2;
	[dreg:$0x11] =	wrdreg s6  }
0x1f: {  	s9 =	sshrl.u32 s25, $0x2;
	s23 =	sadd.s32 s14, s0;
	[dreg:$0x12] =	wrdreg s4  }
0x20: {  	s25 =	sadd.s32 s15, s0;
	s0 =	sadd.s32 $0x4D8, s0;
	[dreg:$0x13] =	wrdreg s23  }
0x21: {  	s12 =	simm.s32 $0x14180;
	s26 =	sadd.s32 s14, s0;
	[dreg:$0x14] =	wrdreg s25  }
0x22: {  	s13 =	simm.s32 $0x4;
	s0 =	sadd.s32 s15, s0;
	[dreg:$0x15] =	wrdreg s26  }
0x23: {  	s19 =	sadd.s32 s9, s3;
	s8 =	simm.s32 $0x14000;
	[dreg:$0x16] =	wrdreg s0  }
0x24: {  	s9 =	simm.s32 $0x14100;
	s4 =	sshrl.u32 s24, $0x3;
	[dreg:$0x17] =	wrdreg s2  }
0x25: {  	s6 =	simm.s32 $0x14200;
	s24 =	simm.s32 $0x16A00;
	[dreg:$0xd] =	wrdreg s21  }
0x26: {  	s25 =	simm.s32 $0x1;
	s26 =	simm.s32 $0x3;
	[dreg:$0xe] =	wrdreg s31  }
0x27: {  	[dreg:$0xf] =	wrdreg s22;
	s0 =	sadd.s32 s4, s15;
	s4 =	sadd.s32 s4, s14  }
.LBB2_1:
0x28: {  	s16 =	rddreg [dreg:$0x2]  }
0x29: {  	[tilespmem:s6], [sflag:$0x5] =	stream.linear.gather [hbm4b:s16+s5], $0x2800, $0x38;
	[tilespmem:$0x19200] =	vst v63  }
0x2a: {  	_ =	swait.ge [sflag:s7], $0x2800  }
0x2b: {  	[sflag:s7] =	ssyncset.done $0x0  }
0x2c: {  	[sflag:s7] =	ssyncadd.s32 $0xFFFFD800  }
0x2d: {  	[spmem:s19] =	stream.linear.scatter [tilespmem:s6], [sflag:$0x5], $0x2800, $0x38;
	[tilespmem:$0x19200] =	vst v63  }
0x2e: {  	_ =	swait.ge [sflag:s7], $0x2800  }
0x2f: {  	[sflag:s7] =	ssyncset.done $0x0  }
0x30: {  	[sflag:s7] =	ssyncadd.s32 $0xFFFFD800  }
0x31: {  	[spmem:s20] =	stream.linear.scatter [tilespmem:s6], [sflag:$0x5], $0x2800, $0x38;
	[tilespmem:$0x19200] =	vst v63  }
0x32: {  	_ =	swait.ge [sflag:s7], $0x2800  }
0x33: {  	[sflag:s7] =	ssyncset.done $0x0  }
0x34: {  	[sflag:s7] =	ssyncadd.s32 $0xFFFFD800  }
0x35: {  	[spmem:s17] =	stream.linear.scatter [tilespmem:s6], [sflag:$0x5], $0x2800, $0x38;
	[tilespmem:$0x19200] =	vst v63  }
0x36: {  	_ =	swait.ge [sflag:s7], $0x2800  }
0x37: {  	[sflag:s7] =	ssyncset.done $0x0  }
0x38: {  	[sflag:s7] =	ssyncadd.s32 $0xFFFFD800  }
0x39: {  	[spmem:s18] =	stream.linear.scatter [tilespmem:s6], [sflag:$0x5], $0x2800, $0x38;
	[tilespmem:$0x19200] =	vst v63  }
0x3a: {  	_ =	swait.ge [sflag:s7], $0x2800  }
0x3b: {  	[sflag:s7] =	ssyncset.done $0x0  }
0x3c: {  	s16 =	smov.u32 s31;
	[sflag:s7] =	ssyncadd.s32 $0xFFFFD800  }
0x3d: {  	[spmem:s16] =	stream.linear.scatter [tilespmem:s6], [sflag:$0x5], $0x2800, $0x38;
	[tilespmem:$0x19200] =	vst v63  }
0x3e: {  	_ =	swait.ge [sflag:s7], $0x2800  }
0x3f: {  	[sflag:s7] =	ssyncset.done $0x0  }
0x40: {  	s2 =	smov.u32 s21;
	[sflag:s7] =	ssyncadd.s32 $0xFFFFD800  }
0x41: {  	[spmem:s2] =	stream.linear.scatter [tilespmem:s6], [sflag:$0x5], $0x2800, $0x38;
	[tilespmem:$0x19200] =	vst v63  }
0x42: {  	_ =	swait.ge [sflag:s7], $0x2800  }
0x43: {  	[sflag:s7] =	ssyncset.done $0x0  }
0x44: {  	[sflag:s7] =	ssyncadd.s32 $0xFFFFD800  }
0x45: {  	[spmem:s30] =	stream.linear.scatter [tilespmem:s6], [sflag:$0x5], $0x2800, $0x38;
	[tilespmem:$0x19200] =	vst v63  }
0x46: {  	_ =	swait.ge [sflag:s7], $0x2800  }
0x47: {  	[sflag:s7] =	ssyncset.done $0x0  }
0x48: {  	s21 =	smov.u32 s19;
	s19 =	smov.u32 s22;
	[sflag:s7] =	ssyncadd.s32 $0xFFFFD800  }
0x49: {  	[spmem:s19] =	stream.linear.scatter [tilespmem:s6], [sflag:$0x5], $0x2800, $0x38;
	[tilespmem:$0x19200] =	vst v63  }
0x4a: {  	_ =	swait.ge [sflag:s7], $0x2800  }
0x4b: {  	[sflag:s7] =	ssyncset.done $0x0  }
0x4c: {  	[sflag:s7] =	ssyncadd.s32 $0xFFFFD800  }
0x4d: {  	[bflag:$0x0] =	sbarrier.arrive $0xFFFF  }
0x4e: {  	s19 =	rddreg [dreg:$0x13]  }
0x4f: {  	[tilespmem:s8], [sflag:$0x5] =	stream.linear.gather [hbm4b:s19+s5], $0x50, $0x38;
	[tilespmem:$0x19200] =	vst v63  }
0x50: {  	_ =	swait.ge [sflag:s7], $0x50  }
0x51: {  	[sflag:s7] =	ssyncset.done $0x0  }
0x52: {  	s22 =	smov.u32 s20;
	s20 =	rddreg [dreg:$0x14];
	[sflag:s7] =	ssyncadd.s32 $0xFFFFFFB0  }
0x53: {  	[tilespmem:s9], [sflag:$0x5] =	stream.linear.gather [hbm4b:s20+s5], $0x50, $0x38;
	[tilespmem:$0x19200] =	vst v63  }
0x54: {  	_ =	swait.ge [sflag:s7], $0x50  }
0x55: {  	[sflag:s7] =	ssyncset.done $0x0  }
0x56: {  	[sflag:s7] =	ssyncadd.s32 $0xFFFFFFB0  }
0x57: {  	[tilespmem:s6], [sflag:$0x1] =	stream.indirect.gather [hbm4b:s1+s10], $0x80, s8, s10, $0xb8;
	[tilespmem:$0x19200] =	vst v63  }
0x58: {  	s16 =	rddreg [dreg:$0x10]  }
0x59: {  	[tilespmem:s11], [sflag:$0x4] =	stream.linear.gather [hbm4b:s16+s5], $0x50, $0x38;
	[tilespmem:$0x19200] =	vst v63  }
0x5a: {  	s23 =	smov.u32 s17;
	s17 =	rddreg [dreg:$0x11]  }
0x5b: {  	[tilespmem:s12], [sflag:$0x4] =	stream.linear.gather [hbm4b:s17+s5], $0x50, $0x38;
	[tilespmem:$0x19200] =	vst v63  }
0x5c: {  	_ =	swait.ge [sflag:s13], $0x50  }
0x5d: {  	[sflag:s13] =	ssyncset.done $0x0  }
0x5e: {  	[sflag:s13] =	ssyncadd.s32 $0xFFFFFFB0  }
0x5f: {  	_ =	swait.ge [sflag:s13], $0x50  }
0x60: {  	[sflag:s13] =	ssyncset.done $0x0  }
0x61: {  	[sflag:s13] =	ssyncadd.s32 $0xFFFFFFB0  }
0x62: {  	[tilespmem:s24], [sflag:$0x2] =	stream.indirect.gather [hbm4b:s1+s10], $0x80, s11, s10, $0xb8;
	[tilespmem:$0x19200] =	vst v63  }
0x63: {  	_ =	swait.ge [sflag:s25], $0x2800  }
0x64: {  	[sflag:s25] =	ssyncset.done $0x0  }
0x65: {  	[sflag:s25] =	ssyncadd.s32 $0xFFFFD800  }
0x66: {  	[spmem:s3] =	stream.indirect.scatter.add.f32 [tilespmem:s6], [sflag:$0x5], $0x80, s9, s10, $0xb8;
	[tilespmem:$0x19200] =	vst v63  }
0x67: {  	_ =	swait.ge [sflag:s7], $0x2800  }
0x68: {  	s2 =	rddreg [dreg:$0x17]  }
0x69: {  	s31 =	smov.u32 s18;
	[sflag:s7] =	ssyncset.done $0x0;
	s18 =	sshrl.u32 s2, $0x3  }
0x6a: {  	[sflag:s7] =	ssyncadd.s32 $0xFFFFD800;
	s19 =	sadd.s32 s14, s18  }
0x6b: {  	[tilespmem:s8], [sflag:$0x3] =	stream.linear.gather [hbm4b:s19+s5], $0x50, $0x38;
	[tilespmem:$0x19200] =	vst v63  }
0x6c: {  	s16 =	sadd.s32 s15, s18  }
0x6d: {  	[tilespmem:s9], [sflag:$0x3] =	stream.linear.gather [hbm4b:s16+s5], $0x50, $0x38;
	[tilespmem:$0x19200] =	vst v63  }
0x6e: {  	_ =	swait.ge [sflag:s26], $0x50  }
0x6f: {  	[sflag:s26] =	ssyncset.done $0x0  }
0x70: {  	[sflag:s26] =	ssyncadd.s32 $0xFFFFFFB0  }
0x71: {  	_ =	swait.ge [sflag:s26], $0x50  }
0x72: {  	[sflag:s26] =	ssyncset.done $0x0  }
0x73: {  	[sflag:s26] =	ssyncadd.s32 $0xFFFFFFB0  }
0x74: {  	[tilespmem:s6], [sflag:$0x1] =	stream.indirect.gather [hbm4b:s1+s10], $0x80, s8, s10, $0xb8;
	[tilespmem:$0x19200] =	vst v63  }
0x75: {  	_ =	swait.ge [sflag:s28], $0x2800  }
0x76: {  	[sflag:s28] =	ssyncset.done $0x0  }
0x77: {  	[sflag:s28] =	ssyncadd.s32 $0xFFFFD800  }
0x78: {  	[spmem:s3] =	stream.indirect.scatter.add.f32 [tilespmem:s24], [sflag:$0x5], $0x80, s12, s10, $0xb8;
	[tilespmem:$0x19200] =	vst v63  }
0x79: {  	_ =	swait.ge [sflag:s7], $0x2800  }
0x7a: {  	s20 =	sadd.s32 $0x0, s4;
	s17 =	sadd.s32 $0xA0, s2;
	[sflag:s7] =	ssyncset.done $0x0  }
0x7b: {  	s18 =	sadd.s32 $0x0, s0;
	s16 =	simm.s32 $0x14;
	[sflag:s7] =	ssyncadd.s32 $0xFFFFD800  }
0x7c: {  	[tilespmem:s11], [sflag:$0x4] =	stream.linear.gather [hbm4b:s20+s5], $0x50, $0x38;
	[tilespmem:$0x19200] =	vst v63  }
.LBB2_2:
0x7d: {  	[tilespmem:s12], [sflag:$0x4] =	stream.linear.gather [hbm4b:s18+s5], $0x50, $0x38;
	[tilespmem:$0x19200] =	vst v63  }
0x7e: {  	s18 =	smov.u32 s16  }
0x7f: {  	p0 =	sne.s32 s16, $0x4B0;
	s16 =	sadd.s32 $0x14, s16;
	_ =	swait.ge [sflag:s13], $0x50  }
0x80: {  	[sflag:s13] =	ssyncset.done $0x0  }
0x81: {  	[sflag:s13] =	ssyncadd.s32 $0xFFFFFFB0  }
0x82: {  	_ =	swait.ge [sflag:s13], $0x50  }
0x83: {  	[sflag:s13] =	ssyncset.done $0x0  }
0x84: {  	[sflag:s13] =	ssyncadd.s32 $0xFFFFFFB0  }
0x85: {  	[tilespmem:s24], [sflag:$0x2] =	stream.indirect.gather [hbm4b:s1+s10], $0x80, s11, s10, $0xb8;
	[tilespmem:$0x19200] =	vst v63  }
0x86: {  	_ =	swait.ge [sflag:s25], $0x2800  }
0x87: {  	[sflag:s25] =	ssyncset.done $0x0  }
0x88: {  	[sflag:s25] =	ssyncadd.s32 $0xFFFFD800  }
0x89: {  	[spmem:s3] =	stream.indirect.scatter.add.f32 [tilespmem:s6], [sflag:$0x5], $0x80, s9, s10, $0xb8;
	[tilespmem:$0x19200] =	vst v63  }
0x8a: {  	_ =	swait.ge [sflag:s7], $0x2800  }
0x8b: {  	s19 =	sshrl.u32 s17, $0x3;
	[sflag:s7] =	ssyncset.done $0x0  }
0x8c: {  	s20 =	sadd.s32 s14, s19;
	[sflag:s7] =	ssyncadd.s32 $0xFFFFD800  }
0x8d: {  	[tilespmem:s8], [sflag:$0x3] =	stream.linear.gather [hbm4b:s20+s5], $0x50, $0x38;
	[tilespmem:$0x19200] =	vst v63  }
0x8e: {  	s19 =	sadd.s32 s15, s19  }
0x8f: {  	[tilespmem:s9], [sflag:$0x3] =	stream.linear.gather [hbm4b:s19+s5], $0x50, $0x38;
	[tilespmem:$0x19200] =	vst v63  }
0x90: {  	_ =	swait.ge [sflag:s26], $0x50  }
0x91: {  	[sflag:s26] =	ssyncset.done $0x0  }
0x92: {  	[sflag:s26] =	ssyncadd.s32 $0xFFFFFFB0  }
0x93: {  	_ =	swait.ge [sflag:s26], $0x50  }
0x94: {  	[sflag:s26] =	ssyncset.done $0x0  }
0x95: {  	[sflag:s26] =	ssyncadd.s32 $0xFFFFFFB0  }
0x96: {  	[tilespmem:s6], [sflag:$0x1] =	stream.indirect.gather [hbm4b:s1+s10], $0x80, s8, s10, $0xb8;
	[tilespmem:$0x19200] =	vst v63  }
0x97: {  	_ =	swait.ge [sflag:s28], $0x2800  }
0x98: {  	[sflag:s28] =	ssyncset.done $0x0  }
0x99: {  	[sflag:s28] =	ssyncadd.s32 $0xFFFFD800  }
0x9a: {  	[spmem:s3] =	stream.indirect.scatter.add.f32 [tilespmem:s24], [sflag:$0x5], $0x80, s12, s10, $0xb8;
	[tilespmem:$0x19200] =	vst v63  }
.Ltmp0:
0x9b: {  	_ =	swait.ge [sflag:s7], $0x2800;
	(pc) =	sbr.rel @p0 .LBB2_2-.Ltmp0, $4  }
0x9c: {  	[sflag:s7] =	ssyncset.done $0x0  }
0x9d: {  	s19 =	sadd.s32 s18, s4;
	[sflag:s7] =	ssyncadd.s32 $0xFFFFD800  }
0x9e: {  	[tilespmem:s11], [sflag:$0x4] =	stream.linear.gather [hbm4b:s19+s5], $0x50, $0x38;
	[tilespmem:$0x19200] =	vst v63  }
0x9f: {  	s17 =	sadd.s32 $0xA0, s17;
	s18 =	sadd.s32 s18, s0  }
0xa0: {  	[tilespmem:s12], [sflag:$0x4] =	stream.linear.gather [hbm4b:s18+s5], $0x50, $0x38;
	[tilespmem:$0x19200] =	vst v63  }
0xa1: {  	_ =	swait.ge [sflag:s13], $0x50  }
0xa2: {  	[sflag:s13] =	ssyncset.done $0x0  }
0xa3: {  	[sflag:s13] =	ssyncadd.s32 $0xFFFFFFB0  }
0xa4: {  	_ =	swait.ge [sflag:s13], $0x50  }
0xa5: {  	[sflag:s13] =	ssyncset.done $0x0  }
0xa6: {  	[sflag:s13] =	ssyncadd.s32 $0xFFFFFFB0  }
0xa7: {  	[tilespmem:s24], [sflag:$0x2] =	stream.indirect.gather [hbm4b:s1+s10], $0x80, s11, s10, $0xb8;
	[tilespmem:$0x19200] =	vst v63  }
0xa8: {  	_ =	swait.ge [sflag:s25], $0x2800  }
0xa9: {  	[sflag:s25] =	ssyncset.done $0x0  }
0xaa: {  	[sflag:s25] =	ssyncadd.s32 $0xFFFFD800  }
0xab: {  	[spmem:s3] =	stream.indirect.scatter.add.f32 [tilespmem:s6], [sflag:$0x5], $0x80, s9, s10, $0xb8;
	[tilespmem:$0x19200] =	vst v63  }
0xac: {  	_ =	swait.ge [sflag:s7], $0x2800  }
0xad: {  	[sflag:s7] =	ssyncset.done $0x0  }
0xae: {  	s16 =	rddreg [dreg:$0x15];
	[sflag:s7] =	ssyncadd.s32 $0xFFFFD800  }
0xaf: {  	[tilespmem:s8], [sflag:$0x3] =	stream.linear.gather [hbm4b:s16+s5], $0x50, $0x38;
	[tilespmem:$0x19200] =	vst v63  }
0xb0: {  	s17 =	rddreg [dreg:$0x16]  }
0xb1: {  	[tilespmem:s9], [sflag:$0x3] =	stream.linear.gather [hbm4b:s17+s5], $0x50, $0x38;
	[tilespmem:$0x19200] =	vst v63  }
0xb2: {  	_ =	swait.ge [sflag:s26], $0x50  }
0xb3: {  	[sflag:s26] =	ssyncset.done $0x0  }
0xb4: {  	[sflag:s26] =	ssyncadd.s32 $0xFFFFFFB0  }
0xb5: {  	_ =	swait.ge [sflag:s26], $0x50  }
0xb6: {  	[sflag:s26] =	ssyncset.done $0x0  }
0xb7: {  	[sflag:s26] =	ssyncadd.s32 $0xFFFFFFB0  }
0xb8: {  	[tilespmem:s6], [sflag:$0x1] =	stream.indirect.gather [hbm4b:s1+s10], $0x80, s8, s10, $0xb8;
	[tilespmem:$0x19200] =	vst v63  }
0xb9: {  	_ =	swait.ge [sflag:s28], $0x2800  }
0xba: {  	[sflag:s28] =	ssyncset.done $0x0  }
0xbb: {  	[sflag:s28] =	ssyncadd.s32 $0xFFFFD800  }
0xbc: {  	[spmem:s3] =	stream.indirect.scatter.add.f32 [tilespmem:s24], [sflag:$0x5], $0x80, s12, s10, $0xb8;
	[tilespmem:$0x19200] =	vst v63  }
0xbd: {  	_ =	swait.ge [sflag:s7], $0x2800  }
0xbe: {  	[sflag:s7] =	ssyncset.done $0x0  }
0xbf: {  	[sflag:s7] =	ssyncadd.s32 $0xFFFFD800  }
0xc0: {  	[tilespmem:s11], [sflag:$0x4] =	stream.linear.gather [hbm4b:s16+s5], $0x50, $0x38;
	[tilespmem:$0x19200] =	vst v63  }
0xc1: {  	_ = 	snop  }
0xc2: {  	[tilespmem:s12], [sflag:$0x4] =	stream.linear.gather [hbm4b:s17+s5], $0x50, $0x38;
	[tilespmem:$0x19200] =	vst v63  }
0xc3: {  	_ =	swait.ge [sflag:s13], $0x50  }
0xc4: {  	[sflag:s13] =	ssyncset.done $0x0  }
0xc5: {  	[sflag:s13] =	ssyncadd.s32 $0xFFFFFFB0  }
0xc6: {  	_ =	swait.ge [sflag:s13], $0x50  }
0xc7: {  	[sflag:s13] =	ssyncset.done $0x0  }
0xc8: {  	[sflag:s13] =	ssyncadd.s32 $0xFFFFFFB0  }
0xc9: {  	_ =	swait.ge [sflag:s25], $0x2800  }
0xca: {  	[sflag:s25] =	ssyncset.done $0x0  }
0xcb: {  	[sflag:s25] =	ssyncadd.s32 $0xFFFFD800  }
0xcc: {  	[spmem:s3] =	stream.indirect.scatter.add.f32 [tilespmem:s6], [sflag:$0x5], $0x80, s9, s10, $0xb8;
	[tilespmem:$0x19200] =	vst v63  }
0xcd: {  	_ =	swait.ge [sflag:s7], $0x2800  }
0xce: {  	[sflag:s7] =	ssyncset.done $0x0  }
0xcf: {  	[sflag:s7] =	ssyncadd.s32 $0xFFFFD800  }
0xd0: {  	[bflag:$0x0] =	sbarrier.arrive $0xFFFF  }
0xd1: {  	[tilespmem:s6], [sflag:$0x5] =	stream.linear.gather [spmem:s21], $0x2800, $0x38;
	[tilespmem:$0x19200] =	vst v63  }
0xd2: {  	_ =	swait.ge [sflag:s7], $0x2800  }
0xd3: {  	[sflag:s7] =	ssyncset.done $0x0  }
0xd4: {  	s19 =	smov.u32 s21;
	s21 =	rddreg [dreg:$0x5];
	[sflag:s7] =	ssyncadd.s32 $0xFFFFD800  }
0xd5: {  	[hbm4b:s21+s5] =	stream.linear.scatter [tilespmem:s6], [sflag:$0x5], $0x2800, $0x38;
	[tilespmem:$0x19200] =	vst v63  }
0xd6: {  	_ =	swait.ge [sflag:s7], $0x2800  }
0xd7: {  	[sflag:s7] =	ssyncset.done $0x0  }
0xd8: {  	[sflag:s7] =	ssyncadd.s32 $0xFFFFD800  }
0xd9: {  	[tilespmem:s6], [sflag:$0x5] =	stream.linear.gather [spmem:s22], $0x2800, $0x38;
	[tilespmem:$0x19200] =	vst v63  }
0xda: {  	_ =	swait.ge [sflag:s7], $0x2800  }
0xdb: {  	[sflag:s7] =	ssyncset.done $0x0  }
0xdc: {  	s20 =	smov.u32 s22;
	s22 =	rddreg [dreg:$0x6];
	[sflag:s7] =	ssyncadd.s32 $0xFFFFD800  }
0xdd: {  	[hbm4b:s22+s5] =	stream.linear.scatter [tilespmem:s6], [sflag:$0x5], $0x2800, $0x38;
	[tilespmem:$0x19200] =	vst v63  }
0xde: {  	_ =	swait.ge [sflag:s7], $0x2800  }
0xdf: {  	[sflag:s7] =	ssyncset.done $0x0  }
0xe0: {  	[sflag:s7] =	ssyncadd.s32 $0xFFFFD800  }
0xe1: {  	[tilespmem:s6], [sflag:$0x5] =	stream.linear.gather [spmem:s23], $0x2800, $0x38;
	[tilespmem:$0x19200] =	vst v63  }
0xe2: {  	_ =	swait.ge [sflag:s7], $0x2800  }
0xe3: {  	[sflag:s7] =	ssyncset.done $0x0  }
0xe4: {  	s17 =	smov.u32 s23;
	s23 =	rddreg [dreg:$0x7];
	[sflag:s7] =	ssyncadd.s32 $0xFFFFD800  }
0xe5: {  	[hbm4b:s23+s5] =	stream.linear.scatter [tilespmem:s6], [sflag:$0x5], $0x2800, $0x38;
	[tilespmem:$0x19200] =	vst v63  }
0xe6: {  	_ =	swait.ge [sflag:s7], $0x2800  }
0xe7: {  	[sflag:s7] =	ssyncset.done $0x0  }
0xe8: {  	[sflag:s7] =	ssyncadd.s32 $0xFFFFD800  }
0xe9: {  	[tilespmem:s6], [sflag:$0x5] =	stream.linear.gather [spmem:s31], $0x2800, $0x38;
	[tilespmem:$0x19200] =	vst v63  }
0xea: {  	_ =	swait.ge [sflag:s7], $0x2800  }
0xeb: {  	[sflag:s7] =	ssyncset.done $0x0  }
0xec: {  	s2 =	rddreg [dreg:$0x8];
	[sflag:s7] =	ssyncadd.s32 $0xFFFFD800  }
0xed: {  	[hbm4b:s2+s5] =	stream.linear.scatter [tilespmem:s6], [sflag:$0x5], $0x2800, $0x38;
	[tilespmem:$0x19200] =	vst v63  }
0xee: {  	_ =	swait.ge [sflag:s7], $0x2800  }
0xef: {  	[sflag:s7] =	ssyncset.done $0x0  }
0xf0: {  	s18 =	smov.u32 s31;
	s31 =	rddreg [dreg:$0xe];
	[sflag:s7] =	ssyncadd.s32 $0xFFFFD800  }
0xf1: {  	[tilespmem:s6], [sflag:$0x5] =	stream.linear.gather [spmem:s31], $0x2800, $0x38;
	[tilespmem:$0x19200] =	vst v63  }
0xf2: {  	_ =	swait.ge [sflag:s7], $0x2800  }
0xf3: {  	[sflag:s7] =	ssyncset.done $0x0  }
0xf4: {  	s21 =	rddreg [dreg:$0x9];
	[sflag:s7] =	ssyncadd.s32 $0xFFFFD800  }
0xf5: {  	[hbm4b:s21+s5] =	stream.linear.scatter [tilespmem:s6], [sflag:$0x5], $0x2800, $0x38;
	[tilespmem:$0x19200] =	vst v63  }
0xf6: {  	_ =	swait.ge [sflag:s7], $0x2800  }
0xf7: {  	[sflag:s7] =	ssyncset.done $0x0  }
0xf8: {  	s21 =	rddreg [dreg:$0xd];
	[sflag:s7] =	ssyncadd.s32 $0xFFFFD800  }
0xf9: {  	[tilespmem:s6], [sflag:$0x5] =	stream.linear.gather [spmem:s21], $0x2800, $0x38;
	[tilespmem:$0x19200] =	vst v63  }
0xfa: {  	_ =	swait.ge [sflag:s7], $0x2800  }
0xfb: {  	[sflag:s7] =	ssyncset.done $0x0  }
0xfc: {  	s22 =	rddreg [dreg:$0xa];
	[sflag:s7] =	ssyncadd.s32 $0xFFFFD800  }
0xfd: {  	[hbm4b:s22+s5] =	stream.linear.scatter [tilespmem:s6], [sflag:$0x5], $0x2800, $0x38;
	[tilespmem:$0x19200] =	vst v63  }
0xfe: {  	_ =	swait.ge [sflag:s7], $0x2800  }
0xff: {  	[sflag:s7] =	ssyncset.done $0x0  }
0x100: {  	[sflag:s7] =	ssyncadd.s32 $0xFFFFD800  }
0x101: {  	[tilespmem:s6], [sflag:$0x5] =	stream.linear.gather [spmem:s30], $0x2800, $0x38;
	[tilespmem:$0x19200] =	vst v63  }
0x102: {  	_ =	swait.ge [sflag:s7], $0x2800  }
0x103: {  	[sflag:s7] =	ssyncset.done $0x0  }
0x104: {  	s23 =	rddreg [dreg:$0xb];
	[sflag:s7] =	ssyncadd.s32 $0xFFFFD800  }
0x105: {  	[hbm4b:s23+s5] =	stream.linear.scatter [tilespmem:s6], [sflag:$0x5], $0x2800, $0x38;
	[tilespmem:$0x19200] =	vst v63  }
0x106: {  	_ =	swait.ge [sflag:s7], $0x2800  }
0x107: {  	[sflag:s7] =	ssyncset.done $0x0  }
0x108: {  	s22 =	rddreg [dreg:$0xf];
	[sflag:s7] =	ssyncadd.s32 $0xFFFFD800  }
0x109: {  	[tilespmem:s6], [sflag:$0x5] =	stream.linear.gather [spmem:s22], $0x2800, $0x38;
	[tilespmem:$0x19200] =	vst v63  }
0x10a: {  	_ =	swait.ge [sflag:s7], $0x2800  }
0x10b: {  	[sflag:s7] =	ssyncset.done $0x0  }
0x10c: {  	s2 =	rddreg [dreg:$0xc];
	[sflag:s7] =	ssyncadd.s32 $0xFFFFD800  }
0x10d: {  	[hbm4b:s2+s5] =	stream.linear.scatter [tilespmem:s6], [sflag:$0x5], $0x2800, $0x38;
	[tilespmem:$0x19200] =	vst v63  }
0x10e: {  	_ =	swait.ge [sflag:s7], $0x2800  }
0x10f: {  	s29 =	sadd.s32 $0x1, s29;
	s23 =	rddreg [dreg:$0x12]  }
0x110: {  	p0 =	sne.s32 s29, s23  }
.Ltmp1:
0x111: {  	_ = 	snop;
	(pc) =	sbr.rel @p0 .LBB2_1-.Ltmp1, $3  }
0x112: {  	_ =	sdelay $0x1  }
0x113: {  	[sflag:s7] =	ssyncset.done $0x0  }
0x114: {  	[sflag:s7] =	ssyncadd.s32 $0xFFFFD800  }
0x115: {  	_ =	sfence.sel $0x180000  }
0x116: {  	[bflag:$0x0] =	sbarrier.arrive $0xFFFF  }
0x117: {  	_ =	strace $0x90000047  }
0x118: {  	s0 =	stileid.u32;
	[bflag:$0x2] =	sbarrier.arrive $0xFFFF  }
0x119: {  	p0 =	sne.s32 s0, $0x0;
	s0 =	rddreg [dreg:$0x4]  }
0x11a: {  	s0 =	sadd.s32 @!p0 $0x100000, s0  }
0x11b: {  	[sflag:s0] =	ssyncadd.tile.s32 @!p0 $0x1;
	_ =	shalt  }
.Lfunc_end2:
_tile_overlayer_lowered:
.L_overlay_start_2:
0x11c: {  	(tag) =	ssettag $0x2  }
0x11d: {  	s0 =	rddreg [dreg:$0x0];
	s2 =	stileid.u32  }
0x11e: {  	s1 =	rddreg [dreg:$0x1];
	p0 =	sne.s32 s2, $0x0  }
0x11f: {  	s3 =	rddreg [dreg:$0x2];
	[bflag:$0x3] =	sbarrier.arrive $0xFFFF;
	s2 =	simm.s32 @!p0 $0x1C05  }
0x120: {  	[timem:s3], [sflag:s2] =	dma.local @!p0 [hbm:s0], s1  }
0x121: {  	s0 =	simm.s32 @!p0 $0x5  }
0x122: {  	_ =	swait.ge @!p0 [sflag:s0], s1  }
0x123: {  	s1 =	ssub.s32 @!p0 $0x0, s1;
	[sflag:s0] =	ssyncset.done @!p0 $0x0  }
0x124: {  	[sflag:s0] =	ssyncadd.s32 @!p0 s1  }
0x125: {  	[bflag:$0x3] =	sbarrier.arrive $0xFFFF  }
0x126: {  	_ =	shalt  }

// kernel: kernel.15.cloned.1.call-start
scs
__scs_entry_jumppad:
0x0: {  	(pc) =	sbr.rel $0x88, $3  }
0x1: {  	(tag) =	ssettag $0x0;
	lr =	simm.s32 $0x1  }
0x2: {  	[smem:$0x3F90] =	sst lr;
	_ =	strace $0xD0000000  }
0x3: {  	_ = 	snop  }
0x4: {  	_ = 	snop  }
0x5: {  	_ = 	snop  }
0x6: {  	_ = 	snop  }
0x7: {  	_ = 	snop  }
__scs_overlays_trampoline_lowered:
0x8: {  	[smem:$0x3F9F] =	sst s0  }
0x9: {  	[smem:$0x3FA0] =	sst s1  }
0xa: {  	[smem:$0x3FA1] =	sst s2  }
0xb: {  	[smem:$0x3FA2] =	sst s3  }
0xc: {  	[smem:$0x3FA3] =	sst s4  }
0xd: {  	[smem:$0x3FA4] =	sst s5  }
0xe: {  	[smem:$0x3FA5] =	sst s6  }
0xf: {  	[smem:$0x3FA6] =	sst s7  }
0x10: {  	[smem:$0x3FA7] =	sst s8  }
0x11: {  	[smem:$0x3FA8] =	sst s9;
	s0 =	simm.s32 @!p0 $0x0  }
0x12: {  	s1 =	sld [smem:$0x3F8E];
	s0 =	simm.s32 @p0 $0x1  }
0x13: {  	[smem:$0x3FA9] =	sst s0;
	s0 =	simm.s32 @!p1 $0x0  }
0x14: {  	s2 =	sld [smem:$0x3F8D];
	s0 =	simm.s32 @p1 $0x1  }
0x15: {  	[smem:$0x3FAA] =	sst s0;
	s0 =	simm.s32 @!p2 $0x0  }
0x16: {  	s3 =	sld [smem:$0x3FDB];
	s0 =	simm.s32 @p2 $0x1  }
0x17: {  	s4 =	simm.s32 $0x1BF5;
	[smem:$0x3FAC] =	sst s0  }
0x18: {  	s0 =	sld [smem:$0x3F8F];
	_ =	swait.ge [sflag:s4], $0x0  }
0x19: {  	s7 =	sld [smem:$0x3F90]  }
0x1a: {  	s8 =	sadd.s32 $0xFFFFE003, lr  }
0x1b: {  	s9 =	sadd.s32 $0xFFFFFEF7, lr;
	s5 =	simm.s32 $0xFFFFFFFF;
	p2 =	slt.u32 s8, $0xFFFFF086  }
0x1c: {  	p1 =	slt.u32 s9, $0xF7A;
	s5 =	simm.s32 @!p2 $0x0  }
0x1d: {  	s5 =	simm.s32 @p1 $0x1;
	p0 =	seq.s32 s7, s2  }
0x1e: {  	s7 =	smul.u32 @!p0 $0xF7A, s2;
	p2 =	seq.s32 @!p0 s5, $0x0  }
0x1f: {  	s9 =	smul.u32 $0xF7A, s1;
	s8 =	simm.s32 @!p0 $0x1BF5;
	p2 =	por !p2, p0  }
0x20: {  	[sflag:s8] =	ssyncset.s32 @!p0 $0xFFFFF086;
	s6 =	sadd.s32 @!p0 s3, s7;
	s7 =	simm.s32 @!p0 $0x108  }
0x21: {  	s3 =	sadd.s32 s3, s9;
	s6 =	sadd.s32 @!p0 $0x88, s6;
	s7 =	simm.s32 @p2 $0x1082  }
0x22: {  	[simem:s7], [sflag:s8] =	dma.local @!p0 [hbm:s6], $0xF7A  }
0x23: {  	s9 =	sor.u32 $0xD0000000, s2;
	s6 =	simm.s32 $0x108;
	_ =	swait.ge @!p0 [sflag:s8], $0x0  }
0x24: {  	s3 =	sadd.s32 $0x88, s3;
	s6 =	simm.s32 @!p1 $0x1082;
	[sflag:s4] =	ssyncset.s32 $0xFFFFF086  }
0x25: {  	[simem:s6], [sflag:s4] =	dma.local [hbm:s3], $0xF7A  }
0x26: {  	[smem:$0x3F90] =	sst s1;
	(tag) =	ssettag s2;
	_ =	strace s9  }
0x27: {  	s1 =	sld [smem:$0x3FA0]  }
0x28: {  	s2 =	sld [smem:$0x3FA1]  }
0x29: {  	s4 =	sld [smem:$0x3FA3]  }
0x2a: {  	p0 =	seq.s32 s5, $0x0;
	s5 =	sld [smem:$0x3FA4]  }
0x2b: {  	s6 =	sld [smem:$0x3FA5]  }
0x2c: {  	s7 =	sld [smem:$0x3FA6]  }
0x2d: {  	s3 =	simm.s32 $0x108;
	s8 =	sld [smem:$0x3FA7]  }
0x2e: {  	s3 =	simm.s32 @!p0 $0x1082;
	s9 =	sld [smem:$0x3FA8]  }
0x2f: {  	lr =	sadd.s32 s0, s3;
	s0 =	sld [smem:$0x3F9F]  }
0x30: {  	s3 =	sld [smem:$0x3FA2]  }
0x31: {  	[smem:$0x3FAB] =	sst s10  }
0x32: {  	s10 =	sld [smem:$0x3FA9];
	_ =	sdelay $0x3  }
0x33: {  	p0 =	seq.s32 s10, $0x1;
	s10 =	sld [smem:$0x3FAB];
	_ =	sdelay $0x3  }
0x34: {  	[smem:$0x3FAB] =	sst s10  }
0x35: {  	s10 =	sld [smem:$0x3FAA];
	_ =	sdelay $0x3  }
0x36: {  	p1 =	seq.s32 s10, $0x1;
	s10 =	sld [smem:$0x3FAB];
	_ =	sdelay $0x3  }
0x37: {  	[smem:$0x3FAB] =	sst s10  }
0x38: {  	s10 =	sld [smem:$0x3FAC]  }
0x39: {  	_ = 	snop;
	(pc) =	sbr.ind lr, $3  }
0x3a: {  	_ = 	snop  }
0x3b: {  	_ = 	snop  }
0x3c: {  	p2 =	seq.s32 s10, $0x1;
	s10 =	sld [smem:$0x3FAB]  }
0x3d: {  	_ =	shalt  }
0x3e: {  	_ =	shalt  }
0x3f: {  	_ =	shalt  }
0x40: {  	_ =	shalt  }
0x41: {  	_ =	shalt  }
0x42: {  	_ =	shalt  }
0x43: {  	_ =	shalt  }
0x44: {  	_ =	shalt  }
0x45: {  	_ =	shalt  }
0x46: {  	_ =	shalt  }
0x47: {  	_ =	shalt  }
0x48: {  	_ =	shalt  }
0x49: {  	_ =	shalt  }
0x4a: {  	_ =	shalt  }
0x4b: {  	_ =	shalt  }
0x4c: {  	_ =	shalt  }
0x4d: {  	_ =	shalt  }
0x4e: {  	_ =	shalt  }
0x4f: {  	_ =	shalt  }
0x50: {  	_ =	shalt  }
0x51: {  	_ =	shalt  }
0x52: {  	_ =	shalt  }
0x53: {  	_ =	shalt  }
0x54: {  	_ =	shalt  }
0x55: {  	_ =	shalt  }
0x56: {  	_ =	shalt  }
0x57: {  	_ =	shalt  }
0x58: {  	_ =	shalt  }
0x59: {  	_ =	shalt  }
0x5a: {  	_ =	shalt  }
0x5b: {  	_ =	shalt  }
0x5c: {  	_ =	shalt  }
0x5d: {  	_ =	shalt  }
0x5e: {  	_ =	shalt  }
0x5f: {  	_ =	shalt  }
0x60: {  	_ =	shalt  }
0x61: {  	_ =	shalt  }
0x62: {  	_ =	shalt  }
0x63: {  	_ =	shalt  }
0x64: {  	_ =	shalt  }
0x65: {  	_ =	shalt  }
0x66: {  	_ =	shalt  }
0x67: {  	_ =	shalt  }
0x68: {  	_ =	shalt  }
0x69: {  	_ =	shalt  }
0x6a: {  	_ =	shalt  }
0x6b: {  	_ =	shalt  }
0x6c: {  	_ =	shalt  }
0x6d: {  	_ =	shalt  }
0x6e: {  	_ =	shalt  }
0x6f: {  	_ =	shalt  }
0x70: {  	_ =	shalt  }
0x71: {  	_ =	shalt  }
0x72: {  	_ =	shalt  }
0x73: {  	_ =	shalt  }
0x74: {  	_ =	shalt  }
0x75: {  	_ =	shalt  }
0x76: {  	_ =	shalt  }
0x77: {  	_ =	shalt  }
0x78: {  	_ =	shalt  }
0x79: {  	_ =	shalt  }
0x7a: {  	_ =	shalt  }
0x7b: {  	_ =	shalt  }
0x7c: {  	_ =	shalt  }
0x7d: {  	_ =	shalt  }
0x7e: {  	_ =	shalt  }
0x7f: {  	_ =	shalt  }
0x80: {  	_ =	shalt  }
0x81: {  	_ =	shalt  }
0x82: {  	_ =	shalt  }
0x83: {  	_ =	shalt  }
0x84: {  	_ =	shalt  }
0x85: {  	_ =	shalt  }
0x86: {  	_ =	shalt  }
0x87: {  	_ =	shalt  }
.Lfunc_end0:
.L_simem_size_0:
called_computation.2_lowered:
.L_overlay_start_0:
0x88: {  	s2 =	sld [smem:$0x3FD9]  }
0x89: {  	s3 =	sld [smem:$0x3FFE];
	_ =	sdelay $0x1  }
0x8a: {  	s1 =	srdreg.scid  }
0x8b: {  	s0 =	sand.u32 $0x1, s1  }
0x8c: {  	s17 =	sshll.u32 s0, $0xA;
	s2 =	sadd.s32 s3, s2  }
0x8d: {  	s2 =	sadd.s32 s2, s17  }
0x8e: {  	[smem:$0x3FB7] =	sst s2  }
0x8f: {  	_ = 	snop  }
0x90: {  	s2 =	sld [smem:$0x3FD0];
	(tm) =	ssettm $0x1  }
0x91: {  	s18 =	sld [smem:$0x3FFB];
	_ =	sdelay $0x3  }
0x92: {  	_ =	strace s18  }
0x93: {  	s3 =	sld [smem:$0x3FFC];
	_ =	sdelay $0x3  }
0x94: {  	_ =	strace s3  }
0x95: {  	s3 =	sld [smem:$0x3FFD];
	_ =	sdelay $0x3  }
0x96: {  	_ =	strace s3  }
0x97: {  	_ =	strace $0x8FFFFFFF  }
0x98: {  	s19 =	sld [smem:$0x3FDB];
	_ =	sdelay $0x1  }
0x99: {  	s4 =	simm.s32 $_scs_section_size  }
0x9a: {  	s5 =	simm.s32 $_size__tile_overlayer_lowered;
	s6 =	simm.s32 $_tile_overlayer_lowered  }
0x9b: {  	s22 =	simm.s32 $0x1BFF;
	s21 =	sshll.u32 s6, $0x1;
	s3 =	sadd.s32 s4, s19  }
0x9c: {  	s7 =	simm.s32 $0x0;
	s20 =	sshll.u32 s5, $0x1;
	s5 =	sadd.s32 s21, s3  }
0x9d: {  	[timem:s7], [sflag:s22] =	dma.local [hbm:s5], s20  }
0x9e: {  	_ =	swait.ge [sflag:s22], s20  }
0x9f: {  	s4 =	ssub.s32 $0x0, s20;
	[sflag:s22] =	ssyncset.done $0x0  }
0xa0: {  	[sflag:s22] =	ssyncadd.s32 s4;
	_ =	sdelay $0x1  }
0xa1: {  	s23 =	simm.s32 $0x1B8B  }
0xa2: {  	_ =	swait.ge [sflag:s23], $0x1  }
0xa3: {  	[sflag:s23] =	ssyncset.done $0x0  }
0xa4: {  	s25 =	simm.s32 $0x1B8E;
	s24 =	sld [smem:$0x3FFE];
	[sflag:s23] =	ssyncadd.s32 $0xFFFFFFFF  }
0xa5: {  	s26 =	simm.s32 $execute0_lowered;
	[smem:$0x3FD2] =	sst s25  }
0xa6: {  	s5 =	sshll.u32 s26, $0x1;
	_ =	strace $0x8000004C;
	[dreg:$0x1] =	wrdreg $0xFFFFFFFF  }
0xa7: {  	s28 =	simm.s32 $_size_execute0_lowered;
	s3 =	sadd.s32 s3, s5;
	[dreg:$0x0] =	wrdreg $0x0  }
0xa8: {  	s5 =	sshll.u32 s28, $0x1;
	[dreg:$0x2] =	wrdreg s3  }
0xa9: {  	[dreg:$0x3] =	wrdreg s5  }
0xaa: {  	[dreg:$0x4] =	wrdreg $0xC0  }
0xab: {  	_ =	task [dreg:s7], $0x5FFFF  }
0xac: {  	[dreg:$0x1] =	wrdreg $0xFFFFFFFF  }
0xad: {  	[dreg:$0x0] =	wrdreg $0x60  }
0xae: {  	[dreg:$0x2] =	wrdreg s24  }
0xaf: {  	[dreg:$0x3] =	wrdreg s2  }
0xb0: {  	[dreg:$0x4] =	wrdreg $0x0  }
0xb1: {  	[dreg:$0x5] =	wrdreg $0x9  }
0xb2: {  	_ =	task.clear_ibuf [dreg:s7], $0x6FFFF;
	_ =	strace $0x9000004C  }
0xb3: {  	s29 =	simm.s32 $0x9;
	_ =	strace $0x8000004E  }
0xb4: {  	_ =	swait.ge [sflag:s29], $0x1  }
0xb5: {  	[sflag:s29] =	ssyncadd.s32 $0xFFFFFFFF  }
0xb6: {  	_ =	strace $0x9000004E  }
0xb7: {  	_ =	sfence  }
0xb8: {  	s30 =	sld [smem:$0x0];
	_ =	sdelay $0x2  }
0xb9: {  	s31 =	sshll.u32 s1, $0xD;
	s1 =	sshrl.u32 s1, $0x2  }
0xba: {  	s3 =	sand.u32 $0x4000, s31;
	s1 =	sadd.s32 s1, s30  }
0xbb: {  	s0 =	sor.u32 s3, s0;
	s1 =	sshll.u32 s1, $0x11  }
0xbc: {  	s0 =	sor.u32 s1, s0  }
0xbd: {  	s0 =	sadd.s32 $0x8F2B, s0  }
0xbe: {  	[sflag:s0] =	ssyncadd.remote.s32 $0x1  }
0xbf: {  	_ =	sfence.sel $0xFFFF  }
0xc0: {  	[dreg:$0x0] =	wrdreg $0xFFFFFFFF;
	(pc) =	sbr.abs _section_cstart, $3  }
0xc1: {  	[dreg:$0x1] =	wrdreg $0xFFFFFFFF  }
0xc2: {  	_ =	task.clear_ibuf [dreg:s7], $0x2FFFF;
	_ =	strace $0x9FFFFFFF  }
0xc3: {  	(tm) =	ssettm $0x7FFFFFFF  }
tec
execute0_lowered:
.L_overlay_start_1:
0x0: {  	(tag) =	ssettag $0x1  }
0x1: {  	s0 =	rddreg [dreg:$0x0]  }
0x2: {  	s2 =	rddreg [dreg:$0x2]  }
0x3: {  	s1 =	srdreg.scid;
	s4 =	simm.s32 $0x0;
	s15 =	stileid.u32  }
0x4: {  	s28 =	simm.s32 $0x2;
	s29 =	simm.s32 $0x0;
	s1 =	sand.u32 $0x1, s1  }
0x5: {  	[smem:$0x7FF] =	sst s4;
	s6 =	smul.u32 $0x14000, s15;
	s7 =	sadd.s32 $0xB7C00, s0  }
0x6: {  	s24 =	sshll.u32 s15, $0x1;
	s23 =	smul.u32 $0x4E20, s15;
	s3 =	ssub.s32 $0x2, s1  }
0x7: {  	_ =	strace $0x8000004D;
	s12 =	smul.u32 $0x140000, s1;
	s5 =	sshrl.u32 s3, $0x1  }
0x8: {  	s8 =	sor.u32 $0x2800, s6;
	s9 =	sadd.s32 $0x5000, s6;
	s10 =	sadd.s32 $0x7800, s6  }
0x9: {  	s11 =	sadd.s32 $0xA000, s6;
	s16 =	sadd.s32 $0xC800, s6;
	s17 =	sadd.s32 $0xF000, s6  }
0xa: {  	s18 =	sadd.s32 $0x11800, s6;
	s3 =	ssub.s32 s3, s5;
	s5 =	sor.u32 s1, s24  }
0xb: {  	s6 =	sadd.s32 s6, s12;
	s13 =	sadd.s32 s12, s8;
	s14 =	sadd.s32 s12, s9  }
0xc: {  	s19 =	sadd.s32 s12, s16;
	s22 =	sadd.s32 s12, s17;
	s1 =	smul.u32 $0x2710, s1  }
0xd: {  	s9 =	sadd.s32 s9, s2;
	s31 =	sadd.s32 s11, s2;
	s30 =	sadd.s32 s17, s2  }
0xe: {  	s6 =	sshrl.u32 s6, $0x3;
	s13 =	sshrl.u32 s13, $0x3;
	s14 =	sshrl.u32 s14, $0x3  }
0xf: {  	s17 =	smov.u32 s9;
	s3 =	smax.u32 s3, $0x1;
	s9 =	simm.s32 $0x50  }
0x10: {  	[dreg:$0xd] =	wrdreg s31;
	s6 =	sadd.s32 s7, s6;
	s25 =	sadd.s32 s7, s13  }
0x11: {  	s26 =	sadd.s32 s7, s14;
	s13 =	sadd.s32 s12, s10;
	[dreg:$0x11] =	wrdreg s3  }
0x12: {  	s14 =	sadd.s32 s12, s11;
	s12 =	sadd.s32 s12, s18;
	[dreg:$0x4] =	wrdreg s6  }
0x13: {  	s1 =	sadd.s32 s1, s23;
	s10 =	sadd.s32 s10, s2;
	[dreg:$0x5] =	wrdreg s25  }
0x14: {  	s11 =	simm.s32 $0x14180;
	[dreg:$0x6] =	wrdreg s26;
	s6 =	sshrl.u32 s13, $0x3  }
0x15: {  	s13 =	sshrl.u32 s14, $0x3;
	s14 =	sshrl.u32 s19, $0x3;
	s12 =	sshrl.u32 s12, $0x3  }
0x16: {  	s25 =	smul.u32 $0x50000, s15;
	s15 =	sadd.s32 $0x3A00, s0;
	s6 =	sadd.s32 s7, s6  }
0x17: {  	s26 =	smul.u32 $0x2710, s5;
	s20 =	sadd.s32 s7, s13;
	[dreg:$0x7] =	wrdreg s6  }
0x18: {  	s21 =	sadd.s32 s7, s14;
	s24 =	sadd.s32 s7, s12;
	[dreg:$0x8] =	wrdreg s20  }
0x19: {  	s13 =	sadd.s32 $0x17600, s0;
	s14 =	sadd.s32 $0xD800, s0;
	[dreg:$0x9] =	wrdreg s21  }
0x1a: {  	s6 =	sshrl.u32 s22, $0x3;
	[dreg:$0xb] =	wrdreg s24;
	s20 =	sadd.s32 s8, s2  }
0x1b: {  	s0 =	sshrl.u32 s26, $0x3;
	s21 =	sadd.s32 s16, s2;
	s22 =	sadd.s32 s18, s2  }
0x1c: {  	s18 =	smov.u32 s10;
	s24 =	sadd.s32 $0xF0, s1;
	s1 =	sadd.s32 $0xA0, s1  }
0x1d: {  	s8 =	simm.s32 $0x14100;
	s10 =	simm.s32 $0x14080;
	[dreg:$0x16] =	wrdreg s1  }
0x1e: {  	s6 =	sadd.s32 s7, s6;
	s7 =	sshrl.u32 s25, $0x2;
	[dreg:$0xc] =	wrdreg s21  }
0x1f: {  	s12 =	sadd.s32 $0xA, s0;
	s23 =	sadd.s32 s14, s0;
	[dreg:$0xe] =	wrdreg s22  }
0x20: {  	s25 =	sadd.s32 s15, s0;
	s0 =	sadd.s32 $0x4D8, s0;
	[dreg:$0xa] =	wrdreg s6  }
0x21: {  	s3 =	sshrl.u32 s24, $0x3;
	s24 =	simm.s32 $0x16A00;
	[dreg:$0x12] =	wrdreg s23  }
0x22: {  	s19 =	sadd.s32 s7, s2;
	s16 =	sadd.s32 s14, s12;
	[dreg:$0x13] =	wrdreg s25  }
0x23: {  	s5 =	sadd.s32 s15, s12;
	s26 =	sadd.s32 s14, s0;
	[dreg:$0xf] =	wrdreg s16  }
0x24: {  	s0 =	sadd.s32 s15, s0;
	s6 =	simm.s32 $0x5;
	[dreg:$0x10] =	wrdreg s5  }
0x25: {  	s7 =	simm.s32 $0x14000;
	s12 =	simm.s32 $0x4;
	[dreg:$0x14] =	wrdreg s26  }
0x26: {  	s25 =	simm.s32 $0x1;
	[dreg:$0x15] =	wrdreg s0;
	s0 =	sadd.s32 s3, s15  }
0x27: {  	s3 =	sadd.s32 s3, s14;
	s5 =	simm.s32 $0x14200;
	s26 =	simm.s32 $0x3  }
.LBB2_1:
0x28: {  	s16 =	rddreg [dreg:$0x1]  }
0x29: {  	[tilespmem:s5], [sflag:$0x5] =	stream.linear.gather [hbm4b:s16+s4], $0x2800, $0x38;
	[tilespmem:$0x19200] =	vst v63  }
0x2a: {  	_ =	swait.ge [sflag:s6], $0x2800  }
0x2b: {  	[sflag:s6] =	ssyncset.done $0x0  }
0x2c: {  	[sflag:s6] =	ssyncadd.s32 $0xFFFFD800  }
0x2d: {  	[spmem:s19] =	stream.linear.scatter [tilespmem:s5], [sflag:$0x5], $0x2800, $0x38;
	[tilespmem:$0x19200] =	vst v63  }
0x2e: {  	_ =	swait.ge [sflag:s6], $0x2800  }
0x2f: {  	[sflag:s6] =	ssyncset.done $0x0  }
0x30: {  	[sflag:s6] =	ssyncadd.s32 $0xFFFFD800  }
0x31: {  	[spmem:s20] =	stream.linear.scatter [tilespmem:s5], [sflag:$0x5], $0x2800, $0x38;
	[tilespmem:$0x19200] =	vst v63  }
0x32: {  	_ =	swait.ge [sflag:s6], $0x2800  }
0x33: {  	[sflag:s6] =	ssyncset.done $0x0  }
0x34: {  	[sflag:s6] =	ssyncadd.s32 $0xFFFFD800  }
0x35: {  	[spmem:s17] =	stream.linear.scatter [tilespmem:s5], [sflag:$0x5], $0x2800, $0x38;
	[tilespmem:$0x19200] =	vst v63  }
0x36: {  	_ =	swait.ge [sflag:s6], $0x2800  }
0x37: {  	[sflag:s6] =	ssyncset.done $0x0  }
0x38: {  	[sflag:s6] =	ssyncadd.s32 $0xFFFFD800  }
0x39: {  	[spmem:s18] =	stream.linear.scatter [tilespmem:s5], [sflag:$0x5], $0x2800, $0x38;
	[tilespmem:$0x19200] =	vst v63  }
0x3a: {  	_ =	swait.ge [sflag:s6], $0x2800  }
0x3b: {  	[sflag:s6] =	ssyncset.done $0x0  }
0x3c: {  	s16 =	smov.u32 s31;
	[sflag:s6] =	ssyncadd.s32 $0xFFFFD800  }
0x3d: {  	[spmem:s16] =	stream.linear.scatter [tilespmem:s5], [sflag:$0x5], $0x2800, $0x38;
	[tilespmem:$0x19200] =	vst v63  }
0x3e: {  	_ =	swait.ge [sflag:s6], $0x2800  }
0x3f: {  	[sflag:s6] =	ssyncset.done $0x0  }
0x40: {  	s1 =	smov.u32 s21;
	[sflag:s6] =	ssyncadd.s32 $0xFFFFD800  }
0x41: {  	[spmem:s1] =	stream.linear.scatter [tilespmem:s5], [sflag:$0x5], $0x2800, $0x38;
	[tilespmem:$0x19200] =	vst v63  }
0x42: {  	_ =	swait.ge [sflag:s6], $0x2800  }
0x43: {  	[sflag:s6] =	ssyncset.done $0x0  }
0x44: {  	[sflag:s6] =	ssyncadd.s32 $0xFFFFD800  }
0x45: {  	[spmem:s30] =	stream.linear.scatter [tilespmem:s5], [sflag:$0x5], $0x2800, $0x38;
	[tilespmem:$0x19200] =	vst v63  }
0x46: {  	_ =	swait.ge [sflag:s6], $0x2800  }
0x47: {  	[sflag:s6] =	ssyncset.done $0x0  }
0x48: {  	s21 =	smov.u32 s19;
	s19 =	smov.u32 s22;
	[sflag:s6] =	ssyncadd.s32 $0xFFFFD800  }
0x49: {  	[spmem:s19] =	stream.linear.scatter [tilespmem:s5], [sflag:$0x5], $0x2800, $0x38;
	[tilespmem:$0x19200] =	vst v63  }
0x4a: {  	_ =	swait.ge [sflag:s6], $0x2800  }
0x4b: {  	[sflag:s6] =	ssyncset.done $0x0  }
0x4c: {  	[sflag:s6] =	ssyncadd.s32 $0xFFFFD800  }
0x4d: {  	[bflag:$0x0] =	sbarrier.arrive $0xFFFF  }
0x4e: {  	s19 =	rddreg [dreg:$0x12]  }
0x4f: {  	[tilespmem:s7], [sflag:$0x5] =	stream.linear.gather [hbm4b:s19+s4], $0x50, $0x38;
	[tilespmem:$0x19200] =	vst v63  }
0x50: {  	_ =	swait.ge [sflag:s6], $0x50  }
0x51: {  	[sflag:s6] =	ssyncset.done $0x0  }
0x52: {  	s22 =	smov.u32 s20;
	s20 =	rddreg [dreg:$0x13];
	[sflag:s6] =	ssyncadd.s32 $0xFFFFFFB0  }
0x53: {  	[tilespmem:s8], [sflag:$0x5] =	stream.linear.gather [hbm4b:s20+s4], $0x50, $0x38;
	[tilespmem:$0x19200] =	vst v63  }
0x54: {  	_ =	swait.ge [sflag:s6], $0x50  }
0x55: {  	[sflag:s6] =	ssyncset.done $0x0  }
0x56: {  	[sflag:s6] =	ssyncadd.s32 $0xFFFFFFB0  }
0x57: {  	[tilespmem:s5], [sflag:$0x1] =	stream.indirect.gather [hbm4b:s13+s9], $0x80, s7, s9, $0xb8;
	[tilespmem:$0x19200] =	vst v63  }
0x58: {  	s16 =	rddreg [dreg:$0xf]  }
0x59: {  	[tilespmem:s10], [sflag:$0x4] =	stream.linear.gather [hbm4b:s16+s4], $0x50, $0x38;
	[tilespmem:$0x19200] =	vst v63  }
0x5a: {  	s23 =	smov.u32 s17;
	s17 =	rddreg [dreg:$0x10]  }
0x5b: {  	[tilespmem:s11], [sflag:$0x4] =	stream.linear.gather [hbm4b:s17+s4], $0x50, $0x38;
	[tilespmem:$0x19200] =	vst v63  }
0x5c: {  	_ =	swait.ge [sflag:s12], $0x50  }
0x5d: {  	[sflag:s12] =	ssyncset.done $0x0  }
0x5e: {  	[sflag:s12] =	ssyncadd.s32 $0xFFFFFFB0  }
0x5f: {  	_ =	swait.ge [sflag:s12], $0x50  }
0x60: {  	[sflag:s12] =	ssyncset.done $0x0  }
0x61: {  	[sflag:s12] =	ssyncadd.s32 $0xFFFFFFB0  }
0x62: {  	[tilespmem:s24], [sflag:$0x2] =	stream.indirect.gather [hbm4b:s13+s9], $0x80, s10, s9, $0xb8;
	[tilespmem:$0x19200] =	vst v63  }
0x63: {  	_ =	swait.ge [sflag:s25], $0x2800  }
0x64: {  	[sflag:s25] =	ssyncset.done $0x0  }
0x65: {  	[sflag:s25] =	ssyncadd.s32 $0xFFFFD800  }
0x66: {  	[spmem:s2] =	stream.indirect.scatter.add.f32 [tilespmem:s5], [sflag:$0x5], $0x80, s8, s9, $0xb8;
	[tilespmem:$0x19200] =	vst v63  }
0x67: {  	_ =	swait.ge [sflag:s6], $0x2800  }
0x68: {  	s1 =	rddreg [dreg:$0x16]  }
0x69: {  	s31 =	smov.u32 s18;
	[sflag:s6] =	ssyncset.done $0x0;
	s18 =	sshrl.u32 s1, $0x3  }
0x6a: {  	[sflag:s6] =	ssyncadd.s32 $0xFFFFD800;
	s19 =	sadd.s32 s14, s18  }
0x6b: {  	[tilespmem:s7], [sflag:$0x3] =	stream.linear.gather [hbm4b:s19+s4], $0x50, $0x38;
	[tilespmem:$0x19200] =	vst v63  }
0x6c: {  	s16 =	sadd.s32 s15, s18  }
0x6d: {  	[tilespmem:s8], [sflag:$0x3] =	stream.linear.gather [hbm4b:s16+s4], $0x50, $0x38;
	[tilespmem:$0x19200] =	vst v63  }
0x6e: {  	_ =	swait.ge [sflag:s26], $0x50  }
0x6f: {  	[sflag:s26] =	ssyncset.done $0x0  }
0x70: {  	[sflag:s26] =	ssyncadd.s32 $0xFFFFFFB0  }
0x71: {  	_ =	swait.ge [sflag:s26], $0x50  }
0x72: {  	[sflag:s26] =	ssyncset.done $0x0  }
0x73: {  	[sflag:s26] =	ssyncadd.s32 $0xFFFFFFB0  }
0x74: {  	[tilespmem:s5], [sflag:$0x1] =	stream.indirect.gather [hbm4b:s13+s9], $0x80, s7, s9, $0xb8;
	[tilespmem:$0x19200] =	vst v63  }
0x75: {  	_ =	swait.ge [sflag:s28], $0x2800  }
0x76: {  	[sflag:s28] =	ssyncset.done $0x0  }
0x77: {  	[sflag:s28] =	ssyncadd.s32 $0xFFFFD800  }
0x78: {  	[spmem:s2] =	stream.indirect.scatter.add.f32 [tilespmem:s24], [sflag:$0x5], $0x80, s11, s9, $0xb8;
	[tilespmem:$0x19200] =	vst v63  }
0x79: {  	_ =	swait.ge [sflag:s6], $0x2800  }
0x7a: {  	s20 =	sadd.s32 $0x0, s3;
	s17 =	sadd.s32 $0xA0, s1;
	[sflag:s6] =	ssyncset.done $0x0  }
0x7b: {  	s18 =	sadd.s32 $0x0, s0;
	s16 =	simm.s32 $0x14;
	[sflag:s6] =	ssyncadd.s32 $0xFFFFD800  }
0x7c: {  	[tilespmem:s10], [sflag:$0x4] =	stream.linear.gather [hbm4b:s20+s4], $0x50, $0x38;
	[tilespmem:$0x19200] =	vst v63  }
.LBB2_2:
0x7d: {  	[tilespmem:s11], [sflag:$0x4] =	stream.linear.gather [hbm4b:s18+s4], $0x50, $0x38;
	[tilespmem:$0x19200] =	vst v63  }
0x7e: {  	s18 =	smov.u32 s16  }
0x7f: {  	p0 =	sne.s32 s16, $0x4B0;
	s16 =	sadd.s32 $0x14, s16;
	_ =	swait.ge [sflag:s12], $0x50  }
0x80: {  	[sflag:s12] =	ssyncset.done $0x0  }
0x81: {  	[sflag:s12] =	ssyncadd.s32 $0xFFFFFFB0  }
0x82: {  	_ =	swait.ge [sflag:s12], $0x50  }
0x83: {  	[sflag:s12] =	ssyncset.done $0x0  }
0x84: {  	[sflag:s12] =	ssyncadd.s32 $0xFFFFFFB0  }
0x85: {  	[tilespmem:s24], [sflag:$0x2] =	stream.indirect.gather [hbm4b:s13+s9], $0x80, s10, s9, $0xb8;
	[tilespmem:$0x19200] =	vst v63  }
0x86: {  	_ =	swait.ge [sflag:s25], $0x2800  }
0x87: {  	[sflag:s25] =	ssyncset.done $0x0  }
0x88: {  	[sflag:s25] =	ssyncadd.s32 $0xFFFFD800  }
0x89: {  	[spmem:s2] =	stream.indirect.scatter.add.f32 [tilespmem:s5], [sflag:$0x5], $0x80, s8, s9, $0xb8;
	[tilespmem:$0x19200] =	vst v63  }
0x8a: {  	_ =	swait.ge [sflag:s6], $0x2800  }
0x8b: {  	s19 =	sshrl.u32 s17, $0x3;
	[sflag:s6] =	ssyncset.done $0x0  }
0x8c: {  	s20 =	sadd.s32 s14, s19;
	[sflag:s6] =	ssyncadd.s32 $0xFFFFD800  }
0x8d: {  	[tilespmem:s7], [sflag:$0x3] =	stream.linear.gather [hbm4b:s20+s4], $0x50, $0x38;
	[tilespmem:$0x19200] =	vst v63  }
0x8e: {  	s19 =	sadd.s32 s15, s19  }
0x8f: {  	[tilespmem:s8], [sflag:$0x3] =	stream.linear.gather [hbm4b:s19+s4], $0x50, $0x38;
	[tilespmem:$0x19200] =	vst v63  }
0x90: {  	_ =	swait.ge [sflag:s26], $0x50  }
0x91: {  	[sflag:s26] =	ssyncset.done $0x0  }
0x92: {  	[sflag:s26] =	ssyncadd.s32 $0xFFFFFFB0  }
0x93: {  	_ =	swait.ge [sflag:s26], $0x50  }
0x94: {  	[sflag:s26] =	ssyncset.done $0x0  }
0x95: {  	[sflag:s26] =	ssyncadd.s32 $0xFFFFFFB0  }
0x96: {  	[tilespmem:s5], [sflag:$0x1] =	stream.indirect.gather [hbm4b:s13+s9], $0x80, s7, s9, $0xb8;
	[tilespmem:$0x19200] =	vst v63  }
0x97: {  	_ =	swait.ge [sflag:s28], $0x2800  }
0x98: {  	[sflag:s28] =	ssyncset.done $0x0  }
0x99: {  	[sflag:s28] =	ssyncadd.s32 $0xFFFFD800  }
0x9a: {  	[spmem:s2] =	stream.indirect.scatter.add.f32 [tilespmem:s24], [sflag:$0x5], $0x80, s11, s9, $0xb8;
	[tilespmem:$0x19200] =	vst v63  }
.Ltmp0:
0x9b: {  	_ =	swait.ge [sflag:s6], $0x2800;
	(pc) =	sbr.rel @p0 .LBB2_2-.Ltmp0, $4  }
0x9c: {  	[sflag:s6] =	ssyncset.done $0x0  }
0x9d: {  	s19 =	sadd.s32 s18, s3;
	[sflag:s6] =	ssyncadd.s32 $0xFFFFD800  }
0x9e: {  	[tilespmem:s10], [sflag:$0x4] =	stream.linear.gather [hbm4b:s19+s4], $0x50, $0x38;
	[tilespmem:$0x19200] =	vst v63  }
0x9f: {  	s17 =	sadd.s32 $0xA0, s17;
	s18 =	sadd.s32 s18, s0  }
0xa0: {  	[tilespmem:s11], [sflag:$0x4] =	stream.linear.gather [hbm4b:s18+s4], $0x50, $0x38;
	[tilespmem:$0x19200] =	vst v63  }
0xa1: {  	_ =	swait.ge [sflag:s12], $0x50  }
0xa2: {  	[sflag:s12] =	ssyncset.done $0x0  }
0xa3: {  	[sflag:s12] =	ssyncadd.s32 $0xFFFFFFB0  }
0xa4: {  	_ =	swait.ge [sflag:s12], $0x50  }
0xa5: {  	[sflag:s12] =	ssyncset.done $0x0  }
0xa6: {  	[sflag:s12] =	ssyncadd.s32 $0xFFFFFFB0  }
0xa7: {  	[tilespmem:s24], [sflag:$0x2] =	stream.indirect.gather [hbm4b:s13+s9], $0x80, s10, s9, $0xb8;
	[tilespmem:$0x19200] =	vst v63  }
0xa8: {  	_ =	swait.ge [sflag:s25], $0x2800  }
0xa9: {  	[sflag:s25] =	ssyncset.done $0x0  }
0xaa: {  	[sflag:s25] =	ssyncadd.s32 $0xFFFFD800  }
0xab: {  	[spmem:s2] =	stream.indirect.scatter.add.f32 [tilespmem:s5], [sflag:$0x5], $0x80, s8, s9, $0xb8;
	[tilespmem:$0x19200] =	vst v63  }
0xac: {  	_ =	swait.ge [sflag:s6], $0x2800  }
0xad: {  	[sflag:s6] =	ssyncset.done $0x0  }
0xae: {  	s16 =	rddreg [dreg:$0x14];
	[sflag:s6] =	ssyncadd.s32 $0xFFFFD800  }
0xaf: {  	[tilespmem:s7], [sflag:$0x3] =	stream.linear.gather [hbm4b:s16+s4], $0x50, $0x38;
	[tilespmem:$0x19200] =	vst v63  }
0xb0: {  	s17 =	rddreg [dreg:$0x15]  }
0xb1: {  	[tilespmem:s8], [sflag:$0x3] =	stream.linear.gather [hbm4b:s17+s4], $0x50, $0x38;
	[tilespmem:$0x19200] =	vst v63  }
0xb2: {  	_ =	swait.ge [sflag:s26], $0x50  }
0xb3: {  	[sflag:s26] =	ssyncset.done $0x0  }
0xb4: {  	[sflag:s26] =	ssyncadd.s32 $0xFFFFFFB0  }
0xb5: {  	_ =	swait.ge [sflag:s26], $0x50  }
0xb6: {  	[sflag:s26] =	ssyncset.done $0x0  }
0xb7: {  	[sflag:s26] =	ssyncadd.s32 $0xFFFFFFB0  }
0xb8: {  	[tilespmem:s5], [sflag:$0x1] =	stream.indirect.gather [hbm4b:s13+s9], $0x80, s7, s9, $0xb8;
	[tilespmem:$0x19200] =	vst v63  }
0xb9: {  	_ =	swait.ge [sflag:s28], $0x2800  }
0xba: {  	[sflag:s28] =	ssyncset.done $0x0  }
0xbb: {  	[sflag:s28] =	ssyncadd.s32 $0xFFFFD800  }
0xbc: {  	[spmem:s2] =	stream.indirect.scatter.add.f32 [tilespmem:s24], [sflag:$0x5], $0x80, s11, s9, $0xb8;
	[tilespmem:$0x19200] =	vst v63  }
0xbd: {  	_ =	swait.ge [sflag:s6], $0x2800  }
0xbe: {  	[sflag:s6] =	ssyncset.done $0x0  }
0xbf: {  	[sflag:s6] =	ssyncadd.s32 $0xFFFFD800  }
0xc0: {  	[tilespmem:s10], [sflag:$0x4] =	stream.linear.gather [hbm4b:s16+s4], $0x50, $0x38;
	[tilespmem:$0x19200] =	vst v63  }
0xc1: {  	_ = 	snop  }
0xc2: {  	[tilespmem:s11], [sflag:$0x4] =	stream.linear.gather [hbm4b:s17+s4], $0x50, $0x38;
	[tilespmem:$0x19200] =	vst v63  }
0xc3: {  	_ =	swait.ge [sflag:s12], $0x50  }
0xc4: {  	[sflag:s12] =	ssyncset.done $0x0  }
0xc5: {  	[sflag:s12] =	ssyncadd.s32 $0xFFFFFFB0  }
0xc6: {  	_ =	swait.ge [sflag:s12], $0x50  }
0xc7: {  	[sflag:s12] =	ssyncset.done $0x0  }
0xc8: {  	[sflag:s12] =	ssyncadd.s32 $0xFFFFFFB0  }
0xc9: {  	_ =	swait.ge [sflag:s25], $0x2800  }
0xca: {  	[sflag:s25] =	ssyncset.done $0x0  }
0xcb: {  	[sflag:s25] =	ssyncadd.s32 $0xFFFFD800  }
0xcc: {  	[spmem:s2] =	stream.indirect.scatter.add.f32 [tilespmem:s5], [sflag:$0x5], $0x80, s8, s9, $0xb8;
	[tilespmem:$0x19200] =	vst v63  }
0xcd: {  	_ =	swait.ge [sflag:s6], $0x2800  }
0xce: {  	[sflag:s6] =	ssyncset.done $0x0  }
0xcf: {  	[sflag:s6] =	ssyncadd.s32 $0xFFFFD800  }
0xd0: {  	[bflag:$0x0] =	sbarrier.arrive $0xFFFF  }
0xd1: {  	[tilespmem:s5], [sflag:$0x5] =	stream.linear.gather [spmem:s21], $0x2800, $0x38;
	[tilespmem:$0x19200] =	vst v63  }
0xd2: {  	_ =	swait.ge [sflag:s6], $0x2800  }
0xd3: {  	[sflag:s6] =	ssyncset.done $0x0  }
0xd4: {  	s19 =	smov.u32 s21;
	s21 =	rddreg [dreg:$0x4];
	[sflag:s6] =	ssyncadd.s32 $0xFFFFD800  }
0xd5: {  	[hbm4b:s21+s4] =	stream.linear.scatter [tilespmem:s5], [sflag:$0x5], $0x2800, $0x38;
	[tilespmem:$0x19200] =	vst v63  }
0xd6: {  	_ =	swait.ge [sflag:s6], $0x2800  }
0xd7: {  	[sflag:s6] =	ssyncset.done $0x0  }
0xd8: {  	[sflag:s6] =	ssyncadd.s32 $0xFFFFD800  }
0xd9: {  	[tilespmem:s5], [sflag:$0x5] =	stream.linear.gather [spmem:s22], $0x2800, $0x38;
	[tilespmem:$0x19200] =	vst v63  }
0xda: {  	_ =	swait.ge [sflag:s6], $0x2800  }
0xdb: {  	[sflag:s6] =	ssyncset.done $0x0  }
0xdc: {  	s20 =	smov.u32 s22;
	s22 =	rddreg [dreg:$0x5];
	[sflag:s6] =	ssyncadd.s32 $0xFFFFD800  }
0xdd: {  	[hbm4b:s22+s4] =	stream.linear.scatter [tilespmem:s5], [sflag:$0x5], $0x2800, $0x38;
	[tilespmem:$0x19200] =	vst v63  }
0xde: {  	_ =	swait.ge [sflag:s6], $0x2800  }
0xdf: {  	[sflag:s6] =	ssyncset.done $0x0  }
0xe0: {  	[sflag:s6] =	ssyncadd.s32 $0xFFFFD800  }
0xe1: {  	[tilespmem:s5], [sflag:$0x5] =	stream.linear.gather [spmem:s23], $0x2800, $0x38;
	[tilespmem:$0x19200] =	vst v63  }
0xe2: {  	_ =	swait.ge [sflag:s6], $0x2800  }
0xe3: {  	[sflag:s6] =	ssyncset.done $0x0  }
0xe4: {  	s17 =	smov.u32 s23;
	s23 =	rddreg [dreg:$0x6];
	[sflag:s6] =	ssyncadd.s32 $0xFFFFD800  }
0xe5: {  	[hbm4b:s23+s4] =	stream.linear.scatter [tilespmem:s5], [sflag:$0x5], $0x2800, $0x38;
	[tilespmem:$0x19200] =	vst v63  }
0xe6: {  	_ =	swait.ge [sflag:s6], $0x2800  }
0xe7: {  	[sflag:s6] =	ssyncset.done $0x0  }
0xe8: {  	[sflag:s6] =	ssyncadd.s32 $0xFFFFD800  }
0xe9: {  	[tilespmem:s5], [sflag:$0x5] =	stream.linear.gather [spmem:s31], $0x2800, $0x38;
	[tilespmem:$0x19200] =	vst v63  }
0xea: {  	_ =	swait.ge [sflag:s6], $0x2800  }
0xeb: {  	[sflag:s6] =	ssyncset.done $0x0  }
0xec: {  	s1 =	rddreg [dreg:$0x7];
	[sflag:s6] =	ssyncadd.s32 $0xFFFFD800  }
0xed: {  	[hbm4b:s1+s4] =	stream.linear.scatter [tilespmem:s5], [sflag:$0x5], $0x2800, $0x38;
	[tilespmem:$0x19200] =	vst v63  }
0xee: {  	_ =	swait.ge [sflag:s6], $0x2800  }
0xef: {  	[sflag:s6] =	ssyncset.done $0x0  }
0xf0: {  	s18 =	smov.u32 s31;
	s31 =	rddreg [dreg:$0xd];
	[sflag:s6] =	ssyncadd.s32 $0xFFFFD800  }
0xf1: {  	[tilespmem:s5], [sflag:$0x5] =	stream.linear.gather [spmem:s31], $0x2800, $0x38;
	[tilespmem:$0x19200] =	vst v63  }
0xf2: {  	_ =	swait.ge [sflag:s6], $0x2800  }
0xf3: {  	[sflag:s6] =	ssyncset.done $0x0  }
0xf4: {  	s21 =	rddreg [dreg:$0x8];
	[sflag:s6] =	ssyncadd.s32 $0xFFFFD800  }
0xf5: {  	[hbm4b:s21+s4] =	stream.linear.scatter [tilespmem:s5], [sflag:$0x5], $0x2800, $0x38;
	[tilespmem:$0x19200] =	vst v63  }
0xf6: {  	_ =	swait.ge [sflag:s6], $0x2800  }
0xf7: {  	[sflag:s6] =	ssyncset.done $0x0  }
0xf8: {  	s21 =	rddreg [dreg:$0xc];
	[sflag:s6] =	ssyncadd.s32 $0xFFFFD800  }
0xf9: {  	[tilespmem:s5], [sflag:$0x5] =	stream.linear.gather [spmem:s21], $0x2800, $0x38;
	[tilespmem:$0x19200] =	vst v63  }
0xfa: {  	_ =	swait.ge [sflag:s6], $0x2800  }
0xfb: {  	[sflag:s6] =	ssyncset.done $0x0  }
0xfc: {  	s22 =	rddreg [dreg:$0x9];
	[sflag:s6] =	ssyncadd.s32 $0xFFFFD800  }
0xfd: {  	[hbm4b:s22+s4] =	stream.linear.scatter [tilespmem:s5], [sflag:$0x5], $0x2800, $0x38;
	[tilespmem:$0x19200] =	vst v63  }
0xfe: {  	_ =	swait.ge [sflag:s6], $0x2800  }
0xff: {  	[sflag:s6] =	ssyncset.done $0x0  }
0x100: {  	[sflag:s6] =	ssyncadd.s32 $0xFFFFD800  }
0x101: {  	[tilespmem:s5], [sflag:$0x5] =	stream.linear.gather [spmem:s30], $0x2800, $0x38;
	[tilespmem:$0x19200] =	vst v63  }
0x102: {  	_ =	swait.ge [sflag:s6], $0x2800  }
0x103: {  	[sflag:s6] =	ssyncset.done $0x0  }
0x104: {  	s23 =	rddreg [dreg:$0xa];
	[sflag:s6] =	ssyncadd.s32 $0xFFFFD800  }
0x105: {  	[hbm4b:s23+s4] =	stream.linear.scatter [tilespmem:s5], [sflag:$0x5], $0x2800, $0x38;
	[tilespmem:$0x19200] =	vst v63  }
0x106: {  	_ =	swait.ge [sflag:s6], $0x2800  }
0x107: {  	[sflag:s6] =	ssyncset.done $0x0  }
0x108: {  	s22 =	rddreg [dreg:$0xe];
	[sflag:s6] =	ssyncadd.s32 $0xFFFFD800  }
0x109: {  	[tilespmem:s5], [sflag:$0x5] =	stream.linear.gather [spmem:s22], $0x2800, $0x38;
	[tilespmem:$0x19200] =	vst v63  }
0x10a: {  	_ =	swait.ge [sflag:s6], $0x2800  }
0x10b: {  	[sflag:s6] =	ssyncset.done $0x0  }
0x10c: {  	s1 =	rddreg [dreg:$0xb];
	[sflag:s6] =	ssyncadd.s32 $0xFFFFD800  }
0x10d: {  	[hbm4b:s1+s4] =	stream.linear.scatter [tilespmem:s5], [sflag:$0x5], $0x2800, $0x38;
	[tilespmem:$0x19200] =	vst v63  }
0x10e: {  	_ =	swait.ge [sflag:s6], $0x2800  }
0x10f: {  	s29 =	sadd.s32 $0x1, s29;
	s23 =	rddreg [dreg:$0x11]  }
0x110: {  	p0 =	sne.s32 s29, s23  }
.Ltmp1:
0x111: {  	_ = 	snop;
	(pc) =	sbr.rel @p0 .LBB2_1-.Ltmp1, $3  }
0x112: {  	_ =	sdelay $0x1  }
0x113: {  	[sflag:s6] =	ssyncset.done $0x0  }
0x114: {  	[sflag:s6] =	ssyncadd.s32 $0xFFFFD800  }
0x115: {  	_ =	sfence.sel $0x180000  }
0x116: {  	[bflag:$0x0] =	sbarrier.arrive $0xFFFF  }
0x117: {  	_ =	strace $0x9000004D  }
0x118: {  	s0 =	stileid.u32;
	[bflag:$0x2] =	sbarrier.arrive $0xFFFF  }
0x119: {  	p0 =	sne.s32 s0, $0x0;
	s0 =	rddreg [dreg:$0x3]  }
0x11a: {  	s0 =	sadd.s32 @!p0 $0x100000, s0  }
0x11b: {  	[sflag:s0] =	ssyncadd.tile.s32 @!p0 $0x1;
	_ =	shalt  }
.Lfunc_end2:
_tile_overlayer_lowered:
.L_overlay_start_2:
0x11c: {  	(tag) =	ssettag $0x2  }
0x11d: {  	s0 =	rddreg [dreg:$0x0];
	s2 =	stileid.u32  }
0x11e: {  	s1 =	rddreg [dreg:$0x1];
	p0 =	sne.s32 s2, $0x0  }
0x11f: {  	s3 =	rddreg [dreg:$0x2];
	[bflag:$0x3] =	sbarrier.arrive $0xFFFF;
	s2 =	simm.s32 @!p0 $0x1C05  }
0x120: {  	[timem:s3], [sflag:s2] =	dma.local @!p0 [hbm:s0], s1  }
0x121: {  	s0 =	simm.s32 @!p0 $0x5  }
0x122: {  	_ =	swait.ge @!p0 [sflag:s0], s1  }
0x123: {  	s1 =	ssub.s32 @!p0 $0x0, s1;
	[sflag:s0] =	ssyncset.done @!p0 $0x0  }
0x124: {  	[sflag:s0] =	ssyncadd.s32 @!p0 s1  }
0x125: {  	[bflag:$0x3] =	sbarrier.arrive $0xFFFF  }
0x126: {  	_ =	shalt  }

// kernel: kernel.18.cloned.1.call-start
scs
__scs_entry_jumppad:
0x0: {  	(pc) =	sbr.rel $0x88, $3  }
0x1: {  	(tag) =	ssettag $0x0;
	lr =	simm.s32 $0x1  }
0x2: {  	[smem:$0x3F90] =	sst lr;
	_ =	strace $0xD0000000  }
0x3: {  	_ = 	snop  }
0x4: {  	_ = 	snop  }
0x5: {  	_ = 	snop  }
0x6: {  	_ = 	snop  }
0x7: {  	_ = 	snop  }
__scs_overlays_trampoline_lowered:
0x8: {  	[smem:$0x3F9F] =	sst s0  }
0x9: {  	[smem:$0x3FA0] =	sst s1  }
0xa: {  	[smem:$0x3FA1] =	sst s2  }
0xb: {  	[smem:$0x3FA2] =	sst s3  }
0xc: {  	[smem:$0x3FA3] =	sst s4  }
0xd: {  	[smem:$0x3FA4] =	sst s5  }
0xe: {  	[smem:$0x3FA5] =	sst s6  }
0xf: {  	[smem:$0x3FA6] =	sst s7  }
0x10: {  	[smem:$0x3FA7] =	sst s8  }
0x11: {  	[smem:$0x3FA8] =	sst s9;
	s0 =	simm.s32 @!p0 $0x0  }
0x12: {  	s1 =	sld [smem:$0x3F8E];
	s0 =	simm.s32 @p0 $0x1  }
0x13: {  	[smem:$0x3FA9] =	sst s0;
	s0 =	simm.s32 @!p1 $0x0  }
0x14: {  	s2 =	sld [smem:$0x3F8D];
	s0 =	simm.s32 @p1 $0x1  }
0x15: {  	[smem:$0x3FAA] =	sst s0;
	s0 =	simm.s32 @!p2 $0x0  }
0x16: {  	s3 =	sld [smem:$0x3FDB];
	s0 =	simm.s32 @p2 $0x1  }
0x17: {  	s4 =	simm.s32 $0x1BF5;
	[smem:$0x3FAC] =	sst s0  }
0x18: {  	s0 =	sld [smem:$0x3F8F];
	_ =	swait.ge [sflag:s4], $0x0  }
0x19: {  	s7 =	sld [smem:$0x3F90]  }
0x1a: {  	s8 =	sadd.s32 $0xFFFFE003, lr  }
0x1b: {  	s9 =	sadd.s32 $0xFFFFFEF7, lr;
	s5 =	simm.s32 $0xFFFFFFFF;
	p2 =	slt.u32 s8, $0xFFFFF086  }
0x1c: {  	p1 =	slt.u32 s9, $0xF7A;
	s5 =	simm.s32 @!p2 $0x0  }
0x1d: {  	s5 =	simm.s32 @p1 $0x1;
	p0 =	seq.s32 s7, s2  }
0x1e: {  	s7 =	smul.u32 @!p0 $0xF7A, s2;
	p2 =	seq.s32 @!p0 s5, $0x0  }
0x1f: {  	s9 =	smul.u32 $0xF7A, s1;
	s8 =	simm.s32 @!p0 $0x1BF5;
	p2 =	por !p2, p0  }
0x20: {  	[sflag:s8] =	ssyncset.s32 @!p0 $0xFFFFF086;
	s6 =	sadd.s32 @!p0 s3, s7;
	s7 =	simm.s32 @!p0 $0x108  }
0x21: {  	s3 =	sadd.s32 s3, s9;
	s6 =	sadd.s32 @!p0 $0x88, s6;
	s7 =	simm.s32 @p2 $0x1082  }
0x22: {  	[simem:s7], [sflag:s8] =	dma.local @!p0 [hbm:s6], $0xF7A  }
0x23: {  	s9 =	sor.u32 $0xD0000000, s2;
	s6 =	simm.s32 $0x108;
	_ =	swait.ge @!p0 [sflag:s8], $0x0  }
0x24: {  	s3 =	sadd.s32 $0x88, s3;
	s6 =	simm.s32 @!p1 $0x1082;
	[sflag:s4] =	ssyncset.s32 $0xFFFFF086  }
0x25: {  	[simem:s6], [sflag:s4] =	dma.local [hbm:s3], $0xF7A  }
0x26: {  	[smem:$0x3F90] =	sst s1;
	(tag) =	ssettag s2;
	_ =	strace s9  }
0x27: {  	s1 =	sld [smem:$0x3FA0]  }
0x28: {  	s2 =	sld [smem:$0x3FA1]  }
0x29: {  	s4 =	sld [smem:$0x3FA3]  }
0x2a: {  	p0 =	seq.s32 s5, $0x0;
	s5 =	sld [smem:$0x3FA4]  }
0x2b: {  	s6 =	sld [smem:$0x3FA5]  }
0x2c: {  	s7 =	sld [smem:$0x3FA6]  }
0x2d: {  	s3 =	simm.s32 $0x108;
	s8 =	sld [smem:$0x3FA7]  }
0x2e: {  	s3 =	simm.s32 @!p0 $0x1082;
	s9 =	sld [smem:$0x3FA8]  }
0x2f: {  	lr =	sadd.s32 s0, s3;
	s0 =	sld [smem:$0x3F9F]  }
0x30: {  	s3 =	sld [smem:$0x3FA2]  }
0x31: {  	[smem:$0x3FAB] =	sst s10  }
0x32: {  	s10 =	sld [smem:$0x3FA9];
	_ =	sdelay $0x3  }
0x33: {  	p0 =	seq.s32 s10, $0x1;
	s10 =	sld [smem:$0x3FAB];
	_ =	sdelay $0x3  }
0x34: {  	[smem:$0x3FAB] =	sst s10  }
0x35: {  	s10 =	sld [smem:$0x3FAA];
	_ =	sdelay $0x3  }
0x36: {  	p1 =	seq.s32 s10, $0x1;
	s10 =	sld [smem:$0x3FAB];
	_ =	sdelay $0x3  }
0x37: {  	[smem:$0x3FAB] =	sst s10  }
0x38: {  	s10 =	sld [smem:$0x3FAC]  }
0x39: {  	_ = 	snop;
	(pc) =	sbr.ind lr, $3  }
0x3a: {  	_ = 	snop  }
0x3b: {  	_ = 	snop  }
0x3c: {  	p2 =	seq.s32 s10, $0x1;
	s10 =	sld [smem:$0x3FAB]  }
0x3d: {  	_ =	shalt  }
0x3e: {  	_ =	shalt  }
0x3f: {  	_ =	shalt  }
0x40: {  	_ =	shalt  }
0x41: {  	_ =	shalt  }
0x42: {  	_ =	shalt  }
0x43: {  	_ =	shalt  }
0x44: {  	_ =	shalt  }
0x45: {  	_ =	shalt  }
0x46: {  	_ =	shalt  }
0x47: {  	_ =	shalt  }
0x48: {  	_ =	shalt  }
0x49: {  	_ =	shalt  }
0x4a: {  	_ =	shalt  }
0x4b: {  	_ =	shalt  }
0x4c: {  	_ =	shalt  }
0x4d: {  	_ =	shalt  }
0x4e: {  	_ =	shalt  }
0x4f: {  	_ =	shalt  }
0x50: {  	_ =	shalt  }
0x51: {  	_ =	shalt  }
0x52: {  	_ =	shalt  }
0x53: {  	_ =	shalt  }
0x54: {  	_ =	shalt  }
0x55: {  	_ =	shalt  }
0x56: {  	_ =	shalt  }
0x57: {  	_ =	shalt  }
0x58: {  	_ =	shalt  }
0x59: {  	_ =	shalt  }
0x5a: {  	_ =	shalt  }
0x5b: {  	_ =	shalt  }
0x5c: {  	_ =	shalt  }
0x5d: {  	_ =	shalt  }
0x5e: {  	_ =	shalt  }
0x5f: {  	_ =	shalt  }
0x60: {  	_ =	shalt  }
0x61: {  	_ =	shalt  }
0x62: {  	_ =	shalt  }
0x63: {  	_ =	shalt  }
0x64: {  	_ =	shalt  }
0x65: {  	_ =	shalt  }
0x66: {  	_ =	shalt  }
0x67: {  	_ =	shalt  }
0x68: {  	_ =	shalt  }
0x69: {  	_ =	shalt  }
0x6a: {  	_ =	shalt  }
0x6b: {  	_ =	shalt  }
0x6c: {  	_ =	shalt  }
0x6d: {  	_ =	shalt  }
0x6e: {  	_ =	shalt  }
0x6f: {  	_ =	shalt  }
0x70: {  	_ =	shalt  }
0x71: {  	_ =	shalt  }
0x72: {  	_ =	shalt  }
0x73: {  	_ =	shalt  }
0x74: {  	_ =	shalt  }
0x75: {  	_ =	shalt  }
0x76: {  	_ =	shalt  }
0x77: {  	_ =	shalt  }
0x78: {  	_ =	shalt  }
0x79: {  	_ =	shalt  }
0x7a: {  	_ =	shalt  }
0x7b: {  	_ =	shalt  }
0x7c: {  	_ =	shalt  }
0x7d: {  	_ =	shalt  }
0x7e: {  	_ =	shalt  }
0x7f: {  	_ =	shalt  }
0x80: {  	_ =	shalt  }
0x81: {  	_ =	shalt  }
0x82: {  	_ =	shalt  }
0x83: {  	_ =	shalt  }
0x84: {  	_ =	shalt  }
0x85: {  	_ =	shalt  }
0x86: {  	_ =	shalt  }
0x87: {  	_ =	shalt  }
.Lfunc_end0:
.L_simem_size_0:
called_computation.3_lowered:
.L_overlay_start_0:
0x88: {  	s2 =	sld [smem:$0x3FD9]  }
0x89: {  	s3 =	sld [smem:$0x3FFE];
	_ =	sdelay $0x1  }
0x8a: {  	s1 =	srdreg.scid  }
0x8b: {  	s0 =	sand.u32 $0x1, s1  }
0x8c: {  	s17 =	sshll.u32 s0, $0xA;
	s2 =	sadd.s32 s3, s2  }
0x8d: {  	s2 =	sadd.s32 s2, s17  }
0x8e: {  	[smem:$0x3FB7] =	sst s2  }
0x8f: {  	_ = 	snop  }
0x90: {  	s2 =	sld [smem:$0x3FD0];
	(tm) =	ssettm $0x1  }
0x91: {  	s18 =	sld [smem:$0x3FFB];
	_ =	sdelay $0x3  }
0x92: {  	_ =	strace s18  }
0x93: {  	s3 =	sld [smem:$0x3FFC];
	_ =	sdelay $0x3  }
0x94: {  	_ =	strace s3  }
0x95: {  	s3 =	sld [smem:$0x3FFD];
	_ =	sdelay $0x3  }
0x96: {  	_ =	strace s3  }
0x97: {  	_ =	strace $0x8FFFFFFF  }
0x98: {  	s19 =	sld [smem:$0x3FDB];
	_ =	sdelay $0x1  }
0x99: {  	s4 =	simm.s32 $_scs_section_size  }
0x9a: {  	s5 =	simm.s32 $_size__tile_overlayer_lowered;
	s6 =	simm.s32 $_tile_overlayer_lowered  }
0x9b: {  	s22 =	simm.s32 $0x1BFF;
	s21 =	sshll.u32 s6, $0x1;
	s3 =	sadd.s32 s4, s19  }
0x9c: {  	s7 =	simm.s32 $0x0;
	s20 =	sshll.u32 s5, $0x1;
	s5 =	sadd.s32 s21, s3  }
0x9d: {  	[timem:s7], [sflag:s22] =	dma.local [hbm:s5], s20  }
0x9e: {  	_ =	swait.ge [sflag:s22], s20  }
0x9f: {  	s4 =	ssub.s32 $0x0, s20;
	[sflag:s22] =	ssyncset.done $0x0  }
0xa0: {  	[sflag:s22] =	ssyncadd.s32 s4;
	_ =	sdelay $0x1  }
0xa1: {  	s23 =	simm.s32 $0x1B8B  }
0xa2: {  	_ =	swait.ge [sflag:s23], $0x1  }
0xa3: {  	[sflag:s23] =	ssyncset.done $0x0  }
0xa4: {  	s25 =	simm.s32 $0x1B8E;
	s24 =	sld [smem:$0x3FFE];
	[sflag:s23] =	ssyncadd.s32 $0xFFFFFFFF  }
0xa5: {  	s26 =	simm.s32 $execute0_lowered;
	[smem:$0x3FD2] =	sst s25  }
0xa6: {  	s5 =	sshll.u32 s26, $0x1;
	_ =	strace $0x8000004F;
	[dreg:$0x1] =	wrdreg $0xFFFFFFFF  }
0xa7: {  	s28 =	simm.s32 $_size_execute0_lowered;
	s3 =	sadd.s32 s3, s5;
	[dreg:$0x0] =	wrdreg $0x0  }
0xa8: {  	s5 =	sshll.u32 s28, $0x1;
	[dreg:$0x2] =	wrdreg s3  }
0xa9: {  	[dreg:$0x3] =	wrdreg s5  }
0xaa: {  	[dreg:$0x4] =	wrdreg $0xC0  }
0xab: {  	_ =	task [dreg:s7], $0x5FFFF  }
0xac: {  	[dreg:$0x1] =	wrdreg $0xFFFFFFFF  }
0xad: {  	[dreg:$0x0] =	wrdreg $0x60  }
0xae: {  	[dreg:$0x2] =	wrdreg s24  }
0xaf: {  	[dreg:$0x3] =	wrdreg s2  }
0xb0: {  	[dreg:$0x4] =	wrdreg $0x0  }
0xb1: {  	[dreg:$0x5] =	wrdreg $0x9  }
0xb2: {  	_ =	task.clear_ibuf [dreg:s7], $0x6FFFF;
	_ =	strace $0x9000004F  }
0xb3: {  	s29 =	simm.s32 $0x9;
	_ =	strace $0x80000051  }
0xb4: {  	_ =	swait.ge [sflag:s29], $0x1  }
0xb5: {  	[sflag:s29] =	ssyncadd.s32 $0xFFFFFFFF  }
0xb6: {  	_ =	strace $0x90000051  }
0xb7: {  	_ =	sfence  }
0xb8: {  	s30 =	sld [smem:$0x0];
	_ =	sdelay $0x2  }
0xb9: {  	s31 =	sshll.u32 s1, $0xD;
	s1 =	sshrl.u32 s1, $0x2  }
0xba: {  	s3 =	sand.u32 $0x4000, s31;
	s1 =	sadd.s32 s1, s30  }
0xbb: {  	s0 =	sor.u32 s3, s0;
	s1 =	sshll.u32 s1, $0x11  }
0xbc: {  	s0 =	sor.u32 s1, s0  }
0xbd: {  	s0 =	sadd.s32 $0x8F2B, s0  }
0xbe: {  	[sflag:s0] =	ssyncadd.remote.s32 $0x1  }
0xbf: {  	_ =	sfence.sel $0xFFFF  }
0xc0: {  	[dreg:$0x0] =	wrdreg $0xFFFFFFFF;
	(pc) =	sbr.abs _section_cstart, $3  }
0xc1: {  	[dreg:$0x1] =	wrdreg $0xFFFFFFFF  }
0xc2: {  	_ =	task.clear_ibuf [dreg:s7], $0x2FFFF;
	_ =	strace $0x9FFFFFFF  }
0xc3: {  	(tm) =	ssettm $0x7FFFFFFF  }
tec
execute0_lowered:
.L_overlay_start_1:
0x0: {  	(tag) =	ssettag $0x1  }
0x1: {  	s0 =	rddreg [dreg:$0x0]  }
0x2: {  	s2 =	rddreg [dreg:$0x2]  }
0x3: {  	s1 =	srdreg.scid;
	s4 =	simm.s32 $0x0;
	s15 =	stileid.u32  }
0x4: {  	s28 =	simm.s32 $0x2;
	s29 =	simm.s32 $0x0;
	s1 =	sand.u32 $0x1, s1  }
0x5: {  	[smem:$0x7FF] =	sst s4;
	s6 =	smul.u32 $0x14000, s15;
	s7 =	sadd.s32 $0xB7C00, s0  }
0x6: {  	s24 =	sshll.u32 s15, $0x1;
	s23 =	smul.u32 $0x4E20, s15;
	s3 =	ssub.s32 $0x2, s1  }
0x7: {  	_ =	strace $0x80000050;
	s12 =	smul.u32 $0x140000, s1;
	s5 =	sshrl.u32 s3, $0x1  }
0x8: {  	s8 =	sor.u32 $0x2800, s6;
	s9 =	sadd.s32 $0x5000, s6;
	s10 =	sadd.s32 $0x7800, s6  }
0x9: {  	s11 =	sadd.s32 $0xA000, s6;
	s16 =	sadd.s32 $0xC800, s6;
	s17 =	sadd.s32 $0xF000, s6  }
0xa: {  	s18 =	sadd.s32 $0x11800, s6;
	s3 =	ssub.s32 s3, s5;
	s5 =	sor.u32 s1, s24  }
0xb: {  	s6 =	sadd.s32 s6, s12;
	s13 =	sadd.s32 s12, s8;
	s14 =	sadd.s32 s12, s9  }
0xc: {  	s19 =	sadd.s32 s12, s16;
	s22 =	sadd.s32 s12, s17;
	s1 =	smul.u32 $0x2710, s1  }
0xd: {  	s9 =	sadd.s32 s9, s2;
	s31 =	sadd.s32 s11, s2;
	s30 =	sadd.s32 s17, s2  }
0xe: {  	s6 =	sshrl.u32 s6, $0x3;
	s13 =	sshrl.u32 s13, $0x3;
	s14 =	sshrl.u32 s14, $0x3  }
0xf: {  	s17 =	smov.u32 s9;
	s3 =	smax.u32 s3, $0x1;
	s9 =	simm.s32 $0x50  }
0x10: {  	[dreg:$0xd] =	wrdreg s31;
	s6 =	sadd.s32 s7, s6;
	s25 =	sadd.s32 s7, s13  }
0x11: {  	s26 =	sadd.s32 s7, s14;
	s13 =	sadd.s32 s12, s10;
	[dreg:$0x11] =	wrdreg s3  }
0x12: {  	s14 =	sadd.s32 s12, s11;
	s12 =	sadd.s32 s12, s18;
	[dreg:$0x4] =	wrdreg s6  }
0x13: {  	s1 =	sadd.s32 s1, s23;
	s10 =	sadd.s32 s10, s2;
	[dreg:$0x5] =	wrdreg s25  }
0x14: {  	s11 =	simm.s32 $0x14180;
	[dreg:$0x6] =	wrdreg s26;
	s6 =	sshrl.u32 s13, $0x3  }
0x15: {  	s13 =	sshrl.u32 s14, $0x3;
	s14 =	sshrl.u32 s19, $0x3;
	s12 =	sshrl.u32 s12, $0x3  }
0x16: {  	s25 =	smul.u32 $0x50000, s15;
	s15 =	sadd.s32 $0x3A00, s0;
	s6 =	sadd.s32 s7, s6  }
0x17: {  	s26 =	smul.u32 $0x2710, s5;
	s20 =	sadd.s32 s7, s13;
	[dreg:$0x7] =	wrdreg s6  }
0x18: {  	s21 =	sadd.s32 s7, s14;
	s24 =	sadd.s32 s7, s12;
	[dreg:$0x8] =	wrdreg s20  }
0x19: {  	s13 =	sadd.s32 $0x17600, s0;
	s14 =	sadd.s32 $0xD800, s0;
	[dreg:$0x9] =	wrdreg s21  }
0x1a: {  	s6 =	sshrl.u32 s22, $0x3;
	[dreg:$0xb] =	wrdreg s24;
	s20 =	sadd.s32 s8, s2  }
0x1b: {  	s0 =	sshrl.u32 s26, $0x3;
	s21 =	sadd.s32 s16, s2;
	s22 =	sadd.s32 s18, s2  }
0x1c: {  	s18 =	smov.u32 s10;
	s24 =	sadd.s32 $0xF0, s1;
	s1 =	sadd.s32 $0xA0, s1  }
0x1d: {  	s8 =	simm.s32 $0x14100;
	s10 =	simm.s32 $0x14080;
	[dreg:$0x16] =	wrdreg s1  }
0x1e: {  	s6 =	sadd.s32 s7, s6;
	s7 =	sshrl.u32 s25, $0x2;
	[dreg:$0xc] =	wrdreg s21  }
0x1f: {  	s12 =	sadd.s32 $0xA, s0;
	s23 =	sadd.s32 s14, s0;
	[dreg:$0xe] =	wrdreg s22  }
0x20: {  	s25 =	sadd.s32 s15, s0;
	s0 =	sadd.s32 $0x4D8, s0;
	[dreg:$0xa] =	wrdreg s6  }
0x21: {  	s3 =	sshrl.u32 s24, $0x3;
	s24 =	simm.s32 $0x16A00;
	[dreg:$0x12] =	wrdreg s23  }
0x22: {  	s19 =	sadd.s32 s7, s2;
	s16 =	sadd.s32 s14, s12;
	[dreg:$0x13] =	wrdreg s25  }
0x23: {  	s5 =	sadd.s32 s15, s12;
	s26 =	sadd.s32 s14, s0;
	[dreg:$0xf] =	wrdreg s16  }
0x24: {  	s0 =	sadd.s32 s15, s0;
	s6 =	simm.s32 $0x5;
	[dreg:$0x10] =	wrdreg s5  }
0x25: {  	s7 =	simm.s32 $0x14000;
	s12 =	simm.s32 $0x4;
	[dreg:$0x14] =	wrdreg s26  }
0x26: {  	s25 =	simm.s32 $0x1;
	[dreg:$0x15] =	wrdreg s0;
	s0 =	sadd.s32 s3, s15  }
0x27: {  	s3 =	sadd.s32 s3, s14;
	s5 =	simm.s32 $0x14200;
	s26 =	simm.s32 $0x3  }
.LBB2_1:
0x28: {  	s16 =	rddreg [dreg:$0x1]  }
0x29: {  	[tilespmem:s5], [sflag:$0x5] =	stream.linear.gather [hbm4b:s16+s4], $0x2800, $0x38;
	[tilespmem:$0x19200] =	vst v63  }
0x2a: {  	_ =	swait.ge [sflag:s6], $0x2800  }
0x2b: {  	[sflag:s6] =	ssyncset.done $0x0  }
0x2c: {  	[sflag:s6] =	ssyncadd.s32 $0xFFFFD800  }
0x2d: {  	[spmem:s19] =	stream.linear.scatter [tilespmem:s5], [sflag:$0x5], $0x2800, $0x38;
	[tilespmem:$0x19200] =	vst v63  }
0x2e: {  	_ =	swait.ge [sflag:s6], $0x2800  }
0x2f: {  	[sflag:s6] =	ssyncset.done $0x0  }
0x30: {  	[sflag:s6] =	ssyncadd.s32 $0xFFFFD800  }
0x31: {  	[spmem:s20] =	stream.linear.scatter [tilespmem:s5], [sflag:$0x5], $0x2800, $0x38;
	[tilespmem:$0x19200] =	vst v63  }
0x32: {  	_ =	swait.ge [sflag:s6], $0x2800  }
0x33: {  	[sflag:s6] =	ssyncset.done $0x0  }
0x34: {  	[sflag:s6] =	ssyncadd.s32 $0xFFFFD800  }
0x35: {  	[spmem:s17] =	stream.linear.scatter [tilespmem:s5], [sflag:$0x5], $0x2800, $0x38;
	[tilespmem:$0x19200] =	vst v63  }
0x36: {  	_ =	swait.ge [sflag:s6], $0x2800  }
0x37: {  	[sflag:s6] =	ssyncset.done $0x0  }
0x38: {  	[sflag:s6] =	ssyncadd.s32 $0xFFFFD800  }
0x39: {  	[spmem:s18] =	stream.linear.scatter [tilespmem:s5], [sflag:$0x5], $0x2800, $0x38;
	[tilespmem:$0x19200] =	vst v63  }
0x3a: {  	_ =	swait.ge [sflag:s6], $0x2800  }
0x3b: {  	[sflag:s6] =	ssyncset.done $0x0  }
0x3c: {  	s16 =	smov.u32 s31;
	[sflag:s6] =	ssyncadd.s32 $0xFFFFD800  }
0x3d: {  	[spmem:s16] =	stream.linear.scatter [tilespmem:s5], [sflag:$0x5], $0x2800, $0x38;
	[tilespmem:$0x19200] =	vst v63  }
0x3e: {  	_ =	swait.ge [sflag:s6], $0x2800  }
0x3f: {  	[sflag:s6] =	ssyncset.done $0x0  }
0x40: {  	s1 =	smov.u32 s21;
	[sflag:s6] =	ssyncadd.s32 $0xFFFFD800  }
0x41: {  	[spmem:s1] =	stream.linear.scatter [tilespmem:s5], [sflag:$0x5], $0x2800, $0x38;
	[tilespmem:$0x19200] =	vst v63  }
0x42: {  	_ =	swait.ge [sflag:s6], $0x2800  }
0x43: {  	[sflag:s6] =	ssyncset.done $0x0  }
0x44: {  	[sflag:s6] =	ssyncadd.s32 $0xFFFFD800  }
0x45: {  	[spmem:s30] =	stream.linear.scatter [tilespmem:s5], [sflag:$0x5], $0x2800, $0x38;
	[tilespmem:$0x19200] =	vst v63  }
0x46: {  	_ =	swait.ge [sflag:s6], $0x2800  }
0x47: {  	[sflag:s6] =	ssyncset.done $0x0  }
0x48: {  	s21 =	smov.u32 s19;
	s19 =	smov.u32 s22;
	[sflag:s6] =	ssyncadd.s32 $0xFFFFD800  }
0x49: {  	[spmem:s19] =	stream.linear.scatter [tilespmem:s5], [sflag:$0x5], $0x2800, $0x38;
	[tilespmem:$0x19200] =	vst v63  }
0x4a: {  	_ =	swait.ge [sflag:s6], $0x2800  }
0x4b: {  	[sflag:s6] =	ssyncset.done $0x0  }
0x4c: {  	[sflag:s6] =	ssyncadd.s32 $0xFFFFD800  }
0x4d: {  	[bflag:$0x0] =	sbarrier.arrive $0xFFFF  }
0x4e: {  	s19 =	rddreg [dreg:$0x12]  }
0x4f: {  	[tilespmem:s7], [sflag:$0x5] =	stream.linear.gather [hbm4b:s19+s4], $0x50, $0x38;
	[tilespmem:$0x19200] =	vst v63  }
0x50: {  	_ =	swait.ge [sflag:s6], $0x50  }
0x51: {  	[sflag:s6] =	ssyncset.done $0x0  }
0x52: {  	s22 =	smov.u32 s20;
	s20 =	rddreg [dreg:$0x13];
	[sflag:s6] =	ssyncadd.s32 $0xFFFFFFB0  }
0x53: {  	[tilespmem:s8], [sflag:$0x5] =	stream.linear.gather [hbm4b:s20+s4], $0x50, $0x38;
	[tilespmem:$0x19200] =	vst v63  }
0x54: {  	_ =	swait.ge [sflag:s6], $0x50  }
0x55: {  	[sflag:s6] =	ssyncset.done $0x0  }
0x56: {  	[sflag:s6] =	ssyncadd.s32 $0xFFFFFFB0  }
0x57: {  	[tilespmem:s5], [sflag:$0x1] =	stream.indirect.gather [hbm4b:s13+s9], $0x80, s7, s9, $0xb8;
	[tilespmem:$0x19200] =	vst v63  }
0x58: {  	s16 =	rddreg [dreg:$0xf]  }
0x59: {  	[tilespmem:s10], [sflag:$0x4] =	stream.linear.gather [hbm4b:s16+s4], $0x50, $0x38;
	[tilespmem:$0x19200] =	vst v63  }
0x5a: {  	s23 =	smov.u32 s17;
	s17 =	rddreg [dreg:$0x10]  }
0x5b: {  	[tilespmem:s11], [sflag:$0x4] =	stream.linear.gather [hbm4b:s17+s4], $0x50, $0x38;
	[tilespmem:$0x19200] =	vst v63  }
0x5c: {  	_ =	swait.ge [sflag:s12], $0x50  }
0x5d: {  	[sflag:s12] =	ssyncset.done $0x0  }
0x5e: {  	[sflag:s12] =	ssyncadd.s32 $0xFFFFFFB0  }
0x5f: {  	_ =	swait.ge [sflag:s12], $0x50  }
0x60: {  	[sflag:s12] =	ssyncset.done $0x0  }
0x61: {  	[sflag:s12] =	ssyncadd.s32 $0xFFFFFFB0  }
0x62: {  	[tilespmem:s24], [sflag:$0x2] =	stream.indirect.gather [hbm4b:s13+s9], $0x80, s10, s9, $0xb8;
	[tilespmem:$0x19200] =	vst v63  }
0x63: {  	_ =	swait.ge [sflag:s25], $0x2800  }
0x64: {  	[sflag:s25] =	ssyncset.done $0x0  }
0x65: {  	[sflag:s25] =	ssyncadd.s32 $0xFFFFD800  }
0x66: {  	[spmem:s2] =	stream.indirect.scatter.add.f32 [tilespmem:s5], [sflag:$0x5], $0x80, s8, s9, $0xb8;
	[tilespmem:$0x19200] =	vst v63  }
0x67: {  	_ =	swait.ge [sflag:s6], $0x2800  }
0x68: {  	s1 =	rddreg [dreg:$0x16]  }
0x69: {  	s31 =	smov.u32 s18;
	[sflag:s6] =	ssyncset.done $0x0;
	s18 =	sshrl.u32 s1, $0x3  }
0x6a: {  	[sflag:s6] =	ssyncadd.s32 $0xFFFFD800;
	s19 =	sadd.s32 s14, s18  }
0x6b: {  	[tilespmem:s7], [sflag:$0x3] =	stream.linear.gather [hbm4b:s19+s4], $0x50, $0x38;
	[tilespmem:$0x19200] =	vst v63  }
0x6c: {  	s16 =	sadd.s32 s15, s18  }
0x6d: {  	[tilespmem:s8], [sflag:$0x3] =	stream.linear.gather [hbm4b:s16+s4], $0x50, $0x38;
	[tilespmem:$0x19200] =	vst v63  }
0x6e: {  	_ =	swait.ge [sflag:s26], $0x50  }
0x6f: {  	[sflag:s26] =	ssyncset.done $0x0  }
0x70: {  	[sflag:s26] =	ssyncadd.s32 $0xFFFFFFB0  }
0x71: {  	_ =	swait.ge [sflag:s26], $0x50  }
0x72: {  	[sflag:s26] =	ssyncset.done $0x0  }
0x73: {  	[sflag:s26] =	ssyncadd.s32 $0xFFFFFFB0  }
0x74: {  	[tilespmem:s5], [sflag:$0x1] =	stream.indirect.gather [hbm4b:s13+s9], $0x80, s7, s9, $0xb8;
	[tilespmem:$0x19200] =	vst v63  }
0x75: {  	_ =	swait.ge [sflag:s28], $0x2800  }
0x76: {  	[sflag:s28] =	ssyncset.done $0x0  }
0x77: {  	[sflag:s28] =	ssyncadd.s32 $0xFFFFD800  }
0x78: {  	[spmem:s2] =	stream.indirect.scatter.add.f32 [tilespmem:s24], [sflag:$0x5], $0x80, s11, s9, $0xb8;
	[tilespmem:$0x19200] =	vst v63  }
0x79: {  	_ =	swait.ge [sflag:s6], $0x2800  }
0x7a: {  	s20 =	sadd.s32 $0x0, s3;
	s17 =	sadd.s32 $0xA0, s1;
	[sflag:s6] =	ssyncset.done $0x0  }
0x7b: {  	s18 =	sadd.s32 $0x0, s0;
	s16 =	simm.s32 $0x14;
	[sflag:s6] =	ssyncadd.s32 $0xFFFFD800  }
0x7c: {  	[tilespmem:s10], [sflag:$0x4] =	stream.linear.gather [hbm4b:s20+s4], $0x50, $0x38;
	[tilespmem:$0x19200] =	vst v63  }
.LBB2_2:
0x7d: {  	[tilespmem:s11], [sflag:$0x4] =	stream.linear.gather [hbm4b:s18+s4], $0x50, $0x38;
	[tilespmem:$0x19200] =	vst v63  }
0x7e: {  	s18 =	smov.u32 s16  }
0x7f: {  	p0 =	sne.s32 s16, $0x4B0;
	s16 =	sadd.s32 $0x14, s16;
	_ =	swait.ge [sflag:s12], $0x50  }
0x80: {  	[sflag:s12] =	ssyncset.done $0x0  }
0x81: {  	[sflag:s12] =	ssyncadd.s32 $0xFFFFFFB0  }
0x82: {  	_ =	swait.ge [sflag:s12], $0x50  }
0x83: {  	[sflag:s12] =	ssyncset.done $0x0  }
0x84: {  	[sflag:s12] =	ssyncadd.s32 $0xFFFFFFB0  }
0x85: {  	[tilespmem:s24], [sflag:$0x2] =	stream.indirect.gather [hbm4b:s13+s9], $0x80, s10, s9, $0xb8;
	[tilespmem:$0x19200] =	vst v63  }
0x86: {  	_ =	swait.ge [sflag:s25], $0x2800  }
0x87: {  	[sflag:s25] =	ssyncset.done $0x0  }
0x88: {  	[sflag:s25] =	ssyncadd.s32 $0xFFFFD800  }
0x89: {  	[spmem:s2] =	stream.indirect.scatter.add.f32 [tilespmem:s5], [sflag:$0x5], $0x80, s8, s9, $0xb8;
	[tilespmem:$0x19200] =	vst v63  }
0x8a: {  	_ =	swait.ge [sflag:s6], $0x2800  }
0x8b: {  	s19 =	sshrl.u32 s17, $0x3;
	[sflag:s6] =	ssyncset.done $0x0  }
0x8c: {  	s20 =	sadd.s32 s14, s19;
	[sflag:s6] =	ssyncadd.s32 $0xFFFFD800  }
0x8d: {  	[tilespmem:s7], [sflag:$0x3] =	stream.linear.gather [hbm4b:s20+s4], $0x50, $0x38;
	[tilespmem:$0x19200] =	vst v63  }
0x8e: {  	s19 =	sadd.s32 s15, s19  }
0x8f: {  	[tilespmem:s8], [sflag:$0x3] =	stream.linear.gather [hbm4b:s19+s4], $0x50, $0x38;
	[tilespmem:$0x19200] =	vst v63  }
0x90: {  	_ =	swait.ge [sflag:s26], $0x50  }
0x91: {  	[sflag:s26] =	ssyncset.done $0x0  }
0x92: {  	[sflag:s26] =	ssyncadd.s32 $0xFFFFFFB0  }
0x93: {  	_ =	swait.ge [sflag:s26], $0x50  }
0x94: {  	[sflag:s26] =	ssyncset.done $0x0  }
0x95: {  	[sflag:s26] =	ssyncadd.s32 $0xFFFFFFB0  }
0x96: {  	[tilespmem:s5], [sflag:$0x1] =	stream.indirect.gather [hbm4b:s13+s9], $0x80, s7, s9, $0xb8;
	[tilespmem:$0x19200] =	vst v63  }
0x97: {  	_ =	swait.ge [sflag:s28], $0x2800  }
0x98: {  	[sflag:s28] =	ssyncset.done $0x0  }
0x99: {  	[sflag:s28] =	ssyncadd.s32 $0xFFFFD800  }
0x9a: {  	[spmem:s2] =	stream.indirect.scatter.add.f32 [tilespmem:s24], [sflag:$0x5], $0x80, s11, s9, $0xb8;
	[tilespmem:$0x19200] =	vst v63  }
.Ltmp0:
0x9b: {  	_ =	swait.ge [sflag:s6], $0x2800;
	(pc) =	sbr.rel @p0 .LBB2_2-.Ltmp0, $4  }
0x9c: {  	[sflag:s6] =	ssyncset.done $0x0  }
0x9d: {  	s19 =	sadd.s32 s18, s3;
	[sflag:s6] =	ssyncadd.s32 $0xFFFFD800  }
0x9e: {  	[tilespmem:s10], [sflag:$0x4] =	stream.linear.gather [hbm4b:s19+s4], $0x50, $0x38;
	[tilespmem:$0x19200] =	vst v63  }
0x9f: {  	s17 =	sadd.s32 $0xA0, s17;
	s18 =	sadd.s32 s18, s0  }
0xa0: {  	[tilespmem:s11], [sflag:$0x4] =	stream.linear.gather [hbm4b:s18+s4], $0x50, $0x38;
	[tilespmem:$0x19200] =	vst v63  }
0xa1: {  	_ =	swait.ge [sflag:s12], $0x50  }
0xa2: {  	[sflag:s12] =	ssyncset.done $0x0  }
0xa3: {  	[sflag:s12] =	ssyncadd.s32 $0xFFFFFFB0  }
0xa4: {  	_ =	swait.ge [sflag:s12], $0x50  }
0xa5: {  	[sflag:s12] =	ssyncset.done $0x0  }
0xa6: {  	[sflag:s12] =	ssyncadd.s32 $0xFFFFFFB0  }
0xa7: {  	[tilespmem:s24], [sflag:$0x2] =	stream.indirect.gather [hbm4b:s13+s9], $0x80, s10, s9, $0xb8;
	[tilespmem:$0x19200] =	vst v63  }
0xa8: {  	_ =	swait.ge [sflag:s25], $0x2800  }
0xa9: {  	[sflag:s25] =	ssyncset.done $0x0  }
0xaa: {  	[sflag:s25] =	ssyncadd.s32 $0xFFFFD800  }
0xab: {  	[spmem:s2] =	stream.indirect.scatter.add.f32 [tilespmem:s5], [sflag:$0x5], $0x80, s8, s9, $0xb8;
	[tilespmem:$0x19200] =	vst v63  }
0xac: {  	_ =	swait.ge [sflag:s6], $0x2800  }
0xad: {  	[sflag:s6] =	ssyncset.done $0x0  }
0xae: {  	s16 =	rddreg [dreg:$0x14];
	[sflag:s6] =	ssyncadd.s32 $0xFFFFD800  }
0xaf: {  	[tilespmem:s7], [sflag:$0x3] =	stream.linear.gather [hbm4b:s16+s4], $0x50, $0x38;
	[tilespmem:$0x19200] =	vst v63  }
0xb0: {  	s17 =	rddreg [dreg:$0x15]  }
0xb1: {  	[tilespmem:s8], [sflag:$0x3] =	stream.linear.gather [hbm4b:s17+s4], $0x50, $0x38;
	[tilespmem:$0x19200] =	vst v63  }
0xb2: {  	_ =	swait.ge [sflag:s26], $0x50  }
0xb3: {  	[sflag:s26] =	ssyncset.done $0x0  }
0xb4: {  	[sflag:s26] =	ssyncadd.s32 $0xFFFFFFB0  }
0xb5: {  	_ =	swait.ge [sflag:s26], $0x50  }
0xb6: {  	[sflag:s26] =	ssyncset.done $0x0  }
0xb7: {  	[sflag:s26] =	ssyncadd.s32 $0xFFFFFFB0  }
0xb8: {  	[tilespmem:s5], [sflag:$0x1] =	stream.indirect.gather [hbm4b:s13+s9], $0x80, s7, s9, $0xb8;
	[tilespmem:$0x19200] =	vst v63  }
0xb9: {  	_ =	swait.ge [sflag:s28], $0x2800  }
0xba: {  	[sflag:s28] =	ssyncset.done $0x0  }
0xbb: {  	[sflag:s28] =	ssyncadd.s32 $0xFFFFD800  }
0xbc: {  	[spmem:s2] =	stream.indirect.scatter.add.f32 [tilespmem:s24], [sflag:$0x5], $0x80, s11, s9, $0xb8;
	[tilespmem:$0x19200] =	vst v63  }
0xbd: {  	_ =	swait.ge [sflag:s6], $0x2800  }
0xbe: {  	[sflag:s6] =	ssyncset.done $0x0  }
0xbf: {  	[sflag:s6] =	ssyncadd.s32 $0xFFFFD800  }
0xc0: {  	[tilespmem:s10], [sflag:$0x4] =	stream.linear.gather [hbm4b:s16+s4], $0x50, $0x38;
	[tilespmem:$0x19200] =	vst v63  }
0xc1: {  	_ = 	snop  }
0xc2: {  	[tilespmem:s11], [sflag:$0x4] =	stream.linear.gather [hbm4b:s17+s4], $0x50, $0x38;
	[tilespmem:$0x19200] =	vst v63  }
0xc3: {  	_ =	swait.ge [sflag:s12], $0x50  }
0xc4: {  	[sflag:s12] =	ssyncset.done $0x0  }
0xc5: {  	[sflag:s12] =	ssyncadd.s32 $0xFFFFFFB0  }
0xc6: {  	_ =	swait.ge [sflag:s12], $0x50  }
0xc7: {  	[sflag:s12] =	ssyncset.done $0x0  }
0xc8: {  	[sflag:s12] =	ssyncadd.s32 $0xFFFFFFB0  }
0xc9: {  	_ =	swait.ge [sflag:s25], $0x2800  }
0xca: {  	[sflag:s25] =	ssyncset.done $0x0  }
0xcb: {  	[sflag:s25] =	ssyncadd.s32 $0xFFFFD800  }
0xcc: {  	[spmem:s2] =	stream.indirect.scatter.add.f32 [tilespmem:s5], [sflag:$0x5], $0x80, s8, s9, $0xb8;
	[tilespmem:$0x19200] =	vst v63  }
0xcd: {  	_ =	swait.ge [sflag:s6], $0x2800  }
0xce: {  	[sflag:s6] =	ssyncset.done $0x0  }
0xcf: {  	[sflag:s6] =	ssyncadd.s32 $0xFFFFD800  }
0xd0: {  	[bflag:$0x0] =	sbarrier.arrive $0xFFFF  }
0xd1: {  	[tilespmem:s5], [sflag:$0x5] =	stream.linear.gather [spmem:s21], $0x2800, $0x38;
	[tilespmem:$0x19200] =	vst v63  }
0xd2: {  	_ =	swait.ge [sflag:s6], $0x2800  }
0xd3: {  	[sflag:s6] =	ssyncset.done $0x0  }
0xd4: {  	s19 =	smov.u32 s21;
	s21 =	rddreg [dreg:$0x4];
	[sflag:s6] =	ssyncadd.s32 $0xFFFFD800  }
0xd5: {  	[hbm4b:s21+s4] =	stream.linear.scatter [tilespmem:s5], [sflag:$0x5], $0x2800, $0x38;
	[tilespmem:$0x19200] =	vst v63  }
0xd6: {  	_ =	swait.ge [sflag:s6], $0x2800  }
0xd7: {  	[sflag:s6] =	ssyncset.done $0x0  }
0xd8: {  	[sflag:s6] =	ssyncadd.s32 $0xFFFFD800  }
0xd9: {  	[tilespmem:s5], [sflag:$0x5] =	stream.linear.gather [spmem:s22], $0x2800, $0x38;
	[tilespmem:$0x19200] =	vst v63  }
0xda: {  	_ =	swait.ge [sflag:s6], $0x2800  }
0xdb: {  	[sflag:s6] =	ssyncset.done $0x0  }
0xdc: {  	s20 =	smov.u32 s22;
	s22 =	rddreg [dreg:$0x5];
	[sflag:s6] =	ssyncadd.s32 $0xFFFFD800  }
0xdd: {  	[hbm4b:s22+s4] =	stream.linear.scatter [tilespmem:s5], [sflag:$0x5], $0x2800, $0x38;
	[tilespmem:$0x19200] =	vst v63  }
0xde: {  	_ =	swait.ge [sflag:s6], $0x2800  }
0xdf: {  	[sflag:s6] =	ssyncset.done $0x0  }
0xe0: {  	[sflag:s6] =	ssyncadd.s32 $0xFFFFD800  }
0xe1: {  	[tilespmem:s5], [sflag:$0x5] =	stream.linear.gather [spmem:s23], $0x2800, $0x38;
	[tilespmem:$0x19200] =	vst v63  }
0xe2: {  	_ =	swait.ge [sflag:s6], $0x2800  }
0xe3: {  	[sflag:s6] =	ssyncset.done $0x0  }
0xe4: {  	s17 =	smov.u32 s23;
	s23 =	rddreg [dreg:$0x6];
	[sflag:s6] =	ssyncadd.s32 $0xFFFFD800  }
0xe5: {  	[hbm4b:s23+s4] =	stream.linear.scatter [tilespmem:s5], [sflag:$0x5], $0x2800, $0x38;
	[tilespmem:$0x19200] =	vst v63  }
0xe6: {  	_ =	swait.ge [sflag:s6], $0x2800  }
0xe7: {  	[sflag:s6] =	ssyncset.done $0x0  }
0xe8: {  	[sflag:s6] =	ssyncadd.s32 $0xFFFFD800  }
0xe9: {  	[tilespmem:s5], [sflag:$0x5] =	stream.linear.gather [spmem:s31], $0x2800, $0x38;
	[tilespmem:$0x19200] =	vst v63  }
0xea: {  	_ =	swait.ge [sflag:s6], $0x2800  }
0xeb: {  	[sflag:s6] =	ssyncset.done $0x0  }
0xec: {  	s1 =	rddreg [dreg:$0x7];
	[sflag:s6] =	ssyncadd.s32 $0xFFFFD800  }
0xed: {  	[hbm4b:s1+s4] =	stream.linear.scatter [tilespmem:s5], [sflag:$0x5], $0x2800, $0x38;
	[tilespmem:$0x19200] =	vst v63  }
0xee: {  	_ =	swait.ge [sflag:s6], $0x2800  }
0xef: {  	[sflag:s6] =	ssyncset.done $0x0  }
0xf0: {  	s18 =	smov.u32 s31;
	s31 =	rddreg [dreg:$0xd];
	[sflag:s6] =	ssyncadd.s32 $0xFFFFD800  }
0xf1: {  	[tilespmem:s5], [sflag:$0x5] =	stream.linear.gather [spmem:s31], $0x2800, $0x38;
	[tilespmem:$0x19200] =	vst v63  }
0xf2: {  	_ =	swait.ge [sflag:s6], $0x2800  }
0xf3: {  	[sflag:s6] =	ssyncset.done $0x0  }
0xf4: {  	s21 =	rddreg [dreg:$0x8];
	[sflag:s6] =	ssyncadd.s32 $0xFFFFD800  }
0xf5: {  	[hbm4b:s21+s4] =	stream.linear.scatter [tilespmem:s5], [sflag:$0x5], $0x2800, $0x38;
	[tilespmem:$0x19200] =	vst v63  }
0xf6: {  	_ =	swait.ge [sflag:s6], $0x2800  }
0xf7: {  	[sflag:s6] =	ssyncset.done $0x0  }
0xf8: {  	s21 =	rddreg [dreg:$0xc];
	[sflag:s6] =	ssyncadd.s32 $0xFFFFD800  }
0xf9: {  	[tilespmem:s5], [sflag:$0x5] =	stream.linear.gather [spmem:s21], $0x2800, $0x38;
	[tilespmem:$0x19200] =	vst v63  }
0xfa: {  	_ =	swait.ge [sflag:s6], $0x2800  }
0xfb: {  	[sflag:s6] =	ssyncset.done $0x0  }
0xfc: {  	s22 =	rddreg [dreg:$0x9];
	[sflag:s6] =	ssyncadd.s32 $0xFFFFD800  }
0xfd: {  	[hbm4b:s22+s4] =	stream.linear.scatter [tilespmem:s5], [sflag:$0x5], $0x2800, $0x38;
	[tilespmem:$0x19200] =	vst v63  }
0xfe: {  	_ =	swait.ge [sflag:s6], $0x2800  }
0xff: {  	[sflag:s6] =	ssyncset.done $0x0  }
0x100: {  	[sflag:s6] =	ssyncadd.s32 $0xFFFFD800  }
0x101: {  	[tilespmem:s5], [sflag:$0x5] =	stream.linear.gather [spmem:s30], $0x2800, $0x38;
	[tilespmem:$0x19200] =	vst v63  }
0x102: {  	_ =	swait.ge [sflag:s6], $0x2800  }
0x103: {  	[sflag:s6] =	ssyncset.done $0x0  }
0x104: {  	s23 =	rddreg [dreg:$0xa];
	[sflag:s6] =	ssyncadd.s32 $0xFFFFD800  }
0x105: {  	[hbm4b:s23+s4] =	stream.linear.scatter [tilespmem:s5], [sflag:$0x5], $0x2800, $0x38;
	[tilespmem:$0x19200] =	vst v63  }
0x106: {  	_ =	swait.ge [sflag:s6], $0x2800  }
0x107: {  	[sflag:s6] =	ssyncset.done $0x0  }
0x108: {  	s22 =	rddreg [dreg:$0xe];
	[sflag:s6] =	ssyncadd.s32 $0xFFFFD800  }
0x109: {  	[tilespmem:s5], [sflag:$0x5] =	stream.linear.gather [spmem:s22], $0x2800, $0x38;
	[tilespmem:$0x19200] =	vst v63  }
0x10a: {  	_ =	swait.ge [sflag:s6], $0x2800  }
0x10b: {  	[sflag:s6] =	ssyncset.done $0x0  }
0x10c: {  	s1 =	rddreg [dreg:$0xb];
	[sflag:s6] =	ssyncadd.s32 $0xFFFFD800  }
0x10d: {  	[hbm4b:s1+s4] =	stream.linear.scatter [tilespmem:s5], [sflag:$0x5], $0x2800, $0x38;
	[tilespmem:$0x19200] =	vst v63  }
0x10e: {  	_ =	swait.ge [sflag:s6], $0x2800  }
0x10f: {  	s29 =	sadd.s32 $0x1, s29;
	s23 =	rddreg [dreg:$0x11]  }
0x110: {  	p0 =	sne.s32 s29, s23  }
.Ltmp1:
0x111: {  	_ = 	snop;
	(pc) =	sbr.rel @p0 .LBB2_1-.Ltmp1, $3  }
0x112: {  	_ =	sdelay $0x1  }
0x113: {  	[sflag:s6] =	ssyncset.done $0x0  }
0x114: {  	[sflag:s6] =	ssyncadd.s32 $0xFFFFD800  }
0x115: {  	_ =	sfence.sel $0x180000  }
0x116: {  	[bflag:$0x0] =	sbarrier.arrive $0xFFFF  }
0x117: {  	_ =	strace $0x90000050  }
0x118: {  	s0 =	stileid.u32;
	[bflag:$0x2] =	sbarrier.arrive $0xFFFF  }
0x119: {  	p0 =	sne.s32 s0, $0x0;
	s0 =	rddreg [dreg:$0x3]  }
0x11a: {  	s0 =	sadd.s32 @!p0 $0x100000, s0  }
0x11b: {  	[sflag:s0] =	ssyncadd.tile.s32 @!p0 $0x1;
	_ =	shalt  }
.Lfunc_end2:
_tile_overlayer_lowered:
.L_overlay_start_2:
0x11c: {  	(tag) =	ssettag $0x2  }
0x11d: {  	s0 =	rddreg [dreg:$0x0];
	s2 =	stileid.u32  }
0x11e: {  	s1 =	rddreg [dreg:$0x1];
	p0 =	sne.s32 s2, $0x0  }
0x11f: {  	s3 =	rddreg [dreg:$0x2];
	[bflag:$0x3] =	sbarrier.arrive $0xFFFF;
	s2 =	simm.s32 @!p0 $0x1C05  }
0x120: {  	[timem:s3], [sflag:s2] =	dma.local @!p0 [hbm:s0], s1  }
0x121: {  	s0 =	simm.s32 @!p0 $0x5  }
0x122: {  	_ =	swait.ge @!p0 [sflag:s0], s1  }
0x123: {  	s1 =	ssub.s32 @!p0 $0x0, s1;
	[sflag:s0] =	ssyncset.done @!p0 $0x0  }
0x124: {  	[sflag:s0] =	ssyncadd.s32 @!p0 s1  }
0x125: {  	[bflag:$0x3] =	sbarrier.arrive $0xFFFF  }
0x126: {  	_ =	shalt  }

// kernel: kernel.9.cloned.1.call-start
scs
__scs_entry_jumppad:
0x0: {  	(pc) =	sbr.rel $0x88, $3  }
0x1: {  	(tag) =	ssettag $0x0;
	lr =	simm.s32 $0x1  }
0x2: {  	[smem:$0x3F90] =	sst lr;
	_ =	strace $0xD0000000  }
0x3: {  	_ = 	snop  }
0x4: {  	_ = 	snop  }
0x5: {  	_ = 	snop  }
0x6: {  	_ = 	snop  }
0x7: {  	_ = 	snop  }
__scs_overlays_trampoline_lowered:
0x8: {  	[smem:$0x3F9F] =	sst s0  }
0x9: {  	[smem:$0x3FA0] =	sst s1  }
0xa: {  	[smem:$0x3FA1] =	sst s2  }
0xb: {  	[smem:$0x3FA2] =	sst s3  }
0xc: {  	[smem:$0x3FA3] =	sst s4  }
0xd: {  	[smem:$0x3FA4] =	sst s5  }
0xe: {  	[smem:$0x3FA5] =	sst s6  }
0xf: {  	[smem:$0x3FA6] =	sst s7  }
0x10: {  	[smem:$0x3FA7] =	sst s8  }
0x11: {  	[smem:$0x3FA8] =	sst s9;
	s0 =	simm.s32 @!p0 $0x0  }
0x12: {  	s1 =	sld [smem:$0x3F8E];
	s0 =	simm.s32 @p0 $0x1  }
0x13: {  	[smem:$0x3FA9] =	sst s0;
	s0 =	simm.s32 @!p1 $0x0  }
0x14: {  	s2 =	sld [smem:$0x3F8D];
	s0 =	simm.s32 @p1 $0x1  }
0x15: {  	[smem:$0x3FAA] =	sst s0;
	s0 =	simm.s32 @!p2 $0x0  }
0x16: {  	s3 =	sld [smem:$0x3FDB];
	s0 =	simm.s32 @p2 $0x1  }
0x17: {  	s4 =	simm.s32 $0x1BF5;
	[smem:$0x3FAC] =	sst s0  }
0x18: {  	s0 =	sld [smem:$0x3F8F];
	_ =	swait.ge [sflag:s4], $0x0  }
0x19: {  	s7 =	sld [smem:$0x3F90]  }
0x1a: {  	s8 =	sadd.s32 $0xFFFFE003, lr  }
0x1b: {  	s9 =	sadd.s32 $0xFFFFFEF7, lr;
	s5 =	simm.s32 $0xFFFFFFFF;
	p2 =	slt.u32 s8, $0xFFFFF086  }
0x1c: {  	p1 =	slt.u32 s9, $0xF7A;
	s5 =	simm.s32 @!p2 $0x0  }
0x1d: {  	s5 =	simm.s32 @p1 $0x1;
	p0 =	seq.s32 s7, s2  }
0x1e: {  	s7 =	smul.u32 @!p0 $0xF7A, s2;
	p2 =	seq.s32 @!p0 s5, $0x0  }
0x1f: {  	s9 =	smul.u32 $0xF7A, s1;
	s8 =	simm.s32 @!p0 $0x1BF5;
	p2 =	por !p2, p0  }
0x20: {  	[sflag:s8] =	ssyncset.s32 @!p0 $0xFFFFF086;
	s6 =	sadd.s32 @!p0 s3, s7;
	s7 =	simm.s32 @!p0 $0x108  }
0x21: {  	s3 =	sadd.s32 s3, s9;
	s6 =	sadd.s32 @!p0 $0x88, s6;
	s7 =	simm.s32 @p2 $0x1082  }
0x22: {  	[simem:s7], [sflag:s8] =	dma.local @!p0 [hbm:s6], $0xF7A  }
0x23: {  	s9 =	sor.u32 $0xD0000000, s2;
	s6 =	simm.s32 $0x108;
	_ =	swait.ge @!p0 [sflag:s8], $0x0  }
0x24: {  	s3 =	sadd.s32 $0x88, s3;
	s6 =	simm.s32 @!p1 $0x1082;
	[sflag:s4] =	ssyncset.s32 $0xFFFFF086  }
0x25: {  	[simem:s6], [sflag:s4] =	dma.local [hbm:s3], $0xF7A  }
0x26: {  	[smem:$0x3F90] =	sst s1;
	(tag) =	ssettag s2;
	_ =	strace s9  }
0x27: {  	s1 =	sld [smem:$0x3FA0]  }
0x28: {  	s2 =	sld [smem:$0x3FA1]  }
0x29: {  	s4 =	sld [smem:$0x3FA3]  }
0x2a: {  	p0 =	seq.s32 s5, $0x0;
	s5 =	sld [smem:$0x3FA4]  }
0x2b: {  	s6 =	sld [smem:$0x3FA5]  }
0x2c: {  	s7 =	sld [smem:$0x3FA6]  }
0x2d: {  	s3 =	simm.s32 $0x108;
	s8 =	sld [smem:$0x3FA7]  }
0x2e: {  	s3 =	simm.s32 @!p0 $0x1082;
	s9 =	sld [smem:$0x3FA8]  }
0x2f: {  	lr =	sadd.s32 s0, s3;
	s0 =	sld [smem:$0x3F9F]  }
0x30: {  	s3 =	sld [smem:$0x3FA2]  }
0x31: {  	[smem:$0x3FAB] =	sst s10  }
0x32: {  	s10 =	sld [smem:$0x3FA9];
	_ =	sdelay $0x3  }
0x33: {  	p0 =	seq.s32 s10, $0x1;
	s10 =	sld [smem:$0x3FAB];
	_ =	sdelay $0x3  }
0x34: {  	[smem:$0x3FAB] =	sst s10  }
0x35: {  	s10 =	sld [smem:$0x3FAA];
	_ =	sdelay $0x3  }
0x36: {  	p1 =	seq.s32 s10, $0x1;
	s10 =	sld [smem:$0x3FAB];
	_ =	sdelay $0x3  }
0x37: {  	[smem:$0x3FAB] =	sst s10  }
0x38: {  	s10 =	sld [smem:$0x3FAC]  }
0x39: {  	_ = 	snop;
	(pc) =	sbr.ind lr, $3  }
0x3a: {  	_ = 	snop  }
0x3b: {  	_ = 	snop  }
0x3c: {  	p2 =	seq.s32 s10, $0x1;
	s10 =	sld [smem:$0x3FAB]  }
0x3d: {  	_ =	shalt  }
0x3e: {  	_ =	shalt  }
0x3f: {  	_ =	shalt  }
0x40: {  	_ =	shalt  }
0x41: {  	_ =	shalt  }
0x42: {  	_ =	shalt  }
0x43: {  	_ =	shalt  }
0x44: {  	_ =	shalt  }
0x45: {  	_ =	shalt  }
0x46: {  	_ =	shalt  }
0x47: {  	_ =	shalt  }
0x48: {  	_ =	shalt  }
0x49: {  	_ =	shalt  }
0x4a: {  	_ =	shalt  }
0x4b: {  	_ =	shalt  }
0x4c: {  	_ =	shalt  }
0x4d: {  	_ =	shalt  }
0x4e: {  	_ =	shalt  }
0x4f: {  	_ =	shalt  }
0x50: {  	_ =	shalt  }
0x51: {  	_ =	shalt  }
0x52: {  	_ =	shalt  }
0x53: {  	_ =	shalt  }
0x54: {  	_ =	shalt  }
0x55: {  	_ =	shalt  }
0x56: {  	_ =	shalt  }
0x57: {  	_ =	shalt  }
0x58: {  	_ =	shalt  }
0x59: {  	_ =	shalt  }
0x5a: {  	_ =	shalt  }
0x5b: {  	_ =	shalt  }
0x5c: {  	_ =	shalt  }
0x5d: {  	_ =	shalt  }
0x5e: {  	_ =	shalt  }
0x5f: {  	_ =	shalt  }
0x60: {  	_ =	shalt  }
0x61: {  	_ =	shalt  }
0x62: {  	_ =	shalt  }
0x63: {  	_ =	shalt  }
0x64: {  	_ =	shalt  }
0x65: {  	_ =	shalt  }
0x66: {  	_ =	shalt  }
0x67: {  	_ =	shalt  }
0x68: {  	_ =	shalt  }
0x69: {  	_ =	shalt  }
0x6a: {  	_ =	shalt  }
0x6b: {  	_ =	shalt  }
0x6c: {  	_ =	shalt  }
0x6d: {  	_ =	shalt  }
0x6e: {  	_ =	shalt  }
0x6f: {  	_ =	shalt  }
0x70: {  	_ =	shalt  }
0x71: {  	_ =	shalt  }
0x72: {  	_ =	shalt  }
0x73: {  	_ =	shalt  }
0x74: {  	_ =	shalt  }
0x75: {  	_ =	shalt  }
0x76: {  	_ =	shalt  }
0x77: {  	_ =	shalt  }
0x78: {  	_ =	shalt  }
0x79: {  	_ =	shalt  }
0x7a: {  	_ =	shalt  }
0x7b: {  	_ =	shalt  }
0x7c: {  	_ =	shalt  }
0x7d: {  	_ =	shalt  }
0x7e: {  	_ =	shalt  }
0x7f: {  	_ =	shalt  }
0x80: {  	_ =	shalt  }
0x81: {  	_ =	shalt  }
0x82: {  	_ =	shalt  }
0x83: {  	_ =	shalt  }
0x84: {  	_ =	shalt  }
0x85: {  	_ =	shalt  }
0x86: {  	_ =	shalt  }
0x87: {  	_ =	shalt  }
.Lfunc_end0:
.L_simem_size_0:
called_computation_lowered:
.L_overlay_start_0:
0x88: {  	s2 =	sld [smem:$0x3FD9]  }
0x89: {  	s3 =	sld [smem:$0x3FFE];
	_ =	sdelay $0x1  }
0x8a: {  	s1 =	srdreg.scid  }
0x8b: {  	s0 =	sand.u32 $0x1, s1  }
0x8c: {  	s17 =	sshll.u32 s0, $0xA;
	s2 =	sadd.s32 s3, s2  }
0x8d: {  	s2 =	sadd.s32 s2, s17  }
0x8e: {  	[smem:$0x3FB7] =	sst s2  }
0x8f: {  	_ = 	snop  }
0x90: {  	s18 =	sld [smem:$0x3FD0];
	(tm) =	ssettm $0x1  }
0x91: {  	s19 =	sld [smem:$0x3FFB];
	_ =	sdelay $0x3  }
0x92: {  	_ =	strace s19  }
0x93: {  	s2 =	sld [smem:$0x3FFC];
	_ =	sdelay $0x3  }
0x94: {  	_ =	strace s2  }
0x95: {  	s2 =	sld [smem:$0x3FFD];
	_ =	sdelay $0x3  }
0x96: {  	_ =	strace s2  }
0x97: {  	_ =	strace $0x8FFFFFFF  }
0x98: {  	s20 =	sld [smem:$0x3FDB];
	_ =	sdelay $0x1  }
0x99: {  	s4 =	simm.s32 $_scs_section_size  }
0x9a: {  	s5 =	simm.s32 $_size__tile_overlayer_lowered;
	s6 =	simm.s32 $_tile_overlayer_lowered  }
0x9b: {  	s7 =	simm.s32 $0x1BFF;
	s21 =	sshll.u32 s6, $0x1;
	s4 =	sadd.s32 s4, s20  }
0x9c: {  	s22 =	simm.s32 $0x0;
	s5 =	sshll.u32 s5, $0x1;
	s6 =	sadd.s32 s21, s4  }
0x9d: {  	[timem:s22], [sflag:s7] =	dma.local [hbm:s6], s5  }
0x9e: {  	_ =	swait.ge [sflag:s7], s5  }
0x9f: {  	s5 =	ssub.s32 $0x0, s5;
	[sflag:s7] =	ssyncset.done $0x0  }
0xa0: {  	[sflag:s7] =	ssyncadd.s32 s5;
	_ =	sdelay $0x1  }
0xa1: {  	s23 =	simm.s32 $0x1B8B  }
0xa2: {  	_ =	swait.ge [sflag:s23], $0x1  }
0xa3: {  	[sflag:s23] =	ssyncset.done $0x0  }
0xa4: {  	[sflag:s23] =	ssyncadd.s32 $0xFFFFFFFF  }
0xa5: {  	s5 =	sld [smem:$0x0]  }
0xa6: {  	s6 =	sand.u32 $0xFFFFFFFE, s1  }
0xa7: {  	p0 =	sne.s32 s1, s6  }
0xa8: {  	s6 =	sshll.u32 @p0 s6, $0xE  }
0xa9: {  	s6 =	sadd.s32 @p0 $0x11B8D, s6;
	s7 =	sshll.u32 @p0 s5, $0x11  }
0xaa: {  	s6 =	sor.u32 @p0 s7, s6  }
0xab: {  	[sflag:s6] =	ssyncadd.remote.s32 @p0 $0x1;
	_ =	sdelay $0x1  }
0xac: {  	s6 =	simm.s32 @p0 $0x1B8D  }
0xad: {  	_ =	swait.eq @p0 [sflag:s6], $0x1  }
0xae: {  	[sflag:s6] =	ssyncadd.s32 @p0 $0xFFFFFFFF  }
0xaf: {  	s7 =	sshll.u32 @!p0 s1, $0xE  }
0xb0: {  	s7 =	sor.u32 @!p0 $0x4000, s7;
	s6 =	simm.s32 @!p0 $0x1B8D  }
0xb1: {  	s5 =	sshll.u32 @!p0 s5, $0x11;
	s7 =	sadd.s32 @!p0 $0x11B8D, s7;
	_ =	swait.eq @!p0 [sflag:s6], $0x1  }
0xb2: {  	s5 =	sor.u32 @!p0 s5, s7;
	[sflag:s6] =	ssyncadd.s32 @!p0 $0xFFFFFFFF  }
0xb3: {  	s25 =	simm.s32 $0x1B8E;
	s24 =	sld [smem:$0x3FFE];
	[sflag:s5] =	ssyncadd.remote.s32 @!p0 $0x1  }
0xb4: {  	s26 =	simm.s32 $execute0_lowered;
	[smem:$0x3FD2] =	sst s25  }
0xb5: {  	s6 =	sshll.u32 s26, $0x1;
	_ =	strace $0x80000049;
	[dreg:$0x1] =	wrdreg $0xFFFFFFFF  }
0xb6: {  	s28 =	simm.s32 $_size_execute0_lowered;
	s4 =	sadd.s32 s4, s6;
	[dreg:$0x0] =	wrdreg $0x0  }
0xb7: {  	s6 =	sshll.u32 s28, $0x1;
	[dreg:$0x2] =	wrdreg s4  }
0xb8: {  	[dreg:$0x3] =	wrdreg s6  }
0xb9: {  	[dreg:$0x4] =	wrdreg $0xC0  }
0xba: {  	_ =	task [dreg:s22], $0x5FFFF  }
0xbb: {  	[dreg:$0x1] =	wrdreg $0xFFFFFFFF  }
0xbc: {  	[dreg:$0x0] =	wrdreg $0x60  }
0xbd: {  	[dreg:$0x2] =	wrdreg s24  }
0xbe: {  	[dreg:$0x3] =	wrdreg s18  }
0xbf: {  	[dreg:$0x4] =	wrdreg $0x0  }
0xc0: {  	[dreg:$0x5] =	wrdreg $0x9  }
0xc1: {  	_ =	task.clear_ibuf [dreg:s22], $0x6FFFF;
	_ =	strace $0x90000049  }
0xc2: {  	s29 =	simm.s32 $0x9;
	_ =	strace $0x8000004B  }
0xc3: {  	_ =	swait.ge [sflag:s29], $0x1  }
0xc4: {  	[sflag:s29] =	ssyncadd.s32 $0xFFFFFFFF  }
0xc5: {  	_ =	strace $0x9000004B  }
0xc6: {  	_ =	sfence  }
0xc7: {  	s30 =	sld [smem:$0x0];
	_ =	sdelay $0x2  }
0xc8: {  	s31 =	sshll.u32 s1, $0xD;
	s1 =	sshrl.u32 s1, $0x2  }
0xc9: {  	s4 =	sand.u32 $0x4000, s31;
	s1 =	sadd.s32 s1, s30  }
0xca: {  	s0 =	sor.u32 s4, s0;
	s1 =	sshll.u32 s1, $0x11  }
0xcb: {  	s0 =	sor.u32 s1, s0  }
0xcc: {  	s0 =	sadd.s32 $0x8F2B, s0  }
0xcd: {  	[sflag:s0] =	ssyncadd.remote.s32 $0x1  }
0xce: {  	_ =	sfence.sel $0xFFFF  }
0xcf: {  	[dreg:$0x0] =	wrdreg $0xFFFFFFFF;
	(pc) =	sbr.abs _section_cstart, $3  }
0xd0: {  	[dreg:$0x1] =	wrdreg $0xFFFFFFFF  }
0xd1: {  	_ =	task.clear_ibuf [dreg:s22], $0x2FFFF;
	_ =	strace $0x9FFFFFFF  }
0xd2: {  	(tm) =	ssettm $0x7FFFFFFF  }
0xd3: {  	_ =	shalt  }
tec
execute0_lowered:
.L_overlay_start_1:
0x0: {  	(tag) =	ssettag $0x1  }
0x1: {  	s0 =	rddreg [dreg:$0x0]  }
0x2: {  	s2 =	rddreg [dreg:$0x2];
	s1 =	srdreg.scid  }
0x3: {  	s4 =	simm.s32 $0x0;
	s14 =	stileid.u32;
	s30 =	simm.s32 $0x14100  }
0x4: {  	s31 =	simm.s32 $0x3;
	s1 =	sand.u32 $0x1, s1;
	[smem:$0x7FF] =	sst s4  }
0x5: {  	s6 =	sshll.u32 s14, $0x1;
	s7 =	smul.u32 $0x14000, s14;
	s3 =	ssub.s32 $0x2, s1  }
0x6: {  	s8 =	sadd.s32 $0x67C00, s0;
	s11 =	smul.u32 $0x140000, s1;
	s5 =	sshrl.u32 s3, $0x1  }
0x7: {  	s9 =	sor.u32 $0x2800, s7;
	s10 =	sadd.s32 $0x5000, s7;
	s18 =	sadd.s32 $0x7800, s7  }
0x8: {  	s19 =	sadd.s32 $0xA000, s7;
	s20 =	sadd.s32 $0xC800, s7;
	s21 =	sadd.s32 $0xF000, s7  }
0x9: {  	s22 =	sadd.s32 $0x11800, s7;
	s3 =	ssub.s32 s3, s5;
	s5 =	sor.u32 s1, s6  }
0xa: {  	s6 =	smul.u32 $0x50000, s14;
	s7 =	sadd.s32 s7, s11;
	s12 =	sadd.s32 s11, s9  }
0xb: {  	s13 =	sadd.s32 s11, s10;
	s24 =	sadd.s32 s11, s18;
	s25 =	sadd.s32 s11, s19  }
0xc: {  	s26 =	sadd.s32 s11, s20;
	s16 =	sadd.s32 s11, s21;
	s11 =	sadd.s32 s11, s22  }
0xd: {  	s1 =	smul.u32 $0x2710, s1;
	s18 =	sadd.s32 s18, s2;
	s19 =	sadd.s32 s19, s2  }
0xe: {  	s20 =	sadd.s32 s20, s2;
	s21 =	sadd.s32 s21, s2;
	s7 =	sshrl.u32 s7, $0x3  }
0xf: {  	s22 =	sadd.s32 s22, s2;
	s12 =	sshrl.u32 s12, $0x3;
	s7 =	sadd.s32 s8, s7  }
0x10: {  	s13 =	sshrl.u32 s13, $0x3;
	s17 =	sadd.s32 s8, s12;
	[dreg:$0x4] =	wrdreg s7  }
0x11: {  	s23 =	sadd.s32 s8, s13;
	s12 =	sshrl.u32 s25, $0x3;
	[dreg:$0x5] =	wrdreg s17  }
0x12: {  	s13 =	sshrl.u32 s26, $0x3;
	s6 =	sshrl.u32 s6, $0x2;
	[dreg:$0x6] =	wrdreg s23  }
0x13: {  	s7 =	sshrl.u32 s24, $0x3;
	s12 =	sadd.s32 s8, s12;
	s15 =	sadd.s32 s8, s13  }
0x14: {  	s17 =	sshrl.u32 s11, $0x3;
	s23 =	smul.u32 $0x4E20, s14;
	s13 =	sadd.s32 $0x3A00, s0  }
0x15: {  	s14 =	sadd.s32 $0x67600, s0;
	s24 =	smul.u32 $0x2710, s5;
	[dreg:$0x8] =	wrdreg s12  }
0x16: {  	s5 =	simm.s32 $0x50;
	s7 =	sadd.s32 s8, s7;
	[dreg:$0x9] =	wrdreg s15  }
0x17: {  	s12 =	sadd.s32 s8, s17;
	s15 =	sadd.s32 s6, s2;
	s17 =	sadd.s32 s10, s2  }
0x18: {  	s6 =	simm.s32 $0x2;
	[dreg:$0x7] =	wrdreg s7;
	s7 =	sshrl.u32 s16, $0x3  }
0x19: {  	s1 =	sadd.s32 s1, s23;
	s16 =	sadd.s32 s9, s2;
	s0 =	sshrl.u32 s24, $0x3  }
0x1a: {  	s24 =	smax.u32 s3, $0x1;
	s3 =	simm.s32 $0x14080;
	s7 =	sadd.s32 s8, s7  }
0x1b: {  	s25 =	sadd.s32 $0xF0, s1;
	s23 =	sadd.s32 s13, s0;
	s0 =	simm.s32 $0x14000  }
0x1c: {  	[dreg:$0xa] =	wrdreg s7;
	s26 =	sshrl.u32 s25, $0x3;
	s28 =	sadd.s32 $0xA, s23  }
0x1d: {  	s29 =	sadd.s32 $0x4D8, s23;
	s7 =	simm.s32 $0x0;
	_ =	strace $0x8000004A  }
0x1e: {  	s25 =	sadd.s32 s26, s13;
	s26 =	sadd.s32 $0xA0, s1;
	s1 =	simm.s32 $0x1  }
.LBB2_1:
0x1f: {  	s8 =	rddreg [dreg:$0x1]  }
0x20: {  	[tilespmem:s30], [sflag:$0x3] =	stream.linear.gather [hbm4b:s8+s4], $0x2800, $0x38;
	[tilespmem:$0x16900] =	vst v63  }
0x21: {  	_ =	swait.ge [sflag:s31], $0x2800  }
0x22: {  	[sflag:s31] =	ssyncset.done $0x0  }
0x23: {  	[sflag:s31] =	ssyncadd.s32 $0xFFFFD800  }
0x24: {  	[spmem:s15] =	stream.linear.scatter [tilespmem:s30], [sflag:$0x3], $0x2800, $0x38;
	[tilespmem:$0x16900] =	vst v63  }
0x25: {  	_ =	swait.ge [sflag:s31], $0x2800  }
0x26: {  	[sflag:s31] =	ssyncset.done $0x0  }
0x27: {  	[sflag:s31] =	ssyncadd.s32 $0xFFFFD800  }
0x28: {  	[spmem:s16] =	stream.linear.scatter [tilespmem:s30], [sflag:$0x3], $0x2800, $0x38;
	[tilespmem:$0x16900] =	vst v63  }
0x29: {  	_ =	swait.ge [sflag:s31], $0x2800  }
0x2a: {  	[sflag:s31] =	ssyncset.done $0x0  }
0x2b: {  	[sflag:s31] =	ssyncadd.s32 $0xFFFFD800  }
0x2c: {  	[spmem:s17] =	stream.linear.scatter [tilespmem:s30], [sflag:$0x3], $0x2800, $0x38;
	[tilespmem:$0x16900] =	vst v63  }
0x2d: {  	_ =	swait.ge [sflag:s31], $0x2800  }
0x2e: {  	[sflag:s31] =	ssyncset.done $0x0  }
0x2f: {  	[sflag:s31] =	ssyncadd.s32 $0xFFFFD800  }
0x30: {  	[spmem:s18] =	stream.linear.scatter [tilespmem:s30], [sflag:$0x3], $0x2800, $0x38;
	[tilespmem:$0x16900] =	vst v63  }
0x31: {  	_ =	swait.ge [sflag:s31], $0x2800  }
0x32: {  	[sflag:s31] =	ssyncset.done $0x0  }
0x33: {  	[sflag:s31] =	ssyncadd.s32 $0xFFFFD800  }
0x34: {  	[spmem:s19] =	stream.linear.scatter [tilespmem:s30], [sflag:$0x3], $0x2800, $0x38;
	[tilespmem:$0x16900] =	vst v63  }
0x35: {  	_ =	swait.ge [sflag:s31], $0x2800  }
0x36: {  	[sflag:s31] =	ssyncset.done $0x0  }
0x37: {  	[sflag:s31] =	ssyncadd.s32 $0xFFFFD800  }
0x38: {  	[spmem:s20] =	stream.linear.scatter [tilespmem:s30], [sflag:$0x3], $0x2800, $0x38;
	[tilespmem:$0x16900] =	vst v63  }
0x39: {  	_ =	swait.ge [sflag:s31], $0x2800  }
0x3a: {  	[sflag:s31] =	ssyncset.done $0x0  }
0x3b: {  	[sflag:s31] =	ssyncadd.s32 $0xFFFFD800  }
0x3c: {  	[spmem:s21] =	stream.linear.scatter [tilespmem:s30], [sflag:$0x3], $0x2800, $0x38;
	[tilespmem:$0x16900] =	vst v63  }
0x3d: {  	_ =	swait.ge [sflag:s31], $0x2800  }
0x3e: {  	[sflag:s31] =	ssyncset.done $0x0  }
0x3f: {  	[sflag:s31] =	ssyncadd.s32 $0xFFFFD800  }
0x40: {  	[spmem:s22] =	stream.linear.scatter [tilespmem:s30], [sflag:$0x3], $0x2800, $0x38;
	[tilespmem:$0x16900] =	vst v63  }
0x41: {  	_ =	swait.ge [sflag:s31], $0x2800  }
0x42: {  	[sflag:s31] =	ssyncset.done $0x0  }
0x43: {  	[sflag:s31] =	ssyncadd.s32 $0xFFFFD800  }
0x44: {  	[tilespmem:s30], [sflag:$0x3] =	stream.linear.gather [hbm4b:s14+s4], $0x2800, $0x38;
	[tilespmem:$0x16900] =	vst v63  }
0x45: {  	_ =	swait.ge [sflag:s31], $0x2800  }
0x46: {  	[sflag:s31] =	ssyncset.done $0x0  }
0x47: {  	[sflag:s31] =	ssyncadd.s32 $0xFFFFD800  }
0x48: {  	[bflag:$0x0] =	sbarrier.arrive $0xFFFF  }
0x49: {  	[tilespmem:s0], [sflag:$0x1] =	stream.linear.gather [hbm4b:s23+s4], $0x50, $0x38;
	[tilespmem:$0x16900] =	vst v63  }
0x4a: {  	_ = 	snop  }
0x4b: {  	[tilespmem:s3], [sflag:$0x2] =	stream.linear.gather [hbm4b:s28+s4], $0x50, $0x38;
	[tilespmem:$0x16900] =	vst v63  }
0x4c: {  	_ =	swait.ge [sflag:s1], $0x50  }
0x4d: {  	[sflag:s1] =	ssyncset.done $0x0  }
0x4e: {  	[sflag:s1] =	ssyncadd.s32 $0xFFFFFFB0  }
0x4f: {  	[spmem:s2] =	stream.indirect.scatter.add.f32 [tilespmem:s30], [sflag:$0x3], $0x80, s0, s5, $0xb8;
	[tilespmem:$0x16900] =	vst v63  }
0x50: {  	_ =	swait.ge [sflag:s31], $0x2800  }
0x51: {  	s11 =	sshrl.u32 s26, $0x3;
	[sflag:s31] =	ssyncset.done $0x0  }
0x52: {  	s8 =	sadd.s32 s13, s11;
	[sflag:s31] =	ssyncadd.s32 $0xFFFFD800  }
0x53: {  	[tilespmem:s0], [sflag:$0x1] =	stream.linear.gather [hbm4b:s8+s4], $0x50, $0x38;
	[tilespmem:$0x16900] =	vst v63  }
0x54: {  	_ =	swait.ge [sflag:s6], $0x50  }
0x55: {  	[sflag:s6] =	ssyncset.done $0x0  }
0x56: {  	[sflag:s6] =	ssyncadd.s32 $0xFFFFFFB0  }
0x57: {  	[spmem:s2] =	stream.indirect.scatter.add.f32 [tilespmem:s30], [sflag:$0x3], $0x80, s3, s5, $0xb8;
	[tilespmem:$0x16900] =	vst v63  }
0x58: {  	_ =	swait.ge [sflag:s31], $0x2800  }
0x59: {  	s10 =	sadd.s32 $0x0, s25;
	[sflag:s31] =	ssyncset.done $0x0  }
0x5a: {  	s9 =	sadd.s32 $0xA0, s26;
	s8 =	simm.s32 $0x14;
	[sflag:s31] =	ssyncadd.s32 $0xFFFFD800  }
.LBB2_2:
0x5b: {  	[tilespmem:s3], [sflag:$0x2] =	stream.linear.gather [hbm4b:s10+s4], $0x50, $0x38;
	[tilespmem:$0x16900] =	vst v63  }
0x5c: {  	s10 =	smov.u32 s8  }
0x5d: {  	p0 =	sne.s32 s8, $0x4B0;
	s8 =	sadd.s32 $0x14, s8;
	_ =	swait.ge [sflag:s1], $0x50  }
0x5e: {  	[sflag:s1] =	ssyncset.done $0x0  }
0x5f: {  	[sflag:s1] =	ssyncadd.s32 $0xFFFFFFB0  }
0x60: {  	[spmem:s2] =	stream.indirect.scatter.add.f32 [tilespmem:s30], [sflag:$0x3], $0x80, s0, s5, $0xb8;
	[tilespmem:$0x16900] =	vst v63  }
0x61: {  	_ =	swait.ge [sflag:s31], $0x2800  }
0x62: {  	s11 =	sshrl.u32 s9, $0x3;
	[sflag:s31] =	ssyncset.done $0x0  }
0x63: {  	s11 =	sadd.s32 s13, s11;
	[sflag:s31] =	ssyncadd.s32 $0xFFFFD800  }
0x64: {  	[tilespmem:s0], [sflag:$0x1] =	stream.linear.gather [hbm4b:s11+s4], $0x50, $0x38;
	[tilespmem:$0x16900] =	vst v63  }
0x65: {  	_ =	swait.ge [sflag:s6], $0x50  }
0x66: {  	[sflag:s6] =	ssyncset.done $0x0  }
.Ltmp0:
0x67: {  	[sflag:s6] =	ssyncadd.s32 $0xFFFFFFB0;
	(pc) =	sbr.rel @p0 .LBB2_2-.Ltmp0, $4  }
0x68: {  	[spmem:s2] =	stream.indirect.scatter.add.f32 [tilespmem:s30], [sflag:$0x3], $0x80, s3, s5, $0xb8;
	[tilespmem:$0x16900] =	vst v63  }
0x69: {  	_ =	swait.ge [sflag:s31], $0x2800  }
0x6a: {  	[sflag:s31] =	ssyncset.done $0x0  }
0x6b: {  	s9 =	sadd.s32 $0xA0, s9;
	s10 =	sadd.s32 s10, s25;
	[sflag:s31] =	ssyncadd.s32 $0xFFFFD800  }
0x6c: {  	[tilespmem:s3], [sflag:$0x2] =	stream.linear.gather [hbm4b:s10+s4], $0x50, $0x38;
	[tilespmem:$0x16900] =	vst v63  }
0x6d: {  	_ =	swait.ge [sflag:s1], $0x50  }
0x6e: {  	[sflag:s1] =	ssyncset.done $0x0  }
0x6f: {  	[sflag:s1] =	ssyncadd.s32 $0xFFFFFFB0  }
0x70: {  	[spmem:s2] =	stream.indirect.scatter.add.f32 [tilespmem:s30], [sflag:$0x3], $0x80, s0, s5, $0xb8;
	[tilespmem:$0x16900] =	vst v63  }
0x71: {  	_ =	swait.ge [sflag:s31], $0x2800  }
0x72: {  	[sflag:s31] =	ssyncset.done $0x0  }
0x73: {  	[sflag:s31] =	ssyncadd.s32 $0xFFFFD800  }
0x74: {  	[tilespmem:s0], [sflag:$0x1] =	stream.linear.gather [hbm4b:s29+s4], $0x50, $0x38;
	[tilespmem:$0x16900] =	vst v63  }
0x75: {  	_ =	swait.ge [sflag:s6], $0x50  }
0x76: {  	[sflag:s6] =	ssyncset.done $0x0  }
0x77: {  	[sflag:s6] =	ssyncadd.s32 $0xFFFFFFB0  }
0x78: {  	[spmem:s2] =	stream.indirect.scatter.add.f32 [tilespmem:s30], [sflag:$0x3], $0x80, s3, s5, $0xb8;
	[tilespmem:$0x16900] =	vst v63  }
0x79: {  	_ =	swait.ge [sflag:s31], $0x2800  }
0x7a: {  	[sflag:s31] =	ssyncset.done $0x0  }
0x7b: {  	[sflag:s31] =	ssyncadd.s32 $0xFFFFD800  }
0x7c: {  	[tilespmem:s3], [sflag:$0x2] =	stream.linear.gather [hbm4b:s29+s4], $0x50, $0x38;
	[tilespmem:$0x16900] =	vst v63  }
0x7d: {  	_ =	swait.ge [sflag:s1], $0x50  }
0x7e: {  	[sflag:s1] =	ssyncset.done $0x0  }
0x7f: {  	[sflag:s1] =	ssyncadd.s32 $0xFFFFFFB0  }
0x80: {  	[spmem:s2] =	stream.indirect.scatter.add.f32 [tilespmem:s30], [sflag:$0x3], $0x80, s0, s5, $0xb8;
	[tilespmem:$0x16900] =	vst v63  }
0x81: {  	_ =	swait.ge [sflag:s31], $0x2800  }
0x82: {  	[sflag:s31] =	ssyncset.done $0x0  }
0x83: {  	[sflag:s31] =	ssyncadd.s32 $0xFFFFD800  }
0x84: {  	_ =	swait.ge [sflag:s6], $0x50  }
0x85: {  	[sflag:s6] =	ssyncset.done $0x0  }
0x86: {  	[sflag:s6] =	ssyncadd.s32 $0xFFFFFFB0  }
0x87: {  	[bflag:$0x0] =	sbarrier.arrive $0xFFFF  }
0x88: {  	[tilespmem:s30], [sflag:$0x3] =	stream.linear.gather [spmem:s15], $0x2800, $0x38;
	[tilespmem:$0x16900] =	vst v63  }
0x89: {  	_ =	swait.ge [sflag:s31], $0x2800  }
0x8a: {  	[sflag:s31] =	ssyncset.done $0x0  }
0x8b: {  	s8 =	rddreg [dreg:$0x4];
	[sflag:s31] =	ssyncadd.s32 $0xFFFFD800  }
0x8c: {  	[hbm4b:s8+s4] =	stream.linear.scatter [tilespmem:s30], [sflag:$0x3], $0x2800, $0x38;
	[tilespmem:$0x16900] =	vst v63  }
0x8d: {  	_ =	swait.ge [sflag:s31], $0x2800  }
0x8e: {  	[sflag:s31] =	ssyncset.done $0x0  }
0x8f: {  	[sflag:s31] =	ssyncadd.s32 $0xFFFFD800  }
0x90: {  	[tilespmem:s30], [sflag:$0x3] =	stream.linear.gather [spmem:s16], $0x2800, $0x38;
	[tilespmem:$0x16900] =	vst v63  }
0x91: {  	_ =	swait.ge [sflag:s31], $0x2800  }
0x92: {  	[sflag:s31] =	ssyncset.done $0x0  }
0x93: {  	s9 =	rddreg [dreg:$0x5];
	[sflag:s31] =	ssyncadd.s32 $0xFFFFD800  }
0x94: {  	[hbm4b:s9+s4] =	stream.linear.scatter [tilespmem:s30], [sflag:$0x3], $0x2800, $0x38;
	[tilespmem:$0x16900] =	vst v63  }
0x95: {  	_ =	swait.ge [sflag:s31], $0x2800  }
0x96: {  	[sflag:s31] =	ssyncset.done $0x0  }
0x97: {  	[sflag:s31] =	ssyncadd.s32 $0xFFFFD800  }
0x98: {  	[tilespmem:s30], [sflag:$0x3] =	stream.linear.gather [spmem:s17], $0x2800, $0x38;
	[tilespmem:$0x16900] =	vst v63  }
0x99: {  	_ =	swait.ge [sflag:s31], $0x2800  }
0x9a: {  	[sflag:s31] =	ssyncset.done $0x0  }
0x9b: {  	s10 =	rddreg [dreg:$0x6];
	[sflag:s31] =	ssyncadd.s32 $0xFFFFD800  }
0x9c: {  	[hbm4b:s10+s4] =	stream.linear.scatter [tilespmem:s30], [sflag:$0x3], $0x2800, $0x38;
	[tilespmem:$0x16900] =	vst v63  }
0x9d: {  	_ =	swait.ge [sflag:s31], $0x2800  }
0x9e: {  	[sflag:s31] =	ssyncset.done $0x0  }
0x9f: {  	[sflag:s31] =	ssyncadd.s32 $0xFFFFD800  }
0xa0: {  	[tilespmem:s30], [sflag:$0x3] =	stream.linear.gather [spmem:s18], $0x2800, $0x38;
	[tilespmem:$0x16900] =	vst v63  }
0xa1: {  	_ =	swait.ge [sflag:s31], $0x2800  }
0xa2: {  	[sflag:s31] =	ssyncset.done $0x0  }
0xa3: {  	s11 =	rddreg [dreg:$0x7];
	[sflag:s31] =	ssyncadd.s32 $0xFFFFD800  }
0xa4: {  	[hbm4b:s11+s4] =	stream.linear.scatter [tilespmem:s30], [sflag:$0x3], $0x2800, $0x38;
	[tilespmem:$0x16900] =	vst v63  }
0xa5: {  	_ =	swait.ge [sflag:s31], $0x2800  }
0xa6: {  	[sflag:s31] =	ssyncset.done $0x0  }
0xa7: {  	[sflag:s31] =	ssyncadd.s32 $0xFFFFD800  }
0xa8: {  	[tilespmem:s30], [sflag:$0x3] =	stream.linear.gather [spmem:s19], $0x2800, $0x38;
	[tilespmem:$0x16900] =	vst v63  }
0xa9: {  	_ =	swait.ge [sflag:s31], $0x2800  }
0xaa: {  	[sflag:s31] =	ssyncset.done $0x0  }
0xab: {  	s9 =	rddreg [dreg:$0x8];
	[sflag:s31] =	ssyncadd.s32 $0xFFFFD800  }
0xac: {  	[hbm4b:s9+s4] =	stream.linear.scatter [tilespmem:s30], [sflag:$0x3], $0x2800, $0x38;
	[tilespmem:$0x16900] =	vst v63  }
0xad: {  	_ =	swait.ge [sflag:s31], $0x2800  }
0xae: {  	[sflag:s31] =	ssyncset.done $0x0  }
0xaf: {  	[sflag:s31] =	ssyncadd.s32 $0xFFFFD800  }
0xb0: {  	[tilespmem:s30], [sflag:$0x3] =	stream.linear.gather [spmem:s20], $0x2800, $0x38;
	[tilespmem:$0x16900] =	vst v63  }
0xb1: {  	_ =	swait.ge [sflag:s31], $0x2800  }
0xb2: {  	[sflag:s31] =	ssyncset.done $0x0  }
0xb3: {  	s10 =	rddreg [dreg:$0x9];
	[sflag:s31] =	ssyncadd.s32 $0xFFFFD800  }
0xb4: {  	[hbm4b:s10+s4] =	stream.linear.scatter [tilespmem:s30], [sflag:$0x3], $0x2800, $0x38;
	[tilespmem:$0x16900] =	vst v63  }
0xb5: {  	_ =	swait.ge [sflag:s31], $0x2800  }
0xb6: {  	[sflag:s31] =	ssyncset.done $0x0  }
0xb7: {  	[sflag:s31] =	ssyncadd.s32 $0xFFFFD800  }
0xb8: {  	[tilespmem:s30], [sflag:$0x3] =	stream.linear.gather [spmem:s21], $0x2800, $0x38;
	[tilespmem:$0x16900] =	vst v63  }
0xb9: {  	_ =	swait.ge [sflag:s31], $0x2800  }
0xba: {  	[sflag:s31] =	ssyncset.done $0x0  }
0xbb: {  	s11 =	rddreg [dreg:$0xa];
	[sflag:s31] =	ssyncadd.s32 $0xFFFFD800  }
0xbc: {  	[hbm4b:s11+s4] =	stream.linear.scatter [tilespmem:s30], [sflag:$0x3], $0x2800, $0x38;
	[tilespmem:$0x16900] =	vst v63  }
0xbd: {  	_ =	swait.ge [sflag:s31], $0x2800  }
0xbe: {  	[sflag:s31] =	ssyncset.done $0x0  }
0xbf: {  	[sflag:s31] =	ssyncadd.s32 $0xFFFFD800  }
0xc0: {  	[tilespmem:s30], [sflag:$0x3] =	stream.linear.gather [spmem:s22], $0x2800, $0x38;
	[tilespmem:$0x16900] =	vst v63  }
0xc1: {  	s7 =	sadd.s32 $0x1, s7;
	_ =	swait.ge [sflag:s31], $0x2800  }
0xc2: {  	p0 =	sne.s32 s7, s24;
	[sflag:s31] =	ssyncset.done $0x0  }
.Ltmp1:
0xc3: {  	[sflag:s31] =	ssyncadd.s32 $0xFFFFD800;
	(pc) =	sbr.rel @p0 .LBB2_1-.Ltmp1, $4  }
0xc4: {  	[hbm4b:s12+s4] =	stream.linear.scatter [tilespmem:s30], [sflag:$0x3], $0x2800, $0x38;
	[tilespmem:$0x16900] =	vst v63  }
0xc5: {  	_ =	swait.ge [sflag:s31], $0x2800  }
0xc6: {  	[sflag:s31] =	ssyncset.done $0x0  }
0xc7: {  	[sflag:s31] =	ssyncadd.s32 $0xFFFFD800  }
0xc8: {  	_ =	sfence.sel $0x180000  }
0xc9: {  	[bflag:$0x0] =	sbarrier.arrive $0xFFFF  }
0xca: {  	_ =	strace $0x9000004A  }
0xcb: {  	s0 =	stileid.u32;
	[bflag:$0x2] =	sbarrier.arrive $0xFFFF  }
0xcc: {  	p0 =	sne.s32 s0, $0x0;
	s0 =	rddreg [dreg:$0x3]  }
0xcd: {  	s0 =	sadd.s32 @!p0 $0x100000, s0  }
0xce: {  	[sflag:s0] =	ssyncadd.tile.s32 @!p0 $0x1;
	_ =	shalt  }
.Lfunc_end2:
_tile_overlayer_lowered:
.L_overlay_start_2:
0xcf: {  	(tag) =	ssettag $0x2  }
0xd0: {  	s0 =	rddreg [dreg:$0x0];
	s2 =	stileid.u32  }
0xd1: {  	s1 =	rddreg [dreg:$0x1];
	p0 =	sne.s32 s2, $0x0  }
0xd2: {  	s3 =	rddreg [dreg:$0x2];
	[bflag:$0x3] =	sbarrier.arrive $0xFFFF;
	s2 =	simm.s32 @!p0 $0x1C03  }
0xd3: {  	[timem:s3], [sflag:s2] =	dma.local @!p0 [hbm:s0], s1  }
0xd4: {  	s0 =	simm.s32 @!p0 $0x3  }
0xd5: {  	_ =	swait.ge @!p0 [sflag:s0], s1  }
0xd6: {  	s1 =	ssub.s32 @!p0 $0x0, s1;
	[sflag:s0] =	ssyncset.done @!p0 $0x0  }
0xd7: {  	[sflag:s0] =	ssyncadd.s32 @!p0 s1  }
0xd8: {  	[bflag:$0x3] =	sbarrier.arrive $0xFFFF  }
0xd9: {  	_ =	shalt  }

</sc_bundles>
